<compile_context>
chip_gen: v7x
topology: tpu7x:2x2x1
jax: 0.10.2.dev20260603
libtpu: 0.0.44.dev20260713+nightly
codegen_flags: <defaults>
</compile_context>

<pallas_src>
import functools

import jax
import jax.numpy as jnp
from jax import lax
from jax.experimental import pallas as pl
from jax.experimental.pallas import tpu as pltpu
from jax.experimental.pallas import tpu_sc as plsc

N_NODES = 10000
D = 128
N_EDGES = 320000
NUM_STEPS = 8

NP = 10240
EP = 320640
K = 120
CHUNKS = EP // (16 * K)
EPT = CHUNKS * K
RPT = NP // 16
H = 64



def _tc_init_body(x_ref, wiou_ref, biou_ref, wf_ref, bf_ref, uf_ref,
                  xiou_ref, xf2_ref, hhuf_ref, c2_ref):
    x = x_ref[...]
    xiou = jnp.dot(x, wiou_ref[...], preferred_element_type=jnp.float32)
    xiou = xiou + biou_ref[...]
    xiou_ref[...] = xiou
    xf = jnp.dot(x, wf_ref[...], preferred_element_type=jnp.float32)
    xf = xf + bf_ref[...]
    i = jax.nn.sigmoid(xiou[:, 0:D])
    o = jax.nn.sigmoid(xiou[:, D:2 * D])
    u = jnp.tanh(xiou[:, 2 * D:3 * D])
    c1 = i * u
    h1 = o * jnp.tanh(c1)
    huf = jnp.dot(h1, -uf_ref[...], preferred_element_type=jnp.float32)
    xf2_ref[0] = -xf
    xf2_ref[1] = jnp.concatenate([-xf[:, H:], -xf[:, :H]], axis=1)
    hhuf_ref[0] = jnp.concatenate([h1[:, :H], huf[:, :H]], axis=1)
    hhuf_ref[1] = jnp.concatenate([h1[:, H:], huf[:, H:]], axis=1)
    c2_ref[0] = c1
    c2_ref[1] = jnp.concatenate([c1[:, H:], c1[:, :H]], axis=1)


_BLK = 1024
_GRID = NP // _BLK


def _tc_init(x_pad, W_iou, b_iou2, W_f, b_f2, U_f):
    half_spec = pl.BlockSpec((2, _BLK, D), lambda i: (0, i, 0))
    return pl.pallas_call(
        _tc_init_body,
        grid=(_GRID,),
        in_specs=[
            pl.BlockSpec((_BLK, D), lambda i: (i, 0)),
            pl.BlockSpec((D, 3 * D), lambda i: (0, 0)),
            pl.BlockSpec((1, 3 * D), lambda i: (0, 0)),
            pl.BlockSpec((D, D), lambda i: (0, 0)),
            pl.BlockSpec((1, D), lambda i: (0, 0)),
            pl.BlockSpec((D, D), lambda i: (0, 0)),
        ],
        out_specs=[
            pl.BlockSpec((_BLK, 3 * D), lambda i: (i, 0)),
            half_spec, half_spec, half_spec,
        ],
        out_shape=[
            jax.ShapeDtypeStruct((NP, 3 * D), jnp.float32),
            jax.ShapeDtypeStruct((2, NP, D), jnp.float32),
            jax.ShapeDtypeStruct((2, NP, D), jnp.float32),
            jax.ShapeDtypeStruct((2, NP, D), jnp.float32),
        ],
    )(x_pad, W_iou, b_iou2, W_f, b_f2, U_f)



def _tc_step_body(xiou_ref, acc_ref, uiou_ref, uf_ref,
                  hhuf_ref, c2_ref):
    a0 = acc_ref[0]
    a1 = acc_ref[1]
    hs = jnp.concatenate([a0[:, :H], a1[:, :H]], axis=1)
    mix = jnp.concatenate([a0[:, H:], a1[:, H:]], axis=1)
    fc = mix + jnp.dot(hs, uf_ref[...], preferred_element_type=jnp.float32)
    iou = xiou_ref[...] + jnp.dot(hs, uiou_ref[...],
                                  preferred_element_type=jnp.float32)
    i = jax.nn.sigmoid(iou[:, 0:D])
    o = jax.nn.sigmoid(iou[:, D:2 * D])
    u = jnp.tanh(iou[:, 2 * D:3 * D])
    c_new = i * u + fc
    h_new = o * jnp.tanh(c_new)
    huf = jnp.dot(h_new, -uf_ref[...], preferred_element_type=jnp.float32)
    hhuf_ref[0] = jnp.concatenate([h_new[:, :H], huf[:, :H]], axis=1)
    hhuf_ref[1] = jnp.concatenate([h_new[:, H:], huf[:, H:]], axis=1)
    c2_ref[0] = c_new
    c2_ref[1] = jnp.concatenate([c_new[:, H:], c_new[:, :H]], axis=1)


def _tc_step(x_iou, acc3, U_iou, U_f):
    half_spec = pl.BlockSpec((2, _BLK, D), lambda i: (0, i, 0))
    return pl.pallas_call(
        _tc_step_body,
        grid=(_GRID,),
        in_specs=[
            pl.BlockSpec((_BLK, 3 * D), lambda i: (i, 0)),
            half_spec,
            pl.BlockSpec((D, 3 * D), lambda i: (0, 0)),
            pl.BlockSpec((D, D), lambda i: (0, 0)),
        ],
        out_specs=[half_spec, half_spec],
        out_shape=[
            jax.ShapeDtypeStruct((2, NP, D), jnp.float32),
            jax.ShapeDtypeStruct((2, NP, D), jnp.float32),
        ],
    )(x_iou, acc3, U_iou, U_f)



def _sc_edge_body(src2_hbm, dst2_hbm, dstr_hbm, hhuf_hbm, c2_hbm, xf2_hbm,
                  z_hbm, out_hbm,
                  idx_s, idx_d2, idx_dr, hhuf_rows, c_rows, xf_rows,
                  acc, sem):
    core = lax.axis_index("c")
    sub = lax.axis_index("s")
    row0 = sub * RPT
    pltpu.sync_copy(z_hbm, acc.at[pl.ds(row0, RPT)])
    plsc.subcore_barrier()

    e0 = sub * EPT
    eoff = core * EP + e0

    def chunk(i, carry):
        off = i * K
        pltpu.sync_copy(src2_hbm.at[pl.ds(eoff + off, K)], idx_s)
        pltpu.sync_copy(dst2_hbm.at[pl.ds(eoff + off, K)], idx_d2)
        pltpu.sync_copy(dstr_hbm.at[pl.ds(e0 + off, K)], idx_dr)
        cp1 = pltpu.async_copy(hhuf_hbm.at[idx_s], hhuf_rows, sem)
        cp2 = pltpu.async_copy(c2_hbm.at[idx_s], c_rows, sem)
        cp3 = pltpu.async_copy(xf2_hbm.at[idx_d2], xf_rows, sem)
        cp1.wait()
        cp2.wait()
        cp3.wait()

        def erow(e, c2):
            for j in range(H // 16):
                slo = pl.ds(16 * j, 16)
                shi = pl.ds(H + 16 * j, 16)
                nhuf = hhuf_rows[e, shi]
                t = xf_rows[e, slo] + nhuf
                hhuf_rows[e, shi] = (
                    nhuf + c_rows[e, slo] / (1.0 + jnp.exp(t)))
            return c2

        lax.fori_loop(0, K, erow, 0)
        pltpu.sync_copy(hhuf_rows, acc.at[idx_dr], add=True)
        return carry

    lax.fori_loop(0, CHUNKS, chunk, 0)
    plsc.subcore_barrier()
    pltpu.sync_copy(acc.at[pl.ds(row0, RPT)],
                    out_hbm.at[pl.ds(core * NP + row0, RPT)])


@functools.cache
def _make_sc_edge():
    return pl.kernel(
        _sc_edge_body,
        mesh=plsc.VectorSubcoreMesh(core_axis_name="c", subcore_axis_name="s"),
        out_type=jax.ShapeDtypeStruct((2 * NP, D), jnp.float32),
        scratch_types=[
            pltpu.VMEM((K,), jnp.int32),
            pltpu.VMEM((K,), jnp.int32),
            pltpu.VMEM((K,), jnp.int32),
            pltpu.VMEM((K, D), jnp.float32),
            pltpu.VMEM((K, D), jnp.float32),
            pltpu.VMEM((K, D), jnp.float32),
            pltpu.VMEM_SHARED((NP, D), jnp.float32),
            pltpu.SemaphoreType.DMA,
        ],
    )


def _sc_edge(*args):
    return _make_sc_edge()(*args)



def kernel(ast_nodes_embeddings, edge_index, W_iou, U_iou, b_iou, W_f,
           U_f, b_f):
    x = ast_nodes_embeddings
    src = edge_index[0].astype(jnp.int32)
    dst = edge_index[1].astype(jnp.int32)

    padlen = EP - N_EDGES
    pad_rows = N_NODES + (jnp.arange(padlen, dtype=jnp.int32) % 128)
    src_p = jnp.concatenate([src, pad_rows])
    dst_p = jnp.concatenate([dst, pad_rows])
    src2 = jnp.concatenate([src_p, src_p + NP])
    dst2 = jnp.concatenate([dst_p, dst_p + NP])
    zrows = jnp.zeros((RPT, D), jnp.float32)

    x_pad = jnp.pad(x, ((0, NP - N_NODES), (0, 0)))
    b_iou2 = b_iou.reshape(1, 3 * D)
    b_f2 = b_f.reshape(1, D)

    x_iou, xf3, hhuf3, c3 = _tc_init(x_pad, W_iou, b_iou2, W_f, b_f2, U_f)
    xf_t = xf3.reshape(2 * NP, D)

    for _ in range(NUM_STEPS - 1):
        out_acc = _sc_edge(src2, dst2, dst_p, hhuf3.reshape(2 * NP, D),
                           c3.reshape(2 * NP, D), xf_t, zrows)
        hhuf3, c3 = _tc_step(x_iou, out_acc.reshape(2, NP, D), U_iou, U_f)

    return jnp.concatenate([hhuf3[0, :N_NODES, :H], hhuf3[1, :N_NODES, :H]],
                           axis=1)

# --- scband reference (transcript-rebuilt; emitter-appended) ---
"""Pipeline reference for scband-asttree-lstmencoder-15264313770163 (READ-ONLY COPY).

The authoritative reference and input builder live on the scoring server;
editing this copy changes nothing except your own understanding.
"""

import jax, jax.numpy as jnp
import numpy as np

N_NODES = 10000
D = 128
N_EDGES = 320000
NUM_STEPS = 8


def setup_inputs(seed: int = 0) -> dict:
    key = jax.random.key(seed)
    ks = [jax.random.fold_in(key, i) for i in range(10)]
    x = jax.random.normal(ks[0], (N_NODES, D), dtype=jnp.float32)
    edge_index = jax.random.randint(ks[1], (2, N_EDGES), 0, N_NODES, dtype=jnp.int64)
    s = 1.0 / np.sqrt(D)
    W_iou = jax.random.normal(ks[2], (D, 3 * D), dtype=jnp.float32) * s
    U_iou = jax.random.normal(ks[3], (D, 3 * D), dtype=jnp.float32) * s
    b_iou = jnp.zeros((3 * D,), dtype=jnp.float32)
    W_f = jax.random.normal(ks[4], (D, D), dtype=jnp.float32) * s
    U_f = jax.random.normal(ks[5], (D, D), dtype=jnp.float32) * s
    b_f = jnp.zeros((D,), dtype=jnp.float32)
    return {
        "ast_nodes_embeddings": x,
        "edge_index": edge_index,
        "W_iou": W_iou,
        "U_iou": U_iou,
        "b_iou": b_iou,
        "W_f": W_f,
        "U_f": U_f,
        "b_f": b_f,
    }


def _tree_lstm(x, src, dst, W_iou, U_iou, b_iou, W_f, U_f, b_f):
    N = x.shape[0]
    # Precompute input-dependent gate contributions once (child-sum TreeLSTM).
    x_iou = x @ W_iou + b_iou  # [N, 3D]
    x_f = x @ W_f + b_f        # [N, D]
    h0 = jnp.zeros_like(x)
    c0 = jnp.zeros_like(x)

    def step(carry, _):
        h, c = carry
        # sum of children's hidden states per parent (scatter-add over edges)
        h_sum = jax.ops.segment_sum(h[src], dst, num_segments=N)
        iou = x_iou + h_sum @ U_iou
        i, o, u = jnp.split(iou, 3, axis=-1)
        i = jax.nn.sigmoid(i)
        o = jax.nn.sigmoid(o)
        u = jnp.tanh(u)
        hU_f = h @ U_f  # [N, D], then per-edge gather
        f = jax.nn.sigmoid(x_f[dst] + hU_f[src])  # per-edge forget gate
        fc = jax.ops.segment_sum(f * c[src], dst, num_segments=N)
        c_new = i * u + fc
        h_new = o * jnp.tanh(c_new)
        return (h_new, c_new), None

    (h, c), _ = jax.lax.scan(step, (h0, c0), None, length=NUM_STEPS)
    return h


def reference(ast_nodes_embeddings, edge_index, W_iou, U_iou, b_iou, W_f, U_f, b_f):
    src = edge_index[0]
    dst = edge_index[1]
    new_node_encodings = _tree_lstm(
        ast_nodes_embeddings, src, dst, W_iou, U_iou, b_iou, W_f, U_f, b_f
    )
    # norm is None; dropout inactive at inference; return AST node encodings
    return new_node_encodings

if __name__ == "__main__":
    import jax
    _d = setup_inputs()
    print(jax.jit(kernel)(*tuple(_d.values())))

</pallas_src>

<mosaic_0001>
#map = affine_map<(d0, d1) -> (0)>
#map1 = affine_map<(d0, d1) -> (0, 0)>
module attributes {stable_mosaic.version = 14 : i64} {
  func.func @_sc_edge_body(%arg0: i32, %arg1: i32, %arg2: memref<641280xi32, #tpu.memory_space<hbm>>, %arg3: memref<641280xi32, #tpu.memory_space<hbm>>, %arg4: memref<320640xi32, #tpu.memory_space<hbm>>, %arg5: memref<20480x128xf32, #tpu.memory_space<hbm>>, %arg6: memref<20480x128xf32, #tpu.memory_space<hbm>>, %arg7: memref<20480x128xf32, #tpu.memory_space<hbm>>, %arg8: memref<640x128xf32, #tpu.memory_space<hbm>>, %arg9: memref<20480x128xf32, #tpu.memory_space<hbm>>, %arg10: memref<120xi32, #tpu.memory_space<vmem>>, %arg11: memref<120xi32, #tpu.memory_space<vmem>>, %arg12: memref<120xi32, #tpu.memory_space<vmem>>, %arg13: memref<120x128xf32, #tpu.memory_space<vmem>>, %arg14: memref<120x128xf32, #tpu.memory_space<vmem>>, %arg15: memref<120x128xf32, #tpu.memory_space<vmem>>, %arg16: memref<10240x128xf32, #tpu.memory_space<vmem_shared>>, %arg17: memref<!tpu.dma_semaphore, #tpu.memory_space<semaphore_mem>>) attributes {dimension_semantics = [#tpu.dimension_semantics<core_parallel>, #tpu.dimension_semantics<subcore_parallel>], iteration_bounds = array<i64: 2, 16>, scalar_prefetch = 0 : i64, scratch_operands = 8 : i64, tpu.core_type = #tpu.core_type<sc_vector_subcore>, window_params = [{transform_indices = #map}, {transform_indices = #map}, {transform_indices = #map}, {transform_indices = #map1}, {transform_indices = #map1}, {transform_indices = #map1}, {transform_indices = #map1}, {transform_indices = #map1}]} {
    %mul3A = arith.constant 640 : i32
    %mul3A_0 = arith.muli %arg1, %mul3A : i32
    "tpu.region"() ({
      %run_scoped3A = tpu.sem_alloc : memref<!tpu.dma_semaphore, #tpu.memory_space<semaphore_mem>>
      %dma_start3A = arith.constant 0 : i32
      %dma_start3A_14 = tpu.memref_slice %arg16[%mul3A_0, %dma_start3A] : memref<10240x128xf32, #tpu.memory_space<vmem_shared>> -> memref<640x128xf32, #tpu.memory_space<vmem_shared>>
      tpu.enqueue_dma source(%arg8 : memref<640x128xf32, #tpu.memory_space<hbm>>) target(%dma_start3A_14 : memref<640x128xf32, #tpu.memory_space<vmem_shared>>) target_semaphore(%run_scoped3A : memref<!tpu.dma_semaphore, #tpu.memory_space<semaphore_mem>>)
      %dma_wait3A = arith.constant 0 : i32
      %dma_wait3A_15 = tpu.memref_slice %arg16[%mul3A_0, %dma_wait3A] : memref<10240x128xf32, #tpu.memory_space<vmem_shared>> -> memref<640x128xf32, #tpu.memory_space<vmem_shared>>
      tpu.wait_dma2 semaphore(%run_scoped3A : memref<!tpu.dma_semaphore, #tpu.memory_space<semaphore_mem>>) src(%arg8 : memref<640x128xf32, #tpu.memory_space<hbm>>) dst(%dma_wait3A_15 : memref<640x128xf32, #tpu.memory_space<vmem_shared>>)
      tpu.yield
    }) : () -> ()
    %barrier3A = arith.constant 0 : index
    tpu.barrier barrier_id(%barrier3A)
    %mul3A_1 = arith.constant 20040 : i32
    %mul3A_2 = arith.muli %arg1, %mul3A_1 : i32
    %mul3A_3 = arith.constant 320640 : i32
    %mul3A_4 = arith.muli %arg0, %mul3A_3 : i32
    %add3A = arith.addi %mul3A_4, %mul3A_2 : i32
    %scan3A = arith.constant 0 : i32
    %scan3A_5 = arith.constant 0 : i32
    %scan3A_6 = arith.constant 167 : i32
    %scan3A_7 = arith.addi %scan3A_5, %scan3A_6 : i32
    %scan3A_8 = arith.constant 1 : i32
    scf.for %scan3A_14 = %scan3A_5 to %scan3A_7 step %scan3A_8  : i32 {
      %mul3A_15 = arith.constant 120 : i32
      %mul3A_16 = arith.muli %scan3A_14, %mul3A_15 : i32
      %add3A_17 = arith.addi %add3A, %mul3A_16 : i32
      "tpu.region"() ({
        %run_scoped3A = tpu.sem_alloc : memref<!tpu.dma_semaphore, #tpu.memory_space<semaphore_mem>>
        %dma_start3A_42 = tpu.memref_slice %arg2[%add3A_17] : memref<641280xi32, #tpu.memory_space<hbm>> -> memref<120xi32, #tpu.memory_space<hbm>>
        %dma_start3A_43 = tpu.memref_slice %arg2[%add3A_17] : memref<641280xi32, #tpu.memory_space<hbm>> -> memref<120xi32, #tpu.memory_space<hbm>>
        tpu.enqueue_dma source(%dma_start3A_43 : memref<120xi32, #tpu.memory_space<hbm>>) target(%arg10 : memref<120xi32, #tpu.memory_space<vmem>>) target_semaphore(%run_scoped3A : memref<!tpu.dma_semaphore, #tpu.memory_space<semaphore_mem>>)
        %dma_wait3A_44 = tpu.memref_slice %arg2[%add3A_17] : memref<641280xi32, #tpu.memory_space<hbm>> -> memref<120xi32, #tpu.memory_space<hbm>>
        %dma_wait3A_45 = tpu.memref_slice %arg2[%add3A_17] : memref<641280xi32, #tpu.memory_space<hbm>> -> memref<120xi32, #tpu.memory_space<hbm>>
        tpu.wait_dma2 semaphore(%run_scoped3A : memref<!tpu.dma_semaphore, #tpu.memory_space<semaphore_mem>>) src(%dma_wait3A_45 : memref<120xi32, #tpu.memory_space<hbm>>) dst(%arg10 : memref<120xi32, #tpu.memory_space<vmem>>)
        tpu.yield
      }) : () -> ()
      %add3A_18 = arith.addi %add3A, %mul3A_16 : i32
      "tpu.region"() ({
        %run_scoped3A = tpu.sem_alloc : memref<!tpu.dma_semaphore, #tpu.memory_space<semaphore_mem>>
        %dma_start3A_42 = tpu.memref_slice %arg3[%add3A_18] : memref<641280xi32, #tpu.memory_space<hbm>> -> memref<120xi32, #tpu.memory_space<hbm>>
        %dma_start3A_43 = tpu.memref_slice %arg3[%add3A_18] : memref<641280xi32, #tpu.memory_space<hbm>> -> memref<120xi32, #tpu.memory_space<hbm>>
        tpu.enqueue_dma source(%dma_start3A_43 : memref<120xi32, #tpu.memory_space<hbm>>) target(%arg11 : memref<120xi32, #tpu.memory_space<vmem>>) target_semaphore(%run_scoped3A : memref<!tpu.dma_semaphore, #tpu.memory_space<semaphore_mem>>)
        %dma_wait3A_44 = tpu.memref_slice %arg3[%add3A_18] : memref<641280xi32, #tpu.memory_space<hbm>> -> memref<120xi32, #tpu.memory_space<hbm>>
        %dma_wait3A_45 = tpu.memref_slice %arg3[%add3A_18] : memref<641280xi32, #tpu.memory_space<hbm>> -> memref<120xi32, #tpu.memory_space<hbm>>
        tpu.wait_dma2 semaphore(%run_scoped3A : memref<!tpu.dma_semaphore, #tpu.memory_space<semaphore_mem>>) src(%dma_wait3A_45 : memref<120xi32, #tpu.memory_space<hbm>>) dst(%arg11 : memref<120xi32, #tpu.memory_space<vmem>>)
        tpu.yield
      }) : () -> ()
      %add3A_19 = arith.addi %mul3A_2, %mul3A_16 : i32
      "tpu.region"() ({
        %run_scoped3A = tpu.sem_alloc : memref<!tpu.dma_semaphore, #tpu.memory_space<semaphore_mem>>
        %dma_start3A_42 = tpu.memref_slice %arg4[%add3A_19] : memref<320640xi32, #tpu.memory_space<hbm>> -> memref<120xi32, #tpu.memory_space<hbm>>
        %dma_start3A_43 = tpu.memref_slice %arg4[%add3A_19] : memref<320640xi32, #tpu.memory_space<hbm>> -> memref<120xi32, #tpu.memory_space<hbm>>
        tpu.enqueue_dma source(%dma_start3A_43 : memref<120xi32, #tpu.memory_space<hbm>>) target(%arg12 : memref<120xi32, #tpu.memory_space<vmem>>) target_semaphore(%run_scoped3A : memref<!tpu.dma_semaphore, #tpu.memory_space<semaphore_mem>>)
        %dma_wait3A_44 = tpu.memref_slice %arg4[%add3A_19] : memref<320640xi32, #tpu.memory_space<hbm>> -> memref<120xi32, #tpu.memory_space<hbm>>
        %dma_wait3A_45 = tpu.memref_slice %arg4[%add3A_19] : memref<320640xi32, #tpu.memory_space<hbm>> -> memref<120xi32, #tpu.memory_space<hbm>>
        tpu.wait_dma2 semaphore(%run_scoped3A : memref<!tpu.dma_semaphore, #tpu.memory_space<semaphore_mem>>) src(%dma_wait3A_45 : memref<120xi32, #tpu.memory_space<hbm>>) dst(%arg12 : memref<120xi32, #tpu.memory_space<vmem>>)
        tpu.yield
      }) : () -> ()
      %dma_start3A = arith.constant 0 : i32
      %dma_start3A_20 = arith.constant 0 : i32
      %dma_start3A_21 = tpu.memref_slice %arg5[%dma_start3A, %dma_start3A_20] : memref<20480x128xf32, #tpu.memory_space<hbm>> -> memref<20480x128xf32, #tpu.memory_space<hbm>>
      tpu.enqueue_indirect_dma source(%dma_start3A_21 : memref<20480x128xf32, #tpu.memory_space<hbm>>) target(%arg13 : memref<120x128xf32, #tpu.memory_space<vmem>>) offsets(%arg10 : memref<120xi32, #tpu.memory_space<vmem>>) semaphore(%arg17 : memref<!tpu.dma_semaphore, #tpu.memory_space<semaphore_mem>>)
      %dma_start3A_22 = arith.constant 0 : i32
      %dma_start3A_23 = arith.constant 0 : i32
      %dma_start3A_24 = tpu.memref_slice %arg6[%dma_start3A_22, %dma_start3A_23] : memref<20480x128xf32, #tpu.memory_space<hbm>> -> memref<20480x128xf32, #tpu.memory_space<hbm>>
      tpu.enqueue_indirect_dma source(%dma_start3A_24 : memref<20480x128xf32, #tpu.memory_space<hbm>>) target(%arg14 : memref<120x128xf32, #tpu.memory_space<vmem>>) offsets(%arg10 : memref<120xi32, #tpu.memory_space<vmem>>) semaphore(%arg17 : memref<!tpu.dma_semaphore, #tpu.memory_space<semaphore_mem>>)
      %dma_start3A_25 = arith.constant 0 : i32
      %dma_start3A_26 = arith.constant 0 : i32
      %dma_start3A_27 = tpu.memref_slice %arg7[%dma_start3A_25, %dma_start3A_26] : memref<20480x128xf32, #tpu.memory_space<hbm>> -> memref<20480x128xf32, #tpu.memory_space<hbm>>
      tpu.enqueue_indirect_dma source(%dma_start3A_27 : memref<20480x128xf32, #tpu.memory_space<hbm>>) target(%arg15 : memref<120x128xf32, #tpu.memory_space<vmem>>) offsets(%arg11 : memref<120xi32, #tpu.memory_space<vmem>>) semaphore(%arg17 : memref<!tpu.dma_semaphore, #tpu.memory_space<semaphore_mem>>)
      %dma_wait3A = arith.constant 0 : i32
      %dma_wait3A_28 = arith.constant 0 : i32
      %dma_wait3A_29 = tpu.memref_slice %arg5[%dma_wait3A, %dma_wait3A_28] : memref<20480x128xf32, #tpu.memory_space<hbm>> -> memref<20480x128xf32, #tpu.memory_space<hbm>>
      tpu.wait_indirect_dma semaphore(%arg17 : memref<!tpu.dma_semaphore, #tpu.memory_space<semaphore_mem>>) src(%dma_wait3A_29 : memref<20480x128xf32, #tpu.memory_space<hbm>>) dst(%arg13 : memref<120x128xf32, #tpu.memory_space<vmem>>)
      %dma_wait3A_30 = arith.constant 0 : i32
      %dma_wait3A_31 = arith.constant 0 : i32
      %dma_wait3A_32 = tpu.memref_slice %arg6[%dma_wait3A_30, %dma_wait3A_31] : memref<20480x128xf32, #tpu.memory_space<hbm>> -> memref<20480x128xf32, #tpu.memory_space<hbm>>
      tpu.wait_indirect_dma semaphore(%arg17 : memref<!tpu.dma_semaphore, #tpu.memory_space<semaphore_mem>>) src(%dma_wait3A_32 : memref<20480x128xf32, #tpu.memory_space<hbm>>) dst(%arg14 : memref<120x128xf32, #tpu.memory_space<vmem>>)
      %dma_wait3A_33 = arith.constant 0 : i32
      %dma_wait3A_34 = arith.constant 0 : i32
      %dma_wait3A_35 = tpu.memref_slice %arg7[%dma_wait3A_33, %dma_wait3A_34] : memref<20480x128xf32, #tpu.memory_space<hbm>> -> memref<20480x128xf32, #tpu.memory_space<hbm>>
      tpu.wait_indirect_dma semaphore(%arg17 : memref<!tpu.dma_semaphore, #tpu.memory_space<semaphore_mem>>) src(%dma_wait3A_35 : memref<20480x128xf32, #tpu.memory_space<hbm>>) dst(%arg15 : memref<120x128xf32, #tpu.memory_space<vmem>>)
      %scan3A_36 = arith.constant 0 : i32
      %scan3A_37 = arith.constant 0 : i32
      %scan3A_38 = arith.constant 120 : i32
      %scan3A_39 = arith.addi %scan3A_37, %scan3A_38 : i32
      %scan3A_40 = arith.constant 1 : i32
      scf.for %scan3A_42 = %scan3A_37 to %scan3A_39 step %scan3A_40  : i32 {
        %get3A = arith.index_cast %scan3A_42 : i32 to index
        %get3A_43 = arith.constant 64 : index
        %get3A_44 = tpu.vector_load %arg13[%get3A, %get3A_43] {strides = array<i32>} : memref<120x128xf32, #tpu.memory_space<vmem>>, vector<1x16xf32>,
        %get3A_45 = vector.shape_cast %get3A_44 : vector<1x16xf32> to vector<16xf32>
        %get3A_46 = arith.index_cast %scan3A_42 : i32 to index
        %get3A_47 = arith.constant 0 : index
        %get3A_48 = tpu.vector_load %arg15[%get3A_46, %get3A_47] {strides = array<i32>} : memref<120x128xf32, #tpu.memory_space<vmem>>, vector<1x16xf32>,
        %get3A_49 = vector.shape_cast %get3A_48 : vector<1x16xf32> to vector<16xf32>
        %add3A_50 = arith.addf %get3A_49, %get3A_45 : vector<16xf32>
        %get3A_51 = arith.index_cast %scan3A_42 : i32 to index
        %get3A_52 = arith.constant 0 : index
        %get3A_53 = tpu.vector_load %arg14[%get3A_51, %get3A_52] {strides = array<i32>} : memref<120x128xf32, #tpu.memory_space<vmem>>, vector<1x16xf32>,
        %get3A_54 = vector.shape_cast %get3A_53 : vector<1x16xf32> to vector<16xf32>
        %exp3A = math.exp %add3A_50 : vector<16xf32>
        %add3A_55 = arith.constant 1.000000e+00 : f32
        %add3A_56 = vector.broadcast %add3A_55 : f32 to vector<16xf32>
        %add3A_57 = arith.addf %add3A_56, %exp3A : vector<16xf32>
        %div3A = arith.divf %get3A_54, %add3A_57 : vector<16xf32>
        %add3A_58 = arith.addf %get3A_45, %div3A : vector<16xf32>
        %swap3A = arith.index_cast %scan3A_42 : i32 to index
        %swap3A_59 = arith.constant 64 : index
        %swap3A_60 = tpu.vector_load %arg13[%swap3A, %swap3A_59] {strides = array<i32>} : memref<120x128xf32, #tpu.memory_space<vmem>>, vector<1x16xf32>,
        %swap3A_61 = vector.shape_cast %swap3A_60 : vector<1x16xf32> to vector<16xf32>
        %swap3A_62 = vector.shape_cast %add3A_58 : vector<16xf32> to vector<1x16xf32>
        tpu.vector_store %arg13[%swap3A, %swap3A_59], %swap3A_62 {strides = array<i32>} : memref<120x128xf32, #tpu.memory_space<vmem>>, vector<1x16xf32>,
        %get3A_63 = arith.index_cast %scan3A_42 : i32 to index
        %get3A_64 = arith.constant 80 : index
        %get3A_65 = tpu.vector_load %arg13[%get3A_63, %get3A_64] {strides = array<i32>} : memref<120x128xf32, #tpu.memory_space<vmem>>, vector<1x16xf32>,
        %get3A_66 = vector.shape_cast %get3A_65 : vector<1x16xf32> to vector<16xf32>
        %get3A_67 = arith.index_cast %scan3A_42 : i32 to index
        %get3A_68 = arith.constant 16 : index
        %get3A_69 = tpu.vector_load %arg15[%get3A_67, %get3A_68] {strides = array<i32>} : memref<120x128xf32, #tpu.memory_space<vmem>>, vector<1x16xf32>,
        %get3A_70 = vector.shape_cast %get3A_69 : vector<1x16xf32> to vector<16xf32>
        %add3A_71 = arith.addf %get3A_70, %get3A_66 : vector<16xf32>
        %get3A_72 = arith.index_cast %scan3A_42 : i32 to index
        %get3A_73 = arith.constant 16 : index
        %get3A_74 = tpu.vector_load %arg14[%get3A_72, %get3A_73] {strides = array<i32>} : memref<120x128xf32, #tpu.memory_space<vmem>>, vector<1x16xf32>,
        %get3A_75 = vector.shape_cast %get3A_74 : vector<1x16xf32> to vector<16xf32>
        %exp3A_76 = math.exp %add3A_71 : vector<16xf32>
        %add3A_77 = arith.constant 1.000000e+00 : f32
        %add3A_78 = vector.broadcast %add3A_77 : f32 to vector<16xf32>
        %add3A_79 = arith.addf %add3A_78, %exp3A_76 : vector<16xf32>
        %div3A_80 = arith.divf %get3A_75, %add3A_79 : vector<16xf32>
        %add3A_81 = arith.addf %get3A_66, %div3A_80 : vector<16xf32>
        %swap3A_82 = arith.index_cast %scan3A_42 : i32 to index
        %swap3A_83 = arith.constant 80 : index
        %swap3A_84 = tpu.vector_load %arg13[%swap3A_82, %swap3A_83] {strides = array<i32>} : memref<120x128xf32, #tpu.memory_space<vmem>>, vector<1x16xf32>,
        %swap3A_85 = vector.shape_cast %swap3A_84 : vector<1x16xf32> to vector<16xf32>
        %swap3A_86 = vector.shape_cast %add3A_81 : vector<16xf32> to vector<1x16xf32>
        tpu.vector_store %arg13[%swap3A_82, %swap3A_83], %swap3A_86 {strides = array<i32>} : memref<120x128xf32, #tpu.memory_space<vmem>>, vector<1x16xf32>,
        %get3A_87 = arith.index_cast %scan3A_42 : i32 to index
        %get3A_88 = arith.constant 96 : index
        %get3A_89 = tpu.vector_load %arg13[%get3A_87, %get3A_88] {strides = array<i32>} : memref<120x128xf32, #tpu.memory_space<vmem>>, vector<1x16xf32>,
        %get3A_90 = vector.shape_cast %get3A_89 : vector<1x16xf32> to vector<16xf32>
        %get3A_91 = arith.index_cast %scan3A_42 : i32 to index
        %get3A_92 = arith.constant 32 : index
        %get3A_93 = tpu.vector_load %arg15[%get3A_91, %get3A_92] {strides = array<i32>} : memref<120x128xf32, #tpu.memory_space<vmem>>, vector<1x16xf32>,
        %get3A_94 = vector.shape_cast %get3A_93 : vector<1x16xf32> to vector<16xf32>
        %add3A_95 = arith.addf %get3A_94, %get3A_90 : vector<16xf32>
        %get3A_96 = arith.index_cast %scan3A_42 : i32 to index
        %get3A_97 = arith.constant 32 : index
        %get3A_98 = tpu.vector_load %arg14[%get3A_96, %get3A_97] {strides = array<i32>} : memref<120x128xf32, #tpu.memory_space<vmem>>, vector<1x16xf32>,
        %get3A_99 = vector.shape_cast %get3A_98 : vector<1x16xf32> to vector<16xf32>
        %exp3A_100 = math.exp %add3A_95 : vector<16xf32>
        %add3A_101 = arith.constant 1.000000e+00 : f32
        %add3A_102 = vector.broadcast %add3A_101 : f32 to vector<16xf32>
        %add3A_103 = arith.addf %add3A_102, %exp3A_100 : vector<16xf32>
        %div3A_104 = arith.divf %get3A_99, %add3A_103 : vector<16xf32>
        %add3A_105 = arith.addf %get3A_90, %div3A_104 : vector<16xf32>
        %swap3A_106 = arith.index_cast %scan3A_42 : i32 to index
        %swap3A_107 = arith.constant 96 : index
        %swap3A_108 = tpu.vector_load %arg13[%swap3A_106, %swap3A_107] {strides = array<i32>} : memref<120x128xf32, #tpu.memory_space<vmem>>, vector<1x16xf32>,
        %swap3A_109 = vector.shape_cast %swap3A_108 : vector<1x16xf32> to vector<16xf32>
        %swap3A_110 = vector.shape_cast %add3A_105 : vector<16xf32> to vector<1x16xf32>
        tpu.vector_store %arg13[%swap3A_106, %swap3A_107], %swap3A_110 {strides = array<i32>} : memref<120x128xf32, #tpu.memory_space<vmem>>, vector<1x16xf32>,
        %get3A_111 = arith.index_cast %scan3A_42 : i32 to index
        %get3A_112 = arith.constant 112 : index
        %get3A_113 = tpu.vector_load %arg13[%get3A_111, %get3A_112] {strides = array<i32>} : memref<120x128xf32, #tpu.memory_space<vmem>>, vector<1x16xf32>,
        %get3A_114 = vector.shape_cast %get3A_113 : vector<1x16xf32> to vector<16xf32>
        %get3A_115 = arith.index_cast %scan3A_42 : i32 to index
        %get3A_116 = arith.constant 48 : index
        %get3A_117 = tpu.vector_load %arg15[%get3A_115, %get3A_116] {strides = array<i32>} : memref<120x128xf32, #tpu.memory_space<vmem>>, vector<1x16xf32>,
        %get3A_118 = vector.shape_cast %get3A_117 : vector<1x16xf32> to vector<16xf32>
        %add3A_119 = arith.addf %get3A_118, %get3A_114 : vector<16xf32>
        %get3A_120 = arith.index_cast %scan3A_42 : i32 to index
        %get3A_121 = arith.constant 48 : index
        %get3A_122 = tpu.vector_load %arg14[%get3A_120, %get3A_121] {strides = array<i32>} : memref<120x128xf32, #tpu.memory_space<vmem>>, vector<1x16xf32>,
        %get3A_123 = vector.shape_cast %get3A_122 : vector<1x16xf32> to vector<16xf32>
        %exp3A_124 = math.exp %add3A_119 : vector<16xf32>
        %add3A_125 = arith.constant 1.000000e+00 : f32
        %add3A_126 = vector.broadcast %add3A_125 : f32 to vector<16xf32>
        %add3A_127 = arith.addf %add3A_126, %exp3A_124 : vector<16xf32>
        %div3A_128 = arith.divf %get3A_123, %add3A_127 : vector<16xf32>
        %add3A_129 = arith.addf %get3A_114, %div3A_128 : vector<16xf32>
        %swap3A_130 = arith.index_cast %scan3A_42 : i32 to index
        %swap3A_131 = arith.constant 112 : index
        %swap3A_132 = tpu.vector_load %arg13[%swap3A_130, %swap3A_131] {strides = array<i32>} : memref<120x128xf32, #tpu.memory_space<vmem>>, vector<1x16xf32>,
        %swap3A_133 = vector.shape_cast %swap3A_132 : vector<1x16xf32> to vector<16xf32>
        %swap3A_134 = vector.shape_cast %add3A_129 : vector<16xf32> to vector<1x16xf32>
        tpu.vector_store %arg13[%swap3A_130, %swap3A_131], %swap3A_134 {strides = array<i32>} : memref<120x128xf32, #tpu.memory_space<vmem>>, vector<1x16xf32>,
      }
      %scan3A_41 = arith.constant 120 : i32
      "tpu.region"() ({
        %run_scoped3A = tpu.sem_alloc : memref<!tpu.dma_semaphore, #tpu.memory_space<semaphore_mem>>
        %dma_start3A_42 = arith.constant 0 : i32
        %dma_start3A_43 = arith.constant 0 : i32
        %dma_start3A_44 = tpu.memref_slice %arg16[%dma_start3A_42, %dma_start3A_43] : memref<10240x128xf32, #tpu.memory_space<vmem_shared>> -> memref<10240x128xf32, #tpu.memory_space<vmem_shared>>
        tpu.enqueue_indirect_dma source(%arg13 : memref<120x128xf32, #tpu.memory_space<vmem>>) target(%dma_start3A_44 : memref<10240x128xf32, #tpu.memory_space<vmem_shared>>) offsets(%arg12 : memref<120xi32, #tpu.memory_space<vmem>>) semaphore(%run_scoped3A : memref<!tpu.dma_semaphore, #tpu.memory_space<semaphore_mem>>) {add = true}
        %dma_wait3A_45 = arith.constant 0 : i32
        %dma_wait3A_46 = arith.constant 0 : i32
        %dma_wait3A_47 = tpu.memref_slice %arg16[%dma_wait3A_45, %dma_wait3A_46] : memref<10240x128xf32, #tpu.memory_space<vmem_shared>> -> memref<10240x128xf32, #tpu.memory_space<vmem_shared>>
        tpu.wait_indirect_dma semaphore(%run_scoped3A : memref<!tpu.dma_semaphore, #tpu.memory_space<semaphore_mem>>) src(%arg13 : memref<120x128xf32, #tpu.memory_space<vmem>>) dst(%dma_wait3A_47 : memref<10240x128xf32, #tpu.memory_space<vmem_shared>>)
        tpu.yield
      }) : () -> ()
    }
    %scan3A_9 = arith.constant 167 : i32
    %barrier3A_10 = arith.constant 0 : index
    tpu.barrier barrier_id(%barrier3A_10)
    %mul3A_11 = arith.constant 10240 : i32
    %mul3A_12 = arith.muli %arg0, %mul3A_11 : i32
    %add3A_13 = arith.addi %mul3A_12, %mul3A_0 : i32
    "tpu.region"() ({
      %run_scoped3A = tpu.sem_alloc : memref<!tpu.dma_semaphore, #tpu.memory_space<semaphore_mem>>
      %dma_start3A = arith.constant 0 : i32
      %dma_start3A_14 = tpu.memref_slice %arg9[%add3A_13, %dma_start3A] : memref<20480x128xf32, #tpu.memory_space<hbm>> -> memref<640x128xf32, #tpu.memory_space<hbm>>
      %dma_start3A_15 = arith.constant 0 : i32
      %dma_start3A_16 = tpu.memref_slice %arg16[%mul3A_0, %dma_start3A_15] : memref<10240x128xf32, #tpu.memory_space<vmem_shared>> -> memref<640x128xf32, #tpu.memory_space<vmem_shared>>
      tpu.enqueue_dma source(%dma_start3A_16 : memref<640x128xf32, #tpu.memory_space<vmem_shared>>) target(%dma_start3A_14 : memref<640x128xf32, #tpu.memory_space<hbm>>) target_semaphore(%run_scoped3A : memref<!tpu.dma_semaphore, #tpu.memory_space<semaphore_mem>>)
      %dma_wait3A = arith.constant 0 : i32
      %dma_wait3A_17 = tpu.memref_slice %arg9[%add3A_13, %dma_wait3A] : memref<20480x128xf32, #tpu.memory_space<hbm>> -> memref<640x128xf32, #tpu.memory_space<hbm>>
      %dma_wait3A_18 = arith.constant 0 : i32
      %dma_wait3A_19 = tpu.memref_slice %arg16[%mul3A_0, %dma_wait3A_18] : memref<10240x128xf32, #tpu.memory_space<vmem_shared>> -> memref<640x128xf32, #tpu.memory_space<vmem_shared>>
      tpu.wait_dma2 semaphore(%run_scoped3A : memref<!tpu.dma_semaphore, #tpu.memory_space<semaphore_mem>>) src(%dma_wait3A_19 : memref<640x128xf32, #tpu.memory_space<vmem_shared>>) dst(%dma_wait3A_17 : memref<640x128xf32, #tpu.memory_space<hbm>>)
      tpu.yield
    }) : () -> ()
    return
  }
}

#map = affine_map<(d0, d1) -> (0)>
#map1 = affine_map<(d0, d1) -> (0, 0)>
module attributes {stable_mosaic.version = 14 : i64} {
  func.func @_sc_edge_body(%arg0: i32, %arg1: i32, %arg2: memref<641280xi32, #tpu.memory_space<hbm>>, %arg3: memref<641280xi32, #tpu.memory_space<hbm>>, %arg4: memref<320640xi32, #tpu.memory_space<hbm>>, %arg5: memref<20480x128xf32, #tpu.memory_space<hbm>>, %arg6: memref<20480x128xf32, #tpu.memory_space<hbm>>, %arg7: memref<20480x128xf32, #tpu.memory_space<hbm>>, %arg8: memref<640x128xf32, #tpu.memory_space<hbm>>, %arg9: memref<20480x128xf32, #tpu.memory_space<hbm>>, %arg10: memref<120xi32, #tpu.memory_space<vmem>>, %arg11: memref<120xi32, #tpu.memory_space<vmem>>, %arg12: memref<120xi32, #tpu.memory_space<vmem>>, %arg13: memref<120x128xf32, #tpu.memory_space<vmem>>, %arg14: memref<120x128xf32, #tpu.memory_space<vmem>>, %arg15: memref<120x128xf32, #tpu.memory_space<vmem>>, %arg16: memref<10240x128xf32, #tpu.memory_space<vmem_shared>>, %arg17: memref<!tpu.dma_semaphore, #tpu.memory_space<semaphore_mem>>) attributes {dimension_semantics = [#tpu.dimension_semantics<core_parallel>, #tpu.dimension_semantics<subcore_parallel>], iteration_bounds = array<i64: 2, 16>, scalar_prefetch = 0 : i64, scratch_operands = 8 : i64, tpu.core_type = #tpu.core_type<sc_vector_subcore>, window_params = [{transform_indices = #map}, {transform_indices = #map}, {transform_indices = #map}, {transform_indices = #map1}, {transform_indices = #map1}, {transform_indices = #map1}, {transform_indices = #map1}, {transform_indices = #map1}]} {
    %mul3A = arith.constant 640 : i32
    %mul3A_0 = arith.muli %arg1, %mul3A : i32
    "tpu.region"() ({
      %run_scoped3A = tpu.sem_alloc : memref<!tpu.dma_semaphore, #tpu.memory_space<semaphore_mem>>
      %dma_start3A = arith.constant 0 : i32
      %dma_start3A_14 = tpu.memref_slice %arg16[%mul3A_0, %dma_start3A] : memref<10240x128xf32, #tpu.memory_space<vmem_shared>> -> memref<640x128xf32, #tpu.memory_space<vmem_shared>>
      tpu.enqueue_dma source(%arg8 : memref<640x128xf32, #tpu.memory_space<hbm>>) target(%dma_start3A_14 : memref<640x128xf32, #tpu.memory_space<vmem_shared>>) target_semaphore(%run_scoped3A : memref<!tpu.dma_semaphore, #tpu.memory_space<semaphore_mem>>)
      %dma_wait3A = arith.constant 0 : i32
      %dma_wait3A_15 = tpu.memref_slice %arg16[%mul3A_0, %dma_wait3A] : memref<10240x128xf32, #tpu.memory_space<vmem_shared>> -> memref<640x128xf32, #tpu.memory_space<vmem_shared>>
      tpu.wait_dma2 semaphore(%run_scoped3A : memref<!tpu.dma_semaphore, #tpu.memory_space<semaphore_mem>>) src(%arg8 : memref<640x128xf32, #tpu.memory_space<hbm>>) dst(%dma_wait3A_15 : memref<640x128xf32, #tpu.memory_space<vmem_shared>>)
      tpu.yield
    }) : () -> ()
    %barrier3A = arith.constant 0 : index
    tpu.barrier barrier_id(%barrier3A)
    %mul3A_1 = arith.constant 20040 : i32
    %mul3A_2 = arith.muli %arg1, %mul3A_1 : i32
    %mul3A_3 = arith.constant 320640 : i32
    %mul3A_4 = arith.muli %arg0, %mul3A_3 : i32
    %add3A = arith.addi %mul3A_4, %mul3A_2 : i32
    %scan3A = arith.constant 0 : i32
    %scan3A_5 = arith.constant 0 : i32
    %scan3A_6 = arith.constant 167 : i32
    %scan3A_7 = arith.addi %scan3A_5, %scan3A_6 : i32
    %scan3A_8 = arith.constant 1 : i32
    scf.for %scan3A_14 = %scan3A_5 to %scan3A_7 step %scan3A_8  : i32 {
      %mul3A_15 = arith.constant 120 : i32
      %mul3A_16 = arith.muli %scan3A_14, %mul3A_15 : i32
      %add3A_17 = arith.addi %add3A, %mul3A_16 : i32
      "tpu.region"() ({
        %run_scoped3A = tpu.sem_alloc : memref<!tpu.dma_semaphore, #tpu.memory_space<semaphore_mem>>
        %dma_start3A_42 = tpu.memref_slice %arg2[%add3A_17] : memref<641280xi32, #tpu.memory_space<hbm>> -> memref<120xi32, #tpu.memory_space<hbm>>
        %dma_start3A_43 = tpu.memref_slice %arg2[%add3A_17] : memref<641280xi32, #tpu.memory_space<hbm>> -> memref<120xi32, #tpu.memory_space<hbm>>
        tpu.enqueue_dma source(%dma_start3A_43 : memref<120xi32, #tpu.memory_space<hbm>>) target(%arg10 : memref<120xi32, #tpu.memory_space<vmem>>) target_semaphore(%run_scoped3A : memref<!tpu.dma_semaphore, #tpu.memory_space<semaphore_mem>>)
        %dma_wait3A_44 = tpu.memref_slice %arg2[%add3A_17] : memref<641280xi32, #tpu.memory_space<hbm>> -> memref<120xi32, #tpu.memory_space<hbm>>
        %dma_wait3A_45 = tpu.memref_slice %arg2[%add3A_17] : memref<641280xi32, #tpu.memory_space<hbm>> -> memref<120xi32, #tpu.memory_space<hbm>>
        tpu.wait_dma2 semaphore(%run_scoped3A : memref<!tpu.dma_semaphore, #tpu.memory_space<semaphore_mem>>) src(%dma_wait3A_45 : memref<120xi32, #tpu.memory_space<hbm>>) dst(%arg10 : memref<120xi32, #tpu.memory_space<vmem>>)
        tpu.yield
      }) : () -> ()
      %add3A_18 = arith.addi %add3A, %mul3A_16 : i32
      "tpu.region"() ({
        %run_scoped3A = tpu.sem_alloc : memref<!tpu.dma_semaphore, #tpu.memory_space<semaphore_mem>>
        %dma_start3A_42 = tpu.memref_slice %arg3[%add3A_18] : memref<641280xi32, #tpu.memory_space<hbm>> -> memref<120xi32, #tpu.memory_space<hbm>>
        %dma_start3A_43 = tpu.memref_slice %arg3[%add3A_18] : memref<641280xi32, #tpu.memory_space<hbm>> -> memref<120xi32, #tpu.memory_space<hbm>>
        tpu.enqueue_dma source(%dma_start3A_43 : memref<120xi32, #tpu.memory_space<hbm>>) target(%arg11 : memref<120xi32, #tpu.memory_space<vmem>>) target_semaphore(%run_scoped3A : memref<!tpu.dma_semaphore, #tpu.memory_space<semaphore_mem>>)
        %dma_wait3A_44 = tpu.memref_slice %arg3[%add3A_18] : memref<641280xi32, #tpu.memory_space<hbm>> -> memref<120xi32, #tpu.memory_space<hbm>>
        %dma_wait3A_45 = tpu.memref_slice %arg3[%add3A_18] : memref<641280xi32, #tpu.memory_space<hbm>> -> memref<120xi32, #tpu.memory_space<hbm>>
        tpu.wait_dma2 semaphore(%run_scoped3A : memref<!tpu.dma_semaphore, #tpu.memory_space<semaphore_mem>>) src(%dma_wait3A_45 : memref<120xi32, #tpu.memory_space<hbm>>) dst(%arg11 : memref<120xi32, #tpu.memory_space<vmem>>)
        tpu.yield
      }) : () -> ()
      %add3A_19 = arith.addi %mul3A_2, %mul3A_16 : i32
      "tpu.region"() ({
        %run_scoped3A = tpu.sem_alloc : memref<!tpu.dma_semaphore, #tpu.memory_space<semaphore_mem>>
        %dma_start3A_42 = tpu.memref_slice %arg4[%add3A_19] : memref<320640xi32, #tpu.memory_space<hbm>> -> memref<120xi32, #tpu.memory_space<hbm>>
        %dma_start3A_43 = tpu.memref_slice %arg4[%add3A_19] : memref<320640xi32, #tpu.memory_space<hbm>> -> memref<120xi32, #tpu.memory_space<hbm>>
        tpu.enqueue_dma source(%dma_start3A_43 : memref<120xi32, #tpu.memory_space<hbm>>) target(%arg12 : memref<120xi32, #tpu.memory_space<vmem>>) target_semaphore(%run_scoped3A : memref<!tpu.dma_semaphore, #tpu.memory_space<semaphore_mem>>)
        %dma_wait3A_44 = tpu.memref_slice %arg4[%add3A_19] : memref<320640xi32, #tpu.memory_space<hbm>> -> memref<120xi32, #tpu.memory_space<hbm>>
        %dma_wait3A_45 = tpu.memref_slice %arg4[%add3A_19] : memref<320640xi32, #tpu.memory_space<hbm>> -> memref<120xi32, #tpu.memory_space<hbm>>
        tpu.wait_dma2 semaphore(%run_scoped3A : memref<!tpu.dma_semaphore, #tpu.memory_space<semaphore_mem>>) src(%dma_wait3A_45 : memref<120xi32, #tpu.memory_space<hbm>>) dst(%arg12 : memref<120xi32, #tpu.memory_space<vmem>>)
        tpu.yield
      }) : () -> ()
      %dma_start3A = arith.constant 0 : i32
      %dma_start3A_20 = arith.constant 0 : i32
      %dma_start3A_21 = tpu.memref_slice %arg5[%dma_start3A, %dma_start3A_20] : memref<20480x128xf32, #tpu.memory_space<hbm>> -> memref<20480x128xf32, #tpu.memory_space<hbm>>
      tpu.enqueue_indirect_dma source(%dma_start3A_21 : memref<20480x128xf32, #tpu.memory_space<hbm>>) target(%arg13 : memref<120x128xf32, #tpu.memory_space<vmem>>) offsets(%arg10 : memref<120xi32, #tpu.memory_space<vmem>>) semaphore(%arg17 : memref<!tpu.dma_semaphore, #tpu.memory_space<semaphore_mem>>)
      %dma_start3A_22 = arith.constant 0 : i32
      %dma_start3A_23 = arith.constant 0 : i32
      %dma_start3A_24 = tpu.memref_slice %arg6[%dma_start3A_22, %dma_start3A_23] : memref<20480x128xf32, #tpu.memory_space<hbm>> -> memref<20480x128xf32, #tpu.memory_space<hbm>>
      tpu.enqueue_indirect_dma source(%dma_start3A_24 : memref<20480x128xf32, #tpu.memory_space<hbm>>) target(%arg14 : memref<120x128xf32, #tpu.memory_space<vmem>>) offsets(%arg10 : memref<120xi32, #tpu.memory_space<vmem>>) semaphore(%arg17 : memref<!tpu.dma_semaphore, #tpu.memory_space<semaphore_mem>>)
      %dma_start3A_25 = arith.constant 0 : i32
      %dma_start3A_26 = arith.constant 0 : i32
      %dma_start3A_27 = tpu.memref_slice %arg7[%dma_start3A_25, %dma_start3A_26] : memref<20480x128xf32, #tpu.memory_space<hbm>> -> memref<20480x128xf32, #tpu.memory_space<hbm>>
      tpu.enqueue_indirect_dma source(%dma_start3A_27 : memref<20480x128xf32, #tpu.memory_space<hbm>>) target(%arg15 : memref<120x128xf32, #tpu.memory_space<vmem>>) offsets(%arg11 : memref<120xi32, #tpu.memory_space<vmem>>) semaphore(%arg17 : memref<!tpu.dma_semaphore, #tpu.memory_space<semaphore_mem>>)
      %dma_wait3A = arith.constant 0 : i32
      %dma_wait3A_28 = arith.constant 0 : i32
      %dma_wait3A_29 = tpu.memref_slice %arg5[%dma_wait3A, %dma_wait3A_28] : memref<20480x128xf32, #tpu.memory_space<hbm>> -> memref<20480x128xf32, #tpu.memory_space<hbm>>
      tpu.wait_indirect_dma semaphore(%arg17 : memref<!tpu.dma_semaphore, #tpu.memory_space<semaphore_mem>>) src(%dma_wait3A_29 : memref<20480x128xf32, #tpu.memory_space<hbm>>) dst(%arg13 : memref<120x128xf32, #tpu.memory_space<vmem>>)
      %dma_wait3A_30 = arith.constant 0 : i32
      %dma_wait3A_31 = arith.constant 0 : i32
      %dma_wait3A_32 = tpu.memref_slice %arg6[%dma_wait3A_30, %dma_wait3A_31] : memref<20480x128xf32, #tpu.memory_space<hbm>> -> memref<20480x128xf32, #tpu.memory_space<hbm>>
      tpu.wait_indirect_dma semaphore(%arg17 : memref<!tpu.dma_semaphore, #tpu.memory_space<semaphore_mem>>) src(%dma_wait3A_32 : memref<20480x128xf32, #tpu.memory_space<hbm>>) dst(%arg14 : memref<120x128xf32, #tpu.memory_space<vmem>>)
      %dma_wait3A_33 = arith.constant 0 : i32
      %dma_wait3A_34 = arith.constant 0 : i32
      %dma_wait3A_35 = tpu.memref_slice %arg7[%dma_wait3A_33, %dma_wait3A_34] : memref<20480x128xf32, #tpu.memory_space<hbm>> -> memref<20480x128xf32, #tpu.memory_space<hbm>>
      tpu.wait_indirect_dma semaphore(%arg17 : memref<!tpu.dma_semaphore, #tpu.memory_space<semaphore_mem>>) src(%dma_wait3A_35 : memref<20480x128xf32, #tpu.memory_space<hbm>>) dst(%arg15 : memref<120x128xf32, #tpu.memory_space<vmem>>)
      %scan3A_36 = arith.constant 0 : i32
      %scan3A_37 = arith.constant 0 : i32
      %scan3A_38 = arith.constant 120 : i32
      %scan3A_39 = arith.addi %scan3A_37, %scan3A_38 : i32
      %scan3A_40 = arith.constant 1 : i32
      scf.for %scan3A_42 = %scan3A_37 to %scan3A_39 step %scan3A_40  : i32 {
        %get3A = arith.index_cast %scan3A_42 : i32 to index
        %get3A_43 = arith.constant 64 : index
        %get3A_44 = tpu.vector_load %arg13[%get3A, %get3A_43] {strides = array<i32>} : memref<120x128xf32, #tpu.memory_space<vmem>>, vector<1x16xf32>,
        %get3A_45 = vector.shape_cast %get3A_44 : vector<1x16xf32> to vector<16xf32>
        %get3A_46 = arith.index_cast %scan3A_42 : i32 to index
        %get3A_47 = arith.constant 0 : index
        %get3A_48 = tpu.vector_load %arg15[%get3A_46, %get3A_47] {strides = array<i32>} : memref<120x128xf32, #tpu.memory_space<vmem>>, vector<1x16xf32>,
        %get3A_49 = vector.shape_cast %get3A_48 : vector<1x16xf32> to vector<16xf32>
        %add3A_50 = arith.addf %get3A_49, %get3A_45 : vector<16xf32>
        %get3A_51 = arith.index_cast %scan3A_42 : i32 to index
        %get3A_52 = arith.constant 0 : index
        %get3A_53 = tpu.vector_load %arg14[%get3A_51, %get3A_52] {strides = array<i32>} : memref<120x128xf32, #tpu.memory_space<vmem>>, vector<1x16xf32>,
        %get3A_54 = vector.shape_cast %get3A_53 : vector<1x16xf32> to vector<16xf32>
        %exp3A = math.exp %add3A_50 : vector<16xf32>
        %add3A_55 = arith.constant 1.000000e+00 : f32
        %add3A_56 = vector.broadcast %add3A_55 : f32 to vector<16xf32>
        %add3A_57 = arith.addf %add3A_56, %exp3A : vector<16xf32>
        %div3A = arith.divf %get3A_54, %add3A_57 : vector<16xf32>
        %add3A_58 = arith.addf %get3A_45, %div3A : vector<16xf32>
        %swap3A = arith.index_cast %scan3A_42 : i32 to index
        %swap3A_59 = arith.constant 64 : index
        %swap3A_60 = tpu.vector_load %arg13[%swap3A, %swap3A_59] {strides = array<i32>} : memref<120x128xf32, #tpu.memory_space<vmem>>, vector<1x16xf32>,
        %swap3A_61 = vector.shape_cast %swap3A_60 : vector<1x16xf32> to vector<16xf32>
        %swap3A_62 = vector.shape_cast %add3A_58 : vector<16xf32> to vector<1x16xf32>
        tpu.vector_store %arg13[%swap3A, %swap3A_59], %swap3A_62 {strides = array<i32>} : memref<120x128xf32, #tpu.memory_space<vmem>>, vector<1x16xf32>,
        %get3A_63 = arith.index_cast %scan3A_42 : i32 to index
        %get3A_64 = arith.constant 80 : index
        %get3A_65 = tpu.vector_load %arg13[%get3A_63, %get3A_64] {strides = array<i32>} : memref<120x128xf32, #tpu.memory_space<vmem>>, vector<1x16xf32>,
        %get3A_66 = vector.shape_cast %get3A_65 : vector<1x16xf32> to vector<16xf32>
        %get3A_67 = arith.index_cast %scan3A_42 : i32 to index
        %get3A_68 = arith.constant 16 : index
        %get3A_69 = tpu.vector_load %arg15[%get3A_67, %get3A_68] {strides = array<i32>} : memref<120x128xf32, #tpu.memory_space<vmem>>, vector<1x16xf32>,
        %get3A_70 = vector.shape_cast %get3A_69 : vector<1x16xf32> to vector<16xf32>
        %add3A_71 = arith.addf %get3A_70, %get3A_66 : vector<16xf32>
        %get3A_72 = arith.index_cast %scan3A_42 : i32 to index
        %get3A_73 = arith.constant 16 : index
        %get3A_74 = tpu.vector_load %arg14[%get3A_72, %get3A_73] {strides = array<i32>} : memref<120x128xf32, #tpu.memory_space<vmem>>, vector<1x16xf32>,
        %get3A_75 = vector.shape_cast %get3A_74 : vector<1x16xf32> to vector<16xf32>
        %exp3A_76 = math.exp %add3A_71 : vector<16xf32>
        %add3A_77 = arith.constant 1.000000e+00 : f32
        %add3A_78 = vector.broadcast %add3A_77 : f32 to vector<16xf32>
        %add3A_79 = arith.addf %add3A_78, %exp3A_76 : vector<16xf32>
        %div3A_80 = arith.divf %get3A_75, %add3A_79 : vector<16xf32>
        %add3A_81 = arith.addf %get3A_66, %div3A_80 : vector<16xf32>
        %swap3A_82 = arith.index_cast %scan3A_42 : i32 to index
        %swap3A_83 = arith.constant 80 : index
        %swap3A_84 = tpu.vector_load %arg13[%swap3A_82, %swap3A_83] {strides = array<i32>} : memref<120x128xf32, #tpu.memory_space<vmem>>, vector<1x16xf32>,
        %swap3A_85 = vector.shape_cast %swap3A_84 : vector<1x16xf32> to vector<16xf32>
        %swap3A_86 = vector.shape_cast %add3A_81 : vector<16xf32> to vector<1x16xf32>
        tpu.vector_store %arg13[%swap3A_82, %swap3A_83], %swap3A_86 {strides = array<i32>} : memref<120x128xf32, #tpu.memory_space<vmem>>, vector<1x16xf32>,
        %get3A_87 = arith.index_cast %scan3A_42 : i32 to index
        %get3A_88 = arith.constant 96 : index
        %get3A_89 = tpu.vector_load %arg13[%get3A_87, %get3A_88] {strides = array<i32>} : memref<120x128xf32, #tpu.memory_space<vmem>>, vector<1x16xf32>,
        %get3A_90 = vector.shape_cast %get3A_89 : vector<1x16xf32> to vector<16xf32>
        %get3A_91 = arith.index_cast %scan3A_42 : i32 to index
        %get3A_92 = arith.constant 32 : index
        %get3A_93 = tpu.vector_load %arg15[%get3A_91, %get3A_92] {strides = array<i32>} : memref<120x128xf32, #tpu.memory_space<vmem>>, vector<1x16xf32>,
        %get3A_94 = vector.shape_cast %get3A_93 : vector<1x16xf32> to vector<16xf32>
        %add3A_95 = arith.addf %get3A_94, %get3A_90 : vector<16xf32>
        %get3A_96 = arith.index_cast %scan3A_42 : i32 to index
        %get3A_97 = arith.constant 32 : index
        %get3A_98 = tpu.vector_load %arg14[%get3A_96, %get3A_97] {strides = array<i32>} : memref<120x128xf32, #tpu.memory_space<vmem>>, vector<1x16xf32>,
        %get3A_99 = vector.shape_cast %get3A_98 : vector<1x16xf32> to vector<16xf32>
        %exp3A_100 = math.exp %add3A_95 : vector<16xf32>
        %add3A_101 = arith.constant 1.000000e+00 : f32
        %add3A_102 = vector.broadcast %add3A_101 : f32 to vector<16xf32>
        %add3A_103 = arith.addf %add3A_102, %exp3A_100 : vector<16xf32>
        %div3A_104 = arith.divf %get3A_99, %add3A_103 : vector<16xf32>
        %add3A_105 = arith.addf %get3A_90, %div3A_104 : vector<16xf32>
        %swap3A_106 = arith.index_cast %scan3A_42 : i32 to index
        %swap3A_107 = arith.constant 96 : index
        %swap3A_108 = tpu.vector_load %arg13[%swap3A_106, %swap3A_107] {strides = array<i32>} : memref<120x128xf32, #tpu.memory_space<vmem>>, vector<1x16xf32>,
        %swap3A_109 = vector.shape_cast %swap3A_108 : vector<1x16xf32> to vector<16xf32>
        %swap3A_110 = vector.shape_cast %add3A_105 : vector<16xf32> to vector<1x16xf32>
        tpu.vector_store %arg13[%swap3A_106, %swap3A_107], %swap3A_110 {strides = array<i32>} : memref<120x128xf32, #tpu.memory_space<vmem>>, vector<1x16xf32>,
        %get3A_111 = arith.index_cast %scan3A_42 : i32 to index
        %get3A_112 = arith.constant 112 : index
        %get3A_113 = tpu.vector_load %arg13[%get3A_111, %get3A_112] {strides = array<i32>} : memref<120x128xf32, #tpu.memory_space<vmem>>, vector<1x16xf32>,
        %get3A_114 = vector.shape_cast %get3A_113 : vector<1x16xf32> to vector<16xf32>
        %get3A_115 = arith.index_cast %scan3A_42 : i32 to index
        %get3A_116 = arith.constant 48 : index
        %get3A_117 = tpu.vector_load %arg15[%get3A_115, %get3A_116] {strides = array<i32>} : memref<120x128xf32, #tpu.memory_space<vmem>>, vector<1x16xf32>,
        %get3A_118 = vector.shape_cast %get3A_117 : vector<1x16xf32> to vector<16xf32>
        %add3A_119 = arith.addf %get3A_118, %get3A_114 : vector<16xf32>
        %get3A_120 = arith.index_cast %scan3A_42 : i32 to index
        %get3A_121 = arith.constant 48 : index
        %get3A_122 = tpu.vector_load %arg14[%get3A_120, %get3A_121] {strides = array<i32>} : memref<120x128xf32, #tpu.memory_space<vmem>>, vector<1x16xf32>,
        %get3A_123 = vector.shape_cast %get3A_122 : vector<1x16xf32> to vector<16xf32>
        %exp3A_124 = math.exp %add3A_119 : vector<16xf32>
        %add3A_125 = arith.constant 1.000000e+00 : f32
        %add3A_126 = vector.broadcast %add3A_125 : f32 to vector<16xf32>
        %add3A_127 = arith.addf %add3A_126, %exp3A_124 : vector<16xf32>
        %div3A_128 = arith.divf %get3A_123, %add3A_127 : vector<16xf32>
        %add3A_129 = arith.addf %get3A_114, %div3A_128 : vector<16xf32>
        %swap3A_130 = arith.index_cast %scan3A_42 : i32 to index
        %swap3A_131 = arith.constant 112 : index
        %swap3A_132 = tpu.vector_load %arg13[%swap3A_130, %swap3A_131] {strides = array<i32>} : memref<120x128xf32, #tpu.memory_space<vmem>>, vector<1x16xf32>,
        %swap3A_133 = vector.shape_cast %swap3A_132 : vector<1x16xf32> to vector<16xf32>
        %swap3A_134 = vector.shape_cast %add3A_129 : vector<16xf32> to vector<1x16xf32>
        tpu.vector_store %arg13[%swap3A_130, %swap3A_131], %swap3A_134 {strides = array<i32>} : memref<120x128xf32, #tpu.memory_space<vmem>>, vector<1x16xf32>,
      }
      %scan3A_41 = arith.constant 120 : i32
      "tpu.region"() ({
        %run_scoped3A = tpu.sem_alloc : memref<!tpu.dma_semaphore, #tpu.memory_space<semaphore_mem>>
        %dma_start3A_42 = arith.constant 0 : i32
        %dma_start3A_43 = arith.constant 0 : i32
        %dma_start3A_44 = tpu.memref_slice %arg16[%dma_start3A_42, %dma_start3A_43] : memref<10240x128xf32, #tpu.memory_space<vmem_shared>> -> memref<10240x128xf32, #tpu.memory_space<vmem_shared>>
        tpu.enqueue_indirect_dma source(%arg13 : memref<120x128xf32, #tpu.memory_space<vmem>>) target(%dma_start3A_44 : memref<10240x128xf32, #tpu.memory_space<vmem_shared>>) offsets(%arg12 : memref<120xi32, #tpu.memory_space<vmem>>) semaphore(%run_scoped3A : memref<!tpu.dma_semaphore, #tpu.memory_space<semaphore_mem>>) {add = true}
        %dma_wait3A_45 = arith.constant 0 : i32
        %dma_wait3A_46 = arith.constant 0 : i32
        %dma_wait3A_47 = tpu.memref_slice %arg16[%dma_wait3A_45, %dma_wait3A_46] : memref<10240x128xf32, #tpu.memory_space<vmem_shared>> -> memref<10240x128xf32, #tpu.memory_space<vmem_shared>>
        tpu.wait_indirect_dma semaphore(%run_scoped3A : memref<!tpu.dma_semaphore, #tpu.memory_space<semaphore_mem>>) src(%arg13 : memref<120x128xf32, #tpu.memory_space<vmem>>) dst(%dma_wait3A_47 : memref<10240x128xf32, #tpu.memory_space<vmem_shared>>)
        tpu.yield
      }) : () -> ()
    }
    %scan3A_9 = arith.constant 167 : i32
    %barrier3A_10 = arith.constant 0 : index
    tpu.barrier barrier_id(%barrier3A_10)
    %mul3A_11 = arith.constant 10240 : i32
    %mul3A_12 = arith.muli %arg0, %mul3A_11 : i32
    %add3A_13 = arith.addi %mul3A_12, %mul3A_0 : i32
    "tpu.region"() ({
      %run_scoped3A = tpu.sem_alloc : memref<!tpu.dma_semaphore, #tpu.memory_space<semaphore_mem>>
      %dma_start3A = arith.constant 0 : i32
      %dma_start3A_14 = tpu.memref_slice %arg9[%add3A_13, %dma_start3A] : memref<20480x128xf32, #tpu.memory_space<hbm>> -> memref<640x128xf32, #tpu.memory_space<hbm>>
      %dma_start3A_15 = arith.constant 0 : i32
      %dma_start3A_16 = tpu.memref_slice %arg16[%mul3A_0, %dma_start3A_15] : memref<10240x128xf32, #tpu.memory_space<vmem_shared>> -> memref<640x128xf32, #tpu.memory_space<vmem_shared>>
      tpu.enqueue_dma source(%dma_start3A_16 : memref<640x128xf32, #tpu.memory_space<vmem_shared>>) target(%dma_start3A_14 : memref<640x128xf32, #tpu.memory_space<hbm>>) target_semaphore(%run_scoped3A : memref<!tpu.dma_semaphore, #tpu.memory_space<semaphore_mem>>)
      %dma_wait3A = arith.constant 0 : i32
      %dma_wait3A_17 = tpu.memref_slice %arg9[%add3A_13, %dma_wait3A] : memref<20480x128xf32, #tpu.memory_space<hbm>> -> memref<640x128xf32, #tpu.memory_space<hbm>>
      %dma_wait3A_18 = arith.constant 0 : i32
      %dma_wait3A_19 = tpu.memref_slice %arg16[%mul3A_0, %dma_wait3A_18] : memref<10240x128xf32, #tpu.memory_space<vmem_shared>> -> memref<640x128xf32, #tpu.memory_space<vmem_shared>>
      tpu.wait_dma2 semaphore(%run_scoped3A : memref<!tpu.dma_semaphore, #tpu.memory_space<semaphore_mem>>) src(%dma_wait3A_19 : memref<640x128xf32, #tpu.memory_space<vmem_shared>>) dst(%dma_wait3A_17 : memref<640x128xf32, #tpu.memory_space<hbm>>)
      tpu.yield
    }) : () -> ()
    return
  }
}

#map = affine_map<(d0, d1) -> (0)>
#map1 = affine_map<(d0, d1) -> (0, 0)>
module attributes {stable_mosaic.version = 14 : i64} {
  func.func @_sc_edge_body(%arg0: i32, %arg1: i32, %arg2: memref<641280xi32, #tpu.memory_space<hbm>>, %arg3: memref<641280xi32, #tpu.memory_space<hbm>>, %arg4: memref<320640xi32, #tpu.memory_space<hbm>>, %arg5: memref<20480x128xf32, #tpu.memory_space<hbm>>, %arg6: memref<20480x128xf32, #tpu.memory_space<hbm>>, %arg7: memref<20480x128xf32, #tpu.memory_space<hbm>>, %arg8: memref<640x128xf32, #tpu.memory_space<hbm>>, %arg9: memref<20480x128xf32, #tpu.memory_space<hbm>>, %arg10: memref<120xi32, #tpu.memory_space<vmem>>, %arg11: memref<120xi32, #tpu.memory_space<vmem>>, %arg12: memref<120xi32, #tpu.memory_space<vmem>>, %arg13: memref<120x128xf32, #tpu.memory_space<vmem>>, %arg14: memref<120x128xf32, #tpu.memory_space<vmem>>, %arg15: memref<120x128xf32, #tpu.memory_space<vmem>>, %arg16: memref<10240x128xf32, #tpu.memory_space<vmem_shared>>, %arg17: memref<!tpu.dma_semaphore, #tpu.memory_space<semaphore_mem>>) attributes {dimension_semantics = [#tpu.dimension_semantics<core_parallel>, #tpu.dimension_semantics<subcore_parallel>], iteration_bounds = array<i64: 2, 16>, scalar_prefetch = 0 : i64, scratch_operands = 8 : i64, tpu.core_type = #tpu.core_type<sc_vector_subcore>, window_params = [{transform_indices = #map}, {transform_indices = #map}, {transform_indices = #map}, {transform_indices = #map1}, {transform_indices = #map1}, {transform_indices = #map1}, {transform_indices = #map1}, {transform_indices = #map1}]} {
    %mul3A = arith.constant 640 : i32
    %mul3A_0 = arith.muli %arg1, %mul3A : i32
    "tpu.region"() ({
      %run_scoped3A = tpu.sem_alloc : memref<!tpu.dma_semaphore, #tpu.memory_space<semaphore_mem>>
      %dma_start3A = arith.constant 0 : i32
      %dma_start3A_14 = tpu.memref_slice %arg16[%mul3A_0, %dma_start3A] : memref<10240x128xf32, #tpu.memory_space<vmem_shared>> -> memref<640x128xf32, #tpu.memory_space<vmem_shared>>
      tpu.enqueue_dma source(%arg8 : memref<640x128xf32, #tpu.memory_space<hbm>>) target(%dma_start3A_14 : memref<640x128xf32, #tpu.memory_space<vmem_shared>>) target_semaphore(%run_scoped3A : memref<!tpu.dma_semaphore, #tpu.memory_space<semaphore_mem>>)
      %dma_wait3A = arith.constant 0 : i32
      %dma_wait3A_15 = tpu.memref_slice %arg16[%mul3A_0, %dma_wait3A] : memref<10240x128xf32, #tpu.memory_space<vmem_shared>> -> memref<640x128xf32, #tpu.memory_space<vmem_shared>>
      tpu.wait_dma2 semaphore(%run_scoped3A : memref<!tpu.dma_semaphore, #tpu.memory_space<semaphore_mem>>) src(%arg8 : memref<640x128xf32, #tpu.memory_space<hbm>>) dst(%dma_wait3A_15 : memref<640x128xf32, #tpu.memory_space<vmem_shared>>)
      tpu.yield
    }) : () -> ()
    %barrier3A = arith.constant 0 : index
    tpu.barrier barrier_id(%barrier3A)
    %mul3A_1 = arith.constant 20040 : i32
    %mul3A_2 = arith.muli %arg1, %mul3A_1 : i32
    %mul3A_3 = arith.constant 320640 : i32
    %mul3A_4 = arith.muli %arg0, %mul3A_3 : i32
    %add3A = arith.addi %mul3A_4, %mul3A_2 : i32
    %scan3A = arith.constant 0 : i32
    %scan3A_5 = arith.constant 0 : i32
    %scan3A_6 = arith.constant 167 : i32
    %scan3A_7 = arith.addi %scan3A_5, %scan3A_6 : i32
    %scan3A_8 = arith.constant 1 : i32
    scf.for %scan3A_14 = %scan3A_5 to %scan3A_7 step %scan3A_8  : i32 {
      %mul3A_15 = arith.constant 120 : i32
      %mul3A_16 = arith.muli %scan3A_14, %mul3A_15 : i32
      %add3A_17 = arith.addi %add3A, %mul3A_16 : i32
      "tpu.region"() ({
        %run_scoped3A = tpu.sem_alloc : memref<!tpu.dma_semaphore, #tpu.memory_space<semaphore_mem>>
        %dma_start3A_42 = tpu.memref_slice %arg2[%add3A_17] : memref<641280xi32, #tpu.memory_space<hbm>> -> memref<120xi32, #tpu.memory_space<hbm>>
        %dma_start3A_43 = tpu.memref_slice %arg2[%add3A_17] : memref<641280xi32, #tpu.memory_space<hbm>> -> memref<120xi32, #tpu.memory_space<hbm>>
        tpu.enqueue_dma source(%dma_start3A_43 : memref<120xi32, #tpu.memory_space<hbm>>) target(%arg10 : memref<120xi32, #tpu.memory_space<vmem>>) target_semaphore(%run_scoped3A : memref<!tpu.dma_semaphore, #tpu.memory_space<semaphore_mem>>)
        %dma_wait3A_44 = tpu.memref_slice %arg2[%add3A_17] : memref<641280xi32, #tpu.memory_space<hbm>> -> memref<120xi32, #tpu.memory_space<hbm>>
        %dma_wait3A_45 = tpu.memref_slice %arg2[%add3A_17] : memref<641280xi32, #tpu.memory_space<hbm>> -> memref<120xi32, #tpu.memory_space<hbm>>
        tpu.wait_dma2 semaphore(%run_scoped3A : memref<!tpu.dma_semaphore, #tpu.memory_space<semaphore_mem>>) src(%dma_wait3A_45 : memref<120xi32, #tpu.memory_space<hbm>>) dst(%arg10 : memref<120xi32, #tpu.memory_space<vmem>>)
        tpu.yield
      }) : () -> ()
      %add3A_18 = arith.addi %add3A, %mul3A_16 : i32
      "tpu.region"() ({
        %run_scoped3A = tpu.sem_alloc : memref<!tpu.dma_semaphore, #tpu.memory_space<semaphore_mem>>
        %dma_start3A_42 = tpu.memref_slice %arg3[%add3A_18] : memref<641280xi32, #tpu.memory_space<hbm>> -> memref<120xi32, #tpu.memory_space<hbm>>
        %dma_start3A_43 = tpu.memref_slice %arg3[%add3A_18] : memref<641280xi32, #tpu.memory_space<hbm>> -> memref<120xi32, #tpu.memory_space<hbm>>
        tpu.enqueue_dma source(%dma_start3A_43 : memref<120xi32, #tpu.memory_space<hbm>>) target(%arg11 : memref<120xi32, #tpu.memory_space<vmem>>) target_semaphore(%run_scoped3A : memref<!tpu.dma_semaphore, #tpu.memory_space<semaphore_mem>>)
        %dma_wait3A_44 = tpu.memref_slice %arg3[%add3A_18] : memref<641280xi32, #tpu.memory_space<hbm>> -> memref<120xi32, #tpu.memory_space<hbm>>
        %dma_wait3A_45 = tpu.memref_slice %arg3[%add3A_18] : memref<641280xi32, #tpu.memory_space<hbm>> -> memref<120xi32, #tpu.memory_space<hbm>>
        tpu.wait_dma2 semaphore(%run_scoped3A : memref<!tpu.dma_semaphore, #tpu.memory_space<semaphore_mem>>) src(%dma_wait3A_45 : memref<120xi32, #tpu.memory_space<hbm>>) dst(%arg11 : memref<120xi32, #tpu.memory_space<vmem>>)
        tpu.yield
      }) : () -> ()
      %add3A_19 = arith.addi %mul3A_2, %mul3A_16 : i32
      "tpu.region"() ({
        %run_scoped3A = tpu.sem_alloc : memref<!tpu.dma_semaphore, #tpu.memory_space<semaphore_mem>>
        %dma_start3A_42 = tpu.memref_slice %arg4[%add3A_19] : memref<320640xi32, #tpu.memory_space<hbm>> -> memref<120xi32, #tpu.memory_space<hbm>>
        %dma_start3A_43 = tpu.memref_slice %arg4[%add3A_19] : memref<320640xi32, #tpu.memory_space<hbm>> -> memref<120xi32, #tpu.memory_space<hbm>>
        tpu.enqueue_dma source(%dma_start3A_43 : memref<120xi32, #tpu.memory_space<hbm>>) target(%arg12 : memref<120xi32, #tpu.memory_space<vmem>>) target_semaphore(%run_scoped3A : memref<!tpu.dma_semaphore, #tpu.memory_space<semaphore_mem>>)
        %dma_wait3A_44 = tpu.memref_slice %arg4[%add3A_19] : memref<320640xi32, #tpu.memory_space<hbm>> -> memref<120xi32, #tpu.memory_space<hbm>>
        %dma_wait3A_45 = tpu.memref_slice %arg4[%add3A_19] : memref<320640xi32, #tpu.memory_space<hbm>> -> memref<120xi32, #tpu.memory_space<hbm>>
        tpu.wait_dma2 semaphore(%run_scoped3A : memref<!tpu.dma_semaphore, #tpu.memory_space<semaphore_mem>>) src(%dma_wait3A_45 : memref<120xi32, #tpu.memory_space<hbm>>) dst(%arg12 : memref<120xi32, #tpu.memory_space<vmem>>)
        tpu.yield
      }) : () -> ()
      %dma_start3A = arith.constant 0 : i32
      %dma_start3A_20 = arith.constant 0 : i32
      %dma_start3A_21 = tpu.memref_slice %arg5[%dma_start3A, %dma_start3A_20] : memref<20480x128xf32, #tpu.memory_space<hbm>> -> memref<20480x128xf32, #tpu.memory_space<hbm>>
      tpu.enqueue_indirect_dma source(%dma_start3A_21 : memref<20480x128xf32, #tpu.memory_space<hbm>>) target(%arg13 : memref<120x128xf32, #tpu.memory_space<vmem>>) offsets(%arg10 : memref<120xi32, #tpu.memory_space<vmem>>) semaphore(%arg17 : memref<!tpu.dma_semaphore, #tpu.memory_space<semaphore_mem>>)
      %dma_start3A_22 = arith.constant 0 : i32
      %dma_start3A_23 = arith.constant 0 : i32
      %dma_start3A_24 = tpu.memref_slice %arg6[%dma_start3A_22, %dma_start3A_23] : memref<20480x128xf32, #tpu.memory_space<hbm>> -> memref<20480x128xf32, #tpu.memory_space<hbm>>
      tpu.enqueue_indirect_dma source(%dma_start3A_24 : memref<20480x128xf32, #tpu.memory_space<hbm>>) target(%arg14 : memref<120x128xf32, #tpu.memory_space<vmem>>) offsets(%arg10 : memref<120xi32, #tpu.memory_space<vmem>>) semaphore(%arg17 : memref<!tpu.dma_semaphore, #tpu.memory_space<semaphore_mem>>)
      %dma_start3A_25 = arith.constant 0 : i32
      %dma_start3A_26 = arith.constant 0 : i32
      %dma_start3A_27 = tpu.memref_slice %arg7[%dma_start3A_25, %dma_start3A_26] : memref<20480x128xf32, #tpu.memory_space<hbm>> -> memref<20480x128xf32, #tpu.memory_space<hbm>>
      tpu.enqueue_indirect_dma source(%dma_start3A_27 : memref<20480x128xf32, #tpu.memory_space<hbm>>) target(%arg15 : memref<120x128xf32, #tpu.memory_space<vmem>>) offsets(%arg11 : memref<120xi32, #tpu.memory_space<vmem>>) semaphore(%arg17 : memref<!tpu.dma_semaphore, #tpu.memory_space<semaphore_mem>>)
      %dma_wait3A = arith.constant 0 : i32
      %dma_wait3A_28 = arith.constant 0 : i32
      %dma_wait3A_29 = tpu.memref_slice %arg5[%dma_wait3A, %dma_wait3A_28] : memref<20480x128xf32, #tpu.memory_space<hbm>> -> memref<20480x128xf32, #tpu.memory_space<hbm>>
      tpu.wait_indirect_dma semaphore(%arg17 : memref<!tpu.dma_semaphore, #tpu.memory_space<semaphore_mem>>) src(%dma_wait3A_29 : memref<20480x128xf32, #tpu.memory_space<hbm>>) dst(%arg13 : memref<120x128xf32, #tpu.memory_space<vmem>>)
      %dma_wait3A_30 = arith.constant 0 : i32
      %dma_wait3A_31 = arith.constant 0 : i32
      %dma_wait3A_32 = tpu.memref_slice %arg6[%dma_wait3A_30, %dma_wait3A_31] : memref<20480x128xf32, #tpu.memory_space<hbm>> -> memref<20480x128xf32, #tpu.memory_space<hbm>>
      tpu.wait_indirect_dma semaphore(%arg17 : memref<!tpu.dma_semaphore, #tpu.memory_space<semaphore_mem>>) src(%dma_wait3A_32 : memref<20480x128xf32, #tpu.memory_space<hbm>>) dst(%arg14 : memref<120x128xf32, #tpu.memory_space<vmem>>)
      %dma_wait3A_33 = arith.constant 0 : i32
      %dma_wait3A_34 = arith.constant 0 : i32
      %dma_wait3A_35 = tpu.memref_slice %arg7[%dma_wait3A_33, %dma_wait3A_34] : memref<20480x128xf32, #tpu.memory_space<hbm>> -> memref<20480x128xf32, #tpu.memory_space<hbm>>
      tpu.wait_indirect_dma semaphore(%arg17 : memref<!tpu.dma_semaphore, #tpu.memory_space<semaphore_mem>>) src(%dma_wait3A_35 : memref<20480x128xf32, #tpu.memory_space<hbm>>) dst(%arg15 : memref<120x128xf32, #tpu.memory_space<vmem>>)
      %scan3A_36 = arith.constant 0 : i32
      %scan3A_37 = arith.constant 0 : i32
      %scan3A_38 = arith.constant 120 : i32
      %scan3A_39 = arith.addi %scan3A_37, %scan3A_38 : i32
      %scan3A_40 = arith.constant 1 : i32
      scf.for %scan3A_42 = %scan3A_37 to %scan3A_39 step %scan3A_40  : i32 {
        %get3A = arith.index_cast %scan3A_42 : i32 to index
        %get3A_43 = arith.constant 64 : index
        %get3A_44 = tpu.vector_load %arg13[%get3A, %get3A_43] {strides = array<i32>} : memref<120x128xf32, #tpu.memory_space<vmem>>, vector<1x16xf32>,
        %get3A_45 = vector.shape_cast %get3A_44 : vector<1x16xf32> to vector<16xf32>
        %get3A_46 = arith.index_cast %scan3A_42 : i32 to index
        %get3A_47 = arith.constant 0 : index
        %get3A_48 = tpu.vector_load %arg15[%get3A_46, %get3A_47] {strides = array<i32>} : memref<120x128xf32, #tpu.memory_space<vmem>>, vector<1x16xf32>,
        %get3A_49 = vector.shape_cast %get3A_48 : vector<1x16xf32> to vector<16xf32>
        %add3A_50 = arith.addf %get3A_49, %get3A_45 : vector<16xf32>
        %get3A_51 = arith.index_cast %scan3A_42 : i32 to index
        %get3A_52 = arith.constant 0 : index
        %get3A_53 = tpu.vector_load %arg14[%get3A_51, %get3A_52] {strides = array<i32>} : memref<120x128xf32, #tpu.memory_space<vmem>>, vector<1x16xf32>,
        %get3A_54 = vector.shape_cast %get3A_53 : vector<1x16xf32> to vector<16xf32>
        %exp3A = math.exp %add3A_50 : vector<16xf32>
        %add3A_55 = arith.constant 1.000000e+00 : f32
        %add3A_56 = vector.broadcast %add3A_55 : f32 to vector<16xf32>
        %add3A_57 = arith.addf %add3A_56, %exp3A : vector<16xf32>
        %div3A = arith.divf %get3A_54, %add3A_57 : vector<16xf32>
        %add3A_58 = arith.addf %get3A_45, %div3A : vector<16xf32>
        %swap3A = arith.index_cast %scan3A_42 : i32 to index
        %swap3A_59 = arith.constant 64 : index
        %swap3A_60 = tpu.vector_load %arg13[%swap3A, %swap3A_59] {strides = array<i32>} : memref<120x128xf32, #tpu.memory_space<vmem>>, vector<1x16xf32>,
        %swap3A_61 = vector.shape_cast %swap3A_60 : vector<1x16xf32> to vector<16xf32>
        %swap3A_62 = vector.shape_cast %add3A_58 : vector<16xf32> to vector<1x16xf32>
        tpu.vector_store %arg13[%swap3A, %swap3A_59], %swap3A_62 {strides = array<i32>} : memref<120x128xf32, #tpu.memory_space<vmem>>, vector<1x16xf32>,
        %get3A_63 = arith.index_cast %scan3A_42 : i32 to index
        %get3A_64 = arith.constant 80 : index
        %get3A_65 = tpu.vector_load %arg13[%get3A_63, %get3A_64] {strides = array<i32>} : memref<120x128xf32, #tpu.memory_space<vmem>>, vector<1x16xf32>,
        %get3A_66 = vector.shape_cast %get3A_65 : vector<1x16xf32> to vector<16xf32>
        %get3A_67 = arith.index_cast %scan3A_42 : i32 to index
        %get3A_68 = arith.constant 16 : index
        %get3A_69 = tpu.vector_load %arg15[%get3A_67, %get3A_68] {strides = array<i32>} : memref<120x128xf32, #tpu.memory_space<vmem>>, vector<1x16xf32>,
        %get3A_70 = vector.shape_cast %get3A_69 : vector<1x16xf32> to vector<16xf32>
        %add3A_71 = arith.addf %get3A_70, %get3A_66 : vector<16xf32>
        %get3A_72 = arith.index_cast %scan3A_42 : i32 to index
        %get3A_73 = arith.constant 16 : index
        %get3A_74 = tpu.vector_load %arg14[%get3A_72, %get3A_73] {strides = array<i32>} : memref<120x128xf32, #tpu.memory_space<vmem>>, vector<1x16xf32>,
        %get3A_75 = vector.shape_cast %get3A_74 : vector<1x16xf32> to vector<16xf32>
        %exp3A_76 = math.exp %add3A_71 : vector<16xf32>
        %add3A_77 = arith.constant 1.000000e+00 : f32
        %add3A_78 = vector.broadcast %add3A_77 : f32 to vector<16xf32>
        %add3A_79 = arith.addf %add3A_78, %exp3A_76 : vector<16xf32>
        %div3A_80 = arith.divf %get3A_75, %add3A_79 : vector<16xf32>
        %add3A_81 = arith.addf %get3A_66, %div3A_80 : vector<16xf32>
        %swap3A_82 = arith.index_cast %scan3A_42 : i32 to index
        %swap3A_83 = arith.constant 80 : index
        %swap3A_84 = tpu.vector_load %arg13[%swap3A_82, %swap3A_83] {strides = array<i32>} : memref<120x128xf32, #tpu.memory_space<vmem>>, vector<1x16xf32>,
        %swap3A_85 = vector.shape_cast %swap3A_84 : vector<1x16xf32> to vector<16xf32>
        %swap3A_86 = vector.shape_cast %add3A_81 : vector<16xf32> to vector<1x16xf32>
        tpu.vector_store %arg13[%swap3A_82, %swap3A_83], %swap3A_86 {strides = array<i32>} : memref<120x128xf32, #tpu.memory_space<vmem>>, vector<1x16xf32>,
        %get3A_87 = arith.index_cast %scan3A_42 : i32 to index
        %get3A_88 = arith.constant 96 : index
        %get3A_89 = tpu.vector_load %arg13[%get3A_87, %get3A_88] {strides = array<i32>} : memref<120x128xf32, #tpu.memory_space<vmem>>, vector<1x16xf32>,
        %get3A_90 = vector.shape_cast %get3A_89 : vector<1x16xf32> to vector<16xf32>
        %get3A_91 = arith.index_cast %scan3A_42 : i32 to index
        %get3A_92 = arith.constant 32 : index
        %get3A_93 = tpu.vector_load %arg15[%get3A_91, %get3A_92] {strides = array<i32>} : memref<120x128xf32, #tpu.memory_space<vmem>>, vector<1x16xf32>,
        %get3A_94 = vector.shape_cast %get3A_93 : vector<1x16xf32> to vector<16xf32>
        %add3A_95 = arith.addf %get3A_94, %get3A_90 : vector<16xf32>
        %get3A_96 = arith.index_cast %scan3A_42 : i32 to index
        %get3A_97 = arith.constant 32 : index
        %get3A_98 = tpu.vector_load %arg14[%get3A_96, %get3A_97] {strides = array<i32>} : memref<120x128xf32, #tpu.memory_space<vmem>>, vector<1x16xf32>,
        %get3A_99 = vector.shape_cast %get3A_98 : vector<1x16xf32> to vector<16xf32>
        %exp3A_100 = math.exp %add3A_95 : vector<16xf32>
        %add3A_101 = arith.constant 1.000000e+00 : f32
        %add3A_102 = vector.broadcast %add3A_101 : f32 to vector<16xf32>
        %add3A_103 = arith.addf %add3A_102, %exp3A_100 : vector<16xf32>
        %div3A_104 = arith.divf %get3A_99, %add3A_103 : vector<16xf32>
        %add3A_105 = arith.addf %get3A_90, %div3A_104 : vector<16xf32>
        %swap3A_106 = arith.index_cast %scan3A_42 : i32 to index
        %swap3A_107 = arith.constant 96 : index
        %swap3A_108 = tpu.vector_load %arg13[%swap3A_106, %swap3A_107] {strides = array<i32>} : memref<120x128xf32, #tpu.memory_space<vmem>>, vector<1x16xf32>,
        %swap3A_109 = vector.shape_cast %swap3A_108 : vector<1x16xf32> to vector<16xf32>
        %swap3A_110 = vector.shape_cast %add3A_105 : vector<16xf32> to vector<1x16xf32>
        tpu.vector_store %arg13[%swap3A_106, %swap3A_107], %swap3A_110 {strides = array<i32>} : memref<120x128xf32, #tpu.memory_space<vmem>>, vector<1x16xf32>,
        %get3A_111 = arith.index_cast %scan3A_42 : i32 to index
        %get3A_112 = arith.constant 112 : index
        %get3A_113 = tpu.vector_load %arg13[%get3A_111, %get3A_112] {strides = array<i32>} : memref<120x128xf32, #tpu.memory_space<vmem>>, vector<1x16xf32>,
        %get3A_114 = vector.shape_cast %get3A_113 : vector<1x16xf32> to vector<16xf32>
        %get3A_115 = arith.index_cast %scan3A_42 : i32 to index
        %get3A_116 = arith.constant 48 : index
        %get3A_117 = tpu.vector_load %arg15[%get3A_115, %get3A_116] {strides = array<i32>} : memref<120x128xf32, #tpu.memory_space<vmem>>, vector<1x16xf32>,
        %get3A_118 = vector.shape_cast %get3A_117 : vector<1x16xf32> to vector<16xf32>
        %add3A_119 = arith.addf %get3A_118, %get3A_114 : vector<16xf32>
        %get3A_120 = arith.index_cast %scan3A_42 : i32 to index
        %get3A_121 = arith.constant 48 : index
        %get3A_122 = tpu.vector_load %arg14[%get3A_120, %get3A_121] {strides = array<i32>} : memref<120x128xf32, #tpu.memory_space<vmem>>, vector<1x16xf32>,
        %get3A_123 = vector.shape_cast %get3A_122 : vector<1x16xf32> to vector<16xf32>
        %exp3A_124 = math.exp %add3A_119 : vector<16xf32>
        %add3A_125 = arith.constant 1.000000e+00 : f32
        %add3A_126 = vector.broadcast %add3A_125 : f32 to vector<16xf32>
        %add3A_127 = arith.addf %add3A_126, %exp3A_124 : vector<16xf32>
        %div3A_128 = arith.divf %get3A_123, %add3A_127 : vector<16xf32>
        %add3A_129 = arith.addf %get3A_114, %div3A_128 : vector<16xf32>
        %swap3A_130 = arith.index_cast %scan3A_42 : i32 to index
        %swap3A_131 = arith.constant 112 : index
        %swap3A_132 = tpu.vector_load %arg13[%swap3A_130, %swap3A_131] {strides = array<i32>} : memref<120x128xf32, #tpu.memory_space<vmem>>, vector<1x16xf32>,
        %swap3A_133 = vector.shape_cast %swap3A_132 : vector<1x16xf32> to vector<16xf32>
        %swap3A_134 = vector.shape_cast %add3A_129 : vector<16xf32> to vector<1x16xf32>
        tpu.vector_store %arg13[%swap3A_130, %swap3A_131], %swap3A_134 {strides = array<i32>} : memref<120x128xf32, #tpu.memory_space<vmem>>, vector<1x16xf32>,
      }
      %scan3A_41 = arith.constant 120 : i32
      "tpu.region"() ({
        %run_scoped3A = tpu.sem_alloc : memref<!tpu.dma_semaphore, #tpu.memory_space<semaphore_mem>>
        %dma_start3A_42 = arith.constant 0 : i32
        %dma_start3A_43 = arith.constant 0 : i32
        %dma_start3A_44 = tpu.memref_slice %arg16[%dma_start3A_42, %dma_start3A_43] : memref<10240x128xf32, #tpu.memory_space<vmem_shared>> -> memref<10240x128xf32, #tpu.memory_space<vmem_shared>>
        tpu.enqueue_indirect_dma source(%arg13 : memref<120x128xf32, #tpu.memory_space<vmem>>) target(%dma_start3A_44 : memref<10240x128xf32, #tpu.memory_space<vmem_shared>>) offsets(%arg12 : memref<120xi32, #tpu.memory_space<vmem>>) semaphore(%run_scoped3A : memref<!tpu.dma_semaphore, #tpu.memory_space<semaphore_mem>>) {add = true}
        %dma_wait3A_45 = arith.constant 0 : i32
        %dma_wait3A_46 = arith.constant 0 : i32
        %dma_wait3A_47 = tpu.memref_slice %arg16[%dma_wait3A_45, %dma_wait3A_46] : memref<10240x128xf32, #tpu.memory_space<vmem_shared>> -> memref<10240x128xf32, #tpu.memory_space<vmem_shared>>
        tpu.wait_indirect_dma semaphore(%run_scoped3A : memref<!tpu.dma_semaphore, #tpu.memory_space<semaphore_mem>>) src(%arg13 : memref<120x128xf32, #tpu.memory_space<vmem>>) dst(%dma_wait3A_47 : memref<10240x128xf32, #tpu.memory_space<vmem_shared>>)
        tpu.yield
      }) : () -> ()
    }
    %scan3A_9 = arith.constant 167 : i32
    %barrier3A_10 = arith.constant 0 : index
    tpu.barrier barrier_id(%barrier3A_10)
    %mul3A_11 = arith.constant 10240 : i32
    %mul3A_12 = arith.muli %arg0, %mul3A_11 : i32
    %add3A_13 = arith.addi %mul3A_12, %mul3A_0 : i32
    "tpu.region"() ({
      %run_scoped3A = tpu.sem_alloc : memref<!tpu.dma_semaphore, #tpu.memory_space<semaphore_mem>>
      %dma_start3A = arith.constant 0 : i32
      %dma_start3A_14 = tpu.memref_slice %arg9[%add3A_13, %dma_start3A] : memref<20480x128xf32, #tpu.memory_space<hbm>> -> memref<640x128xf32, #tpu.memory_space<hbm>>
      %dma_start3A_15 = arith.constant 0 : i32
      %dma_start3A_16 = tpu.memref_slice %arg16[%mul3A_0, %dma_start3A_15] : memref<10240x128xf32, #tpu.memory_space<vmem_shared>> -> memref<640x128xf32, #tpu.memory_space<vmem_shared>>
      tpu.enqueue_dma source(%dma_start3A_16 : memref<640x128xf32, #tpu.memory_space<vmem_shared>>) target(%dma_start3A_14 : memref<640x128xf32, #tpu.memory_space<hbm>>) target_semaphore(%run_scoped3A : memref<!tpu.dma_semaphore, #tpu.memory_space<semaphore_mem>>)
      %dma_wait3A = arith.constant 0 : i32
      %dma_wait3A_17 = tpu.memref_slice %arg9[%add3A_13, %dma_wait3A] : memref<20480x128xf32, #tpu.memory_space<hbm>> -> memref<640x128xf32, #tpu.memory_space<hbm>>
      %dma_wait3A_18 = arith.constant 0 : i32
      %dma_wait3A_19 = tpu.memref_slice %arg16[%mul3A_0, %dma_wait3A_18] : memref<10240x128xf32, #tpu.memory_space<vmem_shared>> -> memref<640x128xf32, #tpu.memory_space<vmem_shared>>
      tpu.wait_dma2 semaphore(%run_scoped3A : memref<!tpu.dma_semaphore, #tpu.memory_space<semaphore_mem>>) src(%dma_wait3A_19 : memref<640x128xf32, #tpu.memory_space<vmem_shared>>) dst(%dma_wait3A_17 : memref<640x128xf32, #tpu.memory_space<hbm>>)
      tpu.yield
    }) : () -> ()
    return
  }
}

#map = affine_map<(d0, d1) -> (0)>
#map1 = affine_map<(d0, d1) -> (0, 0)>
module attributes {stable_mosaic.version = 14 : i64} {
  func.func @_sc_edge_body(%arg0: i32, %arg1: i32, %arg2: memref<641280xi32, #tpu.memory_space<hbm>>, %arg3: memref<641280xi32, #tpu.memory_space<hbm>>, %arg4: memref<320640xi32, #tpu.memory_space<hbm>>, %arg5: memref<20480x128xf32, #tpu.memory_space<hbm>>, %arg6: memref<20480x128xf32, #tpu.memory_space<hbm>>, %arg7: memref<20480x128xf32, #tpu.memory_space<hbm>>, %arg8: memref<640x128xf32, #tpu.memory_space<hbm>>, %arg9: memref<20480x128xf32, #tpu.memory_space<hbm>>, %arg10: memref<120xi32, #tpu.memory_space<vmem>>, %arg11: memref<120xi32, #tpu.memory_space<vmem>>, %arg12: memref<120xi32, #tpu.memory_space<vmem>>, %arg13: memref<120x128xf32, #tpu.memory_space<vmem>>, %arg14: memref<120x128xf32, #tpu.memory_space<vmem>>, %arg15: memref<120x128xf32, #tpu.memory_space<vmem>>, %arg16: memref<10240x128xf32, #tpu.memory_space<vmem_shared>>, %arg17: memref<!tpu.dma_semaphore, #tpu.memory_space<semaphore_mem>>) attributes {dimension_semantics = [#tpu.dimension_semantics<core_parallel>, #tpu.dimension_semantics<subcore_parallel>], iteration_bounds = array<i64: 2, 16>, scalar_prefetch = 0 : i64, scratch_operands = 8 : i64, tpu.core_type = #tpu.core_type<sc_vector_subcore>, window_params = [{transform_indices = #map}, {transform_indices = #map}, {transform_indices = #map}, {transform_indices = #map1}, {transform_indices = #map1}, {transform_indices = #map1}, {transform_indices = #map1}, {transform_indices = #map1}]} {
    %mul3A = arith.constant 640 : i32
    %mul3A_0 = arith.muli %arg1, %mul3A : i32
    "tpu.region"() ({
      %run_scoped3A = tpu.sem_alloc : memref<!tpu.dma_semaphore, #tpu.memory_space<semaphore_mem>>
      %dma_start3A = arith.constant 0 : i32
      %dma_start3A_14 = tpu.memref_slice %arg16[%mul3A_0, %dma_start3A] : memref<10240x128xf32, #tpu.memory_space<vmem_shared>> -> memref<640x128xf32, #tpu.memory_space<vmem_shared>>
      tpu.enqueue_dma source(%arg8 : memref<640x128xf32, #tpu.memory_space<hbm>>) target(%dma_start3A_14 : memref<640x128xf32, #tpu.memory_space<vmem_shared>>) target_semaphore(%run_scoped3A : memref<!tpu.dma_semaphore, #tpu.memory_space<semaphore_mem>>)
      %dma_wait3A = arith.constant 0 : i32
      %dma_wait3A_15 = tpu.memref_slice %arg16[%mul3A_0, %dma_wait3A] : memref<10240x128xf32, #tpu.memory_space<vmem_shared>> -> memref<640x128xf32, #tpu.memory_space<vmem_shared>>
      tpu.wait_dma2 semaphore(%run_scoped3A : memref<!tpu.dma_semaphore, #tpu.memory_space<semaphore_mem>>) src(%arg8 : memref<640x128xf32, #tpu.memory_space<hbm>>) dst(%dma_wait3A_15 : memref<640x128xf32, #tpu.memory_space<vmem_shared>>)
      tpu.yield
    }) : () -> ()
    %barrier3A = arith.constant 0 : index
    tpu.barrier barrier_id(%barrier3A)
    %mul3A_1 = arith.constant 20040 : i32
    %mul3A_2 = arith.muli %arg1, %mul3A_1 : i32
    %mul3A_3 = arith.constant 320640 : i32
    %mul3A_4 = arith.muli %arg0, %mul3A_3 : i32
    %add3A = arith.addi %mul3A_4, %mul3A_2 : i32
    %scan3A = arith.constant 0 : i32
    %scan3A_5 = arith.constant 0 : i32
    %scan3A_6 = arith.constant 167 : i32
    %scan3A_7 = arith.addi %scan3A_5, %scan3A_6 : i32
    %scan3A_8 = arith.constant 1 : i32
    scf.for %scan3A_14 = %scan3A_5 to %scan3A_7 step %scan3A_8  : i32 {
      %mul3A_15 = arith.constant 120 : i32
      %mul3A_16 = arith.muli %scan3A_14, %mul3A_15 : i32
      %add3A_17 = arith.addi %add3A, %mul3A_16 : i32
      "tpu.region"() ({
        %run_scoped3A = tpu.sem_alloc : memref<!tpu.dma_semaphore, #tpu.memory_space<semaphore_mem>>
        %dma_start3A_42 = tpu.memref_slice %arg2[%add3A_17] : memref<641280xi32, #tpu.memory_space<hbm>> -> memref<120xi32, #tpu.memory_space<hbm>>
        %dma_start3A_43 = tpu.memref_slice %arg2[%add3A_17] : memref<641280xi32, #tpu.memory_space<hbm>> -> memref<120xi32, #tpu.memory_space<hbm>>
        tpu.enqueue_dma source(%dma_start3A_43 : memref<120xi32, #tpu.memory_space<hbm>>) target(%arg10 : memref<120xi32, #tpu.memory_space<vmem>>) target_semaphore(%run_scoped3A : memref<!tpu.dma_semaphore, #tpu.memory_space<semaphore_mem>>)
        %dma_wait3A_44 = tpu.memref_slice %arg2[%add3A_17] : memref<641280xi32, #tpu.memory_space<hbm>> -> memref<120xi32, #tpu.memory_space<hbm>>
        %dma_wait3A_45 = tpu.memref_slice %arg2[%add3A_17] : memref<641280xi32, #tpu.memory_space<hbm>> -> memref<120xi32, #tpu.memory_space<hbm>>
        tpu.wait_dma2 semaphore(%run_scoped3A : memref<!tpu.dma_semaphore, #tpu.memory_space<semaphore_mem>>) src(%dma_wait3A_45 : memref<120xi32, #tpu.memory_space<hbm>>) dst(%arg10 : memref<120xi32, #tpu.memory_space<vmem>>)
        tpu.yield
      }) : () -> ()
      %add3A_18 = arith.addi %add3A, %mul3A_16 : i32
      "tpu.region"() ({
        %run_scoped3A = tpu.sem_alloc : memref<!tpu.dma_semaphore, #tpu.memory_space<semaphore_mem>>
        %dma_start3A_42 = tpu.memref_slice %arg3[%add3A_18] : memref<641280xi32, #tpu.memory_space<hbm>> -> memref<120xi32, #tpu.memory_space<hbm>>
        %dma_start3A_43 = tpu.memref_slice %arg3[%add3A_18] : memref<641280xi32, #tpu.memory_space<hbm>> -> memref<120xi32, #tpu.memory_space<hbm>>
        tpu.enqueue_dma source(%dma_start3A_43 : memref<120xi32, #tpu.memory_space<hbm>>) target(%arg11 : memref<120xi32, #tpu.memory_space<vmem>>) target_semaphore(%run_scoped3A : memref<!tpu.dma_semaphore, #tpu.memory_space<semaphore_mem>>)
        %dma_wait3A_44 = tpu.memref_slice %arg3[%add3A_18] : memref<641280xi32, #tpu.memory_space<hbm>> -> memref<120xi32, #tpu.memory_space<hbm>>
        %dma_wait3A_45 = tpu.memref_slice %arg3[%add3A_18] : memref<641280xi32, #tpu.memory_space<hbm>> -> memref<120xi32, #tpu.memory_space<hbm>>
        tpu.wait_dma2 semaphore(%run_scoped3A : memref<!tpu.dma_semaphore, #tpu.memory_space<semaphore_mem>>) src(%dma_wait3A_45 : memref<120xi32, #tpu.memory_space<hbm>>) dst(%arg11 : memref<120xi32, #tpu.memory_space<vmem>>)
        tpu.yield
      }) : () -> ()
      %add3A_19 = arith.addi %mul3A_2, %mul3A_16 : i32
      "tpu.region"() ({
        %run_scoped3A = tpu.sem_alloc : memref<!tpu.dma_semaphore, #tpu.memory_space<semaphore_mem>>
        %dma_start3A_42 = tpu.memref_slice %arg4[%add3A_19] : memref<320640xi32, #tpu.memory_space<hbm>> -> memref<120xi32, #tpu.memory_space<hbm>>
        %dma_start3A_43 = tpu.memref_slice %arg4[%add3A_19] : memref<320640xi32, #tpu.memory_space<hbm>> -> memref<120xi32, #tpu.memory_space<hbm>>
        tpu.enqueue_dma source(%dma_start3A_43 : memref<120xi32, #tpu.memory_space<hbm>>) target(%arg12 : memref<120xi32, #tpu.memory_space<vmem>>) target_semaphore(%run_scoped3A : memref<!tpu.dma_semaphore, #tpu.memory_space<semaphore_mem>>)
        %dma_wait3A_44 = tpu.memref_slice %arg4[%add3A_19] : memref<320640xi32, #tpu.memory_space<hbm>> -> memref<120xi32, #tpu.memory_space<hbm>>
        %dma_wait3A_45 = tpu.memref_slice %arg4[%add3A_19] : memref<320640xi32, #tpu.memory_space<hbm>> -> memref<120xi32, #tpu.memory_space<hbm>>
        tpu.wait_dma2 semaphore(%run_scoped3A : memref<!tpu.dma_semaphore, #tpu.memory_space<semaphore_mem>>) src(%dma_wait3A_45 : memref<120xi32, #tpu.memory_space<hbm>>) dst(%arg12 : memref<120xi32, #tpu.memory_space<vmem>>)
        tpu.yield
      }) : () -> ()
      %dma_start3A = arith.constant 0 : i32
      %dma_start3A_20 = arith.constant 0 : i32
      %dma_start3A_21 = tpu.memref_slice %arg5[%dma_start3A, %dma_start3A_20] : memref<20480x128xf32, #tpu.memory_space<hbm>> -> memref<20480x128xf32, #tpu.memory_space<hbm>>
      tpu.enqueue_indirect_dma source(%dma_start3A_21 : memref<20480x128xf32, #tpu.memory_space<hbm>>) target(%arg13 : memref<120x128xf32, #tpu.memory_space<vmem>>) offsets(%arg10 : memref<120xi32, #tpu.memory_space<vmem>>) semaphore(%arg17 : memref<!tpu.dma_semaphore, #tpu.memory_space<semaphore_mem>>)
      %dma_start3A_22 = arith.constant 0 : i32
      %dma_start3A_23 = arith.constant 0 : i32
      %dma_start3A_24 = tpu.memref_slice %arg6[%dma_start3A_22, %dma_start3A_23] : memref<20480x128xf32, #tpu.memory_space<hbm>> -> memref<20480x128xf32, #tpu.memory_space<hbm>>
      tpu.enqueue_indirect_dma source(%dma_start3A_24 : memref<20480x128xf32, #tpu.memory_space<hbm>>) target(%arg14 : memref<120x128xf32, #tpu.memory_space<vmem>>) offsets(%arg10 : memref<120xi32, #tpu.memory_space<vmem>>) semaphore(%arg17 : memref<!tpu.dma_semaphore, #tpu.memory_space<semaphore_mem>>)
      %dma_start3A_25 = arith.constant 0 : i32
      %dma_start3A_26 = arith.constant 0 : i32
      %dma_start3A_27 = tpu.memref_slice %arg7[%dma_start3A_25, %dma_start3A_26] : memref<20480x128xf32, #tpu.memory_space<hbm>> -> memref<20480x128xf32, #tpu.memory_space<hbm>>
      tpu.enqueue_indirect_dma source(%dma_start3A_27 : memref<20480x128xf32, #tpu.memory_space<hbm>>) target(%arg15 : memref<120x128xf32, #tpu.memory_space<vmem>>) offsets(%arg11 : memref<120xi32, #tpu.memory_space<vmem>>) semaphore(%arg17 : memref<!tpu.dma_semaphore, #tpu.memory_space<semaphore_mem>>)
      %dma_wait3A = arith.constant 0 : i32
      %dma_wait3A_28 = arith.constant 0 : i32
      %dma_wait3A_29 = tpu.memref_slice %arg5[%dma_wait3A, %dma_wait3A_28] : memref<20480x128xf32, #tpu.memory_space<hbm>> -> memref<20480x128xf32, #tpu.memory_space<hbm>>
      tpu.wait_indirect_dma semaphore(%arg17 : memref<!tpu.dma_semaphore, #tpu.memory_space<semaphore_mem>>) src(%dma_wait3A_29 : memref<20480x128xf32, #tpu.memory_space<hbm>>) dst(%arg13 : memref<120x128xf32, #tpu.memory_space<vmem>>)
      %dma_wait3A_30 = arith.constant 0 : i32
      %dma_wait3A_31 = arith.constant 0 : i32
      %dma_wait3A_32 = tpu.memref_slice %arg6[%dma_wait3A_30, %dma_wait3A_31] : memref<20480x128xf32, #tpu.memory_space<hbm>> -> memref<20480x128xf32, #tpu.memory_space<hbm>>
      tpu.wait_indirect_dma semaphore(%arg17 : memref<!tpu.dma_semaphore, #tpu.memory_space<semaphore_mem>>) src(%dma_wait3A_32 : memref<20480x128xf32, #tpu.memory_space<hbm>>) dst(%arg14 : memref<120x128xf32, #tpu.memory_space<vmem>>)
      %dma_wait3A_33 = arith.constant 0 : i32
      %dma_wait3A_34 = arith.constant 0 : i32
      %dma_wait3A_35 = tpu.memref_slice %arg7[%dma_wait3A_33, %dma_wait3A_34] : memref<20480x128xf32, #tpu.memory_space<hbm>> -> memref<20480x128xf32, #tpu.memory_space<hbm>>
      tpu.wait_indirect_dma semaphore(%arg17 : memref<!tpu.dma_semaphore, #tpu.memory_space<semaphore_mem>>) src(%dma_wait3A_35 : memref<20480x128xf32, #tpu.memory_space<hbm>>) dst(%arg15 : memref<120x128xf32, #tpu.memory_space<vmem>>)
      %scan3A_36 = arith.constant 0 : i32
      %scan3A_37 = arith.constant 0 : i32
      %scan3A_38 = arith.constant 120 : i32
      %scan3A_39 = arith.addi %scan3A_37, %scan3A_38 : i32
      %scan3A_40 = arith.constant 1 : i32
      scf.for %scan3A_42 = %scan3A_37 to %scan3A_39 step %scan3A_40  : i32 {
        %get3A = arith.index_cast %scan3A_42 : i32 to index
        %get3A_43 = arith.constant 64 : index
        %get3A_44 = tpu.vector_load %arg13[%get3A, %get3A_43] {strides = array<i32>} : memref<120x128xf32, #tpu.memory_space<vmem>>, vector<1x16xf32>,
        %get3A_45 = vector.shape_cast %get3A_44 : vector<1x16xf32> to vector<16xf32>
        %get3A_46 = arith.index_cast %scan3A_42 : i32 to index
        %get3A_47 = arith.constant 0 : index
        %get3A_48 = tpu.vector_load %arg15[%get3A_46, %get3A_47] {strides = array<i32>} : memref<120x128xf32, #tpu.memory_space<vmem>>, vector<1x16xf32>,
        %get3A_49 = vector.shape_cast %get3A_48 : vector<1x16xf32> to vector<16xf32>
        %add3A_50 = arith.addf %get3A_49, %get3A_45 : vector<16xf32>
        %get3A_51 = arith.index_cast %scan3A_42 : i32 to index
        %get3A_52 = arith.constant 0 : index
        %get3A_53 = tpu.vector_load %arg14[%get3A_51, %get3A_52] {strides = array<i32>} : memref<120x128xf32, #tpu.memory_space<vmem>>, vector<1x16xf32>,
        %get3A_54 = vector.shape_cast %get3A_53 : vector<1x16xf32> to vector<16xf32>
        %exp3A = math.exp %add3A_50 : vector<16xf32>
        %add3A_55 = arith.constant 1.000000e+00 : f32
        %add3A_56 = vector.broadcast %add3A_55 : f32 to vector<16xf32>
        %add3A_57 = arith.addf %add3A_56, %exp3A : vector<16xf32>
        %div3A = arith.divf %get3A_54, %add3A_57 : vector<16xf32>
        %add3A_58 = arith.addf %get3A_45, %div3A : vector<16xf32>
        %swap3A = arith.index_cast %scan3A_42 : i32 to index
        %swap3A_59 = arith.constant 64 : index
        %swap3A_60 = tpu.vector_load %arg13[%swap3A, %swap3A_59] {strides = array<i32>} : memref<120x128xf32, #tpu.memory_space<vmem>>, vector<1x16xf32>,
        %swap3A_61 = vector.shape_cast %swap3A_60 : vector<1x16xf32> to vector<16xf32>
        %swap3A_62 = vector.shape_cast %add3A_58 : vector<16xf32> to vector<1x16xf32>
        tpu.vector_store %arg13[%swap3A, %swap3A_59], %swap3A_62 {strides = array<i32>} : memref<120x128xf32, #tpu.memory_space<vmem>>, vector<1x16xf32>,
        %get3A_63 = arith.index_cast %scan3A_42 : i32 to index
        %get3A_64 = arith.constant 80 : index
        %get3A_65 = tpu.vector_load %arg13[%get3A_63, %get3A_64] {strides = array<i32>} : memref<120x128xf32, #tpu.memory_space<vmem>>, vector<1x16xf32>,
        %get3A_66 = vector.shape_cast %get3A_65 : vector<1x16xf32> to vector<16xf32>
        %get3A_67 = arith.index_cast %scan3A_42 : i32 to index
        %get3A_68 = arith.constant 16 : index
        %get3A_69 = tpu.vector_load %arg15[%get3A_67, %get3A_68] {strides = array<i32>} : memref<120x128xf32, #tpu.memory_space<vmem>>, vector<1x16xf32>,
        %get3A_70 = vector.shape_cast %get3A_69 : vector<1x16xf32> to vector<16xf32>
        %add3A_71 = arith.addf %get3A_70, %get3A_66 : vector<16xf32>
        %get3A_72 = arith.index_cast %scan3A_42 : i32 to index
        %get3A_73 = arith.constant 16 : index
        %get3A_74 = tpu.vector_load %arg14[%get3A_72, %get3A_73] {strides = array<i32>} : memref<120x128xf32, #tpu.memory_space<vmem>>, vector<1x16xf32>,
        %get3A_75 = vector.shape_cast %get3A_74 : vector<1x16xf32> to vector<16xf32>
        %exp3A_76 = math.exp %add3A_71 : vector<16xf32>
        %add3A_77 = arith.constant 1.000000e+00 : f32
        %add3A_78 = vector.broadcast %add3A_77 : f32 to vector<16xf32>
        %add3A_79 = arith.addf %add3A_78, %exp3A_76 : vector<16xf32>
        %div3A_80 = arith.divf %get3A_75, %add3A_79 : vector<16xf32>
        %add3A_81 = arith.addf %get3A_66, %div3A_80 : vector<16xf32>
        %swap3A_82 = arith.index_cast %scan3A_42 : i32 to index
        %swap3A_83 = arith.constant 80 : index
        %swap3A_84 = tpu.vector_load %arg13[%swap3A_82, %swap3A_83] {strides = array<i32>} : memref<120x128xf32, #tpu.memory_space<vmem>>, vector<1x16xf32>,
        %swap3A_85 = vector.shape_cast %swap3A_84 : vector<1x16xf32> to vector<16xf32>
        %swap3A_86 = vector.shape_cast %add3A_81 : vector<16xf32> to vector<1x16xf32>
        tpu.vector_store %arg13[%swap3A_82, %swap3A_83], %swap3A_86 {strides = array<i32>} : memref<120x128xf32, #tpu.memory_space<vmem>>, vector<1x16xf32>,
        %get3A_87 = arith.index_cast %scan3A_42 : i32 to index
        %get3A_88 = arith.constant 96 : index
        %get3A_89 = tpu.vector_load %arg13[%get3A_87, %get3A_88] {strides = array<i32>} : memref<120x128xf32, #tpu.memory_space<vmem>>, vector<1x16xf32>,
        %get3A_90 = vector.shape_cast %get3A_89 : vector<1x16xf32> to vector<16xf32>
        %get3A_91 = arith.index_cast %scan3A_42 : i32 to index
        %get3A_92 = arith.constant 32 : index
        %get3A_93 = tpu.vector_load %arg15[%get3A_91, %get3A_92] {strides = array<i32>} : memref<120x128xf32, #tpu.memory_space<vmem>>, vector<1x16xf32>,
        %get3A_94 = vector.shape_cast %get3A_93 : vector<1x16xf32> to vector<16xf32>
        %add3A_95 = arith.addf %get3A_94, %get3A_90 : vector<16xf32>
        %get3A_96 = arith.index_cast %scan3A_42 : i32 to index
        %get3A_97 = arith.constant 32 : index
        %get3A_98 = tpu.vector_load %arg14[%get3A_96, %get3A_97] {strides = array<i32>} : memref<120x128xf32, #tpu.memory_space<vmem>>, vector<1x16xf32>,
        %get3A_99 = vector.shape_cast %get3A_98 : vector<1x16xf32> to vector<16xf32>
        %exp3A_100 = math.exp %add3A_95 : vector<16xf32>
        %add3A_101 = arith.constant 1.000000e+00 : f32
        %add3A_102 = vector.broadcast %add3A_101 : f32 to vector<16xf32>
        %add3A_103 = arith.addf %add3A_102, %exp3A_100 : vector<16xf32>
        %div3A_104 = arith.divf %get3A_99, %add3A_103 : vector<16xf32>
        %add3A_105 = arith.addf %get3A_90, %div3A_104 : vector<16xf32>
        %swap3A_106 = arith.index_cast %scan3A_42 : i32 to index
        %swap3A_107 = arith.constant 96 : index
        %swap3A_108 = tpu.vector_load %arg13[%swap3A_106, %swap3A_107] {strides = array<i32>} : memref<120x128xf32, #tpu.memory_space<vmem>>, vector<1x16xf32>,
        %swap3A_109 = vector.shape_cast %swap3A_108 : vector<1x16xf32> to vector<16xf32>
        %swap3A_110 = vector.shape_cast %add3A_105 : vector<16xf32> to vector<1x16xf32>
        tpu.vector_store %arg13[%swap3A_106, %swap3A_107], %swap3A_110 {strides = array<i32>} : memref<120x128xf32, #tpu.memory_space<vmem>>, vector<1x16xf32>,
        %get3A_111 = arith.index_cast %scan3A_42 : i32 to index
        %get3A_112 = arith.constant 112 : index
        %get3A_113 = tpu.vector_load %arg13[%get3A_111, %get3A_112] {strides = array<i32>} : memref<120x128xf32, #tpu.memory_space<vmem>>, vector<1x16xf32>,
        %get3A_114 = vector.shape_cast %get3A_113 : vector<1x16xf32> to vector<16xf32>
        %get3A_115 = arith.index_cast %scan3A_42 : i32 to index
        %get3A_116 = arith.constant 48 : index
        %get3A_117 = tpu.vector_load %arg15[%get3A_115, %get3A_116] {strides = array<i32>} : memref<120x128xf32, #tpu.memory_space<vmem>>, vector<1x16xf32>,
        %get3A_118 = vector.shape_cast %get3A_117 : vector<1x16xf32> to vector<16xf32>
        %add3A_119 = arith.addf %get3A_118, %get3A_114 : vector<16xf32>
        %get3A_120 = arith.index_cast %scan3A_42 : i32 to index
        %get3A_121 = arith.constant 48 : index
        %get3A_122 = tpu.vector_load %arg14[%get3A_120, %get3A_121] {strides = array<i32>} : memref<120x128xf32, #tpu.memory_space<vmem>>, vector<1x16xf32>,
        %get3A_123 = vector.shape_cast %get3A_122 : vector<1x16xf32> to vector<16xf32>
        %exp3A_124 = math.exp %add3A_119 : vector<16xf32>
        %add3A_125 = arith.constant 1.000000e+00 : f32
        %add3A_126 = vector.broadcast %add3A_125 : f32 to vector<16xf32>
        %add3A_127 = arith.addf %add3A_126, %exp3A_124 : vector<16xf32>
        %div3A_128 = arith.divf %get3A_123, %add3A_127 : vector<16xf32>
        %add3A_129 = arith.addf %get3A_114, %div3A_128 : vector<16xf32>
        %swap3A_130 = arith.index_cast %scan3A_42 : i32 to index
        %swap3A_131 = arith.constant 112 : index
        %swap3A_132 = tpu.vector_load %arg13[%swap3A_130, %swap3A_131] {strides = array<i32>} : memref<120x128xf32, #tpu.memory_space<vmem>>, vector<1x16xf32>,
        %swap3A_133 = vector.shape_cast %swap3A_132 : vector<1x16xf32> to vector<16xf32>
        %swap3A_134 = vector.shape_cast %add3A_129 : vector<16xf32> to vector<1x16xf32>
        tpu.vector_store %arg13[%swap3A_130, %swap3A_131], %swap3A_134 {strides = array<i32>} : memref<120x128xf32, #tpu.memory_space<vmem>>, vector<1x16xf32>,
      }
      %scan3A_41 = arith.constant 120 : i32
      "tpu.region"() ({
        %run_scoped3A = tpu.sem_alloc : memref<!tpu.dma_semaphore, #tpu.memory_space<semaphore_mem>>
        %dma_start3A_42 = arith.constant 0 : i32
        %dma_start3A_43 = arith.constant 0 : i32
        %dma_start3A_44 = tpu.memref_slice %arg16[%dma_start3A_42, %dma_start3A_43] : memref<10240x128xf32, #tpu.memory_space<vmem_shared>> -> memref<10240x128xf32, #tpu.memory_space<vmem_shared>>
        tpu.enqueue_indirect_dma source(%arg13 : memref<120x128xf32, #tpu.memory_space<vmem>>) target(%dma_start3A_44 : memref<10240x128xf32, #tpu.memory_space<vmem_shared>>) offsets(%arg12 : memref<120xi32, #tpu.memory_space<vmem>>) semaphore(%run_scoped3A : memref<!tpu.dma_semaphore, #tpu.memory_space<semaphore_mem>>) {add = true}
        %dma_wait3A_45 = arith.constant 0 : i32
        %dma_wait3A_46 = arith.constant 0 : i32
        %dma_wait3A_47 = tpu.memref_slice %arg16[%dma_wait3A_45, %dma_wait3A_46] : memref<10240x128xf32, #tpu.memory_space<vmem_shared>> -> memref<10240x128xf32, #tpu.memory_space<vmem_shared>>
        tpu.wait_indirect_dma semaphore(%run_scoped3A : memref<!tpu.dma_semaphore, #tpu.memory_space<semaphore_mem>>) src(%arg13 : memref<120x128xf32, #tpu.memory_space<vmem>>) dst(%dma_wait3A_47 : memref<10240x128xf32, #tpu.memory_space<vmem_shared>>)
        tpu.yield
      }) : () -> ()
    }
    %scan3A_9 = arith.constant 167 : i32
    %barrier3A_10 = arith.constant 0 : index
    tpu.barrier barrier_id(%barrier3A_10)
    %mul3A_11 = arith.constant 10240 : i32
    %mul3A_12 = arith.muli %arg0, %mul3A_11 : i32
    %add3A_13 = arith.addi %mul3A_12, %mul3A_0 : i32
    "tpu.region"() ({
      %run_scoped3A = tpu.sem_alloc : memref<!tpu.dma_semaphore, #tpu.memory_space<semaphore_mem>>
      %dma_start3A = arith.constant 0 : i32
      %dma_start3A_14 = tpu.memref_slice %arg9[%add3A_13, %dma_start3A] : memref<20480x128xf32, #tpu.memory_space<hbm>> -> memref<640x128xf32, #tpu.memory_space<hbm>>
      %dma_start3A_15 = arith.constant 0 : i32
      %dma_start3A_16 = tpu.memref_slice %arg16[%mul3A_0, %dma_start3A_15] : memref<10240x128xf32, #tpu.memory_space<vmem_shared>> -> memref<640x128xf32, #tpu.memory_space<vmem_shared>>
      tpu.enqueue_dma source(%dma_start3A_16 : memref<640x128xf32, #tpu.memory_space<vmem_shared>>) target(%dma_start3A_14 : memref<640x128xf32, #tpu.memory_space<hbm>>) target_semaphore(%run_scoped3A : memref<!tpu.dma_semaphore, #tpu.memory_space<semaphore_mem>>)
      %dma_wait3A = arith.constant 0 : i32
      %dma_wait3A_17 = tpu.memref_slice %arg9[%add3A_13, %dma_wait3A] : memref<20480x128xf32, #tpu.memory_space<hbm>> -> memref<640x128xf32, #tpu.memory_space<hbm>>
      %dma_wait3A_18 = arith.constant 0 : i32
      %dma_wait3A_19 = tpu.memref_slice %arg16[%mul3A_0, %dma_wait3A_18] : memref<10240x128xf32, #tpu.memory_space<vmem_shared>> -> memref<640x128xf32, #tpu.memory_space<vmem_shared>>
      tpu.wait_dma2 semaphore(%run_scoped3A : memref<!tpu.dma_semaphore, #tpu.memory_space<semaphore_mem>>) src(%dma_wait3A_19 : memref<640x128xf32, #tpu.memory_space<vmem_shared>>) dst(%dma_wait3A_17 : memref<640x128xf32, #tpu.memory_space<hbm>>)
      tpu.yield
    }) : () -> ()
    return
  }
}

#map = affine_map<(d0, d1) -> (0)>
#map1 = affine_map<(d0, d1) -> (0, 0)>
module attributes {stable_mosaic.version = 14 : i64} {
  func.func @_sc_edge_body(%arg0: i32, %arg1: i32, %arg2: memref<641280xi32, #tpu.memory_space<hbm>>, %arg3: memref<641280xi32, #tpu.memory_space<hbm>>, %arg4: memref<320640xi32, #tpu.memory_space<hbm>>, %arg5: memref<20480x128xf32, #tpu.memory_space<hbm>>, %arg6: memref<20480x128xf32, #tpu.memory_space<hbm>>, %arg7: memref<20480x128xf32, #tpu.memory_space<hbm>>, %arg8: memref<640x128xf32, #tpu.memory_space<hbm>>, %arg9: memref<20480x128xf32, #tpu.memory_space<hbm>>, %arg10: memref<120xi32, #tpu.memory_space<vmem>>, %arg11: memref<120xi32, #tpu.memory_space<vmem>>, %arg12: memref<120xi32, #tpu.memory_space<vmem>>, %arg13: memref<120x128xf32, #tpu.memory_space<vmem>>, %arg14: memref<120x128xf32, #tpu.memory_space<vmem>>, %arg15: memref<120x128xf32, #tpu.memory_space<vmem>>, %arg16: memref<10240x128xf32, #tpu.memory_space<vmem_shared>>, %arg17: memref<!tpu.dma_semaphore, #tpu.memory_space<semaphore_mem>>) attributes {dimension_semantics = [#tpu.dimension_semantics<core_parallel>, #tpu.dimension_semantics<subcore_parallel>], iteration_bounds = array<i64: 2, 16>, scalar_prefetch = 0 : i64, scratch_operands = 8 : i64, tpu.core_type = #tpu.core_type<sc_vector_subcore>, window_params = [{transform_indices = #map}, {transform_indices = #map}, {transform_indices = #map}, {transform_indices = #map1}, {transform_indices = #map1}, {transform_indices = #map1}, {transform_indices = #map1}, {transform_indices = #map1}]} {
    %mul3A = arith.constant 640 : i32
    %mul3A_0 = arith.muli %arg1, %mul3A : i32
    "tpu.region"() ({
      %run_scoped3A = tpu.sem_alloc : memref<!tpu.dma_semaphore, #tpu.memory_space<semaphore_mem>>
      %dma_start3A = arith.constant 0 : i32
      %dma_start3A_14 = tpu.memref_slice %arg16[%mul3A_0, %dma_start3A] : memref<10240x128xf32, #tpu.memory_space<vmem_shared>> -> memref<640x128xf32, #tpu.memory_space<vmem_shared>>
      tpu.enqueue_dma source(%arg8 : memref<640x128xf32, #tpu.memory_space<hbm>>) target(%dma_start3A_14 : memref<640x128xf32, #tpu.memory_space<vmem_shared>>) target_semaphore(%run_scoped3A : memref<!tpu.dma_semaphore, #tpu.memory_space<semaphore_mem>>)
      %dma_wait3A = arith.constant 0 : i32
      %dma_wait3A_15 = tpu.memref_slice %arg16[%mul3A_0, %dma_wait3A] : memref<10240x128xf32, #tpu.memory_space<vmem_shared>> -> memref<640x128xf32, #tpu.memory_space<vmem_shared>>
      tpu.wait_dma2 semaphore(%run_scoped3A : memref<!tpu.dma_semaphore, #tpu.memory_space<semaphore_mem>>) src(%arg8 : memref<640x128xf32, #tpu.memory_space<hbm>>) dst(%dma_wait3A_15 : memref<640x128xf32, #tpu.memory_space<vmem_shared>>)
      tpu.yield
    }) : () -> ()
    %barrier3A = arith.constant 0 : index
    tpu.barrier barrier_id(%barrier3A)
    %mul3A_1 = arith.constant 20040 : i32
    %mul3A_2 = arith.muli %arg1, %mul3A_1 : i32
    %mul3A_3 = arith.constant 320640 : i32
    %mul3A_4 = arith.muli %arg0, %mul3A_3 : i32
    %add3A = arith.addi %mul3A_4, %mul3A_2 : i32
    %scan3A = arith.constant 0 : i32
    %scan3A_5 = arith.constant 0 : i32
    %scan3A_6 = arith.constant 167 : i32
    %scan3A_7 = arith.addi %scan3A_5, %scan3A_6 : i32
    %scan3A_8 = arith.constant 1 : i32
    scf.for %scan3A_14 = %scan3A_5 to %scan3A_7 step %scan3A_8  : i32 {
      %mul3A_15 = arith.constant 120 : i32
      %mul3A_16 = arith.muli %scan3A_14, %mul3A_15 : i32
      %add3A_17 = arith.addi %add3A, %mul3A_16 : i32
      "tpu.region"() ({
        %run_scoped3A = tpu.sem_alloc : memref<!tpu.dma_semaphore, #tpu.memory_space<semaphore_mem>>
        %dma_start3A_42 = tpu.memref_slice %arg2[%add3A_17] : memref<641280xi32, #tpu.memory_space<hbm>> -> memref<120xi32, #tpu.memory_space<hbm>>
        %dma_start3A_43 = tpu.memref_slice %arg2[%add3A_17] : memref<641280xi32, #tpu.memory_space<hbm>> -> memref<120xi32, #tpu.memory_space<hbm>>
        tpu.enqueue_dma source(%dma_start3A_43 : memref<120xi32, #tpu.memory_space<hbm>>) target(%arg10 : memref<120xi32, #tpu.memory_space<vmem>>) target_semaphore(%run_scoped3A : memref<!tpu.dma_semaphore, #tpu.memory_space<semaphore_mem>>)
        %dma_wait3A_44 = tpu.memref_slice %arg2[%add3A_17] : memref<641280xi32, #tpu.memory_space<hbm>> -> memref<120xi32, #tpu.memory_space<hbm>>
        %dma_wait3A_45 = tpu.memref_slice %arg2[%add3A_17] : memref<641280xi32, #tpu.memory_space<hbm>> -> memref<120xi32, #tpu.memory_space<hbm>>
        tpu.wait_dma2 semaphore(%run_scoped3A : memref<!tpu.dma_semaphore, #tpu.memory_space<semaphore_mem>>) src(%dma_wait3A_45 : memref<120xi32, #tpu.memory_space<hbm>>) dst(%arg10 : memref<120xi32, #tpu.memory_space<vmem>>)
        tpu.yield
      }) : () -> ()
      %add3A_18 = arith.addi %add3A, %mul3A_16 : i32
      "tpu.region"() ({
        %run_scoped3A = tpu.sem_alloc : memref<!tpu.dma_semaphore, #tpu.memory_space<semaphore_mem>>
        %dma_start3A_42 = tpu.memref_slice %arg3[%add3A_18] : memref<641280xi32, #tpu.memory_space<hbm>> -> memref<120xi32, #tpu.memory_space<hbm>>
        %dma_start3A_43 = tpu.memref_slice %arg3[%add3A_18] : memref<641280xi32, #tpu.memory_space<hbm>> -> memref<120xi32, #tpu.memory_space<hbm>>
        tpu.enqueue_dma source(%dma_start3A_43 : memref<120xi32, #tpu.memory_space<hbm>>) target(%arg11 : memref<120xi32, #tpu.memory_space<vmem>>) target_semaphore(%run_scoped3A : memref<!tpu.dma_semaphore, #tpu.memory_space<semaphore_mem>>)
        %dma_wait3A_44 = tpu.memref_slice %arg3[%add3A_18] : memref<641280xi32, #tpu.memory_space<hbm>> -> memref<120xi32, #tpu.memory_space<hbm>>
        %dma_wait3A_45 = tpu.memref_slice %arg3[%add3A_18] : memref<641280xi32, #tpu.memory_space<hbm>> -> memref<120xi32, #tpu.memory_space<hbm>>
        tpu.wait_dma2 semaphore(%run_scoped3A : memref<!tpu.dma_semaphore, #tpu.memory_space<semaphore_mem>>) src(%dma_wait3A_45 : memref<120xi32, #tpu.memory_space<hbm>>) dst(%arg11 : memref<120xi32, #tpu.memory_space<vmem>>)
        tpu.yield
      }) : () -> ()
      %add3A_19 = arith.addi %mul3A_2, %mul3A_16 : i32
      "tpu.region"() ({
        %run_scoped3A = tpu.sem_alloc : memref<!tpu.dma_semaphore, #tpu.memory_space<semaphore_mem>>
        %dma_start3A_42 = tpu.memref_slice %arg4[%add3A_19] : memref<320640xi32, #tpu.memory_space<hbm>> -> memref<120xi32, #tpu.memory_space<hbm>>
        %dma_start3A_43 = tpu.memref_slice %arg4[%add3A_19] : memref<320640xi32, #tpu.memory_space<hbm>> -> memref<120xi32, #tpu.memory_space<hbm>>
        tpu.enqueue_dma source(%dma_start3A_43 : memref<120xi32, #tpu.memory_space<hbm>>) target(%arg12 : memref<120xi32, #tpu.memory_space<vmem>>) target_semaphore(%run_scoped3A : memref<!tpu.dma_semaphore, #tpu.memory_space<semaphore_mem>>)
        %dma_wait3A_44 = tpu.memref_slice %arg4[%add3A_19] : memref<320640xi32, #tpu.memory_space<hbm>> -> memref<120xi32, #tpu.memory_space<hbm>>
        %dma_wait3A_45 = tpu.memref_slice %arg4[%add3A_19] : memref<320640xi32, #tpu.memory_space<hbm>> -> memref<120xi32, #tpu.memory_space<hbm>>
        tpu.wait_dma2 semaphore(%run_scoped3A : memref<!tpu.dma_semaphore, #tpu.memory_space<semaphore_mem>>) src(%dma_wait3A_45 : memref<120xi32, #tpu.memory_space<hbm>>) dst(%arg12 : memref<120xi32, #tpu.memory_space<vmem>>)
        tpu.yield
      }) : () -> ()
      %dma_start3A = arith.constant 0 : i32
      %dma_start3A_20 = arith.constant 0 : i32
      %dma_start3A_21 = tpu.memref_slice %arg5[%dma_start3A, %dma_start3A_20] : memref<20480x128xf32, #tpu.memory_space<hbm>> -> memref<20480x128xf32, #tpu.memory_space<hbm>>
      tpu.enqueue_indirect_dma source(%dma_start3A_21 : memref<20480x128xf32, #tpu.memory_space<hbm>>) target(%arg13 : memref<120x128xf32, #tpu.memory_space<vmem>>) offsets(%arg10 : memref<120xi32, #tpu.memory_space<vmem>>) semaphore(%arg17 : memref<!tpu.dma_semaphore, #tpu.memory_space<semaphore_mem>>)
      %dma_start3A_22 = arith.constant 0 : i32
      %dma_start3A_23 = arith.constant 0 : i32
      %dma_start3A_24 = tpu.memref_slice %arg6[%dma_start3A_22, %dma_start3A_23] : memref<20480x128xf32, #tpu.memory_space<hbm>> -> memref<20480x128xf32, #tpu.memory_space<hbm>>
      tpu.enqueue_indirect_dma source(%dma_start3A_24 : memref<20480x128xf32, #tpu.memory_space<hbm>>) target(%arg14 : memref<120x128xf32, #tpu.memory_space<vmem>>) offsets(%arg10 : memref<120xi32, #tpu.memory_space<vmem>>) semaphore(%arg17 : memref<!tpu.dma_semaphore, #tpu.memory_space<semaphore_mem>>)
      %dma_start3A_25 = arith.constant 0 : i32
      %dma_start3A_26 = arith.constant 0 : i32
      %dma_start3A_27 = tpu.memref_slice %arg7[%dma_start3A_25, %dma_start3A_26] : memref<20480x128xf32, #tpu.memory_space<hbm>> -> memref<20480x128xf32, #tpu.memory_space<hbm>>
      tpu.enqueue_indirect_dma source(%dma_start3A_27 : memref<20480x128xf32, #tpu.memory_space<hbm>>) target(%arg15 : memref<120x128xf32, #tpu.memory_space<vmem>>) offsets(%arg11 : memref<120xi32, #tpu.memory_space<vmem>>) semaphore(%arg17 : memref<!tpu.dma_semaphore, #tpu.memory_space<semaphore_mem>>)
      %dma_wait3A = arith.constant 0 : i32
      %dma_wait3A_28 = arith.constant 0 : i32
      %dma_wait3A_29 = tpu.memref_slice %arg5[%dma_wait3A, %dma_wait3A_28] : memref<20480x128xf32, #tpu.memory_space<hbm>> -> memref<20480x128xf32, #tpu.memory_space<hbm>>
      tpu.wait_indirect_dma semaphore(%arg17 : memref<!tpu.dma_semaphore, #tpu.memory_space<semaphore_mem>>) src(%dma_wait3A_29 : memref<20480x128xf32, #tpu.memory_space<hbm>>) dst(%arg13 : memref<120x128xf32, #tpu.memory_space<vmem>>)
      %dma_wait3A_30 = arith.constant 0 : i32
      %dma_wait3A_31 = arith.constant 0 : i32
      %dma_wait3A_32 = tpu.memref_slice %arg6[%dma_wait3A_30, %dma_wait3A_31] : memref<20480x128xf32, #tpu.memory_space<hbm>> -> memref<20480x128xf32, #tpu.memory_space<hbm>>
      tpu.wait_indirect_dma semaphore(%arg17 : memref<!tpu.dma_semaphore, #tpu.memory_space<semaphore_mem>>) src(%dma_wait3A_32 : memref<20480x128xf32, #tpu.memory_space<hbm>>) dst(%arg14 : memref<120x128xf32, #tpu.memory_space<vmem>>)
      %dma_wait3A_33 = arith.constant 0 : i32
      %dma_wait3A_34 = arith.constant 0 : i32
      %dma_wait3A_35 = tpu.memref_slice %arg7[%dma_wait3A_33, %dma_wait3A_34] : memref<20480x128xf32, #tpu.memory_space<hbm>> -> memref<20480x128xf32, #tpu.memory_space<hbm>>
      tpu.wait_indirect_dma semaphore(%arg17 : memref<!tpu.dma_semaphore, #tpu.memory_space<semaphore_mem>>) src(%dma_wait3A_35 : memref<20480x128xf32, #tpu.memory_space<hbm>>) dst(%arg15 : memref<120x128xf32, #tpu.memory_space<vmem>>)
      %scan3A_36 = arith.constant 0 : i32
      %scan3A_37 = arith.constant 0 : i32
      %scan3A_38 = arith.constant 120 : i32
      %scan3A_39 = arith.addi %scan3A_37, %scan3A_38 : i32
      %scan3A_40 = arith.constant 1 : i32
      scf.for %scan3A_42 = %scan3A_37 to %scan3A_39 step %scan3A_40  : i32 {
        %get3A = arith.index_cast %scan3A_42 : i32 to index
        %get3A_43 = arith.constant 64 : index
        %get3A_44 = tpu.vector_load %arg13[%get3A, %get3A_43] {strides = array<i32>} : memref<120x128xf32, #tpu.memory_space<vmem>>, vector<1x16xf32>,
        %get3A_45 = vector.shape_cast %get3A_44 : vector<1x16xf32> to vector<16xf32>
        %get3A_46 = arith.index_cast %scan3A_42 : i32 to index
        %get3A_47 = arith.constant 0 : index
        %get3A_48 = tpu.vector_load %arg15[%get3A_46, %get3A_47] {strides = array<i32>} : memref<120x128xf32, #tpu.memory_space<vmem>>, vector<1x16xf32>,
        %get3A_49 = vector.shape_cast %get3A_48 : vector<1x16xf32> to vector<16xf32>
        %add3A_50 = arith.addf %get3A_49, %get3A_45 : vector<16xf32>
        %get3A_51 = arith.index_cast %scan3A_42 : i32 to index
        %get3A_52 = arith.constant 0 : index
        %get3A_53 = tpu.vector_load %arg14[%get3A_51, %get3A_52] {strides = array<i32>} : memref<120x128xf32, #tpu.memory_space<vmem>>, vector<1x16xf32>,
        %get3A_54 = vector.shape_cast %get3A_53 : vector<1x16xf32> to vector<16xf32>
        %exp3A = math.exp %add3A_50 : vector<16xf32>
        %add3A_55 = arith.constant 1.000000e+00 : f32
        %add3A_56 = vector.broadcast %add3A_55 : f32 to vector<16xf32>
        %add3A_57 = arith.addf %add3A_56, %exp3A : vector<16xf32>
        %div3A = arith.divf %get3A_54, %add3A_57 : vector<16xf32>
        %add3A_58 = arith.addf %get3A_45, %div3A : vector<16xf32>
        %swap3A = arith.index_cast %scan3A_42 : i32 to index
        %swap3A_59 = arith.constant 64 : index
        %swap3A_60 = tpu.vector_load %arg13[%swap3A, %swap3A_59] {strides = array<i32>} : memref<120x128xf32, #tpu.memory_space<vmem>>, vector<1x16xf32>,
        %swap3A_61 = vector.shape_cast %swap3A_60 : vector<1x16xf32> to vector<16xf32>
        %swap3A_62 = vector.shape_cast %add3A_58 : vector<16xf32> to vector<1x16xf32>
        tpu.vector_store %arg13[%swap3A, %swap3A_59], %swap3A_62 {strides = array<i32>} : memref<120x128xf32, #tpu.memory_space<vmem>>, vector<1x16xf32>,
        %get3A_63 = arith.index_cast %scan3A_42 : i32 to index
        %get3A_64 = arith.constant 80 : index
        %get3A_65 = tpu.vector_load %arg13[%get3A_63, %get3A_64] {strides = array<i32>} : memref<120x128xf32, #tpu.memory_space<vmem>>, vector<1x16xf32>,
        %get3A_66 = vector.shape_cast %get3A_65 : vector<1x16xf32> to vector<16xf32>
        %get3A_67 = arith.index_cast %scan3A_42 : i32 to index
        %get3A_68 = arith.constant 16 : index
        %get3A_69 = tpu.vector_load %arg15[%get3A_67, %get3A_68] {strides = array<i32>} : memref<120x128xf32, #tpu.memory_space<vmem>>, vector<1x16xf32>,
        %get3A_70 = vector.shape_cast %get3A_69 : vector<1x16xf32> to vector<16xf32>
        %add3A_71 = arith.addf %get3A_70, %get3A_66 : vector<16xf32>
        %get3A_72 = arith.index_cast %scan3A_42 : i32 to index
        %get3A_73 = arith.constant 16 : index
        %get3A_74 = tpu.vector_load %arg14[%get3A_72, %get3A_73] {strides = array<i32>} : memref<120x128xf32, #tpu.memory_space<vmem>>, vector<1x16xf32>,
        %get3A_75 = vector.shape_cast %get3A_74 : vector<1x16xf32> to vector<16xf32>
        %exp3A_76 = math.exp %add3A_71 : vector<16xf32>
        %add3A_77 = arith.constant 1.000000e+00 : f32
        %add3A_78 = vector.broadcast %add3A_77 : f32 to vector<16xf32>
        %add3A_79 = arith.addf %add3A_78, %exp3A_76 : vector<16xf32>
        %div3A_80 = arith.divf %get3A_75, %add3A_79 : vector<16xf32>
        %add3A_81 = arith.addf %get3A_66, %div3A_80 : vector<16xf32>
        %swap3A_82 = arith.index_cast %scan3A_42 : i32 to index
        %swap3A_83 = arith.constant 80 : index
        %swap3A_84 = tpu.vector_load %arg13[%swap3A_82, %swap3A_83] {strides = array<i32>} : memref<120x128xf32, #tpu.memory_space<vmem>>, vector<1x16xf32>,
        %swap3A_85 = vector.shape_cast %swap3A_84 : vector<1x16xf32> to vector<16xf32>
        %swap3A_86 = vector.shape_cast %add3A_81 : vector<16xf32> to vector<1x16xf32>
        tpu.vector_store %arg13[%swap3A_82, %swap3A_83], %swap3A_86 {strides = array<i32>} : memref<120x128xf32, #tpu.memory_space<vmem>>, vector<1x16xf32>,
        %get3A_87 = arith.index_cast %scan3A_42 : i32 to index
        %get3A_88 = arith.constant 96 : index
        %get3A_89 = tpu.vector_load %arg13[%get3A_87, %get3A_88] {strides = array<i32>} : memref<120x128xf32, #tpu.memory_space<vmem>>, vector<1x16xf32>,
        %get3A_90 = vector.shape_cast %get3A_89 : vector<1x16xf32> to vector<16xf32>
        %get3A_91 = arith.index_cast %scan3A_42 : i32 to index
        %get3A_92 = arith.constant 32 : index
        %get3A_93 = tpu.vector_load %arg15[%get3A_91, %get3A_92] {strides = array<i32>} : memref<120x128xf32, #tpu.memory_space<vmem>>, vector<1x16xf32>,
        %get3A_94 = vector.shape_cast %get3A_93 : vector<1x16xf32> to vector<16xf32>
        %add3A_95 = arith.addf %get3A_94, %get3A_90 : vector<16xf32>
        %get3A_96 = arith.index_cast %scan3A_42 : i32 to index
        %get3A_97 = arith.constant 32 : index
        %get3A_98 = tpu.vector_load %arg14[%get3A_96, %get3A_97] {strides = array<i32>} : memref<120x128xf32, #tpu.memory_space<vmem>>, vector<1x16xf32>,
        %get3A_99 = vector.shape_cast %get3A_98 : vector<1x16xf32> to vector<16xf32>
        %exp3A_100 = math.exp %add3A_95 : vector<16xf32>
        %add3A_101 = arith.constant 1.000000e+00 : f32
        %add3A_102 = vector.broadcast %add3A_101 : f32 to vector<16xf32>
        %add3A_103 = arith.addf %add3A_102, %exp3A_100 : vector<16xf32>
        %div3A_104 = arith.divf %get3A_99, %add3A_103 : vector<16xf32>
        %add3A_105 = arith.addf %get3A_90, %div3A_104 : vector<16xf32>
        %swap3A_106 = arith.index_cast %scan3A_42 : i32 to index
        %swap3A_107 = arith.constant 96 : index
        %swap3A_108 = tpu.vector_load %arg13[%swap3A_106, %swap3A_107] {strides = array<i32>} : memref<120x128xf32, #tpu.memory_space<vmem>>, vector<1x16xf32>,
        %swap3A_109 = vector.shape_cast %swap3A_108 : vector<1x16xf32> to vector<16xf32>
        %swap3A_110 = vector.shape_cast %add3A_105 : vector<16xf32> to vector<1x16xf32>
        tpu.vector_store %arg13[%swap3A_106, %swap3A_107], %swap3A_110 {strides = array<i32>} : memref<120x128xf32, #tpu.memory_space<vmem>>, vector<1x16xf32>,
        %get3A_111 = arith.index_cast %scan3A_42 : i32 to index
        %get3A_112 = arith.constant 112 : index
        %get3A_113 = tpu.vector_load %arg13[%get3A_111, %get3A_112] {strides = array<i32>} : memref<120x128xf32, #tpu.memory_space<vmem>>, vector<1x16xf32>,
        %get3A_114 = vector.shape_cast %get3A_113 : vector<1x16xf32> to vector<16xf32>
        %get3A_115 = arith.index_cast %scan3A_42 : i32 to index
        %get3A_116 = arith.constant 48 : index
        %get3A_117 = tpu.vector_load %arg15[%get3A_115, %get3A_116] {strides = array<i32>} : memref<120x128xf32, #tpu.memory_space<vmem>>, vector<1x16xf32>,
        %get3A_118 = vector.shape_cast %get3A_117 : vector<1x16xf32> to vector<16xf32>
        %add3A_119 = arith.addf %get3A_118, %get3A_114 : vector<16xf32>
        %get3A_120 = arith.index_cast %scan3A_42 : i32 to index
        %get3A_121 = arith.constant 48 : index
        %get3A_122 = tpu.vector_load %arg14[%get3A_120, %get3A_121] {strides = array<i32>} : memref<120x128xf32, #tpu.memory_space<vmem>>, vector<1x16xf32>,
        %get3A_123 = vector.shape_cast %get3A_122 : vector<1x16xf32> to vector<16xf32>
        %exp3A_124 = math.exp %add3A_119 : vector<16xf32>
        %add3A_125 = arith.constant 1.000000e+00 : f32
        %add3A_126 = vector.broadcast %add3A_125 : f32 to vector<16xf32>
        %add3A_127 = arith.addf %add3A_126, %exp3A_124 : vector<16xf32>
        %div3A_128 = arith.divf %get3A_123, %add3A_127 : vector<16xf32>
        %add3A_129 = arith.addf %get3A_114, %div3A_128 : vector<16xf32>
        %swap3A_130 = arith.index_cast %scan3A_42 : i32 to index
        %swap3A_131 = arith.constant 112 : index
        %swap3A_132 = tpu.vector_load %arg13[%swap3A_130, %swap3A_131] {strides = array<i32>} : memref<120x128xf32, #tpu.memory_space<vmem>>, vector<1x16xf32>,
        %swap3A_133 = vector.shape_cast %swap3A_132 : vector<1x16xf32> to vector<16xf32>
        %swap3A_134 = vector.shape_cast %add3A_129 : vector<16xf32> to vector<1x16xf32>
        tpu.vector_store %arg13[%swap3A_130, %swap3A_131], %swap3A_134 {strides = array<i32>} : memref<120x128xf32, #tpu.memory_space<vmem>>, vector<1x16xf32>,
      }
      %scan3A_41 = arith.constant 120 : i32
      "tpu.region"() ({
        %run_scoped3A = tpu.sem_alloc : memref<!tpu.dma_semaphore, #tpu.memory_space<semaphore_mem>>
        %dma_start3A_42 = arith.constant 0 : i32
        %dma_start3A_43 = arith.constant 0 : i32
        %dma_start3A_44 = tpu.memref_slice %arg16[%dma_start3A_42, %dma_start3A_43] : memref<10240x128xf32, #tpu.memory_space<vmem_shared>> -> memref<10240x128xf32, #tpu.memory_space<vmem_shared>>
        tpu.enqueue_indirect_dma source(%arg13 : memref<120x128xf32, #tpu.memory_space<vmem>>) target(%dma_start3A_44 : memref<10240x128xf32, #tpu.memory_space<vmem_shared>>) offsets(%arg12 : memref<120xi32, #tpu.memory_space<vmem>>) semaphore(%run_scoped3A : memref<!tpu.dma_semaphore, #tpu.memory_space<semaphore_mem>>) {add = true}
        %dma_wait3A_45 = arith.constant 0 : i32
        %dma_wait3A_46 = arith.constant 0 : i32
        %dma_wait3A_47 = tpu.memref_slice %arg16[%dma_wait3A_45, %dma_wait3A_46] : memref<10240x128xf32, #tpu.memory_space<vmem_shared>> -> memref<10240x128xf32, #tpu.memory_space<vmem_shared>>
        tpu.wait_indirect_dma semaphore(%run_scoped3A : memref<!tpu.dma_semaphore, #tpu.memory_space<semaphore_mem>>) src(%arg13 : memref<120x128xf32, #tpu.memory_space<vmem>>) dst(%dma_wait3A_47 : memref<10240x128xf32, #tpu.memory_space<vmem_shared>>)
        tpu.yield
      }) : () -> ()
    }
    %scan3A_9 = arith.constant 167 : i32
    %barrier3A_10 = arith.constant 0 : index
    tpu.barrier barrier_id(%barrier3A_10)
    %mul3A_11 = arith.constant 10240 : i32
    %mul3A_12 = arith.muli %arg0, %mul3A_11 : i32
    %add3A_13 = arith.addi %mul3A_12, %mul3A_0 : i32
    "tpu.region"() ({
      %run_scoped3A = tpu.sem_alloc : memref<!tpu.dma_semaphore, #tpu.memory_space<semaphore_mem>>
      %dma_start3A = arith.constant 0 : i32
      %dma_start3A_14 = tpu.memref_slice %arg9[%add3A_13, %dma_start3A] : memref<20480x128xf32, #tpu.memory_space<hbm>> -> memref<640x128xf32, #tpu.memory_space<hbm>>
      %dma_start3A_15 = arith.constant 0 : i32
      %dma_start3A_16 = tpu.memref_slice %arg16[%mul3A_0, %dma_start3A_15] : memref<10240x128xf32, #tpu.memory_space<vmem_shared>> -> memref<640x128xf32, #tpu.memory_space<vmem_shared>>
      tpu.enqueue_dma source(%dma_start3A_16 : memref<640x128xf32, #tpu.memory_space<vmem_shared>>) target(%dma_start3A_14 : memref<640x128xf32, #tpu.memory_space<hbm>>) target_semaphore(%run_scoped3A : memref<!tpu.dma_semaphore, #tpu.memory_space<semaphore_mem>>)
      %dma_wait3A = arith.constant 0 : i32
      %dma_wait3A_17 = tpu.memref_slice %arg9[%add3A_13, %dma_wait3A] : memref<20480x128xf32, #tpu.memory_space<hbm>> -> memref<640x128xf32, #tpu.memory_space<hbm>>
      %dma_wait3A_18 = arith.constant 0 : i32
      %dma_wait3A_19 = tpu.memref_slice %arg16[%mul3A_0, %dma_wait3A_18] : memref<10240x128xf32, #tpu.memory_space<vmem_shared>> -> memref<640x128xf32, #tpu.memory_space<vmem_shared>>
      tpu.wait_dma2 semaphore(%run_scoped3A : memref<!tpu.dma_semaphore, #tpu.memory_space<semaphore_mem>>) src(%dma_wait3A_19 : memref<640x128xf32, #tpu.memory_space<vmem_shared>>) dst(%dma_wait3A_17 : memref<640x128xf32, #tpu.memory_space<hbm>>)
      tpu.yield
    }) : () -> ()
    return
  }
}

#map = affine_map<(d0, d1) -> (0)>
#map1 = affine_map<(d0, d1) -> (0, 0)>
module attributes {stable_mosaic.version = 14 : i64} {
  func.func @_sc_edge_body(%arg0: i32, %arg1: i32, %arg2: memref<641280xi32, #tpu.memory_space<hbm>>, %arg3: memref<641280xi32, #tpu.memory_space<hbm>>, %arg4: memref<320640xi32, #tpu.memory_space<hbm>>, %arg5: memref<20480x128xf32, #tpu.memory_space<hbm>>, %arg6: memref<20480x128xf32, #tpu.memory_space<hbm>>, %arg7: memref<20480x128xf32, #tpu.memory_space<hbm>>, %arg8: memref<640x128xf32, #tpu.memory_space<hbm>>, %arg9: memref<20480x128xf32, #tpu.memory_space<hbm>>, %arg10: memref<120xi32, #tpu.memory_space<vmem>>, %arg11: memref<120xi32, #tpu.memory_space<vmem>>, %arg12: memref<120xi32, #tpu.memory_space<vmem>>, %arg13: memref<120x128xf32, #tpu.memory_space<vmem>>, %arg14: memref<120x128xf32, #tpu.memory_space<vmem>>, %arg15: memref<120x128xf32, #tpu.memory_space<vmem>>, %arg16: memref<10240x128xf32, #tpu.memory_space<vmem_shared>>, %arg17: memref<!tpu.dma_semaphore, #tpu.memory_space<semaphore_mem>>) attributes {dimension_semantics = [#tpu.dimension_semantics<core_parallel>, #tpu.dimension_semantics<subcore_parallel>], iteration_bounds = array<i64: 2, 16>, scalar_prefetch = 0 : i64, scratch_operands = 8 : i64, tpu.core_type = #tpu.core_type<sc_vector_subcore>, window_params = [{transform_indices = #map}, {transform_indices = #map}, {transform_indices = #map}, {transform_indices = #map1}, {transform_indices = #map1}, {transform_indices = #map1}, {transform_indices = #map1}, {transform_indices = #map1}]} {
    %mul3A = arith.constant 640 : i32
    %mul3A_0 = arith.muli %arg1, %mul3A : i32
    "tpu.region"() ({
      %run_scoped3A = tpu.sem_alloc : memref<!tpu.dma_semaphore, #tpu.memory_space<semaphore_mem>>
      %dma_start3A = arith.constant 0 : i32
      %dma_start3A_14 = tpu.memref_slice %arg16[%mul3A_0, %dma_start3A] : memref<10240x128xf32, #tpu.memory_space<vmem_shared>> -> memref<640x128xf32, #tpu.memory_space<vmem_shared>>
      tpu.enqueue_dma source(%arg8 : memref<640x128xf32, #tpu.memory_space<hbm>>) target(%dma_start3A_14 : memref<640x128xf32, #tpu.memory_space<vmem_shared>>) target_semaphore(%run_scoped3A : memref<!tpu.dma_semaphore, #tpu.memory_space<semaphore_mem>>)
      %dma_wait3A = arith.constant 0 : i32
      %dma_wait3A_15 = tpu.memref_slice %arg16[%mul3A_0, %dma_wait3A] : memref<10240x128xf32, #tpu.memory_space<vmem_shared>> -> memref<640x128xf32, #tpu.memory_space<vmem_shared>>
      tpu.wait_dma2 semaphore(%run_scoped3A : memref<!tpu.dma_semaphore, #tpu.memory_space<semaphore_mem>>) src(%arg8 : memref<640x128xf32, #tpu.memory_space<hbm>>) dst(%dma_wait3A_15 : memref<640x128xf32, #tpu.memory_space<vmem_shared>>)
      tpu.yield
    }) : () -> ()
    %barrier3A = arith.constant 0 : index
    tpu.barrier barrier_id(%barrier3A)
    %mul3A_1 = arith.constant 20040 : i32
    %mul3A_2 = arith.muli %arg1, %mul3A_1 : i32
    %mul3A_3 = arith.constant 320640 : i32
    %mul3A_4 = arith.muli %arg0, %mul3A_3 : i32
    %add3A = arith.addi %mul3A_4, %mul3A_2 : i32
    %scan3A = arith.constant 0 : i32
    %scan3A_5 = arith.constant 0 : i32
    %scan3A_6 = arith.constant 167 : i32
    %scan3A_7 = arith.addi %scan3A_5, %scan3A_6 : i32
    %scan3A_8 = arith.constant 1 : i32
    scf.for %scan3A_14 = %scan3A_5 to %scan3A_7 step %scan3A_8  : i32 {
      %mul3A_15 = arith.constant 120 : i32
      %mul3A_16 = arith.muli %scan3A_14, %mul3A_15 : i32
      %add3A_17 = arith.addi %add3A, %mul3A_16 : i32
      "tpu.region"() ({
        %run_scoped3A = tpu.sem_alloc : memref<!tpu.dma_semaphore, #tpu.memory_space<semaphore_mem>>
        %dma_start3A_42 = tpu.memref_slice %arg2[%add3A_17] : memref<641280xi32, #tpu.memory_space<hbm>> -> memref<120xi32, #tpu.memory_space<hbm>>
        %dma_start3A_43 = tpu.memref_slice %arg2[%add3A_17] : memref<641280xi32, #tpu.memory_space<hbm>> -> memref<120xi32, #tpu.memory_space<hbm>>
        tpu.enqueue_dma source(%dma_start3A_43 : memref<120xi32, #tpu.memory_space<hbm>>) target(%arg10 : memref<120xi32, #tpu.memory_space<vmem>>) target_semaphore(%run_scoped3A : memref<!tpu.dma_semaphore, #tpu.memory_space<semaphore_mem>>)
        %dma_wait3A_44 = tpu.memref_slice %arg2[%add3A_17] : memref<641280xi32, #tpu.memory_space<hbm>> -> memref<120xi32, #tpu.memory_space<hbm>>
        %dma_wait3A_45 = tpu.memref_slice %arg2[%add3A_17] : memref<641280xi32, #tpu.memory_space<hbm>> -> memref<120xi32, #tpu.memory_space<hbm>>
        tpu.wait_dma2 semaphore(%run_scoped3A : memref<!tpu.dma_semaphore, #tpu.memory_space<semaphore_mem>>) src(%dma_wait3A_45 : memref<120xi32, #tpu.memory_space<hbm>>) dst(%arg10 : memref<120xi32, #tpu.memory_space<vmem>>)
        tpu.yield
      }) : () -> ()
      %add3A_18 = arith.addi %add3A, %mul3A_16 : i32
      "tpu.region"() ({
        %run_scoped3A = tpu.sem_alloc : memref<!tpu.dma_semaphore, #tpu.memory_space<semaphore_mem>>
        %dma_start3A_42 = tpu.memref_slice %arg3[%add3A_18] : memref<641280xi32, #tpu.memory_space<hbm>> -> memref<120xi32, #tpu.memory_space<hbm>>
        %dma_start3A_43 = tpu.memref_slice %arg3[%add3A_18] : memref<641280xi32, #tpu.memory_space<hbm>> -> memref<120xi32, #tpu.memory_space<hbm>>
        tpu.enqueue_dma source(%dma_start3A_43 : memref<120xi32, #tpu.memory_space<hbm>>) target(%arg11 : memref<120xi32, #tpu.memory_space<vmem>>) target_semaphore(%run_scoped3A : memref<!tpu.dma_semaphore, #tpu.memory_space<semaphore_mem>>)
        %dma_wait3A_44 = tpu.memref_slice %arg3[%add3A_18] : memref<641280xi32, #tpu.memory_space<hbm>> -> memref<120xi32, #tpu.memory_space<hbm>>
        %dma_wait3A_45 = tpu.memref_slice %arg3[%add3A_18] : memref<641280xi32, #tpu.memory_space<hbm>> -> memref<120xi32, #tpu.memory_space<hbm>>
        tpu.wait_dma2 semaphore(%run_scoped3A : memref<!tpu.dma_semaphore, #tpu.memory_space<semaphore_mem>>) src(%dma_wait3A_45 : memref<120xi32, #tpu.memory_space<hbm>>) dst(%arg11 : memref<120xi32, #tpu.memory_space<vmem>>)
        tpu.yield
      }) : () -> ()
      %add3A_19 = arith.addi %mul3A_2, %mul3A_16 : i32
      "tpu.region"() ({
        %run_scoped3A = tpu.sem_alloc : memref<!tpu.dma_semaphore, #tpu.memory_space<semaphore_mem>>
        %dma_start3A_42 = tpu.memref_slice %arg4[%add3A_19] : memref<320640xi32, #tpu.memory_space<hbm>> -> memref<120xi32, #tpu.memory_space<hbm>>
        %dma_start3A_43 = tpu.memref_slice %arg4[%add3A_19] : memref<320640xi32, #tpu.memory_space<hbm>> -> memref<120xi32, #tpu.memory_space<hbm>>
        tpu.enqueue_dma source(%dma_start3A_43 : memref<120xi32, #tpu.memory_space<hbm>>) target(%arg12 : memref<120xi32, #tpu.memory_space<vmem>>) target_semaphore(%run_scoped3A : memref<!tpu.dma_semaphore, #tpu.memory_space<semaphore_mem>>)
        %dma_wait3A_44 = tpu.memref_slice %arg4[%add3A_19] : memref<320640xi32, #tpu.memory_space<hbm>> -> memref<120xi32, #tpu.memory_space<hbm>>
        %dma_wait3A_45 = tpu.memref_slice %arg4[%add3A_19] : memref<320640xi32, #tpu.memory_space<hbm>> -> memref<120xi32, #tpu.memory_space<hbm>>
        tpu.wait_dma2 semaphore(%run_scoped3A : memref<!tpu.dma_semaphore, #tpu.memory_space<semaphore_mem>>) src(%dma_wait3A_45 : memref<120xi32, #tpu.memory_space<hbm>>) dst(%arg12 : memref<120xi32, #tpu.memory_space<vmem>>)
        tpu.yield
      }) : () -> ()
      %dma_start3A = arith.constant 0 : i32
      %dma_start3A_20 = arith.constant 0 : i32
      %dma_start3A_21 = tpu.memref_slice %arg5[%dma_start3A, %dma_start3A_20] : memref<20480x128xf32, #tpu.memory_space<hbm>> -> memref<20480x128xf32, #tpu.memory_space<hbm>>
      tpu.enqueue_indirect_dma source(%dma_start3A_21 : memref<20480x128xf32, #tpu.memory_space<hbm>>) target(%arg13 : memref<120x128xf32, #tpu.memory_space<vmem>>) offsets(%arg10 : memref<120xi32, #tpu.memory_space<vmem>>) semaphore(%arg17 : memref<!tpu.dma_semaphore, #tpu.memory_space<semaphore_mem>>)
      %dma_start3A_22 = arith.constant 0 : i32
      %dma_start3A_23 = arith.constant 0 : i32
      %dma_start3A_24 = tpu.memref_slice %arg6[%dma_start3A_22, %dma_start3A_23] : memref<20480x128xf32, #tpu.memory_space<hbm>> -> memref<20480x128xf32, #tpu.memory_space<hbm>>
      tpu.enqueue_indirect_dma source(%dma_start3A_24 : memref<20480x128xf32, #tpu.memory_space<hbm>>) target(%arg14 : memref<120x128xf32, #tpu.memory_space<vmem>>) offsets(%arg10 : memref<120xi32, #tpu.memory_space<vmem>>) semaphore(%arg17 : memref<!tpu.dma_semaphore, #tpu.memory_space<semaphore_mem>>)
      %dma_start3A_25 = arith.constant 0 : i32
      %dma_start3A_26 = arith.constant 0 : i32
      %dma_start3A_27 = tpu.memref_slice %arg7[%dma_start3A_25, %dma_start3A_26] : memref<20480x128xf32, #tpu.memory_space<hbm>> -> memref<20480x128xf32, #tpu.memory_space<hbm>>
      tpu.enqueue_indirect_dma source(%dma_start3A_27 : memref<20480x128xf32, #tpu.memory_space<hbm>>) target(%arg15 : memref<120x128xf32, #tpu.memory_space<vmem>>) offsets(%arg11 : memref<120xi32, #tpu.memory_space<vmem>>) semaphore(%arg17 : memref<!tpu.dma_semaphore, #tpu.memory_space<semaphore_mem>>)
      %dma_wait3A = arith.constant 0 : i32
      %dma_wait3A_28 = arith.constant 0 : i32
      %dma_wait3A_29 = tpu.memref_slice %arg5[%dma_wait3A, %dma_wait3A_28] : memref<20480x128xf32, #tpu.memory_space<hbm>> -> memref<20480x128xf32, #tpu.memory_space<hbm>>
      tpu.wait_indirect_dma semaphore(%arg17 : memref<!tpu.dma_semaphore, #tpu.memory_space<semaphore_mem>>) src(%dma_wait3A_29 : memref<20480x128xf32, #tpu.memory_space<hbm>>) dst(%arg13 : memref<120x128xf32, #tpu.memory_space<vmem>>)
      %dma_wait3A_30 = arith.constant 0 : i32
      %dma_wait3A_31 = arith.constant 0 : i32
      %dma_wait3A_32 = tpu.memref_slice %arg6[%dma_wait3A_30, %dma_wait3A_31] : memref<20480x128xf32, #tpu.memory_space<hbm>> -> memref<20480x128xf32, #tpu.memory_space<hbm>>
      tpu.wait_indirect_dma semaphore(%arg17 : memref<!tpu.dma_semaphore, #tpu.memory_space<semaphore_mem>>) src(%dma_wait3A_32 : memref<20480x128xf32, #tpu.memory_space<hbm>>) dst(%arg14 : memref<120x128xf32, #tpu.memory_space<vmem>>)
      %dma_wait3A_33 = arith.constant 0 : i32
      %dma_wait3A_34 = arith.constant 0 : i32
      %dma_wait3A_35 = tpu.memref_slice %arg7[%dma_wait3A_33, %dma_wait3A_34] : memref<20480x128xf32, #tpu.memory_space<hbm>> -> memref<20480x128xf32, #tpu.memory_space<hbm>>
      tpu.wait_indirect_dma semaphore(%arg17 : memref<!tpu.dma_semaphore, #tpu.memory_space<semaphore_mem>>) src(%dma_wait3A_35 : memref<20480x128xf32, #tpu.memory_space<hbm>>) dst(%arg15 : memref<120x128xf32, #tpu.memory_space<vmem>>)
      %scan3A_36 = arith.constant 0 : i32
      %scan3A_37 = arith.constant 0 : i32
      %scan3A_38 = arith.constant 120 : i32
      %scan3A_39 = arith.addi %scan3A_37, %scan3A_38 : i32
      %scan3A_40 = arith.constant 1 : i32
      scf.for %scan3A_42 = %scan3A_37 to %scan3A_39 step %scan3A_40  : i32 {
        %get3A = arith.index_cast %scan3A_42 : i32 to index
        %get3A_43 = arith.constant 64 : index
        %get3A_44 = tpu.vector_load %arg13[%get3A, %get3A_43] {strides = array<i32>} : memref<120x128xf32, #tpu.memory_space<vmem>>, vector<1x16xf32>,
        %get3A_45 = vector.shape_cast %get3A_44 : vector<1x16xf32> to vector<16xf32>
        %get3A_46 = arith.index_cast %scan3A_42 : i32 to index
        %get3A_47 = arith.constant 0 : index
        %get3A_48 = tpu.vector_load %arg15[%get3A_46, %get3A_47] {strides = array<i32>} : memref<120x128xf32, #tpu.memory_space<vmem>>, vector<1x16xf32>,
        %get3A_49 = vector.shape_cast %get3A_48 : vector<1x16xf32> to vector<16xf32>
        %add3A_50 = arith.addf %get3A_49, %get3A_45 : vector<16xf32>
        %get3A_51 = arith.index_cast %scan3A_42 : i32 to index
        %get3A_52 = arith.constant 0 : index
        %get3A_53 = tpu.vector_load %arg14[%get3A_51, %get3A_52] {strides = array<i32>} : memref<120x128xf32, #tpu.memory_space<vmem>>, vector<1x16xf32>,
        %get3A_54 = vector.shape_cast %get3A_53 : vector<1x16xf32> to vector<16xf32>
        %exp3A = math.exp %add3A_50 : vector<16xf32>
        %add3A_55 = arith.constant 1.000000e+00 : f32
        %add3A_56 = vector.broadcast %add3A_55 : f32 to vector<16xf32>
        %add3A_57 = arith.addf %add3A_56, %exp3A : vector<16xf32>
        %div3A = arith.divf %get3A_54, %add3A_57 : vector<16xf32>
        %add3A_58 = arith.addf %get3A_45, %div3A : vector<16xf32>
        %swap3A = arith.index_cast %scan3A_42 : i32 to index
        %swap3A_59 = arith.constant 64 : index
        %swap3A_60 = tpu.vector_load %arg13[%swap3A, %swap3A_59] {strides = array<i32>} : memref<120x128xf32, #tpu.memory_space<vmem>>, vector<1x16xf32>,
        %swap3A_61 = vector.shape_cast %swap3A_60 : vector<1x16xf32> to vector<16xf32>
        %swap3A_62 = vector.shape_cast %add3A_58 : vector<16xf32> to vector<1x16xf32>
        tpu.vector_store %arg13[%swap3A, %swap3A_59], %swap3A_62 {strides = array<i32>} : memref<120x128xf32, #tpu.memory_space<vmem>>, vector<1x16xf32>,
        %get3A_63 = arith.index_cast %scan3A_42 : i32 to index
        %get3A_64 = arith.constant 80 : index
        %get3A_65 = tpu.vector_load %arg13[%get3A_63, %get3A_64] {strides = array<i32>} : memref<120x128xf32, #tpu.memory_space<vmem>>, vector<1x16xf32>,
        %get3A_66 = vector.shape_cast %get3A_65 : vector<1x16xf32> to vector<16xf32>
        %get3A_67 = arith.index_cast %scan3A_42 : i32 to index
        %get3A_68 = arith.constant 16 : index
        %get3A_69 = tpu.vector_load %arg15[%get3A_67, %get3A_68] {strides = array<i32>} : memref<120x128xf32, #tpu.memory_space<vmem>>, vector<1x16xf32>,
        %get3A_70 = vector.shape_cast %get3A_69 : vector<1x16xf32> to vector<16xf32>
        %add3A_71 = arith.addf %get3A_70, %get3A_66 : vector<16xf32>
        %get3A_72 = arith.index_cast %scan3A_42 : i32 to index
        %get3A_73 = arith.constant 16 : index
        %get3A_74 = tpu.vector_load %arg14[%get3A_72, %get3A_73] {strides = array<i32>} : memref<120x128xf32, #tpu.memory_space<vmem>>, vector<1x16xf32>,
        %get3A_75 = vector.shape_cast %get3A_74 : vector<1x16xf32> to vector<16xf32>
        %exp3A_76 = math.exp %add3A_71 : vector<16xf32>
        %add3A_77 = arith.constant 1.000000e+00 : f32
        %add3A_78 = vector.broadcast %add3A_77 : f32 to vector<16xf32>
        %add3A_79 = arith.addf %add3A_78, %exp3A_76 : vector<16xf32>
        %div3A_80 = arith.divf %get3A_75, %add3A_79 : vector<16xf32>
        %add3A_81 = arith.addf %get3A_66, %div3A_80 : vector<16xf32>
        %swap3A_82 = arith.index_cast %scan3A_42 : i32 to index
        %swap3A_83 = arith.constant 80 : index
        %swap3A_84 = tpu.vector_load %arg13[%swap3A_82, %swap3A_83] {strides = array<i32>} : memref<120x128xf32, #tpu.memory_space<vmem>>, vector<1x16xf32>,
        %swap3A_85 = vector.shape_cast %swap3A_84 : vector<1x16xf32> to vector<16xf32>
        %swap3A_86 = vector.shape_cast %add3A_81 : vector<16xf32> to vector<1x16xf32>
        tpu.vector_store %arg13[%swap3A_82, %swap3A_83], %swap3A_86 {strides = array<i32>} : memref<120x128xf32, #tpu.memory_space<vmem>>, vector<1x16xf32>,
        %get3A_87 = arith.index_cast %scan3A_42 : i32 to index
        %get3A_88 = arith.constant 96 : index
        %get3A_89 = tpu.vector_load %arg13[%get3A_87, %get3A_88] {strides = array<i32>} : memref<120x128xf32, #tpu.memory_space<vmem>>, vector<1x16xf32>,
        %get3A_90 = vector.shape_cast %get3A_89 : vector<1x16xf32> to vector<16xf32>
        %get3A_91 = arith.index_cast %scan3A_42 : i32 to index
        %get3A_92 = arith.constant 32 : index
        %get3A_93 = tpu.vector_load %arg15[%get3A_91, %get3A_92] {strides = array<i32>} : memref<120x128xf32, #tpu.memory_space<vmem>>, vector<1x16xf32>,
        %get3A_94 = vector.shape_cast %get3A_93 : vector<1x16xf32> to vector<16xf32>
        %add3A_95 = arith.addf %get3A_94, %get3A_90 : vector<16xf32>
        %get3A_96 = arith.index_cast %scan3A_42 : i32 to index
        %get3A_97 = arith.constant 32 : index
        %get3A_98 = tpu.vector_load %arg14[%get3A_96, %get3A_97] {strides = array<i32>} : memref<120x128xf32, #tpu.memory_space<vmem>>, vector<1x16xf32>,
        %get3A_99 = vector.shape_cast %get3A_98 : vector<1x16xf32> to vector<16xf32>
        %exp3A_100 = math.exp %add3A_95 : vector<16xf32>
        %add3A_101 = arith.constant 1.000000e+00 : f32
        %add3A_102 = vector.broadcast %add3A_101 : f32 to vector<16xf32>
        %add3A_103 = arith.addf %add3A_102, %exp3A_100 : vector<16xf32>
        %div3A_104 = arith.divf %get3A_99, %add3A_103 : vector<16xf32>
        %add3A_105 = arith.addf %get3A_90, %div3A_104 : vector<16xf32>
        %swap3A_106 = arith.index_cast %scan3A_42 : i32 to index
        %swap3A_107 = arith.constant 96 : index
        %swap3A_108 = tpu.vector_load %arg13[%swap3A_106, %swap3A_107] {strides = array<i32>} : memref<120x128xf32, #tpu.memory_space<vmem>>, vector<1x16xf32>,
        %swap3A_109 = vector.shape_cast %swap3A_108 : vector<1x16xf32> to vector<16xf32>
        %swap3A_110 = vector.shape_cast %add3A_105 : vector<16xf32> to vector<1x16xf32>
        tpu.vector_store %arg13[%swap3A_106, %swap3A_107], %swap3A_110 {strides = array<i32>} : memref<120x128xf32, #tpu.memory_space<vmem>>, vector<1x16xf32>,
        %get3A_111 = arith.index_cast %scan3A_42 : i32 to index
        %get3A_112 = arith.constant 112 : index
        %get3A_113 = tpu.vector_load %arg13[%get3A_111, %get3A_112] {strides = array<i32>} : memref<120x128xf32, #tpu.memory_space<vmem>>, vector<1x16xf32>,
        %get3A_114 = vector.shape_cast %get3A_113 : vector<1x16xf32> to vector<16xf32>
        %get3A_115 = arith.index_cast %scan3A_42 : i32 to index
        %get3A_116 = arith.constant 48 : index
        %get3A_117 = tpu.vector_load %arg15[%get3A_115, %get3A_116] {strides = array<i32>} : memref<120x128xf32, #tpu.memory_space<vmem>>, vector<1x16xf32>,
        %get3A_118 = vector.shape_cast %get3A_117 : vector<1x16xf32> to vector<16xf32>
        %add3A_119 = arith.addf %get3A_118, %get3A_114 : vector<16xf32>
        %get3A_120 = arith.index_cast %scan3A_42 : i32 to index
        %get3A_121 = arith.constant 48 : index
        %get3A_122 = tpu.vector_load %arg14[%get3A_120, %get3A_121] {strides = array<i32>} : memref<120x128xf32, #tpu.memory_space<vmem>>, vector<1x16xf32>,
        %get3A_123 = vector.shape_cast %get3A_122 : vector<1x16xf32> to vector<16xf32>
        %exp3A_124 = math.exp %add3A_119 : vector<16xf32>
        %add3A_125 = arith.constant 1.000000e+00 : f32
        %add3A_126 = vector.broadcast %add3A_125 : f32 to vector<16xf32>
        %add3A_127 = arith.addf %add3A_126, %exp3A_124 : vector<16xf32>
        %div3A_128 = arith.divf %get3A_123, %add3A_127 : vector<16xf32>
        %add3A_129 = arith.addf %get3A_114, %div3A_128 : vector<16xf32>
        %swap3A_130 = arith.index_cast %scan3A_42 : i32 to index
        %swap3A_131 = arith.constant 112 : index
        %swap3A_132 = tpu.vector_load %arg13[%swap3A_130, %swap3A_131] {strides = array<i32>} : memref<120x128xf32, #tpu.memory_space<vmem>>, vector<1x16xf32>,
        %swap3A_133 = vector.shape_cast %swap3A_132 : vector<1x16xf32> to vector<16xf32>
        %swap3A_134 = vector.shape_cast %add3A_129 : vector<16xf32> to vector<1x16xf32>
        tpu.vector_store %arg13[%swap3A_130, %swap3A_131], %swap3A_134 {strides = array<i32>} : memref<120x128xf32, #tpu.memory_space<vmem>>, vector<1x16xf32>,
      }
      %scan3A_41 = arith.constant 120 : i32
      "tpu.region"() ({
        %run_scoped3A = tpu.sem_alloc : memref<!tpu.dma_semaphore, #tpu.memory_space<semaphore_mem>>
        %dma_start3A_42 = arith.constant 0 : i32
        %dma_start3A_43 = arith.constant 0 : i32
        %dma_start3A_44 = tpu.memref_slice %arg16[%dma_start3A_42, %dma_start3A_43] : memref<10240x128xf32, #tpu.memory_space<vmem_shared>> -> memref<10240x128xf32, #tpu.memory_space<vmem_shared>>
        tpu.enqueue_indirect_dma source(%arg13 : memref<120x128xf32, #tpu.memory_space<vmem>>) target(%dma_start3A_44 : memref<10240x128xf32, #tpu.memory_space<vmem_shared>>) offsets(%arg12 : memref<120xi32, #tpu.memory_space<vmem>>) semaphore(%run_scoped3A : memref<!tpu.dma_semaphore, #tpu.memory_space<semaphore_mem>>) {add = true}
        %dma_wait3A_45 = arith.constant 0 : i32
        %dma_wait3A_46 = arith.constant 0 : i32
        %dma_wait3A_47 = tpu.memref_slice %arg16[%dma_wait3A_45, %dma_wait3A_46] : memref<10240x128xf32, #tpu.memory_space<vmem_shared>> -> memref<10240x128xf32, #tpu.memory_space<vmem_shared>>
        tpu.wait_indirect_dma semaphore(%run_scoped3A : memref<!tpu.dma_semaphore, #tpu.memory_space<semaphore_mem>>) src(%arg13 : memref<120x128xf32, #tpu.memory_space<vmem>>) dst(%dma_wait3A_47 : memref<10240x128xf32, #tpu.memory_space<vmem_shared>>)
        tpu.yield
      }) : () -> ()
    }
    %scan3A_9 = arith.constant 167 : i32
    %barrier3A_10 = arith.constant 0 : index
    tpu.barrier barrier_id(%barrier3A_10)
    %mul3A_11 = arith.constant 10240 : i32
    %mul3A_12 = arith.muli %arg0, %mul3A_11 : i32
    %add3A_13 = arith.addi %mul3A_12, %mul3A_0 : i32
    "tpu.region"() ({
      %run_scoped3A = tpu.sem_alloc : memref<!tpu.dma_semaphore, #tpu.memory_space<semaphore_mem>>
      %dma_start3A = arith.constant 0 : i32
      %dma_start3A_14 = tpu.memref_slice %arg9[%add3A_13, %dma_start3A] : memref<20480x128xf32, #tpu.memory_space<hbm>> -> memref<640x128xf32, #tpu.memory_space<hbm>>
      %dma_start3A_15 = arith.constant 0 : i32
      %dma_start3A_16 = tpu.memref_slice %arg16[%mul3A_0, %dma_start3A_15] : memref<10240x128xf32, #tpu.memory_space<vmem_shared>> -> memref<640x128xf32, #tpu.memory_space<vmem_shared>>
      tpu.enqueue_dma source(%dma_start3A_16 : memref<640x128xf32, #tpu.memory_space<vmem_shared>>) target(%dma_start3A_14 : memref<640x128xf32, #tpu.memory_space<hbm>>) target_semaphore(%run_scoped3A : memref<!tpu.dma_semaphore, #tpu.memory_space<semaphore_mem>>)
      %dma_wait3A = arith.constant 0 : i32
      %dma_wait3A_17 = tpu.memref_slice %arg9[%add3A_13, %dma_wait3A] : memref<20480x128xf32, #tpu.memory_space<hbm>> -> memref<640x128xf32, #tpu.memory_space<hbm>>
      %dma_wait3A_18 = arith.constant 0 : i32
      %dma_wait3A_19 = tpu.memref_slice %arg16[%mul3A_0, %dma_wait3A_18] : memref<10240x128xf32, #tpu.memory_space<vmem_shared>> -> memref<640x128xf32, #tpu.memory_space<vmem_shared>>
      tpu.wait_dma2 semaphore(%run_scoped3A : memref<!tpu.dma_semaphore, #tpu.memory_space<semaphore_mem>>) src(%dma_wait3A_19 : memref<640x128xf32, #tpu.memory_space<vmem_shared>>) dst(%dma_wait3A_17 : memref<640x128xf32, #tpu.memory_space<hbm>>)
      tpu.yield
    }) : () -> ()
    return
  }
}

#map = affine_map<(d0, d1) -> (0)>
#map1 = affine_map<(d0, d1) -> (0, 0)>
module attributes {stable_mosaic.version = 14 : i64} {
  func.func @_sc_edge_body(%arg0: i32, %arg1: i32, %arg2: memref<641280xi32, #tpu.memory_space<hbm>>, %arg3: memref<641280xi32, #tpu.memory_space<hbm>>, %arg4: memref<320640xi32, #tpu.memory_space<hbm>>, %arg5: memref<20480x128xf32, #tpu.memory_space<hbm>>, %arg6: memref<20480x128xf32, #tpu.memory_space<hbm>>, %arg7: memref<20480x128xf32, #tpu.memory_space<hbm>>, %arg8: memref<640x128xf32, #tpu.memory_space<hbm>>, %arg9: memref<20480x128xf32, #tpu.memory_space<hbm>>, %arg10: memref<120xi32, #tpu.memory_space<vmem>>, %arg11: memref<120xi32, #tpu.memory_space<vmem>>, %arg12: memref<120xi32, #tpu.memory_space<vmem>>, %arg13: memref<120x128xf32, #tpu.memory_space<vmem>>, %arg14: memref<120x128xf32, #tpu.memory_space<vmem>>, %arg15: memref<120x128xf32, #tpu.memory_space<vmem>>, %arg16: memref<10240x128xf32, #tpu.memory_space<vmem_shared>>, %arg17: memref<!tpu.dma_semaphore, #tpu.memory_space<semaphore_mem>>) attributes {dimension_semantics = [#tpu.dimension_semantics<core_parallel>, #tpu.dimension_semantics<subcore_parallel>], iteration_bounds = array<i64: 2, 16>, scalar_prefetch = 0 : i64, scratch_operands = 8 : i64, tpu.core_type = #tpu.core_type<sc_vector_subcore>, window_params = [{transform_indices = #map}, {transform_indices = #map}, {transform_indices = #map}, {transform_indices = #map1}, {transform_indices = #map1}, {transform_indices = #map1}, {transform_indices = #map1}, {transform_indices = #map1}]} {
    %mul3A = arith.constant 640 : i32
    %mul3A_0 = arith.muli %arg1, %mul3A : i32
    "tpu.region"() ({
      %run_scoped3A = tpu.sem_alloc : memref<!tpu.dma_semaphore, #tpu.memory_space<semaphore_mem>>
      %dma_start3A = arith.constant 0 : i32
      %dma_start3A_14 = tpu.memref_slice %arg16[%mul3A_0, %dma_start3A] : memref<10240x128xf32, #tpu.memory_space<vmem_shared>> -> memref<640x128xf32, #tpu.memory_space<vmem_shared>>
      tpu.enqueue_dma source(%arg8 : memref<640x128xf32, #tpu.memory_space<hbm>>) target(%dma_start3A_14 : memref<640x128xf32, #tpu.memory_space<vmem_shared>>) target_semaphore(%run_scoped3A : memref<!tpu.dma_semaphore, #tpu.memory_space<semaphore_mem>>)
      %dma_wait3A = arith.constant 0 : i32
      %dma_wait3A_15 = tpu.memref_slice %arg16[%mul3A_0, %dma_wait3A] : memref<10240x128xf32, #tpu.memory_space<vmem_shared>> -> memref<640x128xf32, #tpu.memory_space<vmem_shared>>
      tpu.wait_dma2 semaphore(%run_scoped3A : memref<!tpu.dma_semaphore, #tpu.memory_space<semaphore_mem>>) src(%arg8 : memref<640x128xf32, #tpu.memory_space<hbm>>) dst(%dma_wait3A_15 : memref<640x128xf32, #tpu.memory_space<vmem_shared>>)
      tpu.yield
    }) : () -> ()
    %barrier3A = arith.constant 0 : index
    tpu.barrier barrier_id(%barrier3A)
    %mul3A_1 = arith.constant 20040 : i32
    %mul3A_2 = arith.muli %arg1, %mul3A_1 : i32
    %mul3A_3 = arith.constant 320640 : i32
    %mul3A_4 = arith.muli %arg0, %mul3A_3 : i32
    %add3A = arith.addi %mul3A_4, %mul3A_2 : i32
    %scan3A = arith.constant 0 : i32
    %scan3A_5 = arith.constant 0 : i32
    %scan3A_6 = arith.constant 167 : i32
    %scan3A_7 = arith.addi %scan3A_5, %scan3A_6 : i32
    %scan3A_8 = arith.constant 1 : i32
    scf.for %scan3A_14 = %scan3A_5 to %scan3A_7 step %scan3A_8  : i32 {
      %mul3A_15 = arith.constant 120 : i32
      %mul3A_16 = arith.muli %scan3A_14, %mul3A_15 : i32
      %add3A_17 = arith.addi %add3A, %mul3A_16 : i32
      "tpu.region"() ({
        %run_scoped3A = tpu.sem_alloc : memref<!tpu.dma_semaphore, #tpu.memory_space<semaphore_mem>>
        %dma_start3A_42 = tpu.memref_slice %arg2[%add3A_17] : memref<641280xi32, #tpu.memory_space<hbm>> -> memref<120xi32, #tpu.memory_space<hbm>>
        %dma_start3A_43 = tpu.memref_slice %arg2[%add3A_17] : memref<641280xi32, #tpu.memory_space<hbm>> -> memref<120xi32, #tpu.memory_space<hbm>>
        tpu.enqueue_dma source(%dma_start3A_43 : memref<120xi32, #tpu.memory_space<hbm>>) target(%arg10 : memref<120xi32, #tpu.memory_space<vmem>>) target_semaphore(%run_scoped3A : memref<!tpu.dma_semaphore, #tpu.memory_space<semaphore_mem>>)
        %dma_wait3A_44 = tpu.memref_slice %arg2[%add3A_17] : memref<641280xi32, #tpu.memory_space<hbm>> -> memref<120xi32, #tpu.memory_space<hbm>>
        %dma_wait3A_45 = tpu.memref_slice %arg2[%add3A_17] : memref<641280xi32, #tpu.memory_space<hbm>> -> memref<120xi32, #tpu.memory_space<hbm>>
        tpu.wait_dma2 semaphore(%run_scoped3A : memref<!tpu.dma_semaphore, #tpu.memory_space<semaphore_mem>>) src(%dma_wait3A_45 : memref<120xi32, #tpu.memory_space<hbm>>) dst(%arg10 : memref<120xi32, #tpu.memory_space<vmem>>)
        tpu.yield
      }) : () -> ()
      %add3A_18 = arith.addi %add3A, %mul3A_16 : i32
      "tpu.region"() ({
        %run_scoped3A = tpu.sem_alloc : memref<!tpu.dma_semaphore, #tpu.memory_space<semaphore_mem>>
        %dma_start3A_42 = tpu.memref_slice %arg3[%add3A_18] : memref<641280xi32, #tpu.memory_space<hbm>> -> memref<120xi32, #tpu.memory_space<hbm>>
        %dma_start3A_43 = tpu.memref_slice %arg3[%add3A_18] : memref<641280xi32, #tpu.memory_space<hbm>> -> memref<120xi32, #tpu.memory_space<hbm>>
        tpu.enqueue_dma source(%dma_start3A_43 : memref<120xi32, #tpu.memory_space<hbm>>) target(%arg11 : memref<120xi32, #tpu.memory_space<vmem>>) target_semaphore(%run_scoped3A : memref<!tpu.dma_semaphore, #tpu.memory_space<semaphore_mem>>)
        %dma_wait3A_44 = tpu.memref_slice %arg3[%add3A_18] : memref<641280xi32, #tpu.memory_space<hbm>> -> memref<120xi32, #tpu.memory_space<hbm>>
        %dma_wait3A_45 = tpu.memref_slice %arg3[%add3A_18] : memref<641280xi32, #tpu.memory_space<hbm>> -> memref<120xi32, #tpu.memory_space<hbm>>
        tpu.wait_dma2 semaphore(%run_scoped3A : memref<!tpu.dma_semaphore, #tpu.memory_space<semaphore_mem>>) src(%dma_wait3A_45 : memref<120xi32, #tpu.memory_space<hbm>>) dst(%arg11 : memref<120xi32, #tpu.memory_space<vmem>>)
        tpu.yield
      }) : () -> ()
      %add3A_19 = arith.addi %mul3A_2, %mul3A_16 : i32
      "tpu.region"() ({
        %run_scoped3A = tpu.sem_alloc : memref<!tpu.dma_semaphore, #tpu.memory_space<semaphore_mem>>
        %dma_start3A_42 = tpu.memref_slice %arg4[%add3A_19] : memref<320640xi32, #tpu.memory_space<hbm>> -> memref<120xi32, #tpu.memory_space<hbm>>
        %dma_start3A_43 = tpu.memref_slice %arg4[%add3A_19] : memref<320640xi32, #tpu.memory_space<hbm>> -> memref<120xi32, #tpu.memory_space<hbm>>
        tpu.enqueue_dma source(%dma_start3A_43 : memref<120xi32, #tpu.memory_space<hbm>>) target(%arg12 : memref<120xi32, #tpu.memory_space<vmem>>) target_semaphore(%run_scoped3A : memref<!tpu.dma_semaphore, #tpu.memory_space<semaphore_mem>>)
        %dma_wait3A_44 = tpu.memref_slice %arg4[%add3A_19] : memref<320640xi32, #tpu.memory_space<hbm>> -> memref<120xi32, #tpu.memory_space<hbm>>
        %dma_wait3A_45 = tpu.memref_slice %arg4[%add3A_19] : memref<320640xi32, #tpu.memory_space<hbm>> -> memref<120xi32, #tpu.memory_space<hbm>>
        tpu.wait_dma2 semaphore(%run_scoped3A : memref<!tpu.dma_semaphore, #tpu.memory_space<semaphore_mem>>) src(%dma_wait3A_45 : memref<120xi32, #tpu.memory_space<hbm>>) dst(%arg12 : memref<120xi32, #tpu.memory_space<vmem>>)
        tpu.yield
      }) : () -> ()
      %dma_start3A = arith.constant 0 : i32
      %dma_start3A_20 = arith.constant 0 : i32
      %dma_start3A_21 = tpu.memref_slice %arg5[%dma_start3A, %dma_start3A_20] : memref<20480x128xf32, #tpu.memory_space<hbm>> -> memref<20480x128xf32, #tpu.memory_space<hbm>>
      tpu.enqueue_indirect_dma source(%dma_start3A_21 : memref<20480x128xf32, #tpu.memory_space<hbm>>) target(%arg13 : memref<120x128xf32, #tpu.memory_space<vmem>>) offsets(%arg10 : memref<120xi32, #tpu.memory_space<vmem>>) semaphore(%arg17 : memref<!tpu.dma_semaphore, #tpu.memory_space<semaphore_mem>>)
      %dma_start3A_22 = arith.constant 0 : i32
      %dma_start3A_23 = arith.constant 0 : i32
      %dma_start3A_24 = tpu.memref_slice %arg6[%dma_start3A_22, %dma_start3A_23] : memref<20480x128xf32, #tpu.memory_space<hbm>> -> memref<20480x128xf32, #tpu.memory_space<hbm>>
      tpu.enqueue_indirect_dma source(%dma_start3A_24 : memref<20480x128xf32, #tpu.memory_space<hbm>>) target(%arg14 : memref<120x128xf32, #tpu.memory_space<vmem>>) offsets(%arg10 : memref<120xi32, #tpu.memory_space<vmem>>) semaphore(%arg17 : memref<!tpu.dma_semaphore, #tpu.memory_space<semaphore_mem>>)
      %dma_start3A_25 = arith.constant 0 : i32
      %dma_start3A_26 = arith.constant 0 : i32
      %dma_start3A_27 = tpu.memref_slice %arg7[%dma_start3A_25, %dma_start3A_26] : memref<20480x128xf32, #tpu.memory_space<hbm>> -> memref<20480x128xf32, #tpu.memory_space<hbm>>
      tpu.enqueue_indirect_dma source(%dma_start3A_27 : memref<20480x128xf32, #tpu.memory_space<hbm>>) target(%arg15 : memref<120x128xf32, #tpu.memory_space<vmem>>) offsets(%arg11 : memref<120xi32, #tpu.memory_space<vmem>>) semaphore(%arg17 : memref<!tpu.dma_semaphore, #tpu.memory_space<semaphore_mem>>)
      %dma_wait3A = arith.constant 0 : i32
      %dma_wait3A_28 = arith.constant 0 : i32
      %dma_wait3A_29 = tpu.memref_slice %arg5[%dma_wait3A, %dma_wait3A_28] : memref<20480x128xf32, #tpu.memory_space<hbm>> -> memref<20480x128xf32, #tpu.memory_space<hbm>>
      tpu.wait_indirect_dma semaphore(%arg17 : memref<!tpu.dma_semaphore, #tpu.memory_space<semaphore_mem>>) src(%dma_wait3A_29 : memref<20480x128xf32, #tpu.memory_space<hbm>>) dst(%arg13 : memref<120x128xf32, #tpu.memory_space<vmem>>)
      %dma_wait3A_30 = arith.constant 0 : i32
      %dma_wait3A_31 = arith.constant 0 : i32
      %dma_wait3A_32 = tpu.memref_slice %arg6[%dma_wait3A_30, %dma_wait3A_31] : memref<20480x128xf32, #tpu.memory_space<hbm>> -> memref<20480x128xf32, #tpu.memory_space<hbm>>
      tpu.wait_indirect_dma semaphore(%arg17 : memref<!tpu.dma_semaphore, #tpu.memory_space<semaphore_mem>>) src(%dma_wait3A_32 : memref<20480x128xf32, #tpu.memory_space<hbm>>) dst(%arg14 : memref<120x128xf32, #tpu.memory_space<vmem>>)
      %dma_wait3A_33 = arith.constant 0 : i32
      %dma_wait3A_34 = arith.constant 0 : i32
      %dma_wait3A_35 = tpu.memref_slice %arg7[%dma_wait3A_33, %dma_wait3A_34] : memref<20480x128xf32, #tpu.memory_space<hbm>> -> memref<20480x128xf32, #tpu.memory_space<hbm>>
      tpu.wait_indirect_dma semaphore(%arg17 : memref<!tpu.dma_semaphore, #tpu.memory_space<semaphore_mem>>) src(%dma_wait3A_35 : memref<20480x128xf32, #tpu.memory_space<hbm>>) dst(%arg15 : memref<120x128xf32, #tpu.memory_space<vmem>>)
      %scan3A_36 = arith.constant 0 : i32
      %scan3A_37 = arith.constant 0 : i32
      %scan3A_38 = arith.constant 120 : i32
      %scan3A_39 = arith.addi %scan3A_37, %scan3A_38 : i32
      %scan3A_40 = arith.constant 1 : i32
      scf.for %scan3A_42 = %scan3A_37 to %scan3A_39 step %scan3A_40  : i32 {
        %get3A = arith.index_cast %scan3A_42 : i32 to index
        %get3A_43 = arith.constant 64 : index
        %get3A_44 = tpu.vector_load %arg13[%get3A, %get3A_43] {strides = array<i32>} : memref<120x128xf32, #tpu.memory_space<vmem>>, vector<1x16xf32>,
        %get3A_45 = vector.shape_cast %get3A_44 : vector<1x16xf32> to vector<16xf32>
        %get3A_46 = arith.index_cast %scan3A_42 : i32 to index
        %get3A_47 = arith.constant 0 : index
        %get3A_48 = tpu.vector_load %arg15[%get3A_46, %get3A_47] {strides = array<i32>} : memref<120x128xf32, #tpu.memory_space<vmem>>, vector<1x16xf32>,
        %get3A_49 = vector.shape_cast %get3A_48 : vector<1x16xf32> to vector<16xf32>
        %add3A_50 = arith.addf %get3A_49, %get3A_45 : vector<16xf32>
        %get3A_51 = arith.index_cast %scan3A_42 : i32 to index
        %get3A_52 = arith.constant 0 : index
        %get3A_53 = tpu.vector_load %arg14[%get3A_51, %get3A_52] {strides = array<i32>} : memref<120x128xf32, #tpu.memory_space<vmem>>, vector<1x16xf32>,
        %get3A_54 = vector.shape_cast %get3A_53 : vector<1x16xf32> to vector<16xf32>
        %exp3A = math.exp %add3A_50 : vector<16xf32>
        %add3A_55 = arith.constant 1.000000e+00 : f32
        %add3A_56 = vector.broadcast %add3A_55 : f32 to vector<16xf32>
        %add3A_57 = arith.addf %add3A_56, %exp3A : vector<16xf32>
        %div3A = arith.divf %get3A_54, %add3A_57 : vector<16xf32>
        %add3A_58 = arith.addf %get3A_45, %div3A : vector<16xf32>
        %swap3A = arith.index_cast %scan3A_42 : i32 to index
        %swap3A_59 = arith.constant 64 : index
        %swap3A_60 = tpu.vector_load %arg13[%swap3A, %swap3A_59] {strides = array<i32>} : memref<120x128xf32, #tpu.memory_space<vmem>>, vector<1x16xf32>,
        %swap3A_61 = vector.shape_cast %swap3A_60 : vector<1x16xf32> to vector<16xf32>
        %swap3A_62 = vector.shape_cast %add3A_58 : vector<16xf32> to vector<1x16xf32>
        tpu.vector_store %arg13[%swap3A, %swap3A_59], %swap3A_62 {strides = array<i32>} : memref<120x128xf32, #tpu.memory_space<vmem>>, vector<1x16xf32>,
        %get3A_63 = arith.index_cast %scan3A_42 : i32 to index
        %get3A_64 = arith.constant 80 : index
        %get3A_65 = tpu.vector_load %arg13[%get3A_63, %get3A_64] {strides = array<i32>} : memref<120x128xf32, #tpu.memory_space<vmem>>, vector<1x16xf32>,
        %get3A_66 = vector.shape_cast %get3A_65 : vector<1x16xf32> to vector<16xf32>
        %get3A_67 = arith.index_cast %scan3A_42 : i32 to index
        %get3A_68 = arith.constant 16 : index
        %get3A_69 = tpu.vector_load %arg15[%get3A_67, %get3A_68] {strides = array<i32>} : memref<120x128xf32, #tpu.memory_space<vmem>>, vector<1x16xf32>,
        %get3A_70 = vector.shape_cast %get3A_69 : vector<1x16xf32> to vector<16xf32>
        %add3A_71 = arith.addf %get3A_70, %get3A_66 : vector<16xf32>
        %get3A_72 = arith.index_cast %scan3A_42 : i32 to index
        %get3A_73 = arith.constant 16 : index
        %get3A_74 = tpu.vector_load %arg14[%get3A_72, %get3A_73] {strides = array<i32>} : memref<120x128xf32, #tpu.memory_space<vmem>>, vector<1x16xf32>,
        %get3A_75 = vector.shape_cast %get3A_74 : vector<1x16xf32> to vector<16xf32>
        %exp3A_76 = math.exp %add3A_71 : vector<16xf32>
        %add3A_77 = arith.constant 1.000000e+00 : f32
        %add3A_78 = vector.broadcast %add3A_77 : f32 to vector<16xf32>
        %add3A_79 = arith.addf %add3A_78, %exp3A_76 : vector<16xf32>
        %div3A_80 = arith.divf %get3A_75, %add3A_79 : vector<16xf32>
        %add3A_81 = arith.addf %get3A_66, %div3A_80 : vector<16xf32>
        %swap3A_82 = arith.index_cast %scan3A_42 : i32 to index
        %swap3A_83 = arith.constant 80 : index
        %swap3A_84 = tpu.vector_load %arg13[%swap3A_82, %swap3A_83] {strides = array<i32>} : memref<120x128xf32, #tpu.memory_space<vmem>>, vector<1x16xf32>,
        %swap3A_85 = vector.shape_cast %swap3A_84 : vector<1x16xf32> to vector<16xf32>
        %swap3A_86 = vector.shape_cast %add3A_81 : vector<16xf32> to vector<1x16xf32>
        tpu.vector_store %arg13[%swap3A_82, %swap3A_83], %swap3A_86 {strides = array<i32>} : memref<120x128xf32, #tpu.memory_space<vmem>>, vector<1x16xf32>,
        %get3A_87 = arith.index_cast %scan3A_42 : i32 to index
        %get3A_88 = arith.constant 96 : index
        %get3A_89 = tpu.vector_load %arg13[%get3A_87, %get3A_88] {strides = array<i32>} : memref<120x128xf32, #tpu.memory_space<vmem>>, vector<1x16xf32>,
        %get3A_90 = vector.shape_cast %get3A_89 : vector<1x16xf32> to vector<16xf32>
        %get3A_91 = arith.index_cast %scan3A_42 : i32 to index
        %get3A_92 = arith.constant 32 : index
        %get3A_93 = tpu.vector_load %arg15[%get3A_91, %get3A_92] {strides = array<i32>} : memref<120x128xf32, #tpu.memory_space<vmem>>, vector<1x16xf32>,
        %get3A_94 = vector.shape_cast %get3A_93 : vector<1x16xf32> to vector<16xf32>
        %add3A_95 = arith.addf %get3A_94, %get3A_90 : vector<16xf32>
        %get3A_96 = arith.index_cast %scan3A_42 : i32 to index
        %get3A_97 = arith.constant 32 : index
        %get3A_98 = tpu.vector_load %arg14[%get3A_96, %get3A_97] {strides = array<i32>} : memref<120x128xf32, #tpu.memory_space<vmem>>, vector<1x16xf32>,
        %get3A_99 = vector.shape_cast %get3A_98 : vector<1x16xf32> to vector<16xf32>
        %exp3A_100 = math.exp %add3A_95 : vector<16xf32>
        %add3A_101 = arith.constant 1.000000e+00 : f32
        %add3A_102 = vector.broadcast %add3A_101 : f32 to vector<16xf32>
        %add3A_103 = arith.addf %add3A_102, %exp3A_100 : vector<16xf32>
        %div3A_104 = arith.divf %get3A_99, %add3A_103 : vector<16xf32>
        %add3A_105 = arith.addf %get3A_90, %div3A_104 : vector<16xf32>
        %swap3A_106 = arith.index_cast %scan3A_42 : i32 to index
        %swap3A_107 = arith.constant 96 : index
        %swap3A_108 = tpu.vector_load %arg13[%swap3A_106, %swap3A_107] {strides = array<i32>} : memref<120x128xf32, #tpu.memory_space<vmem>>, vector<1x16xf32>,
        %swap3A_109 = vector.shape_cast %swap3A_108 : vector<1x16xf32> to vector<16xf32>
        %swap3A_110 = vector.shape_cast %add3A_105 : vector<16xf32> to vector<1x16xf32>
        tpu.vector_store %arg13[%swap3A_106, %swap3A_107], %swap3A_110 {strides = array<i32>} : memref<120x128xf32, #tpu.memory_space<vmem>>, vector<1x16xf32>,
        %get3A_111 = arith.index_cast %scan3A_42 : i32 to index
        %get3A_112 = arith.constant 112 : index
        %get3A_113 = tpu.vector_load %arg13[%get3A_111, %get3A_112] {strides = array<i32>} : memref<120x128xf32, #tpu.memory_space<vmem>>, vector<1x16xf32>,
        %get3A_114 = vector.shape_cast %get3A_113 : vector<1x16xf32> to vector<16xf32>
        %get3A_115 = arith.index_cast %scan3A_42 : i32 to index
        %get3A_116 = arith.constant 48 : index
        %get3A_117 = tpu.vector_load %arg15[%get3A_115, %get3A_116] {strides = array<i32>} : memref<120x128xf32, #tpu.memory_space<vmem>>, vector<1x16xf32>,
        %get3A_118 = vector.shape_cast %get3A_117 : vector<1x16xf32> to vector<16xf32>
        %add3A_119 = arith.addf %get3A_118, %get3A_114 : vector<16xf32>
        %get3A_120 = arith.index_cast %scan3A_42 : i32 to index
        %get3A_121 = arith.constant 48 : index
        %get3A_122 = tpu.vector_load %arg14[%get3A_120, %get3A_121] {strides = array<i32>} : memref<120x128xf32, #tpu.memory_space<vmem>>, vector<1x16xf32>,
        %get3A_123 = vector.shape_cast %get3A_122 : vector<1x16xf32> to vector<16xf32>
        %exp3A_124 = math.exp %add3A_119 : vector<16xf32>
        %add3A_125 = arith.constant 1.000000e+00 : f32
        %add3A_126 = vector.broadcast %add3A_125 : f32 to vector<16xf32>
        %add3A_127 = arith.addf %add3A_126, %exp3A_124 : vector<16xf32>
        %div3A_128 = arith.divf %get3A_123, %add3A_127 : vector<16xf32>
        %add3A_129 = arith.addf %get3A_114, %div3A_128 : vector<16xf32>
        %swap3A_130 = arith.index_cast %scan3A_42 : i32 to index
        %swap3A_131 = arith.constant 112 : index
        %swap3A_132 = tpu.vector_load %arg13[%swap3A_130, %swap3A_131] {strides = array<i32>} : memref<120x128xf32, #tpu.memory_space<vmem>>, vector<1x16xf32>,
        %swap3A_133 = vector.shape_cast %swap3A_132 : vector<1x16xf32> to vector<16xf32>
        %swap3A_134 = vector.shape_cast %add3A_129 : vector<16xf32> to vector<1x16xf32>
        tpu.vector_store %arg13[%swap3A_130, %swap3A_131], %swap3A_134 {strides = array<i32>} : memref<120x128xf32, #tpu.memory_space<vmem>>, vector<1x16xf32>,
      }
      %scan3A_41 = arith.constant 120 : i32
      "tpu.region"() ({
        %run_scoped3A = tpu.sem_alloc : memref<!tpu.dma_semaphore, #tpu.memory_space<semaphore_mem>>
        %dma_start3A_42 = arith.constant 0 : i32
        %dma_start3A_43 = arith.constant 0 : i32
        %dma_start3A_44 = tpu.memref_slice %arg16[%dma_start3A_42, %dma_start3A_43] : memref<10240x128xf32, #tpu.memory_space<vmem_shared>> -> memref<10240x128xf32, #tpu.memory_space<vmem_shared>>
        tpu.enqueue_indirect_dma source(%arg13 : memref<120x128xf32, #tpu.memory_space<vmem>>) target(%dma_start3A_44 : memref<10240x128xf32, #tpu.memory_space<vmem_shared>>) offsets(%arg12 : memref<120xi32, #tpu.memory_space<vmem>>) semaphore(%run_scoped3A : memref<!tpu.dma_semaphore, #tpu.memory_space<semaphore_mem>>) {add = true}
        %dma_wait3A_45 = arith.constant 0 : i32
        %dma_wait3A_46 = arith.constant 0 : i32
        %dma_wait3A_47 = tpu.memref_slice %arg16[%dma_wait3A_45, %dma_wait3A_46] : memref<10240x128xf32, #tpu.memory_space<vmem_shared>> -> memref<10240x128xf32, #tpu.memory_space<vmem_shared>>
        tpu.wait_indirect_dma semaphore(%run_scoped3A : memref<!tpu.dma_semaphore, #tpu.memory_space<semaphore_mem>>) src(%arg13 : memref<120x128xf32, #tpu.memory_space<vmem>>) dst(%dma_wait3A_47 : memref<10240x128xf32, #tpu.memory_space<vmem_shared>>)
        tpu.yield
      }) : () -> ()
    }
    %scan3A_9 = arith.constant 167 : i32
    %barrier3A_10 = arith.constant 0 : index
    tpu.barrier barrier_id(%barrier3A_10)
    %mul3A_11 = arith.constant 10240 : i32
    %mul3A_12 = arith.muli %arg0, %mul3A_11 : i32
    %add3A_13 = arith.addi %mul3A_12, %mul3A_0 : i32
    "tpu.region"() ({
      %run_scoped3A = tpu.sem_alloc : memref<!tpu.dma_semaphore, #tpu.memory_space<semaphore_mem>>
      %dma_start3A = arith.constant 0 : i32
      %dma_start3A_14 = tpu.memref_slice %arg9[%add3A_13, %dma_start3A] : memref<20480x128xf32, #tpu.memory_space<hbm>> -> memref<640x128xf32, #tpu.memory_space<hbm>>
      %dma_start3A_15 = arith.constant 0 : i32
      %dma_start3A_16 = tpu.memref_slice %arg16[%mul3A_0, %dma_start3A_15] : memref<10240x128xf32, #tpu.memory_space<vmem_shared>> -> memref<640x128xf32, #tpu.memory_space<vmem_shared>>
      tpu.enqueue_dma source(%dma_start3A_16 : memref<640x128xf32, #tpu.memory_space<vmem_shared>>) target(%dma_start3A_14 : memref<640x128xf32, #tpu.memory_space<hbm>>) target_semaphore(%run_scoped3A : memref<!tpu.dma_semaphore, #tpu.memory_space<semaphore_mem>>)
      %dma_wait3A = arith.constant 0 : i32
      %dma_wait3A_17 = tpu.memref_slice %arg9[%add3A_13, %dma_wait3A] : memref<20480x128xf32, #tpu.memory_space<hbm>> -> memref<640x128xf32, #tpu.memory_space<hbm>>
      %dma_wait3A_18 = arith.constant 0 : i32
      %dma_wait3A_19 = tpu.memref_slice %arg16[%mul3A_0, %dma_wait3A_18] : memref<10240x128xf32, #tpu.memory_space<vmem_shared>> -> memref<640x128xf32, #tpu.memory_space<vmem_shared>>
      tpu.wait_dma2 semaphore(%run_scoped3A : memref<!tpu.dma_semaphore, #tpu.memory_space<semaphore_mem>>) src(%dma_wait3A_19 : memref<640x128xf32, #tpu.memory_space<vmem_shared>>) dst(%dma_wait3A_17 : memref<640x128xf32, #tpu.memory_space<hbm>>)
      tpu.yield
    }) : () -> ()
    return
  }
}

module attributes {stable_mosaic.version = 14 : i64} {
  func.func @_tc_init_body(%arg0: i32, %arg1: memref<1024x128xf32, #tpu.memory_space<vmem>>, %arg2: memref<128x384xf32, #tpu.memory_space<vmem>>, %arg3: memref<1x384xf32, #tpu.memory_space<vmem>>, %arg4: memref<128x128xf32, #tpu.memory_space<vmem>>, %arg5: memref<1x128xf32, #tpu.memory_space<vmem>>, %arg6: memref<128x128xf32, #tpu.memory_space<vmem>>, %arg7: memref<1024x384xf32, #tpu.memory_space<vmem>>, %arg8: memref<2x1024x128xf32, #tpu.memory_space<vmem>>, %arg9: memref<2x1024x128xf32, #tpu.memory_space<vmem>>, %arg10: memref<2x1024x128xf32, #tpu.memory_space<vmem>>) attributes {dimension_semantics = [#tpu.dimension_semantics<arbitrary>], iteration_bounds = array<i64: 10>, scalar_prefetch = 0 : i64, scratch_operands = 0 : i64, tpu.core_type = #tpu.core_type<tc>, window_params = [{transform_indices = @transform_0, window_bounds = array<i64: 1024, 128>}, {pipeline_mode = #tpu.pipeline_mode<synchronous>, transform_indices = @transform_1, window_bounds = array<i64: 128, 384>}, {pipeline_mode = #tpu.pipeline_mode<synchronous>, transform_indices = @transform_2, window_bounds = array<i64: 1, 384>}, {pipeline_mode = #tpu.pipeline_mode<synchronous>, transform_indices = @transform_3, window_bounds = array<i64: 128, 128>}, {pipeline_mode = #tpu.pipeline_mode<synchronous>, transform_indices = @transform_4, window_bounds = array<i64: 1, 128>}, {pipeline_mode = #tpu.pipeline_mode<synchronous>, transform_indices = @transform_5, window_bounds = array<i64: 128, 128>}, {transform_indices = @transform_6, window_bounds = array<i64: 1024, 384>}, {transform_indices = @transform_7, window_bounds = array<i64: 2, 1024, 128>}, {transform_indices = @transform_8, window_bounds = array<i64: 2, 1024, 128>}, {transform_indices = @transform_9, window_bounds = array<i64: 2, 1024, 128>}]} {
    %get3A = arith.constant 0 : index
    %get3A_0 = arith.constant 0 : index
    %get3A_1 = vector.load %arg1[%get3A, %get3A_0] : memref<1024x128xf32, #tpu.memory_space<vmem>>, vector<1024x128xf32>
    %get3A_2 = arith.constant 0 : index
    %get3A_3 = arith.constant 0 : index
    %get3A_4 = vector.load %arg2[%get3A_2, %get3A_3] : memref<128x384xf32, #tpu.memory_space<vmem>>, vector<128x384xf32>
    %dot_general3A = arith.constant dense<0.000000e+00> : vector<1024x384xf32>
    %dot_general3A_5 = tpu.matmul %get3A_1, %get3A_4, %dot_general3A {dimension_numbers = #tpu.dot_dimension_numbers<[1], [0], [0], [1], [0, 0, 1, 1], [], []>, transpose_lhs_hint = false} : vector<1024x128xf32>, vector<128x384xf32>, vector<1024x384xf32> -> vector<1024x384xf32>
    %get3A_6 = arith.constant 0 : index
    %get3A_7 = arith.constant 0 : index
    %get3A_8 = vector.load %arg3[%get3A_6, %get3A_7] : memref<1x384xf32, #tpu.memory_space<vmem>>, vector<1x384xf32>
    %add3A = vector.broadcast %get3A_8 : vector<1x384xf32> to vector<1024x384xf32>
    %add3A_9 = arith.addf %dot_general3A_5, %add3A : vector<1024x384xf32>
    %swap3A = arith.constant 0 : index
    %swap3A_10 = arith.constant 0 : index
    %swap3A_11 = vector.load %arg7[%swap3A, %swap3A_10] : memref<1024x384xf32, #tpu.memory_space<vmem>>, vector<1024x384xf32>
    tpu.vector_store %arg7[%swap3A, %swap3A_10], %add3A_9 {strides = array<i32>} : memref<1024x384xf32, #tpu.memory_space<vmem>>, vector<1024x384xf32>,
    %get3A_12 = arith.constant 0 : index
    %get3A_13 = arith.constant 0 : index
    %get3A_14 = vector.load %arg4[%get3A_12, %get3A_13] : memref<128x128xf32, #tpu.memory_space<vmem>>, vector<128x128xf32>
    %dot_general3A_15 = arith.constant dense<0.000000e+00> : vector<1024x128xf32>
    %dot_general3A_16 = tpu.matmul %get3A_1, %get3A_14, %dot_general3A_15 {dimension_numbers = #tpu.dot_dimension_numbers<[1], [0], [0], [1], [0, 0, 1, 1], [], []>, transpose_lhs_hint = false} : vector<1024x128xf32>, vector<128x128xf32>, vector<1024x128xf32> -> vector<1024x128xf32>
    %get3A_17 = arith.constant 0 : index
    %get3A_18 = arith.constant 0 : index
    %get3A_19 = vector.load %arg5[%get3A_17, %get3A_18] : memref<1x128xf32, #tpu.memory_space<vmem>>, vector<1x128xf32>
    %add3A_20 = vector.broadcast %get3A_19 : vector<1x128xf32> to vector<1024x128xf32>
    %add3A_21 = arith.addf %dot_general3A_16, %add3A_20 : vector<1024x128xf32>
    %slice3A = vector.extract_strided_slice %add3A_9 {offsets = [0, 0], sizes = [1024, 128], strides = [1, 1]} : vector<1024x384xf32> to vector<1024x128xf32>
    %logistic3A = arith.negf %slice3A : vector<1024x128xf32>
    %logistic3A_22 = math.exp %logistic3A : vector<1024x128xf32>
    %logistic3A_23 = arith.constant 1.000000e+00 : f32
    %logistic3A_24 = vector.broadcast %logistic3A_23 : f32 to vector<1024x128xf32>
    %logistic3A_25 = arith.addf %logistic3A_24, %logistic3A_22 : vector<1024x128xf32>
    %logistic3A_26 = arith.divf %logistic3A_24, %logistic3A_25 : vector<1024x128xf32>
    %slice3A_27 = vector.extract_strided_slice %add3A_9 {offsets = [0, 128], sizes = [1024, 128], strides = [1, 1]} : vector<1024x384xf32> to vector<1024x128xf32>
    %logistic3A_28 = arith.negf %slice3A_27 : vector<1024x128xf32>
    %logistic3A_29 = math.exp %logistic3A_28 : vector<1024x128xf32>
    %logistic3A_30 = arith.constant 1.000000e+00 : f32
    %logistic3A_31 = vector.broadcast %logistic3A_30 : f32 to vector<1024x128xf32>
    %logistic3A_32 = arith.addf %logistic3A_31, %logistic3A_29 : vector<1024x128xf32>
    %logistic3A_33 = arith.divf %logistic3A_31, %logistic3A_32 : vector<1024x128xf32>
    %slice3A_34 = vector.extract_strided_slice %add3A_9 {offsets = [0, 256], sizes = [1024, 128], strides = [1, 1]} : vector<1024x384xf32> to vector<1024x128xf32>
    %tanh3A = math.tanh %slice3A_34 : vector<1024x128xf32>
    %mul3A = arith.mulf %logistic3A_26, %tanh3A : vector<1024x128xf32>
    %tanh3A_35 = math.tanh %mul3A : vector<1024x128xf32>
    %mul3A_36 = arith.mulf %logistic3A_33, %tanh3A_35 : vector<1024x128xf32>
    %get3A_37 = arith.constant 0 : index
    %get3A_38 = arith.constant 0 : index
    %get3A_39 = vector.load %arg6[%get3A_37, %get3A_38] : memref<128x128xf32, #tpu.memory_space<vmem>>, vector<128x128xf32>
    %neg3A = arith.constant 0.000000e+00 : f32
    %neg3A_40 = vector.broadcast %neg3A : f32 to vector<128x128xf32>
    %neg3A_41 = arith.subf %neg3A_40, %get3A_39 : vector<128x128xf32>
    %dot_general3A_42 = arith.constant dense<0.000000e+00> : vector<1024x128xf32>
    %dot_general3A_43 = tpu.matmul %mul3A_36, %neg3A_41, %dot_general3A_42 {dimension_numbers = #tpu.dot_dimension_numbers<[1], [0], [0], [1], [0, 0, 1, 1], [], []>, transpose_lhs_hint = false} : vector<1024x128xf32>, vector<128x128xf32>, vector<1024x128xf32> -> vector<1024x128xf32>
    %neg3A_44 = arith.constant 0.000000e+00 : f32
    %neg3A_45 = vector.broadcast %neg3A_44 : f32 to vector<1024x128xf32>
    %neg3A_46 = arith.subf %neg3A_45, %add3A_21 : vector<1024x128xf32>
    %swap3A_47 = arith.constant 0 : index
    %swap3A_48 = arith.constant 0 : index
    %swap3A_49 = arith.constant 0 : index
    %swap3A_50 = vector.load %arg8[%swap3A_47, %swap3A_48, %swap3A_49] : memref<2x1024x128xf32, #tpu.memory_space<vmem>>, vector<1x1024x128xf32>
    %swap3A_51 = vector.shape_cast %swap3A_50 : vector<1x1024x128xf32> to vector<1024x128xf32>
    %swap3A_52 = vector.shape_cast %neg3A_46 : vector<1024x128xf32> to vector<1x1024x128xf32>
    tpu.vector_store %arg8[%swap3A_47, %swap3A_48, %swap3A_49], %swap3A_52 {strides = array<i32>} : memref<2x1024x128xf32, #tpu.memory_space<vmem>>, vector<1x1024x128xf32>,
    %slice3A_53 = vector.extract_strided_slice %add3A_21 {offsets = [0, 64], sizes = [1024, 64], strides = [1, 1]} : vector<1024x128xf32> to vector<1024x64xf32>
    %neg3A_54 = arith.constant 0.000000e+00 : f32
    %neg3A_55 = vector.broadcast %neg3A_54 : f32 to vector<1024x64xf32>
    %neg3A_56 = arith.subf %neg3A_55, %slice3A_53 : vector<1024x64xf32>
    %slice3A_57 = vector.extract_strided_slice %add3A_21 {offsets = [0, 0], sizes = [1024, 64], strides = [1, 1]} : vector<1024x128xf32> to vector<1024x64xf32>
    %neg3A_58 = arith.constant 0.000000e+00 : f32
    %neg3A_59 = vector.broadcast %neg3A_58 : f32 to vector<1024x64xf32>
    %neg3A_60 = arith.subf %neg3A_59, %slice3A_57 : vector<1024x64xf32>
    %concatenate3A = tpu.concatenate %neg3A_56, %neg3A_60 in 1 : vector<1024x64xf32>, vector<1024x64xf32> -> vector<1024x128xf32>
    %swap3A_61 = arith.constant 1 : index
    %swap3A_62 = arith.constant 0 : index
    %swap3A_63 = arith.constant 0 : index
    %swap3A_64 = vector.load %arg8[%swap3A_61, %swap3A_62, %swap3A_63] : memref<2x1024x128xf32, #tpu.memory_space<vmem>>, vector<1x1024x128xf32>
    %swap3A_65 = vector.shape_cast %swap3A_64 : vector<1x1024x128xf32> to vector<1024x128xf32>
    %swap3A_66 = vector.shape_cast %concatenate3A : vector<1024x128xf32> to vector<1x1024x128xf32>
    tpu.vector_store %arg8[%swap3A_61, %swap3A_62, %swap3A_63], %swap3A_66 {strides = array<i32>} : memref<2x1024x128xf32, #tpu.memory_space<vmem>>, vector<1x1024x128xf32>,
    %slice3A_67 = vector.extract_strided_slice %mul3A_36 {offsets = [0, 0], sizes = [1024, 64], strides = [1, 1]} : vector<1024x128xf32> to vector<1024x64xf32>
    %slice3A_68 = vector.extract_strided_slice %dot_general3A_43 {offsets = [0, 0], sizes = [1024, 64], strides = [1, 1]} : vector<1024x128xf32> to vector<1024x64xf32>
    %concatenate3A_69 = tpu.concatenate %slice3A_67, %slice3A_68 in 1 : vector<1024x64xf32>, vector<1024x64xf32> -> vector<1024x128xf32>
    %swap3A_70 = arith.constant 0 : index
    %swap3A_71 = arith.constant 0 : index
    %swap3A_72 = arith.constant 0 : index
    %swap3A_73 = vector.load %arg9[%swap3A_70, %swap3A_71, %swap3A_72] : memref<2x1024x128xf32, #tpu.memory_space<vmem>>, vector<1x1024x128xf32>
    %swap3A_74 = vector.shape_cast %swap3A_73 : vector<1x1024x128xf32> to vector<1024x128xf32>
    %swap3A_75 = vector.shape_cast %concatenate3A_69 : vector<1024x128xf32> to vector<1x1024x128xf32>
    tpu.vector_store %arg9[%swap3A_70, %swap3A_71, %swap3A_72], %swap3A_75 {strides = array<i32>} : memref<2x1024x128xf32, #tpu.memory_space<vmem>>, vector<1x1024x128xf32>,
    %slice3A_76 = vector.extract_strided_slice %mul3A_36 {offsets = [0, 64], sizes = [1024, 64], strides = [1, 1]} : vector<1024x128xf32> to vector<1024x64xf32>
    %slice3A_77 = vector.extract_strided_slice %dot_general3A_43 {offsets = [0, 64], sizes = [1024, 64], strides = [1, 1]} : vector<1024x128xf32> to vector<1024x64xf32>
    %concatenate3A_78 = tpu.concatenate %slice3A_76, %slice3A_77 in 1 : vector<1024x64xf32>, vector<1024x64xf32> -> vector<1024x128xf32>
    %swap3A_79 = arith.constant 1 : index
    %swap3A_80 = arith.constant 0 : index
    %swap3A_81 = arith.constant 0 : index
    %swap3A_82 = vector.load %arg9[%swap3A_79, %swap3A_80, %swap3A_81] : memref<2x1024x128xf32, #tpu.memory_space<vmem>>, vector<1x1024x128xf32>
    %swap3A_83 = vector.shape_cast %swap3A_82 : vector<1x1024x128xf32> to vector<1024x128xf32>
    %swap3A_84 = vector.shape_cast %concatenate3A_78 : vector<1024x128xf32> to vector<1x1024x128xf32>
    tpu.vector_store %arg9[%swap3A_79, %swap3A_80, %swap3A_81], %swap3A_84 {strides = array<i32>} : memref<2x1024x128xf32, #tpu.memory_space<vmem>>, vector<1x1024x128xf32>,
    %swap3A_85 = arith.constant 0 : index
    %swap3A_86 = arith.constant 0 : index
    %swap3A_87 = arith.constant 0 : index
    %swap3A_88 = vector.load %arg10[%swap3A_85, %swap3A_86, %swap3A_87] : memref<2x1024x128xf32, #tpu.memory_space<vmem>>, vector<1x1024x128xf32>
    %swap3A_89 = vector.shape_cast %swap3A_88 : vector<1x1024x128xf32> to vector<1024x128xf32>
    %swap3A_90 = vector.shape_cast %mul3A : vector<1024x128xf32> to vector<1x1024x128xf32>
    tpu.vector_store %arg10[%swap3A_85, %swap3A_86, %swap3A_87], %swap3A_90 {strides = array<i32>} : memref<2x1024x128xf32, #tpu.memory_space<vmem>>, vector<1x1024x128xf32>,
    %slice3A_91 = vector.extract_strided_slice %mul3A {offsets = [0, 64], sizes = [1024, 64], strides = [1, 1]} : vector<1024x128xf32> to vector<1024x64xf32>
    %slice3A_92 = vector.extract_strided_slice %mul3A {offsets = [0, 0], sizes = [1024, 64], strides = [1, 1]} : vector<1024x128xf32> to vector<1024x64xf32>
    %concatenate3A_93 = tpu.concatenate %slice3A_91, %slice3A_92 in 1 : vector<1024x64xf32>, vector<1024x64xf32> -> vector<1024x128xf32>
    %swap3A_94 = arith.constant 1 : index
    %swap3A_95 = arith.constant 0 : index
    %swap3A_96 = arith.constant 0 : index
    %swap3A_97 = vector.load %arg10[%swap3A_94, %swap3A_95, %swap3A_96] : memref<2x1024x128xf32, #tpu.memory_space<vmem>>, vector<1x1024x128xf32>
    %swap3A_98 = vector.shape_cast %swap3A_97 : vector<1x1024x128xf32> to vector<1024x128xf32>
    %swap3A_99 = vector.shape_cast %concatenate3A_93 : vector<1024x128xf32> to vector<1x1024x128xf32>
    tpu.vector_store %arg10[%swap3A_94, %swap3A_95, %swap3A_96], %swap3A_99 {strides = array<i32>} : memref<2x1024x128xf32, #tpu.memory_space<vmem>>, vector<1x1024x128xf32>,
    return
  }
  func.func @transform_0(%arg0: i32) -> (i32, i32) {
    %c0_i32 = arith.constant 0 : i32
    %c0_i32_0 = arith.constant 0 : i32
    return %arg0, %c0_i32 : i32, i32
  }
  func.func @transform_1(%arg0: i32) -> (i32, i32) {
    %c0_i32 = arith.constant 0 : i32
    %c0_i32_0 = arith.constant 0 : i32
    %c0_i32_1 = arith.constant 0 : i32
    return %c0_i32, %c0_i32_0 : i32, i32
  }
  func.func @transform_2(%arg0: i32) -> (i32, i32) {
    %c0_i32 = arith.constant 0 : i32
    %c0_i32_0 = arith.constant 0 : i32
    %c0_i32_1 = arith.constant 0 : i32
    return %c0_i32, %c0_i32_0 : i32, i32
  }
  func.func @transform_3(%arg0: i32) -> (i32, i32) {
    %c0_i32 = arith.constant 0 : i32
    %c0_i32_0 = arith.constant 0 : i32
    %c0_i32_1 = arith.constant 0 : i32
    return %c0_i32, %c0_i32_0 : i32, i32
  }
  func.func @transform_4(%arg0: i32) -> (i32, i32) {
    %c0_i32 = arith.constant 0 : i32
    %c0_i32_0 = arith.constant 0 : i32
    %c0_i32_1 = arith.constant 0 : i32
    return %c0_i32, %c0_i32_0 : i32, i32
  }
  func.func @transform_5(%arg0: i32) -> (i32, i32) {
    %c0_i32 = arith.constant 0 : i32
    %c0_i32_0 = arith.constant 0 : i32
    %c0_i32_1 = arith.constant 0 : i32
    return %c0_i32, %c0_i32_0 : i32, i32
  }
  func.func @transform_6(%arg0: i32) -> (i32, i32) {
    %c0_i32 = arith.constant 0 : i32
    %c0_i32_0 = arith.constant 0 : i32
    return %arg0, %c0_i32 : i32, i32
  }
  func.func @transform_7(%arg0: i32) -> (i32, i32, i32) {
    %c0_i32 = arith.constant 0 : i32
    %c0_i32_0 = arith.constant 0 : i32
    %c0_i32_1 = arith.constant 0 : i32
    return %c0_i32, %arg0, %c0_i32_0 : i32, i32, i32
  }
  func.func @transform_8(%arg0: i32) -> (i32, i32, i32) {
    %c0_i32 = arith.constant 0 : i32
    %c0_i32_0 = arith.constant 0 : i32
    %c0_i32_1 = arith.constant 0 : i32
    return %c0_i32, %arg0, %c0_i32_0 : i32, i32, i32
  }
  func.func @transform_9(%arg0: i32) -> (i32, i32, i32) {
    %c0_i32 = arith.constant 0 : i32
    %c0_i32_0 = arith.constant 0 : i32
    %c0_i32_1 = arith.constant 0 : i32
    return %c0_i32, %arg0, %c0_i32_0 : i32, i32, i32
  }
}

module attributes {stable_mosaic.version = 14 : i64} {
  func.func @_tc_step_body(%arg0: i32, %arg1: memref<1024x384xf32, #tpu.memory_space<vmem>>, %arg2: memref<2x1024x128xf32, #tpu.memory_space<vmem>>, %arg3: memref<128x384xf32, #tpu.memory_space<vmem>>, %arg4: memref<128x128xf32, #tpu.memory_space<vmem>>, %arg5: memref<2x1024x128xf32, #tpu.memory_space<vmem>>, %arg6: memref<2x1024x128xf32, #tpu.memory_space<vmem>>) attributes {dimension_semantics = [#tpu.dimension_semantics<arbitrary>], iteration_bounds = array<i64: 10>, scalar_prefetch = 0 : i64, scratch_operands = 0 : i64, tpu.core_type = #tpu.core_type<tc>, window_params = [{transform_indices = @transform_0, window_bounds = array<i64: 1024, 384>}, {transform_indices = @transform_1, window_bounds = array<i64: 2, 1024, 128>}, {pipeline_mode = #tpu.pipeline_mode<synchronous>, transform_indices = @transform_2, window_bounds = array<i64: 128, 384>}, {pipeline_mode = #tpu.pipeline_mode<synchronous>, transform_indices = @transform_3, window_bounds = array<i64: 128, 128>}, {transform_indices = @transform_4, window_bounds = array<i64: 2, 1024, 128>}, {transform_indices = @transform_5, window_bounds = array<i64: 2, 1024, 128>}]} {
    %get3A = arith.constant 0 : index
    %get3A_0 = arith.constant 0 : index
    %get3A_1 = arith.constant 0 : index
    %get3A_2 = vector.load %arg2[%get3A, %get3A_0, %get3A_1] : memref<2x1024x128xf32, #tpu.memory_space<vmem>>, vector<1x1024x128xf32>
    %get3A_3 = vector.shape_cast %get3A_2 : vector<1x1024x128xf32> to vector<1024x128xf32>
    %get3A_4 = arith.constant 1 : index
    %get3A_5 = arith.constant 0 : index
    %get3A_6 = arith.constant 0 : index
    %get3A_7 = vector.load %arg2[%get3A_4, %get3A_5, %get3A_6] : memref<2x1024x128xf32, #tpu.memory_space<vmem>>, vector<1x1024x128xf32>
    %get3A_8 = vector.shape_cast %get3A_7 : vector<1x1024x128xf32> to vector<1024x128xf32>
    %slice3A = vector.extract_strided_slice %get3A_3 {offsets = [0, 0], sizes = [1024, 64], strides = [1, 1]} : vector<1024x128xf32> to vector<1024x64xf32>
    %slice3A_9 = vector.extract_strided_slice %get3A_8 {offsets = [0, 0], sizes = [1024, 64], strides = [1, 1]} : vector<1024x128xf32> to vector<1024x64xf32>
    %concatenate3A = tpu.concatenate %slice3A, %slice3A_9 in 1 : vector<1024x64xf32>, vector<1024x64xf32> -> vector<1024x128xf32>
    %slice3A_10 = vector.extract_strided_slice %get3A_3 {offsets = [0, 64], sizes = [1024, 64], strides = [1, 1]} : vector<1024x128xf32> to vector<1024x64xf32>
    %slice3A_11 = vector.extract_strided_slice %get3A_8 {offsets = [0, 64], sizes = [1024, 64], strides = [1, 1]} : vector<1024x128xf32> to vector<1024x64xf32>
    %concatenate3A_12 = tpu.concatenate %slice3A_10, %slice3A_11 in 1 : vector<1024x64xf32>, vector<1024x64xf32> -> vector<1024x128xf32>
    %get3A_13 = arith.constant 0 : index
    %get3A_14 = arith.constant 0 : index
    %get3A_15 = vector.load %arg4[%get3A_13, %get3A_14] : memref<128x128xf32, #tpu.memory_space<vmem>>, vector<128x128xf32>
    %dot_general3A = arith.constant dense<0.000000e+00> : vector<1024x128xf32>
    %dot_general3A_16 = tpu.matmul %concatenate3A, %get3A_15, %dot_general3A {dimension_numbers = #tpu.dot_dimension_numbers<[1], [0], [0], [1], [0, 0, 1, 1], [], []>, transpose_lhs_hint = false} : vector<1024x128xf32>, vector<128x128xf32>, vector<1024x128xf32> -> vector<1024x128xf32>
    %add3A = arith.addf %concatenate3A_12, %dot_general3A_16 : vector<1024x128xf32>
    %get3A_17 = arith.constant 0 : index
    %get3A_18 = arith.constant 0 : index
    %get3A_19 = vector.load %arg1[%get3A_17, %get3A_18] : memref<1024x384xf32, #tpu.memory_space<vmem>>, vector<1024x384xf32>
    %get3A_20 = arith.constant 0 : index
    %get3A_21 = arith.constant 0 : index
    %get3A_22 = vector.load %arg3[%get3A_20, %get3A_21] : memref<128x384xf32, #tpu.memory_space<vmem>>, vector<128x384xf32>
    %dot_general3A_23 = arith.constant dense<0.000000e+00> : vector<1024x384xf32>
    %dot_general3A_24 = tpu.matmul %concatenate3A, %get3A_22, %dot_general3A_23 {dimension_numbers = #tpu.dot_dimension_numbers<[1], [0], [0], [1], [0, 0, 1, 1], [], []>, transpose_lhs_hint = false} : vector<1024x128xf32>, vector<128x384xf32>, vector<1024x384xf32> -> vector<1024x384xf32>
    %add3A_25 = arith.addf %get3A_19, %dot_general3A_24 : vector<1024x384xf32>
    %slice3A_26 = vector.extract_strided_slice %add3A_25 {offsets = [0, 0], sizes = [1024, 128], strides = [1, 1]} : vector<1024x384xf32> to vector<1024x128xf32>
    %logistic3A = arith.negf %slice3A_26 : vector<1024x128xf32>
    %logistic3A_27 = math.exp %logistic3A : vector<1024x128xf32>
    %logistic3A_28 = arith.constant 1.000000e+00 : f32
    %logistic3A_29 = vector.broadcast %logistic3A_28 : f32 to vector<1024x128xf32>
    %logistic3A_30 = arith.addf %logistic3A_29, %logistic3A_27 : vector<1024x128xf32>
    %logistic3A_31 = arith.divf %logistic3A_29, %logistic3A_30 : vector<1024x128xf32>
    %slice3A_32 = vector.extract_strided_slice %add3A_25 {offsets = [0, 128], sizes = [1024, 128], strides = [1, 1]} : vector<1024x384xf32> to vector<1024x128xf32>
    %logistic3A_33 = arith.negf %slice3A_32 : vector<1024x128xf32>
    %logistic3A_34 = math.exp %logistic3A_33 : vector<1024x128xf32>
    %logistic3A_35 = arith.constant 1.000000e+00 : f32
    %logistic3A_36 = vector.broadcast %logistic3A_35 : f32 to vector<1024x128xf32>
    %logistic3A_37 = arith.addf %logistic3A_36, %logistic3A_34 : vector<1024x128xf32>
    %logistic3A_38 = arith.divf %logistic3A_36, %logistic3A_37 : vector<1024x128xf32>
    %slice3A_39 = vector.extract_strided_slice %add3A_25 {offsets = [0, 256], sizes = [1024, 128], strides = [1, 1]} : vector<1024x384xf32> to vector<1024x128xf32>
    %tanh3A = math.tanh %slice3A_39 : vector<1024x128xf32>
    %mul3A = arith.mulf %logistic3A_31, %tanh3A : vector<1024x128xf32>
    %add3A_40 = arith.addf %mul3A, %add3A : vector<1024x128xf32>
    %tanh3A_41 = math.tanh %add3A_40 : vector<1024x128xf32>
    %mul3A_42 = arith.mulf %logistic3A_38, %tanh3A_41 : vector<1024x128xf32>
    %get3A_43 = arith.constant 0 : index
    %get3A_44 = arith.constant 0 : index
    %get3A_45 = vector.load %arg4[%get3A_43, %get3A_44] : memref<128x128xf32, #tpu.memory_space<vmem>>, vector<128x128xf32>
    %neg3A = arith.constant 0.000000e+00 : f32
    %neg3A_46 = vector.broadcast %neg3A : f32 to vector<128x128xf32>
    %neg3A_47 = arith.subf %neg3A_46, %get3A_45 : vector<128x128xf32>
    %dot_general3A_48 = arith.constant dense<0.000000e+00> : vector<1024x128xf32>
    %dot_general3A_49 = tpu.matmul %mul3A_42, %neg3A_47, %dot_general3A_48 {dimension_numbers = #tpu.dot_dimension_numbers<[1], [0], [0], [1], [0, 0, 1, 1], [], []>, transpose_lhs_hint = false} : vector<1024x128xf32>, vector<128x128xf32>, vector<1024x128xf32> -> vector<1024x128xf32>
    %slice3A_50 = vector.extract_strided_slice %mul3A_42 {offsets = [0, 0], sizes = [1024, 64], strides = [1, 1]} : vector<1024x128xf32> to vector<1024x64xf32>
    %slice3A_51 = vector.extract_strided_slice %dot_general3A_49 {offsets = [0, 0], sizes = [1024, 64], strides = [1, 1]} : vector<1024x128xf32> to vector<1024x64xf32>
    %concatenate3A_52 = tpu.concatenate %slice3A_50, %slice3A_51 in 1 : vector<1024x64xf32>, vector<1024x64xf32> -> vector<1024x128xf32>
    %swap3A = arith.constant 0 : index
    %swap3A_53 = arith.constant 0 : index
    %swap3A_54 = arith.constant 0 : index
    %swap3A_55 = vector.load %arg5[%swap3A, %swap3A_53, %swap3A_54] : memref<2x1024x128xf32, #tpu.memory_space<vmem>>, vector<1x1024x128xf32>
    %swap3A_56 = vector.shape_cast %swap3A_55 : vector<1x1024x128xf32> to vector<1024x128xf32>
    %swap3A_57 = vector.shape_cast %concatenate3A_52 : vector<1024x128xf32> to vector<1x1024x128xf32>
    tpu.vector_store %arg5[%swap3A, %swap3A_53, %swap3A_54], %swap3A_57 {strides = array<i32>} : memref<2x1024x128xf32, #tpu.memory_space<vmem>>, vector<1x1024x128xf32>,
    %slice3A_58 = vector.extract_strided_slice %mul3A_42 {offsets = [0, 64], sizes = [1024, 64], strides = [1, 1]} : vector<1024x128xf32> to vector<1024x64xf32>
    %slice3A_59 = vector.extract_strided_slice %dot_general3A_49 {offsets = [0, 64], sizes = [1024, 64], strides = [1, 1]} : vector<1024x128xf32> to vector<1024x64xf32>
    %concatenate3A_60 = tpu.concatenate %slice3A_58, %slice3A_59 in 1 : vector<1024x64xf32>, vector<1024x64xf32> -> vector<1024x128xf32>
    %swap3A_61 = arith.constant 1 : index
    %swap3A_62 = arith.constant 0 : index
    %swap3A_63 = arith.constant 0 : index
    %swap3A_64 = vector.load %arg5[%swap3A_61, %swap3A_62, %swap3A_63] : memref<2x1024x128xf32, #tpu.memory_space<vmem>>, vector<1x1024x128xf32>
    %swap3A_65 = vector.shape_cast %swap3A_64 : vector<1x1024x128xf32> to vector<1024x128xf32>
    %swap3A_66 = vector.shape_cast %concatenate3A_60 : vector<1024x128xf32> to vector<1x1024x128xf32>
    tpu.vector_store %arg5[%swap3A_61, %swap3A_62, %swap3A_63], %swap3A_66 {strides = array<i32>} : memref<2x1024x128xf32, #tpu.memory_space<vmem>>, vector<1x1024x128xf32>,
    %swap3A_67 = arith.constant 0 : index
    %swap3A_68 = arith.constant 0 : index
    %swap3A_69 = arith.constant 0 : index
    %swap3A_70 = vector.load %arg6[%swap3A_67, %swap3A_68, %swap3A_69] : memref<2x1024x128xf32, #tpu.memory_space<vmem>>, vector<1x1024x128xf32>
    %swap3A_71 = vector.shape_cast %swap3A_70 : vector<1x1024x128xf32> to vector<1024x128xf32>
    %swap3A_72 = vector.shape_cast %add3A_40 : vector<1024x128xf32> to vector<1x1024x128xf32>
    tpu.vector_store %arg6[%swap3A_67, %swap3A_68, %swap3A_69], %swap3A_72 {strides = array<i32>} : memref<2x1024x128xf32, #tpu.memory_space<vmem>>, vector<1x1024x128xf32>,
    %slice3A_73 = vector.extract_strided_slice %add3A_40 {offsets = [0, 64], sizes = [1024, 64], strides = [1, 1]} : vector<1024x128xf32> to vector<1024x64xf32>
    %slice3A_74 = vector.extract_strided_slice %add3A_40 {offsets = [0, 0], sizes = [1024, 64], strides = [1, 1]} : vector<1024x128xf32> to vector<1024x64xf32>
    %concatenate3A_75 = tpu.concatenate %slice3A_73, %slice3A_74 in 1 : vector<1024x64xf32>, vector<1024x64xf32> -> vector<1024x128xf32>
    %swap3A_76 = arith.constant 1 : index
    %swap3A_77 = arith.constant 0 : index
    %swap3A_78 = arith.constant 0 : index
    %swap3A_79 = vector.load %arg6[%swap3A_76, %swap3A_77, %swap3A_78] : memref<2x1024x128xf32, #tpu.memory_space<vmem>>, vector<1x1024x128xf32>
    %swap3A_80 = vector.shape_cast %swap3A_79 : vector<1x1024x128xf32> to vector<1024x128xf32>
    %swap3A_81 = vector.shape_cast %concatenate3A_75 : vector<1024x128xf32> to vector<1x1024x128xf32>
    tpu.vector_store %arg6[%swap3A_76, %swap3A_77, %swap3A_78], %swap3A_81 {strides = array<i32>} : memref<2x1024x128xf32, #tpu.memory_space<vmem>>, vector<1x1024x128xf32>,
    return
  }
  func.func @transform_0(%arg0: i32) -> (i32, i32) {
    %c0_i32 = arith.constant 0 : i32
    %c0_i32_0 = arith.constant 0 : i32
    return %arg0, %c0_i32 : i32, i32
  }
  func.func @transform_1(%arg0: i32) -> (i32, i32, i32) {
    %c0_i32 = arith.constant 0 : i32
    %c0_i32_0 = arith.constant 0 : i32
    %c0_i32_1 = arith.constant 0 : i32
    return %c0_i32, %arg0, %c0_i32_0 : i32, i32, i32
  }
  func.func @transform_2(%arg0: i32) -> (i32, i32) {
    %c0_i32 = arith.constant 0 : i32
    %c0_i32_0 = arith.constant 0 : i32
    %c0_i32_1 = arith.constant 0 : i32
    return %c0_i32, %c0_i32_0 : i32, i32
  }
  func.func @transform_3(%arg0: i32) -> (i32, i32) {
    %c0_i32 = arith.constant 0 : i32
    %c0_i32_0 = arith.constant 0 : i32
    %c0_i32_1 = arith.constant 0 : i32
    return %c0_i32, %c0_i32_0 : i32, i32
  }
  func.func @transform_4(%arg0: i32) -> (i32, i32, i32) {
    %c0_i32 = arith.constant 0 : i32
    %c0_i32_0 = arith.constant 0 : i32
    %c0_i32_1 = arith.constant 0 : i32
    return %c0_i32, %arg0, %c0_i32_0 : i32, i32, i32
  }
  func.func @transform_5(%arg0: i32) -> (i32, i32, i32) {
    %c0_i32 = arith.constant 0 : i32
    %c0_i32_0 = arith.constant 0 : i32
    %c0_i32_1 = arith.constant 0 : i32
    return %c0_i32, %arg0, %c0_i32_0 : i32, i32, i32
  }
}

module attributes {stable_mosaic.version = 14 : i64} {
  func.func @_tc_step_body(%arg0: i32, %arg1: memref<1024x384xf32, #tpu.memory_space<vmem>>, %arg2: memref<2x1024x128xf32, #tpu.memory_space<vmem>>, %arg3: memref<128x384xf32, #tpu.memory_space<vmem>>, %arg4: memref<128x128xf32, #tpu.memory_space<vmem>>, %arg5: memref<2x1024x128xf32, #tpu.memory_space<vmem>>, %arg6: memref<2x1024x128xf32, #tpu.memory_space<vmem>>) attributes {dimension_semantics = [#tpu.dimension_semantics<arbitrary>], iteration_bounds = array<i64: 10>, scalar_prefetch = 0 : i64, scratch_operands = 0 : i64, tpu.core_type = #tpu.core_type<tc>, window_params = [{transform_indices = @transform_0, window_bounds = array<i64: 1024, 384>}, {transform_indices = @transform_1, window_bounds = array<i64: 2, 1024, 128>}, {pipeline_mode = #tpu.pipeline_mode<synchronous>, transform_indices = @transform_2, window_bounds = array<i64: 128, 384>}, {pipeline_mode = #tpu.pipeline_mode<synchronous>, transform_indices = @transform_3, window_bounds = array<i64: 128, 128>}, {transform_indices = @transform_4, window_bounds = array<i64: 2, 1024, 128>}, {transform_indices = @transform_5, window_bounds = array<i64: 2, 1024, 128>}]} {
    %get3A = arith.constant 0 : index
    %get3A_0 = arith.constant 0 : index
    %get3A_1 = arith.constant 0 : index
    %get3A_2 = vector.load %arg2[%get3A, %get3A_0, %get3A_1] : memref<2x1024x128xf32, #tpu.memory_space<vmem>>, vector<1x1024x128xf32>
    %get3A_3 = vector.shape_cast %get3A_2 : vector<1x1024x128xf32> to vector<1024x128xf32>
    %get3A_4 = arith.constant 1 : index
    %get3A_5 = arith.constant 0 : index
    %get3A_6 = arith.constant 0 : index
    %get3A_7 = vector.load %arg2[%get3A_4, %get3A_5, %get3A_6] : memref<2x1024x128xf32, #tpu.memory_space<vmem>>, vector<1x1024x128xf32>
    %get3A_8 = vector.shape_cast %get3A_7 : vector<1x1024x128xf32> to vector<1024x128xf32>
    %slice3A = vector.extract_strided_slice %get3A_3 {offsets = [0, 0], sizes = [1024, 64], strides = [1, 1]} : vector<1024x128xf32> to vector<1024x64xf32>
    %slice3A_9 = vector.extract_strided_slice %get3A_8 {offsets = [0, 0], sizes = [1024, 64], strides = [1, 1]} : vector<1024x128xf32> to vector<1024x64xf32>
    %concatenate3A = tpu.concatenate %slice3A, %slice3A_9 in 1 : vector<1024x64xf32>, vector<1024x64xf32> -> vector<1024x128xf32>
    %slice3A_10 = vector.extract_strided_slice %get3A_3 {offsets = [0, 64], sizes = [1024, 64], strides = [1, 1]} : vector<1024x128xf32> to vector<1024x64xf32>
    %slice3A_11 = vector.extract_strided_slice %get3A_8 {offsets = [0, 64], sizes = [1024, 64], strides = [1, 1]} : vector<1024x128xf32> to vector<1024x64xf32>
    %concatenate3A_12 = tpu.concatenate %slice3A_10, %slice3A_11 in 1 : vector<1024x64xf32>, vector<1024x64xf32> -> vector<1024x128xf32>
    %get3A_13 = arith.constant 0 : index
    %get3A_14 = arith.constant 0 : index
    %get3A_15 = vector.load %arg4[%get3A_13, %get3A_14] : memref<128x128xf32, #tpu.memory_space<vmem>>, vector<128x128xf32>
    %dot_general3A = arith.constant dense<0.000000e+00> : vector<1024x128xf32>
    %dot_general3A_16 = tpu.matmul %concatenate3A, %get3A_15, %dot_general3A {dimension_numbers = #tpu.dot_dimension_numbers<[1], [0], [0], [1], [0, 0, 1, 1], [], []>, transpose_lhs_hint = false} : vector<1024x128xf32>, vector<128x128xf32>, vector<1024x128xf32> -> vector<1024x128xf32>
    %add3A = arith.addf %concatenate3A_12, %dot_general3A_16 : vector<1024x128xf32>
    %get3A_17 = arith.constant 0 : index
    %get3A_18 = arith.constant 0 : index
    %get3A_19 = vector.load %arg1[%get3A_17, %get3A_18] : memref<1024x384xf32, #tpu.memory_space<vmem>>, vector<1024x384xf32>
    %get3A_20 = arith.constant 0 : index
    %get3A_21 = arith.constant 0 : index
    %get3A_22 = vector.load %arg3[%get3A_20, %get3A_21] : memref<128x384xf32, #tpu.memory_space<vmem>>, vector<128x384xf32>
    %dot_general3A_23 = arith.constant dense<0.000000e+00> : vector<1024x384xf32>
    %dot_general3A_24 = tpu.matmul %concatenate3A, %get3A_22, %dot_general3A_23 {dimension_numbers = #tpu.dot_dimension_numbers<[1], [0], [0], [1], [0, 0, 1, 1], [], []>, transpose_lhs_hint = false} : vector<1024x128xf32>, vector<128x384xf32>, vector<1024x384xf32> -> vector<1024x384xf32>
    %add3A_25 = arith.addf %get3A_19, %dot_general3A_24 : vector<1024x384xf32>
    %slice3A_26 = vector.extract_strided_slice %add3A_25 {offsets = [0, 0], sizes = [1024, 128], strides = [1, 1]} : vector<1024x384xf32> to vector<1024x128xf32>
    %logistic3A = arith.negf %slice3A_26 : vector<1024x128xf32>
    %logistic3A_27 = math.exp %logistic3A : vector<1024x128xf32>
    %logistic3A_28 = arith.constant 1.000000e+00 : f32
    %logistic3A_29 = vector.broadcast %logistic3A_28 : f32 to vector<1024x128xf32>
    %logistic3A_30 = arith.addf %logistic3A_29, %logistic3A_27 : vector<1024x128xf32>
    %logistic3A_31 = arith.divf %logistic3A_29, %logistic3A_30 : vector<1024x128xf32>
    %slice3A_32 = vector.extract_strided_slice %add3A_25 {offsets = [0, 128], sizes = [1024, 128], strides = [1, 1]} : vector<1024x384xf32> to vector<1024x128xf32>
    %logistic3A_33 = arith.negf %slice3A_32 : vector<1024x128xf32>
    %logistic3A_34 = math.exp %logistic3A_33 : vector<1024x128xf32>
    %logistic3A_35 = arith.constant 1.000000e+00 : f32
    %logistic3A_36 = vector.broadcast %logistic3A_35 : f32 to vector<1024x128xf32>
    %logistic3A_37 = arith.addf %logistic3A_36, %logistic3A_34 : vector<1024x128xf32>
    %logistic3A_38 = arith.divf %logistic3A_36, %logistic3A_37 : vector<1024x128xf32>
    %slice3A_39 = vector.extract_strided_slice %add3A_25 {offsets = [0, 256], sizes = [1024, 128], strides = [1, 1]} : vector<1024x384xf32> to vector<1024x128xf32>
    %tanh3A = math.tanh %slice3A_39 : vector<1024x128xf32>
    %mul3A = arith.mulf %logistic3A_31, %tanh3A : vector<1024x128xf32>
    %add3A_40 = arith.addf %mul3A, %add3A : vector<1024x128xf32>
    %tanh3A_41 = math.tanh %add3A_40 : vector<1024x128xf32>
    %mul3A_42 = arith.mulf %logistic3A_38, %tanh3A_41 : vector<1024x128xf32>
    %get3A_43 = arith.constant 0 : index
    %get3A_44 = arith.constant 0 : index
    %get3A_45 = vector.load %arg4[%get3A_43, %get3A_44] : memref<128x128xf32, #tpu.memory_space<vmem>>, vector<128x128xf32>
    %neg3A = arith.constant 0.000000e+00 : f32
    %neg3A_46 = vector.broadcast %neg3A : f32 to vector<128x128xf32>
    %neg3A_47 = arith.subf %neg3A_46, %get3A_45 : vector<128x128xf32>
    %dot_general3A_48 = arith.constant dense<0.000000e+00> : vector<1024x128xf32>
    %dot_general3A_49 = tpu.matmul %mul3A_42, %neg3A_47, %dot_general3A_48 {dimension_numbers = #tpu.dot_dimension_numbers<[1], [0], [0], [1], [0, 0, 1, 1], [], []>, transpose_lhs_hint = false} : vector<1024x128xf32>, vector<128x128xf32>, vector<1024x128xf32> -> vector<1024x128xf32>
    %slice3A_50 = vector.extract_strided_slice %mul3A_42 {offsets = [0, 0], sizes = [1024, 64], strides = [1, 1]} : vector<1024x128xf32> to vector<1024x64xf32>
    %slice3A_51 = vector.extract_strided_slice %dot_general3A_49 {offsets = [0, 0], sizes = [1024, 64], strides = [1, 1]} : vector<1024x128xf32> to vector<1024x64xf32>
    %concatenate3A_52 = tpu.concatenate %slice3A_50, %slice3A_51 in 1 : vector<1024x64xf32>, vector<1024x64xf32> -> vector<1024x128xf32>
    %swap3A = arith.constant 0 : index
    %swap3A_53 = arith.constant 0 : index
    %swap3A_54 = arith.constant 0 : index
    %swap3A_55 = vector.load %arg5[%swap3A, %swap3A_53, %swap3A_54] : memref<2x1024x128xf32, #tpu.memory_space<vmem>>, vector<1x1024x128xf32>
    %swap3A_56 = vector.shape_cast %swap3A_55 : vector<1x1024x128xf32> to vector<1024x128xf32>
    %swap3A_57 = vector.shape_cast %concatenate3A_52 : vector<1024x128xf32> to vector<1x1024x128xf32>
    tpu.vector_store %arg5[%swap3A, %swap3A_53, %swap3A_54], %swap3A_57 {strides = array<i32>} : memref<2x1024x128xf32, #tpu.memory_space<vmem>>, vector<1x1024x128xf32>,
    %slice3A_58 = vector.extract_strided_slice %mul3A_42 {offsets = [0, 64], sizes = [1024, 64], strides = [1, 1]} : vector<1024x128xf32> to vector<1024x64xf32>
    %slice3A_59 = vector.extract_strided_slice %dot_general3A_49 {offsets = [0, 64], sizes = [1024, 64], strides = [1, 1]} : vector<1024x128xf32> to vector<1024x64xf32>
    %concatenate3A_60 = tpu.concatenate %slice3A_58, %slice3A_59 in 1 : vector<1024x64xf32>, vector<1024x64xf32> -> vector<1024x128xf32>
    %swap3A_61 = arith.constant 1 : index
    %swap3A_62 = arith.constant 0 : index
    %swap3A_63 = arith.constant 0 : index
    %swap3A_64 = vector.load %arg5[%swap3A_61, %swap3A_62, %swap3A_63] : memref<2x1024x128xf32, #tpu.memory_space<vmem>>, vector<1x1024x128xf32>
    %swap3A_65 = vector.shape_cast %swap3A_64 : vector<1x1024x128xf32> to vector<1024x128xf32>
    %swap3A_66 = vector.shape_cast %concatenate3A_60 : vector<1024x128xf32> to vector<1x1024x128xf32>
    tpu.vector_store %arg5[%swap3A_61, %swap3A_62, %swap3A_63], %swap3A_66 {strides = array<i32>} : memref<2x1024x128xf32, #tpu.memory_space<vmem>>, vector<1x1024x128xf32>,
    %swap3A_67 = arith.constant 0 : index
    %swap3A_68 = arith.constant 0 : index
    %swap3A_69 = arith.constant 0 : index
    %swap3A_70 = vector.load %arg6[%swap3A_67, %swap3A_68, %swap3A_69] : memref<2x1024x128xf32, #tpu.memory_space<vmem>>, vector<1x1024x128xf32>
    %swap3A_71 = vector.shape_cast %swap3A_70 : vector<1x1024x128xf32> to vector<1024x128xf32>
    %swap3A_72 = vector.shape_cast %add3A_40 : vector<1024x128xf32> to vector<1x1024x128xf32>
    tpu.vector_store %arg6[%swap3A_67, %swap3A_68, %swap3A_69], %swap3A_72 {strides = array<i32>} : memref<2x1024x128xf32, #tpu.memory_space<vmem>>, vector<1x1024x128xf32>,
    %slice3A_73 = vector.extract_strided_slice %add3A_40 {offsets = [0, 64], sizes = [1024, 64], strides = [1, 1]} : vector<1024x128xf32> to vector<1024x64xf32>
    %slice3A_74 = vector.extract_strided_slice %add3A_40 {offsets = [0, 0], sizes = [1024, 64], strides = [1, 1]} : vector<1024x128xf32> to vector<1024x64xf32>
    %concatenate3A_75 = tpu.concatenate %slice3A_73, %slice3A_74 in 1 : vector<1024x64xf32>, vector<1024x64xf32> -> vector<1024x128xf32>
    %swap3A_76 = arith.constant 1 : index
    %swap3A_77 = arith.constant 0 : index
    %swap3A_78 = arith.constant 0 : index
    %swap3A_79 = vector.load %arg6[%swap3A_76, %swap3A_77, %swap3A_78] : memref<2x1024x128xf32, #tpu.memory_space<vmem>>, vector<1x1024x128xf32>
    %swap3A_80 = vector.shape_cast %swap3A_79 : vector<1x1024x128xf32> to vector<1024x128xf32>
    %swap3A_81 = vector.shape_cast %concatenate3A_75 : vector<1024x128xf32> to vector<1x1024x128xf32>
    tpu.vector_store %arg6[%swap3A_76, %swap3A_77, %swap3A_78], %swap3A_81 {strides = array<i32>} : memref<2x1024x128xf32, #tpu.memory_space<vmem>>, vector<1x1024x128xf32>,
    return
  }
  func.func @transform_0(%arg0: i32) -> (i32, i32) {
    %c0_i32 = arith.constant 0 : i32
    %c0_i32_0 = arith.constant 0 : i32
    return %arg0, %c0_i32 : i32, i32
  }
  func.func @transform_1(%arg0: i32) -> (i32, i32, i32) {
    %c0_i32 = arith.constant 0 : i32
    %c0_i32_0 = arith.constant 0 : i32
    %c0_i32_1 = arith.constant 0 : i32
    return %c0_i32, %arg0, %c0_i32_0 : i32, i32, i32
  }
  func.func @transform_2(%arg0: i32) -> (i32, i32) {
    %c0_i32 = arith.constant 0 : i32
    %c0_i32_0 = arith.constant 0 : i32
    %c0_i32_1 = arith.constant 0 : i32
    return %c0_i32, %c0_i32_0 : i32, i32
  }
  func.func @transform_3(%arg0: i32) -> (i32, i32) {
    %c0_i32 = arith.constant 0 : i32
    %c0_i32_0 = arith.constant 0 : i32
    %c0_i32_1 = arith.constant 0 : i32
    return %c0_i32, %c0_i32_0 : i32, i32
  }
  func.func @transform_4(%arg0: i32) -> (i32, i32, i32) {
    %c0_i32 = arith.constant 0 : i32
    %c0_i32_0 = arith.constant 0 : i32
    %c0_i32_1 = arith.constant 0 : i32
    return %c0_i32, %arg0, %c0_i32_0 : i32, i32, i32
  }
  func.func @transform_5(%arg0: i32) -> (i32, i32, i32) {
    %c0_i32 = arith.constant 0 : i32
    %c0_i32_0 = arith.constant 0 : i32
    %c0_i32_1 = arith.constant 0 : i32
    return %c0_i32, %arg0, %c0_i32_0 : i32, i32, i32
  }
}

</mosaic_0001>

<sc_bundles>
// kernel: kernel.17.cloned.1.call-start
scs
__scs_entry_jumppad:
0x0: {  	(pc) =	sbr.rel $0x88, $3  }
0x1: {  	(tag) =	ssettag $0x0;
	lr =	simm.s32 $0x1  }
0x2: {  	[smem:$0x3F99] =	sst lr;
	_ =	strace $0xD0000000  }
0x3: {  	_ = 	snop  }
0x4: {  	_ = 	snop  }
0x5: {  	_ = 	snop  }
0x6: {  	_ = 	snop  }
0x7: {  	_ = 	snop  }
__scs_overlays_trampoline_lowered:
0x8: {  	[smem:$0x3FA8] =	sst s0  }
0x9: {  	[smem:$0x3FA9] =	sst s1  }
0xa: {  	[smem:$0x3FAA] =	sst s2  }
0xb: {  	[smem:$0x3FAB] =	sst s3  }
0xc: {  	[smem:$0x3FAC] =	sst s4  }
0xd: {  	[smem:$0x3FAD] =	sst s5  }
0xe: {  	[smem:$0x3FAE] =	sst s6  }
0xf: {  	[smem:$0x3FAF] =	sst s7  }
0x10: {  	[smem:$0x3FB0] =	sst s8  }
0x11: {  	[smem:$0x3FB1] =	sst s9;
	s0 =	simm.s32 @!p0 $0x0  }
0x12: {  	s1 =	sld [smem:$0x3F97];
	s0 =	simm.s32 @p0 $0x1  }
0x13: {  	[smem:$0x3FB2] =	sst s0;
	s0 =	simm.s32 @!p1 $0x0  }
0x14: {  	s2 =	sld [smem:$0x3F96];
	s0 =	simm.s32 @p1 $0x1  }
0x15: {  	[smem:$0x3FB3] =	sst s0;
	s0 =	simm.s32 @!p2 $0x0  }
0x16: {  	s3 =	sld [smem:$0x3FDB];
	s0 =	simm.s32 @p2 $0x1  }
0x17: {  	s4 =	simm.s32 $0x1BF5;
	[smem:$0x3FB5] =	sst s0  }
0x18: {  	s0 =	sld [smem:$0x3F98];
	_ =	swait.ge [sflag:s4], $0x0  }
0x19: {  	s7 =	sld [smem:$0x3F99]  }
0x1a: {  	s8 =	sadd.s32 $0xFFFFE003, lr  }
0x1b: {  	s9 =	sadd.s32 $0xFFFFFEF7, lr;
	s5 =	simm.s32 $0xFFFFFFFF;
	p2 =	slt.u32 s8, $0xFFFFF086  }
0x1c: {  	p1 =	slt.u32 s9, $0xF7A;
	s5 =	simm.s32 @!p2 $0x0  }
0x1d: {  	s5 =	simm.s32 @p1 $0x1;
	p0 =	seq.s32 s7, s2  }
0x1e: {  	s7 =	smul.u32 @!p0 $0xF7A, s2;
	p2 =	seq.s32 @!p0 s5, $0x0  }
0x1f: {  	s9 =	smul.u32 $0xF7A, s1;
	s8 =	simm.s32 @!p0 $0x1BF5;
	p2 =	por !p2, p0  }
0x20: {  	[sflag:s8] =	ssyncset.s32 @!p0 $0xFFFFF086;
	s6 =	sadd.s32 @!p0 s3, s7;
	s7 =	simm.s32 @!p0 $0x108  }
0x21: {  	s3 =	sadd.s32 s3, s9;
	s6 =	sadd.s32 @!p0 $0x88, s6;
	s7 =	simm.s32 @p2 $0x1082  }
0x22: {  	[simem:s7], [sflag:s8] =	dma.local @!p0 [hbm:s6], $0xF7A  }
0x23: {  	s9 =	sor.u32 $0xD0000000, s2;
	s6 =	simm.s32 $0x108;
	_ =	swait.ge @!p0 [sflag:s8], $0x0  }
0x24: {  	s3 =	sadd.s32 $0x88, s3;
	s6 =	simm.s32 @!p1 $0x1082;
	[sflag:s4] =	ssyncset.s32 $0xFFFFF086  }
0x25: {  	[simem:s6], [sflag:s4] =	dma.local [hbm:s3], $0xF7A  }
0x26: {  	[smem:$0x3F99] =	sst s1;
	(tag) =	ssettag s2;
	_ =	strace s9  }
0x27: {  	s1 =	sld [smem:$0x3FA9]  }
0x28: {  	s2 =	sld [smem:$0x3FAA]  }
0x29: {  	s4 =	sld [smem:$0x3FAC]  }
0x2a: {  	p0 =	seq.s32 s5, $0x0;
	s5 =	sld [smem:$0x3FAD]  }
0x2b: {  	s6 =	sld [smem:$0x3FAE]  }
0x2c: {  	s7 =	sld [smem:$0x3FAF]  }
0x2d: {  	s3 =	simm.s32 $0x108;
	s8 =	sld [smem:$0x3FB0]  }
0x2e: {  	s3 =	simm.s32 @!p0 $0x1082;
	s9 =	sld [smem:$0x3FB1]  }
0x2f: {  	lr =	sadd.s32 s0, s3;
	s0 =	sld [smem:$0x3FA8]  }
0x30: {  	s3 =	sld [smem:$0x3FAB]  }
0x31: {  	[smem:$0x3FB4] =	sst s10  }
0x32: {  	s10 =	sld [smem:$0x3FB2];
	_ =	sdelay $0x3  }
0x33: {  	p0 =	seq.s32 s10, $0x1;
	s10 =	sld [smem:$0x3FB4];
	_ =	sdelay $0x3  }
0x34: {  	[smem:$0x3FB4] =	sst s10  }
0x35: {  	s10 =	sld [smem:$0x3FB3];
	_ =	sdelay $0x3  }
0x36: {  	p1 =	seq.s32 s10, $0x1;
	s10 =	sld [smem:$0x3FB4];
	_ =	sdelay $0x3  }
0x37: {  	[smem:$0x3FB4] =	sst s10  }
0x38: {  	s10 =	sld [smem:$0x3FB5]  }
0x39: {  	_ = 	snop;
	(pc) =	sbr.ind lr, $3  }
0x3a: {  	_ = 	snop  }
0x3b: {  	_ = 	snop  }
0x3c: {  	p2 =	seq.s32 s10, $0x1;
	s10 =	sld [smem:$0x3FB4]  }
0x3d: {  	_ =	shalt  }
0x3e: {  	_ =	shalt  }
0x3f: {  	_ =	shalt  }
0x40: {  	_ =	shalt  }
0x41: {  	_ =	shalt  }
0x42: {  	_ =	shalt  }
0x43: {  	_ =	shalt  }
0x44: {  	_ =	shalt  }
0x45: {  	_ =	shalt  }
0x46: {  	_ =	shalt  }
0x47: {  	_ =	shalt  }
0x48: {  	_ =	shalt  }
0x49: {  	_ =	shalt  }
0x4a: {  	_ =	shalt  }
0x4b: {  	_ =	shalt  }
0x4c: {  	_ =	shalt  }
0x4d: {  	_ =	shalt  }
0x4e: {  	_ =	shalt  }
0x4f: {  	_ =	shalt  }
0x50: {  	_ =	shalt  }
0x51: {  	_ =	shalt  }
0x52: {  	_ =	shalt  }
0x53: {  	_ =	shalt  }
0x54: {  	_ =	shalt  }
0x55: {  	_ =	shalt  }
0x56: {  	_ =	shalt  }
0x57: {  	_ =	shalt  }
0x58: {  	_ =	shalt  }
0x59: {  	_ =	shalt  }
0x5a: {  	_ =	shalt  }
0x5b: {  	_ =	shalt  }
0x5c: {  	_ =	shalt  }
0x5d: {  	_ =	shalt  }
0x5e: {  	_ =	shalt  }
0x5f: {  	_ =	shalt  }
0x60: {  	_ =	shalt  }
0x61: {  	_ =	shalt  }
0x62: {  	_ =	shalt  }
0x63: {  	_ =	shalt  }
0x64: {  	_ =	shalt  }
0x65: {  	_ =	shalt  }
0x66: {  	_ =	shalt  }
0x67: {  	_ =	shalt  }
0x68: {  	_ =	shalt  }
0x69: {  	_ =	shalt  }
0x6a: {  	_ =	shalt  }
0x6b: {  	_ =	shalt  }
0x6c: {  	_ =	shalt  }
0x6d: {  	_ =	shalt  }
0x6e: {  	_ =	shalt  }
0x6f: {  	_ =	shalt  }
0x70: {  	_ =	shalt  }
0x71: {  	_ =	shalt  }
0x72: {  	_ =	shalt  }
0x73: {  	_ =	shalt  }
0x74: {  	_ =	shalt  }
0x75: {  	_ =	shalt  }
0x76: {  	_ =	shalt  }
0x77: {  	_ =	shalt  }
0x78: {  	_ =	shalt  }
0x79: {  	_ =	shalt  }
0x7a: {  	_ =	shalt  }
0x7b: {  	_ =	shalt  }
0x7c: {  	_ =	shalt  }
0x7d: {  	_ =	shalt  }
0x7e: {  	_ =	shalt  }
0x7f: {  	_ =	shalt  }
0x80: {  	_ =	shalt  }
0x81: {  	_ =	shalt  }
0x82: {  	_ =	shalt  }
0x83: {  	_ =	shalt  }
0x84: {  	_ =	shalt  }
0x85: {  	_ =	shalt  }
0x86: {  	_ =	shalt  }
0x87: {  	_ =	shalt  }
.Lfunc_end0:
.L_simem_size_0:
called_computation_lowered:
.L_overlay_start_0:
0x88: {  	s2 =	sld [smem:$0x3FD9]  }
0x89: {  	s3 =	sld [smem:$0x3FFE];
	_ =	sdelay $0x1  }
0x8a: {  	s1 =	srdreg.scid  }
0x8b: {  	s0 =	sand.u32 $0x1, s1  }
0x8c: {  	s17 =	sshll.u32 s0, $0xA;
	s2 =	sadd.s32 s3, s2  }
0x8d: {  	s2 =	sadd.s32 s2, s17  }
0x8e: {  	[smem:$0x3FC0] =	sst s2  }
0x8f: {  	_ = 	snop  }
0x90: {  	s2 =	sld [smem:$0x3FD0];
	(tm) =	ssettm $0x1  }
0x91: {  	s18 =	sld [smem:$0x3FFB];
	_ =	sdelay $0x3  }
0x92: {  	_ =	strace s18  }
0x93: {  	s3 =	sld [smem:$0x3FFC];
	_ =	sdelay $0x3  }
0x94: {  	_ =	strace s3  }
0x95: {  	s3 =	sld [smem:$0x3FFD];
	_ =	sdelay $0x3  }
0x96: {  	_ =	strace s3  }
0x97: {  	_ =	strace $0x8FFFFFFF  }
0x98: {  	s19 =	sld [smem:$0x3FDB];
	_ =	sdelay $0x1  }
0x99: {  	s4 =	simm.s32 $_scs_section_size  }
0x9a: {  	s5 =	simm.s32 $_size__tile_overlayer_lowered;
	s6 =	simm.s32 $_tile_overlayer_lowered  }
0x9b: {  	s22 =	simm.s32 $0x1BFF;
	s21 =	sshll.u32 s6, $0x1;
	s3 =	sadd.s32 s4, s19  }
0x9c: {  	s7 =	simm.s32 $0x0;
	s20 =	sshll.u32 s5, $0x1;
	s5 =	sadd.s32 s21, s3  }
0x9d: {  	[timem:s7], [sflag:s22] =	dma.local [hbm:s5], s20  }
0x9e: {  	_ =	swait.ge [sflag:s22], s20  }
0x9f: {  	s4 =	ssub.s32 $0x0, s20;
	[sflag:s22] =	ssyncset.done $0x0  }
0xa0: {  	[sflag:s22] =	ssyncadd.s32 s4;
	_ =	sdelay $0x1  }
0xa1: {  	s23 =	simm.s32 $0x1B8B  }
0xa2: {  	_ =	swait.ge [sflag:s23], $0x1  }
0xa3: {  	[sflag:s23] =	ssyncset.done $0x0  }
0xa4: {  	s25 =	simm.s32 $0x1B8E;
	s24 =	sld [smem:$0x3FFE];
	[sflag:s23] =	ssyncadd.s32 $0xFFFFFFFF  }
0xa5: {  	s26 =	simm.s32 $execute0_lowered;
	[smem:$0x3FD2] =	sst s25  }
0xa6: {  	s5 =	sshll.u32 s26, $0x1;
	_ =	strace $0x80000046;
	[dreg:$0x1] =	wrdreg $0xFFFFFFFF  }
0xa7: {  	s28 =	simm.s32 $_size_execute0_lowered;
	s3 =	sadd.s32 s3, s5;
	[dreg:$0x0] =	wrdreg $0x0  }
0xa8: {  	s5 =	sshll.u32 s28, $0x1;
	[dreg:$0x2] =	wrdreg s3  }
0xa9: {  	[dreg:$0x3] =	wrdreg s5  }
0xaa: {  	[dreg:$0x4] =	wrdreg $0xC0  }
0xab: {  	_ =	task [dreg:s7], $0x5FFFF  }
0xac: {  	[dreg:$0x1] =	wrdreg $0xFFFFFFFF  }
0xad: {  	[dreg:$0x0] =	wrdreg $0x60  }
0xae: {  	[dreg:$0x2] =	wrdreg s24  }
0xaf: {  	[dreg:$0x3] =	wrdreg s2  }
0xb0: {  	[dreg:$0x4] =	wrdreg $0xB5800  }
0xb1: {  	[dreg:$0x5] =	wrdreg $0x9  }
0xb2: {  	_ =	task.clear_ibuf [dreg:s7], $0x6FFFF;
	_ =	strace $0x90000046  }
0xb3: {  	s29 =	simm.s32 $0x9;
	_ =	strace $0x80000048  }
0xb4: {  	_ =	swait.ge [sflag:s29], $0x1  }
0xb5: {  	[sflag:s29] =	ssyncadd.s32 $0xFFFFFFFF  }
0xb6: {  	_ =	strace $0x90000048  }
0xb7: {  	_ =	sfence  }
0xb8: {  	s30 =	sld [smem:$0x0];
	_ =	sdelay $0x2  }
0xb9: {  	s31 =	sshll.u32 s1, $0xD;
	s1 =	sshrl.u32 s1, $0x2  }
0xba: {  	s3 =	sand.u32 $0x4000, s31;
	s1 =	sadd.s32 s1, s30  }
0xbb: {  	s0 =	sor.u32 s3, s0;
	s1 =	sshll.u32 s1, $0x11  }
0xbc: {  	s0 =	sor.u32 s1, s0  }
0xbd: {  	s0 =	sadd.s32 $0x8F2B, s0  }
0xbe: {  	[sflag:s0] =	ssyncadd.remote.s32 $0x1  }
0xbf: {  	_ =	sfence.sel $0xFFFF  }
0xc0: {  	[dreg:$0x0] =	wrdreg $0xFFFFFFFF;
	(pc) =	sbr.abs _section_cstart, $3  }
0xc1: {  	[dreg:$0x1] =	wrdreg $0xFFFFFFFF  }
0xc2: {  	_ =	task.clear_ibuf [dreg:s7], $0x2FFFF;
	_ =	strace $0x9FFFFFFF  }
0xc3: {  	(tm) =	ssettm $0x7FFFFFFF  }
tec
execute0_lowered:
.L_overlay_start_1:
0x0: {  	(tag) =	ssettag $0x1  }
0x1: {  	s11 =	rddreg [dreg:$0x0]  }
0x2: {  	s1 =	rddreg [dreg:$0x1]  }
0x3: {  	s2 =	rddreg [dreg:$0x2]  }
0x4: {  	s0 =	rddreg [dreg:$0x3]  }
0x5: {  	s3 =	simm.s32 $0x0;
	s7 =	srdreg.scid;
	s4 =	stileid.u32  }
0x6: {  	s21 =	simm.s32 $0x180;
	s22 =	simm.s32 $0x3D80;
	s23 =	simm.s32 $0x7980  }
0x7: {  	s24 =	simm.s32 $0x1;
	s30 =	simm.s32 $0x0;
	[smem:$0x7FF] =	sst s3  }
0x8: {  	s5 =	sadd.s32 $0xF400, s11;
	s6 =	sadd.s32 $0x5600, s11;
	s12 =	sand.u32 $0x1, s7  }
0x9: {  	s13 =	smul.u32 $0x2800, s4;
	s7 =	sadd.s32 $0x22E00, s11;
	s9 =	sadd.s32 $0x13AE00, s11  }
0xa: {  	s8 =	sadd.s32 $0x72E00, s11;
	s10 =	sadd.s32 $0x18AE00, s11;
	s15 =	smul.u32 $0x50000, s4  }
0xb: {  	s17 =	sshll.u32 s4, $0x6;
	_ =	strace $0x80000047;
	s14 =	smul.u32 $0x28000, s12  }
0xc: {  	s29 =	ssub.s32 $0x2, s12;
	s18 =	smul.u32 $0x4E480, s12;
	s12 =	sor.u32 $0x1C02, s17  }
0xd: {  	s17 =	simm.s32 $0x2;
	s31 =	sshrl.u32 s29, $0x1;
	s15 =	sshrl.u32 s15, $0x2  }
0xe: {  	s13 =	sadd.s32 s13, s14;
	s19 =	ssub.s32 s29, s31;
	s20 =	sadd.s32 s15, s2  }
0xf: {  	s16 =	sadd.s32 s13, s11;
	s11 =	smul.u32 $0x4E48, s4;
	s15 =	smax.u32 s19, $0x1  }
0x10: {  	s19 =	simm.s32 $0x100;
	s14 =	sadd.s32 $0x18D600, s16;
	s16 =	sshrl.u32 s20, $0x3  }
0x11: {  	s20 =	simm.s32 $0x78;
	s13 =	sadd.s32 s11, s18;
	s18 =	simm.s32 $0x80  }
.LBB2_1:
0x12: {  	[spmem:s16], [sflag:s12] =	dma.local [hbm:s10], $0x2800  }
0x13: {  	_ =	swait.ge [sflag:s17], $0x2800  }
0x14: {  	[sflag:s17] =	ssyncset.done $0x0  }
0x15: {  	[sflag:s17] =	ssyncadd.s32 $0xFFFFD800  }
0x16: {  	s25 =	simm.s32 $0x0;
	[bflag:$0x0] =	sbarrier.arrive $0xFFFF  }
.LBB2_2:
0x17: {  	s26 =	smul.u32 $0x78, s25;
	_ =	sdelay $0x1  }
0x18: {  	s28 =	sadd.s32 s26, s13  }
0x19: {  	s28 =	sshrl.u32 s28, $0x3  }
0x1a: {  	s29 =	sadd.s32 s5, s28  }
0x1b: {  	[tilespmem:s30], [sflag:$0x2] =	stream.linear.gather [hbm4b:s29+s30], $0x78, $0x38;
	[tilespmem:$0x1F580] =	vst v63  }
0x1c: {  	_ =	swait.ge [sflag:s17], $0x78  }
0x1d: {  	[sflag:s17] =	ssyncset.done $0x0  }
0x1e: {  	s28 =	sadd.s32 s1, s28;
	[sflag:s17] =	ssyncadd.s32 $0xFFFFFF88  }
0x1f: {  	[tilespmem:s18], [sflag:$0x2] =	stream.linear.gather [hbm4b:s28+s30], $0x78, $0x38;
	[tilespmem:$0x1F580] =	vst v63  }
0x20: {  	s26 =	sadd.s32 s11, s26;
	_ =	swait.ge [sflag:s17], $0x78  }
0x21: {  	s26 =	sshrl.u32 s26, $0x3;
	[sflag:s17] =	ssyncset.done $0x0  }
0x22: {  	s26 =	sadd.s32 s6, s26;
	[sflag:s17] =	ssyncadd.s32 $0xFFFFFF88  }
0x23: {  	[tilespmem:s19], [sflag:$0x2] =	stream.linear.gather [hbm4b:s26+s30], $0x78, $0x38;
	[tilespmem:$0x1F580] =	vst v63  }
0x24: {  	_ =	swait.ge [sflag:s17], $0x78  }
0x25: {  	[sflag:s17] =	ssyncset.done $0x0  }
0x26: {  	[sflag:s17] =	ssyncadd.s32 $0xFFFFFF88  }
0x27: {  	[tilespmem:s21], [sflag:$0x1] =	stream.indirect.gather [hbm4b:s7+s20], $0x80, s30, s20, $0xb8;
	[tilespmem:$0x1F580] =	vst v63  }
0x28: {  	_ = 	snop  }
0x29: {  	[tilespmem:s22], [sflag:$0x1] =	stream.indirect.gather [hbm4b:s8+s20], $0x80, s30, s20, $0xb8;
	[tilespmem:$0x1F580] =	vst v63  }
0x2a: {  	_ = 	snop  }
0x2b: {  	[tilespmem:s23], [sflag:$0x1] =	stream.indirect.gather [hbm4b:s9+s20], $0x80, s18, s20, $0xb8;
	[tilespmem:$0x1F580] =	vst v63  }
0x2c: {  	_ =	swait.ge [sflag:s24], $0x3C00  }
0x2d: {  	[sflag:s24] =	ssyncset.done $0x0  }
0x2e: {  	[sflag:s24] =	ssyncadd.s32 $0xFFFFC400  }
0x2f: {  	_ =	swait.ge [sflag:s24], $0x3C00  }
0x30: {  	[sflag:s24] =	ssyncset.done $0x0  }
0x31: {  	[sflag:s24] =	ssyncadd.s32 $0xFFFFC400  }
0x32: {  	_ =	swait.ge [sflag:s24], $0x3C00  }
0x33: {  	[sflag:s24] =	ssyncset.done $0x0  }
0x34: {  	s26 =	simm.s32 $0x0;
	[sflag:s24] =	ssyncadd.s32 $0xFFFFC400  }
0x35: {  	v3 =	vld [tilespmem:s26+$0x7980]  }
0x36: {  	v4 =	vld [tilespmem:s26+$0x7990]  }
0x37: {  	v5 =	vld [tilespmem:s26+$0x79A0]  }
0x38: {  	v6 =	vld [tilespmem:s26+$0x79B0]  }
0x39: {  	v2 =	vld [tilespmem:s26+$0x1C0]  }
0x3a: {  	v1 =	vld [tilespmem:s26+$0x1D0]  }
0x3b: {  	s28 =	simm.s32 $0x200;
	v0 =	vld [tilespmem:s26+$0x1E0]  }
.LBB2_3:
0x3c: {  	p0 =	sne.s32 s28, $0xEE00;
	v7 =	vld [tilespmem:s26+$0x1F0];
	_ =	sdelay $0x1  }
0x3d: {  	v3 =	vadd.f32 v3, v2  }
0x3e: {  	v4 =	vadd.f32 v4, v1  }
0x3f: {  	v3 =	vmul.f32 $1.442695020e+00, v3;
	v5 =	vadd.f32 v5, v0  }
0x40: {  	v4 =	vmul.f32 $1.442695020e+00, v4;
	v6 =	vadd.f32 v6, v7  }
0x41: {  	v5 =	vmul.f32 $1.442695020e+00, v5;
	(erf) = vpow2.f32 v3  }
0x42: {  	v3 =	vmul.f32 $1.442695020e+00, v6;
	(erf) = vpow2.f32 v4  }
0x43: {  	(erf) = vpow2.f32 v5  }
0x44: {  	(erf) = vpow2.f32 v3;
	_ =	sdelay $0x5  }
0x45: {  	v3 =	vpop (erf)  }
0x46: {  	v6 =	vadd.f32 $1.000000000e+00, v3;
	v4 =	vpop (erf)  }
0x47: {  	v4 =	vadd.f32 $1.000000000e+00, v4;
	v5 =	vpop (erf)  }
0x48: {  	v5 =	vadd.f32 $1.000000000e+00, v5;
	(erf) = vrcp.f32 v6;
	v3 =	vpop (erf)  }
0x49: {  	v3 =	vadd.f32 $1.000000000e+00, v3;
	(erf) = vrcp.f32 v4  }
0x4a: {  	(erf) = vrcp.f32 v5  }
0x4b: {  	(erf) = vrcp.f32 v3;
	_ =	sdelay $0x1  }
0x4c: {  	v3 =	vld [tilespmem:s26+$0x3D80]  }
0x4d: {  	v4 =	vld [tilespmem:s26+$0x3D90]  }
0x4e: {  	v5 =	vld [tilespmem:s26+$0x3DA0]  }
0x4f: {  	v6 =	vld [tilespmem:s26+$0x3DB0]  }
0x50: {  	v8 =	vpop (erf)  }
0x51: {  	s29 =	sshra.s32 s28, $0x2;
	v8 =	vmul.f32 v8, v3;
	v9 =	vpop (erf)  }
0x52: {  	v3 =	vld [tilespmem:s29+$0x7980];
	v9 =	vmul.f32 v9, v4;
	v10 =	vpop (erf)  }
0x53: {  	v4 =	vld [tilespmem:s29+$0x7990];
	v2 =	vadd.f32 v8, v2;
	v8 =	vmul.f32 v10, v5;
	v10 =	vpop (erf)  }
.Ltmp0:
0x54: {  	v5 =	vld [tilespmem:s29+$0x79A0];
	v1 =	vadd.f32 v9, v1;
	v9 =	vmul.f32 v10, v6;
	(pc) =	sbr.rel @p0 .LBB2_3-.Ltmp0, $4  }
0x55: {  	v6 =	vld [tilespmem:s29+$0x79B0];
	[tilespmem:s26+$0x1C0] =	vst v2;
	v0 =	vadd.f32 v8, v0  }
0x56: {  	v2 =	vld [tilespmem:s29+$0x1C0];
	[tilespmem:s26+$0x1D0] =	vst v1;
	v7 =	vadd.f32 v9, v7  }
0x57: {  	v1 =	vld [tilespmem:s29+$0x1D0];
	[tilespmem:s26+$0x1E0] =	vst v0  }
0x58: {  	s28 =	sadd.s32 $0x200, s28;
	v0 =	vld [tilespmem:s29+$0x1E0];
	[tilespmem:s26+$0x1F0] =	vst v7;
	s26 =	smov.u32 s29  }
0x59: {  	v7 =	vld [tilespmem:s26+$0x1F0];
	_ =	sdelay $0x1  }
0x5a: {  	v3 =	vadd.f32 v3, v2  }
0x5b: {  	v4 =	vadd.f32 v4, v1  }
0x5c: {  	v3 =	vmul.f32 $1.442695020e+00, v3;
	v5 =	vadd.f32 v5, v0  }
0x5d: {  	v4 =	vmul.f32 $1.442695020e+00, v4;
	v6 =	vadd.f32 v6, v7  }
0x5e: {  	v5 =	vmul.f32 $1.442695020e+00, v5;
	(erf) = vpow2.f32 v3  }
0x5f: {  	v48 =	vmul.f32 $1.442695020e+00, v6;
	(erf) = vpow2.f32 v4  }
0x60: {  	(erf) = vpow2.f32 v5  }
0x61: {  	(erf) = vpow2.f32 v48;
	_ =	sdelay $0x5  }
0x62: {  	v49 =	vpop (erf)  }
0x63: {  	v3 =	vadd.f32 $1.000000000e+00, v49;
	v4 =	vpop (erf)  }
0x64: {  	v4 =	vadd.f32 $1.000000000e+00, v4;
	v5 =	vpop (erf)  }
0x65: {  	v5 =	vadd.f32 $1.000000000e+00, v5;
	(erf) = vrcp.f32 v3;
	v50 =	vpop (erf)  }
0x66: {  	v3 =	vadd.f32 $1.000000000e+00, v50;
	(erf) = vrcp.f32 v4  }
0x67: {  	(erf) = vrcp.f32 v5  }
0x68: {  	(erf) = vrcp.f32 v3;
	_ =	sdelay $0x1  }
0x69: {  	v51 =	vld [tilespmem:s26+$0x3D80]  }
0x6a: {  	v52 =	vld [tilespmem:s26+$0x3D90]  }
0x6b: {  	v53 =	vld [tilespmem:s26+$0x3DA0]  }
0x6c: {  	v54 =	vld [tilespmem:s26+$0x3DB0]  }
0x6d: {  	v8 =	vpop (erf)  }
0x6e: {  	v3 =	vmul.f32 v8, v51;
	v55 =	vpop (erf)  }
0x6f: {  	v4 =	vmul.f32 v55, v52;
	v56 =	vpop (erf)  }
0x70: {  	v57 =	vadd.f32 v3, v2;
	v58 =	vmul.f32 v56, v53;
	v59 =	vpop (erf)  }
0x71: {  	v60 =	vadd.f32 v4, v1;
	v61 =	vmul.f32 v59, v54  }
0x72: {  	[tilespmem:s26+$0x1C0] =	vst v57;
	v62 =	vadd.f32 v58, v0  }
0x73: {  	s25 =	sadd.s32 $0x1, s25;
	[tilespmem:s26+$0x1D0] =	vst v60;
	v63 =	vadd.f32 v61, v7  }
0x74: {  	p0 =	sne.s32 s25, $0xA7;
	[tilespmem:s26+$0x1E0] =	vst v62  }
.Ltmp1:
0x75: {  	[tilespmem:s26+$0x1F0] =	vst v63;
	(pc) =	sbr.rel @p0 .LBB2_2-.Ltmp1, $4  }
0x76: {  	[spmem:s2] =	stream.indirect.scatter.add.f32 [tilespmem:s21], [sflag:$0x2], $0x80, s19, s20, $0xb8;
	[tilespmem:$0x1F580] =	vst v63  }
0x77: {  	_ =	swait.ge [sflag:s17], $0x3C00  }
0x78: {  	[sflag:s17] =	ssyncset.done $0x0  }
0x79: {  	[sflag:s17] =	ssyncadd.s32 $0xFFFFC400  }
0x7a: {  	s3 =	sadd.s32 $0x1, s3  }
0x7b: {  	p0 =	sne.s32 s3, s15  }
.Ltmp2:
0x7c: {  	[bflag:$0x0] =	sbarrier.arrive $0xFFFF;
	(pc) =	sbr.rel @p0 .LBB2_1-.Ltmp2, $4  }
0x7d: {  	[hbm:s14], [sflag:s12] =	dma.local [spmem:s16], $0x2800  }
0x7e: {  	_ =	swait.ge [sflag:s17], $0x2800  }
0x7f: {  	[sflag:s17] =	ssyncset.done $0x0  }
0x80: {  	[sflag:s17] =	ssyncadd.s32 $0xFFFFD800  }
0x81: {  	_ =	sfence.sel $0x180000  }
0x82: {  	[bflag:$0x0] =	sbarrier.arrive $0xFFFF  }
0x83: {  	p0 =	sne.s32 s4, $0x0;
	_ =	strace $0x90000047  }
0x84: {  	s0 =	sadd.s32 @!p0 $0x100000, s0;
	[bflag:$0x2] =	sbarrier.arrive $0xFFFF  }
0x85: {  	[sflag:s0] =	ssyncadd.tile.s32 @!p0 $0x1;
	_ =	shalt  }
.Lfunc_end2:
_tile_overlayer_lowered:
.L_overlay_start_2:
0x86: {  	(tag) =	ssettag $0x2  }
0x87: {  	s0 =	rddreg [dreg:$0x0];
	s2 =	stileid.u32  }
0x88: {  	s1 =	rddreg [dreg:$0x1];
	p0 =	sne.s32 s2, $0x0  }
0x89: {  	s3 =	rddreg [dreg:$0x2];
	[bflag:$0x3] =	sbarrier.arrive $0xFFFF;
	s2 =	simm.s32 @!p0 $0x1C02  }
0x8a: {  	[timem:s3], [sflag:s2] =	dma.local @!p0 [hbm:s0], s1  }
0x8b: {  	s0 =	simm.s32 @!p0 $0x2  }
0x8c: {  	_ =	swait.ge @!p0 [sflag:s0], s1  }
0x8d: {  	s1 =	ssub.s32 @!p0 $0x0, s1;
	[sflag:s0] =	ssyncset.done @!p0 $0x0  }
0x8e: {  	[sflag:s0] =	ssyncadd.s32 @!p0 s1  }
0x8f: {  	[bflag:$0x3] =	sbarrier.arrive $0xFFFF  }
0x90: {  	_ =	shalt  }

// kernel: kernel.20.cloned.1.call-start
scs
__scs_entry_jumppad:
0x0: {  	(pc) =	sbr.rel $0x88, $3  }
0x1: {  	(tag) =	ssettag $0x0;
	lr =	simm.s32 $0x1  }
0x2: {  	[smem:$0x3F99] =	sst lr;
	_ =	strace $0xD0000000  }
0x3: {  	_ = 	snop  }
0x4: {  	_ = 	snop  }
0x5: {  	_ = 	snop  }
0x6: {  	_ = 	snop  }
0x7: {  	_ = 	snop  }
__scs_overlays_trampoline_lowered:
0x8: {  	[smem:$0x3FA8] =	sst s0  }
0x9: {  	[smem:$0x3FA9] =	sst s1  }
0xa: {  	[smem:$0x3FAA] =	sst s2  }
0xb: {  	[smem:$0x3FAB] =	sst s3  }
0xc: {  	[smem:$0x3FAC] =	sst s4  }
0xd: {  	[smem:$0x3FAD] =	sst s5  }
0xe: {  	[smem:$0x3FAE] =	sst s6  }
0xf: {  	[smem:$0x3FAF] =	sst s7  }
0x10: {  	[smem:$0x3FB0] =	sst s8  }
0x11: {  	[smem:$0x3FB1] =	sst s9;
	s0 =	simm.s32 @!p0 $0x0  }
0x12: {  	s1 =	sld [smem:$0x3F97];
	s0 =	simm.s32 @p0 $0x1  }
0x13: {  	[smem:$0x3FB2] =	sst s0;
	s0 =	simm.s32 @!p1 $0x0  }
0x14: {  	s2 =	sld [smem:$0x3F96];
	s0 =	simm.s32 @p1 $0x1  }
0x15: {  	[smem:$0x3FB3] =	sst s0;
	s0 =	simm.s32 @!p2 $0x0  }
0x16: {  	s3 =	sld [smem:$0x3FDB];
	s0 =	simm.s32 @p2 $0x1  }
0x17: {  	s4 =	simm.s32 $0x1BF5;
	[smem:$0x3FB5] =	sst s0  }
0x18: {  	s0 =	sld [smem:$0x3F98];
	_ =	swait.ge [sflag:s4], $0x0  }
0x19: {  	s7 =	sld [smem:$0x3F99]  }
0x1a: {  	s8 =	sadd.s32 $0xFFFFE003, lr  }
0x1b: {  	s9 =	sadd.s32 $0xFFFFFEF7, lr;
	s5 =	simm.s32 $0xFFFFFFFF;
	p2 =	slt.u32 s8, $0xFFFFF086  }
0x1c: {  	p1 =	slt.u32 s9, $0xF7A;
	s5 =	simm.s32 @!p2 $0x0  }
0x1d: {  	s5 =	simm.s32 @p1 $0x1;
	p0 =	seq.s32 s7, s2  }
0x1e: {  	s7 =	smul.u32 @!p0 $0xF7A, s2;
	p2 =	seq.s32 @!p0 s5, $0x0  }
0x1f: {  	s9 =	smul.u32 $0xF7A, s1;
	s8 =	simm.s32 @!p0 $0x1BF5;
	p2 =	por !p2, p0  }
0x20: {  	[sflag:s8] =	ssyncset.s32 @!p0 $0xFFFFF086;
	s6 =	sadd.s32 @!p0 s3, s7;
	s7 =	simm.s32 @!p0 $0x108  }
0x21: {  	s3 =	sadd.s32 s3, s9;
	s6 =	sadd.s32 @!p0 $0x88, s6;
	s7 =	simm.s32 @p2 $0x1082  }
0x22: {  	[simem:s7], [sflag:s8] =	dma.local @!p0 [hbm:s6], $0xF7A  }
0x23: {  	s9 =	sor.u32 $0xD0000000, s2;
	s6 =	simm.s32 $0x108;
	_ =	swait.ge @!p0 [sflag:s8], $0x0  }
0x24: {  	s3 =	sadd.s32 $0x88, s3;
	s6 =	simm.s32 @!p1 $0x1082;
	[sflag:s4] =	ssyncset.s32 $0xFFFFF086  }
0x25: {  	[simem:s6], [sflag:s4] =	dma.local [hbm:s3], $0xF7A  }
0x26: {  	[smem:$0x3F99] =	sst s1;
	(tag) =	ssettag s2;
	_ =	strace s9  }
0x27: {  	s1 =	sld [smem:$0x3FA9]  }
0x28: {  	s2 =	sld [smem:$0x3FAA]  }
0x29: {  	s4 =	sld [smem:$0x3FAC]  }
0x2a: {  	p0 =	seq.s32 s5, $0x0;
	s5 =	sld [smem:$0x3FAD]  }
0x2b: {  	s6 =	sld [smem:$0x3FAE]  }
0x2c: {  	s7 =	sld [smem:$0x3FAF]  }
0x2d: {  	s3 =	simm.s32 $0x108;
	s8 =	sld [smem:$0x3FB0]  }
0x2e: {  	s3 =	simm.s32 @!p0 $0x1082;
	s9 =	sld [smem:$0x3FB1]  }
0x2f: {  	lr =	sadd.s32 s0, s3;
	s0 =	sld [smem:$0x3FA8]  }
0x30: {  	s3 =	sld [smem:$0x3FAB]  }
0x31: {  	[smem:$0x3FB4] =	sst s10  }
0x32: {  	s10 =	sld [smem:$0x3FB2];
	_ =	sdelay $0x3  }
0x33: {  	p0 =	seq.s32 s10, $0x1;
	s10 =	sld [smem:$0x3FB4];
	_ =	sdelay $0x3  }
0x34: {  	[smem:$0x3FB4] =	sst s10  }
0x35: {  	s10 =	sld [smem:$0x3FB3];
	_ =	sdelay $0x3  }
0x36: {  	p1 =	seq.s32 s10, $0x1;
	s10 =	sld [smem:$0x3FB4];
	_ =	sdelay $0x3  }
0x37: {  	[smem:$0x3FB4] =	sst s10  }
0x38: {  	s10 =	sld [smem:$0x3FB5]  }
0x39: {  	_ = 	snop;
	(pc) =	sbr.ind lr, $3  }
0x3a: {  	_ = 	snop  }
0x3b: {  	_ = 	snop  }
0x3c: {  	p2 =	seq.s32 s10, $0x1;
	s10 =	sld [smem:$0x3FB4]  }
0x3d: {  	_ =	shalt  }
0x3e: {  	_ =	shalt  }
0x3f: {  	_ =	shalt  }
0x40: {  	_ =	shalt  }
0x41: {  	_ =	shalt  }
0x42: {  	_ =	shalt  }
0x43: {  	_ =	shalt  }
0x44: {  	_ =	shalt  }
0x45: {  	_ =	shalt  }
0x46: {  	_ =	shalt  }
0x47: {  	_ =	shalt  }
0x48: {  	_ =	shalt  }
0x49: {  	_ =	shalt  }
0x4a: {  	_ =	shalt  }
0x4b: {  	_ =	shalt  }
0x4c: {  	_ =	shalt  }
0x4d: {  	_ =	shalt  }
0x4e: {  	_ =	shalt  }
0x4f: {  	_ =	shalt  }
0x50: {  	_ =	shalt  }
0x51: {  	_ =	shalt  }
0x52: {  	_ =	shalt  }
0x53: {  	_ =	shalt  }
0x54: {  	_ =	shalt  }
0x55: {  	_ =	shalt  }
0x56: {  	_ =	shalt  }
0x57: {  	_ =	shalt  }
0x58: {  	_ =	shalt  }
0x59: {  	_ =	shalt  }
0x5a: {  	_ =	shalt  }
0x5b: {  	_ =	shalt  }
0x5c: {  	_ =	shalt  }
0x5d: {  	_ =	shalt  }
0x5e: {  	_ =	shalt  }
0x5f: {  	_ =	shalt  }
0x60: {  	_ =	shalt  }
0x61: {  	_ =	shalt  }
0x62: {  	_ =	shalt  }
0x63: {  	_ =	shalt  }
0x64: {  	_ =	shalt  }
0x65: {  	_ =	shalt  }
0x66: {  	_ =	shalt  }
0x67: {  	_ =	shalt  }
0x68: {  	_ =	shalt  }
0x69: {  	_ =	shalt  }
0x6a: {  	_ =	shalt  }
0x6b: {  	_ =	shalt  }
0x6c: {  	_ =	shalt  }
0x6d: {  	_ =	shalt  }
0x6e: {  	_ =	shalt  }
0x6f: {  	_ =	shalt  }
0x70: {  	_ =	shalt  }
0x71: {  	_ =	shalt  }
0x72: {  	_ =	shalt  }
0x73: {  	_ =	shalt  }
0x74: {  	_ =	shalt  }
0x75: {  	_ =	shalt  }
0x76: {  	_ =	shalt  }
0x77: {  	_ =	shalt  }
0x78: {  	_ =	shalt  }
0x79: {  	_ =	shalt  }
0x7a: {  	_ =	shalt  }
0x7b: {  	_ =	shalt  }
0x7c: {  	_ =	shalt  }
0x7d: {  	_ =	shalt  }
0x7e: {  	_ =	shalt  }
0x7f: {  	_ =	shalt  }
0x80: {  	_ =	shalt  }
0x81: {  	_ =	shalt  }
0x82: {  	_ =	shalt  }
0x83: {  	_ =	shalt  }
0x84: {  	_ =	shalt  }
0x85: {  	_ =	shalt  }
0x86: {  	_ =	shalt  }
0x87: {  	_ =	shalt  }
.Lfunc_end0:
.L_simem_size_0:
called_computation.1_lowered:
.L_overlay_start_0:
0x88: {  	s2 =	sld [smem:$0x3FD9]  }
0x89: {  	s3 =	sld [smem:$0x3FFE];
	_ =	sdelay $0x1  }
0x8a: {  	s1 =	srdreg.scid  }
0x8b: {  	s0 =	sand.u32 $0x1, s1  }
0x8c: {  	s17 =	sshll.u32 s0, $0xA;
	s2 =	sadd.s32 s3, s2  }
0x8d: {  	s2 =	sadd.s32 s2, s17  }
0x8e: {  	[smem:$0x3FC0] =	sst s2  }
0x8f: {  	_ = 	snop  }
0x90: {  	s2 =	sld [smem:$0x3FD0];
	(tm) =	ssettm $0x1  }
0x91: {  	s18 =	sld [smem:$0x3FFB];
	_ =	sdelay $0x3  }
0x92: {  	_ =	strace s18  }
0x93: {  	s3 =	sld [smem:$0x3FFC];
	_ =	sdelay $0x3  }
0x94: {  	_ =	strace s3  }
0x95: {  	s3 =	sld [smem:$0x3FFD];
	_ =	sdelay $0x3  }
0x96: {  	_ =	strace s3  }
0x97: {  	_ =	strace $0x8FFFFFFF  }
0x98: {  	s19 =	sld [smem:$0x3FDB];
	_ =	sdelay $0x1  }
0x99: {  	s4 =	simm.s32 $_scs_section_size  }
0x9a: {  	s5 =	simm.s32 $_size__tile_overlayer_lowered;
	s6 =	simm.s32 $_tile_overlayer_lowered  }
0x9b: {  	s22 =	simm.s32 $0x1BFF;
	s21 =	sshll.u32 s6, $0x1;
	s3 =	sadd.s32 s4, s19  }
0x9c: {  	s7 =	simm.s32 $0x0;
	s20 =	sshll.u32 s5, $0x1;
	s5 =	sadd.s32 s21, s3  }
0x9d: {  	[timem:s7], [sflag:s22] =	dma.local [hbm:s5], s20  }
0x9e: {  	_ =	swait.ge [sflag:s22], s20  }
0x9f: {  	s4 =	ssub.s32 $0x0, s20;
	[sflag:s22] =	ssyncset.done $0x0  }
0xa0: {  	[sflag:s22] =	ssyncadd.s32 s4;
	_ =	sdelay $0x1  }
0xa1: {  	s23 =	simm.s32 $0x1B8B  }
0xa2: {  	_ =	swait.ge [sflag:s23], $0x1  }
0xa3: {  	[sflag:s23] =	ssyncset.done $0x0  }
0xa4: {  	s25 =	simm.s32 $0x1B8E;
	s24 =	sld [smem:$0x3FFE];
	[sflag:s23] =	ssyncadd.s32 $0xFFFFFFFF  }
0xa5: {  	s26 =	simm.s32 $execute0_lowered;
	[smem:$0x3FD2] =	sst s25  }
0xa6: {  	s5 =	sshll.u32 s26, $0x1;
	_ =	strace $0x80000049;
	[dreg:$0x1] =	wrdreg $0xFFFFFFFF  }
0xa7: {  	s28 =	simm.s32 $_size_execute0_lowered;
	s3 =	sadd.s32 s3, s5;
	[dreg:$0x0] =	wrdreg $0x0  }
0xa8: {  	s5 =	sshll.u32 s28, $0x1;
	[dreg:$0x2] =	wrdreg s3  }
0xa9: {  	[dreg:$0x3] =	wrdreg s5  }
0xaa: {  	[dreg:$0x4] =	wrdreg $0xC0  }
0xab: {  	_ =	task [dreg:s7], $0x5FFFF  }
0xac: {  	[dreg:$0x1] =	wrdreg $0xFFFFFFFF  }
0xad: {  	[dreg:$0x0] =	wrdreg $0x60  }
0xae: {  	[dreg:$0x2] =	wrdreg s24  }
0xaf: {  	[dreg:$0x3] =	wrdreg s2  }
0xb0: {  	[dreg:$0x4] =	wrdreg $0xB5800  }
0xb1: {  	[dreg:$0x5] =	wrdreg $0x9  }
0xb2: {  	_ =	task.clear_ibuf [dreg:s7], $0x6FFFF;
	_ =	strace $0x90000049  }
0xb3: {  	s29 =	simm.s32 $0x9;
	_ =	strace $0x8000004B  }
0xb4: {  	_ =	swait.ge [sflag:s29], $0x1  }
0xb5: {  	[sflag:s29] =	ssyncadd.s32 $0xFFFFFFFF  }
0xb6: {  	_ =	strace $0x9000004B  }
0xb7: {  	_ =	sfence  }
0xb8: {  	s30 =	sld [smem:$0x0];
	_ =	sdelay $0x2  }
0xb9: {  	s31 =	sshll.u32 s1, $0xD;
	s1 =	sshrl.u32 s1, $0x2  }
0xba: {  	s3 =	sand.u32 $0x4000, s31;
	s1 =	sadd.s32 s1, s30  }
0xbb: {  	s0 =	sor.u32 s3, s0;
	s1 =	sshll.u32 s1, $0x11  }
0xbc: {  	s0 =	sor.u32 s1, s0  }
0xbd: {  	s0 =	sadd.s32 $0x8F2B, s0  }
0xbe: {  	[sflag:s0] =	ssyncadd.remote.s32 $0x1  }
0xbf: {  	_ =	sfence.sel $0xFFFF  }
0xc0: {  	[dreg:$0x0] =	wrdreg $0xFFFFFFFF;
	(pc) =	sbr.abs _section_cstart, $3  }
0xc1: {  	[dreg:$0x1] =	wrdreg $0xFFFFFFFF  }
0xc2: {  	_ =	task.clear_ibuf [dreg:s7], $0x2FFFF;
	_ =	strace $0x9FFFFFFF  }
0xc3: {  	(tm) =	ssettm $0x7FFFFFFF  }
tec
execute0_lowered:
.L_overlay_start_1:
0x0: {  	(tag) =	ssettag $0x1  }
0x1: {  	s11 =	rddreg [dreg:$0x0]  }
0x2: {  	s1 =	rddreg [dreg:$0x1]  }
0x3: {  	s2 =	rddreg [dreg:$0x2]  }
0x4: {  	s0 =	rddreg [dreg:$0x3]  }
0x5: {  	s3 =	simm.s32 $0x0;
	s7 =	srdreg.scid;
	s4 =	stileid.u32  }
0x6: {  	s21 =	simm.s32 $0x180;
	s22 =	simm.s32 $0x3D80;
	s23 =	simm.s32 $0x7980  }
0x7: {  	s24 =	simm.s32 $0x1;
	s30 =	simm.s32 $0x0;
	[smem:$0x7FF] =	sst s3  }
0x8: {  	s5 =	sadd.s32 $0xF400, s11;
	s6 =	sadd.s32 $0x5600, s11;
	s12 =	sand.u32 $0x1, s7  }
0x9: {  	s13 =	smul.u32 $0x2800, s4;
	s7 =	sadd.s32 $0x22E00, s11;
	s9 =	sadd.s32 $0x13AE00, s11  }
0xa: {  	s8 =	sadd.s32 $0x72E00, s11;
	s10 =	sadd.s32 $0x18AE00, s11;
	s15 =	smul.u32 $0x50000, s4  }
0xb: {  	s17 =	sshll.u32 s4, $0x6;
	_ =	strace $0x8000004A;
	s14 =	smul.u32 $0x28000, s12  }
0xc: {  	s29 =	ssub.s32 $0x2, s12;
	s18 =	smul.u32 $0x4E480, s12;
	s12 =	sor.u32 $0x1C02, s17  }
0xd: {  	s17 =	simm.s32 $0x2;
	s31 =	sshrl.u32 s29, $0x1;
	s15 =	sshrl.u32 s15, $0x2  }
0xe: {  	s13 =	sadd.s32 s13, s14;
	s19 =	ssub.s32 s29, s31;
	s20 =	sadd.s32 s15, s2  }
0xf: {  	s16 =	sadd.s32 s13, s11;
	s11 =	smul.u32 $0x4E48, s4;
	s15 =	smax.u32 s19, $0x1  }
0x10: {  	s19 =	simm.s32 $0x100;
	s14 =	sadd.s32 $0x18D600, s16;
	s16 =	sshrl.u32 s20, $0x3  }
0x11: {  	s20 =	simm.s32 $0x78;
	s13 =	sadd.s32 s11, s18;
	s18 =	simm.s32 $0x80  }
.LBB2_1:
0x12: {  	[spmem:s16], [sflag:s12] =	dma.local [hbm:s10], $0x2800  }
0x13: {  	_ =	swait.ge [sflag:s17], $0x2800  }
0x14: {  	[sflag:s17] =	ssyncset.done $0x0  }
0x15: {  	[sflag:s17] =	ssyncadd.s32 $0xFFFFD800  }
0x16: {  	s25 =	simm.s32 $0x0;
	[bflag:$0x0] =	sbarrier.arrive $0xFFFF  }
.LBB2_2:
0x17: {  	s26 =	smul.u32 $0x78, s25;
	_ =	sdelay $0x1  }
0x18: {  	s28 =	sadd.s32 s26, s13  }
0x19: {  	s28 =	sshrl.u32 s28, $0x3  }
0x1a: {  	s29 =	sadd.s32 s5, s28  }
0x1b: {  	[tilespmem:s30], [sflag:$0x2] =	stream.linear.gather [hbm4b:s29+s30], $0x78, $0x38;
	[tilespmem:$0x1F580] =	vst v63  }
0x1c: {  	_ =	swait.ge [sflag:s17], $0x78  }
0x1d: {  	[sflag:s17] =	ssyncset.done $0x0  }
0x1e: {  	s28 =	sadd.s32 s1, s28;
	[sflag:s17] =	ssyncadd.s32 $0xFFFFFF88  }
0x1f: {  	[tilespmem:s18], [sflag:$0x2] =	stream.linear.gather [hbm4b:s28+s30], $0x78, $0x38;
	[tilespmem:$0x1F580] =	vst v63  }
0x20: {  	s26 =	sadd.s32 s11, s26;
	_ =	swait.ge [sflag:s17], $0x78  }
0x21: {  	s26 =	sshrl.u32 s26, $0x3;
	[sflag:s17] =	ssyncset.done $0x0  }
0x22: {  	s26 =	sadd.s32 s6, s26;
	[sflag:s17] =	ssyncadd.s32 $0xFFFFFF88  }
0x23: {  	[tilespmem:s19], [sflag:$0x2] =	stream.linear.gather [hbm4b:s26+s30], $0x78, $0x38;
	[tilespmem:$0x1F580] =	vst v63  }
0x24: {  	_ =	swait.ge [sflag:s17], $0x78  }
0x25: {  	[sflag:s17] =	ssyncset.done $0x0  }
0x26: {  	[sflag:s17] =	ssyncadd.s32 $0xFFFFFF88  }
0x27: {  	[tilespmem:s21], [sflag:$0x1] =	stream.indirect.gather [hbm4b:s7+s20], $0x80, s30, s20, $0xb8;
	[tilespmem:$0x1F580] =	vst v63  }
0x28: {  	_ = 	snop  }
0x29: {  	[tilespmem:s22], [sflag:$0x1] =	stream.indirect.gather [hbm4b:s8+s20], $0x80, s30, s20, $0xb8;
	[tilespmem:$0x1F580] =	vst v63  }
0x2a: {  	_ = 	snop  }
0x2b: {  	[tilespmem:s23], [sflag:$0x1] =	stream.indirect.gather [hbm4b:s9+s20], $0x80, s18, s20, $0xb8;
	[tilespmem:$0x1F580] =	vst v63  }
0x2c: {  	_ =	swait.ge [sflag:s24], $0x3C00  }
0x2d: {  	[sflag:s24] =	ssyncset.done $0x0  }
0x2e: {  	[sflag:s24] =	ssyncadd.s32 $0xFFFFC400  }
0x2f: {  	_ =	swait.ge [sflag:s24], $0x3C00  }
0x30: {  	[sflag:s24] =	ssyncset.done $0x0  }
0x31: {  	[sflag:s24] =	ssyncadd.s32 $0xFFFFC400  }
0x32: {  	_ =	swait.ge [sflag:s24], $0x3C00  }
0x33: {  	[sflag:s24] =	ssyncset.done $0x0  }
0x34: {  	s26 =	simm.s32 $0x0;
	[sflag:s24] =	ssyncadd.s32 $0xFFFFC400  }
0x35: {  	v3 =	vld [tilespmem:s26+$0x7980]  }
0x36: {  	v4 =	vld [tilespmem:s26+$0x7990]  }
0x37: {  	v5 =	vld [tilespmem:s26+$0x79A0]  }
0x38: {  	v6 =	vld [tilespmem:s26+$0x79B0]  }
0x39: {  	v2 =	vld [tilespmem:s26+$0x1C0]  }
0x3a: {  	v1 =	vld [tilespmem:s26+$0x1D0]  }
0x3b: {  	s28 =	simm.s32 $0x200;
	v0 =	vld [tilespmem:s26+$0x1E0]  }
.LBB2_3:
0x3c: {  	p0 =	sne.s32 s28, $0xEE00;
	v7 =	vld [tilespmem:s26+$0x1F0];
	_ =	sdelay $0x1  }
0x3d: {  	v3 =	vadd.f32 v3, v2  }
0x3e: {  	v4 =	vadd.f32 v4, v1  }
0x3f: {  	v3 =	vmul.f32 $1.442695020e+00, v3;
	v5 =	vadd.f32 v5, v0  }
0x40: {  	v4 =	vmul.f32 $1.442695020e+00, v4;
	v6 =	vadd.f32 v6, v7  }
0x41: {  	v5 =	vmul.f32 $1.442695020e+00, v5;
	(erf) = vpow2.f32 v3  }
0x42: {  	v3 =	vmul.f32 $1.442695020e+00, v6;
	(erf) = vpow2.f32 v4  }
0x43: {  	(erf) = vpow2.f32 v5  }
0x44: {  	(erf) = vpow2.f32 v3;
	_ =	sdelay $0x5  }
0x45: {  	v3 =	vpop (erf)  }
0x46: {  	v6 =	vadd.f32 $1.000000000e+00, v3;
	v4 =	vpop (erf)  }
0x47: {  	v4 =	vadd.f32 $1.000000000e+00, v4;
	v5 =	vpop (erf)  }
0x48: {  	v5 =	vadd.f32 $1.000000000e+00, v5;
	(erf) = vrcp.f32 v6;
	v3 =	vpop (erf)  }
0x49: {  	v3 =	vadd.f32 $1.000000000e+00, v3;
	(erf) = vrcp.f32 v4  }
0x4a: {  	(erf) = vrcp.f32 v5  }
0x4b: {  	(erf) = vrcp.f32 v3;
	_ =	sdelay $0x1  }
0x4c: {  	v3 =	vld [tilespmem:s26+$0x3D80]  }
0x4d: {  	v4 =	vld [tilespmem:s26+$0x3D90]  }
0x4e: {  	v5 =	vld [tilespmem:s26+$0x3DA0]  }
0x4f: {  	v6 =	vld [tilespmem:s26+$0x3DB0]  }
0x50: {  	v8 =	vpop (erf)  }
0x51: {  	s29 =	sshra.s32 s28, $0x2;
	v8 =	vmul.f32 v8, v3;
	v9 =	vpop (erf)  }
0x52: {  	v3 =	vld [tilespmem:s29+$0x7980];
	v9 =	vmul.f32 v9, v4;
	v10 =	vpop (erf)  }
0x53: {  	v4 =	vld [tilespmem:s29+$0x7990];
	v2 =	vadd.f32 v8, v2;
	v8 =	vmul.f32 v10, v5;
	v10 =	vpop (erf)  }
.Ltmp0:
0x54: {  	v5 =	vld [tilespmem:s29+$0x79A0];
	v1 =	vadd.f32 v9, v1;
	v9 =	vmul.f32 v10, v6;
	(pc) =	sbr.rel @p0 .LBB2_3-.Ltmp0, $4  }
0x55: {  	v6 =	vld [tilespmem:s29+$0x79B0];
	[tilespmem:s26+$0x1C0] =	vst v2;
	v0 =	vadd.f32 v8, v0  }
0x56: {  	v2 =	vld [tilespmem:s29+$0x1C0];
	[tilespmem:s26+$0x1D0] =	vst v1;
	v7 =	vadd.f32 v9, v7  }
0x57: {  	v1 =	vld [tilespmem:s29+$0x1D0];
	[tilespmem:s26+$0x1E0] =	vst v0  }
0x58: {  	s28 =	sadd.s32 $0x200, s28;
	v0 =	vld [tilespmem:s29+$0x1E0];
	[tilespmem:s26+$0x1F0] =	vst v7;
	s26 =	smov.u32 s29  }
0x59: {  	v7 =	vld [tilespmem:s26+$0x1F0];
	_ =	sdelay $0x1  }
0x5a: {  	v3 =	vadd.f32 v3, v2  }
0x5b: {  	v4 =	vadd.f32 v4, v1  }
0x5c: {  	v3 =	vmul.f32 $1.442695020e+00, v3;
	v5 =	vadd.f32 v5, v0  }
0x5d: {  	v4 =	vmul.f32 $1.442695020e+00, v4;
	v6 =	vadd.f32 v6, v7  }
0x5e: {  	v5 =	vmul.f32 $1.442695020e+00, v5;
	(erf) = vpow2.f32 v3  }
0x5f: {  	v48 =	vmul.f32 $1.442695020e+00, v6;
	(erf) = vpow2.f32 v4  }
0x60: {  	(erf) = vpow2.f32 v5  }
0x61: {  	(erf) = vpow2.f32 v48;
	_ =	sdelay $0x5  }
0x62: {  	v49 =	vpop (erf)  }
0x63: {  	v3 =	vadd.f32 $1.000000000e+00, v49;
	v4 =	vpop (erf)  }
0x64: {  	v4 =	vadd.f32 $1.000000000e+00, v4;
	v5 =	vpop (erf)  }
0x65: {  	v5 =	vadd.f32 $1.000000000e+00, v5;
	(erf) = vrcp.f32 v3;
	v50 =	vpop (erf)  }
0x66: {  	v3 =	vadd.f32 $1.000000000e+00, v50;
	(erf) = vrcp.f32 v4  }
0x67: {  	(erf) = vrcp.f32 v5  }
0x68: {  	(erf) = vrcp.f32 v3;
	_ =	sdelay $0x1  }
0x69: {  	v51 =	vld [tilespmem:s26+$0x3D80]  }
0x6a: {  	v52 =	vld [tilespmem:s26+$0x3D90]  }
0x6b: {  	v53 =	vld [tilespmem:s26+$0x3DA0]  }
0x6c: {  	v54 =	vld [tilespmem:s26+$0x3DB0]  }
0x6d: {  	v8 =	vpop (erf)  }
0x6e: {  	v3 =	vmul.f32 v8, v51;
	v55 =	vpop (erf)  }
0x6f: {  	v4 =	vmul.f32 v55, v52;
	v56 =	vpop (erf)  }
0x70: {  	v57 =	vadd.f32 v3, v2;
	v58 =	vmul.f32 v56, v53;
	v59 =	vpop (erf)  }
0x71: {  	v60 =	vadd.f32 v4, v1;
	v61 =	vmul.f32 v59, v54  }
0x72: {  	[tilespmem:s26+$0x1C0] =	vst v57;
	v62 =	vadd.f32 v58, v0  }
0x73: {  	s25 =	sadd.s32 $0x1, s25;
	[tilespmem:s26+$0x1D0] =	vst v60;
	v63 =	vadd.f32 v61, v7  }
0x74: {  	p0 =	sne.s32 s25, $0xA7;
	[tilespmem:s26+$0x1E0] =	vst v62  }
.Ltmp1:
0x75: {  	[tilespmem:s26+$0x1F0] =	vst v63;
	(pc) =	sbr.rel @p0 .LBB2_2-.Ltmp1, $4  }
0x76: {  	[spmem:s2] =	stream.indirect.scatter.add.f32 [tilespmem:s21], [sflag:$0x2], $0x80, s19, s20, $0xb8;
	[tilespmem:$0x1F580] =	vst v63  }
0x77: {  	_ =	swait.ge [sflag:s17], $0x3C00  }
0x78: {  	[sflag:s17] =	ssyncset.done $0x0  }
0x79: {  	[sflag:s17] =	ssyncadd.s32 $0xFFFFC400  }
0x7a: {  	s3 =	sadd.s32 $0x1, s3  }
0x7b: {  	p0 =	sne.s32 s3, s15  }
.Ltmp2:
0x7c: {  	[bflag:$0x0] =	sbarrier.arrive $0xFFFF;
	(pc) =	sbr.rel @p0 .LBB2_1-.Ltmp2, $4  }
0x7d: {  	[hbm:s14], [sflag:s12] =	dma.local [spmem:s16], $0x2800  }
0x7e: {  	_ =	swait.ge [sflag:s17], $0x2800  }
0x7f: {  	[sflag:s17] =	ssyncset.done $0x0  }
0x80: {  	[sflag:s17] =	ssyncadd.s32 $0xFFFFD800  }
0x81: {  	_ =	sfence.sel $0x180000  }
0x82: {  	[bflag:$0x0] =	sbarrier.arrive $0xFFFF  }
0x83: {  	p0 =	sne.s32 s4, $0x0;
	_ =	strace $0x9000004A  }
0x84: {  	s0 =	sadd.s32 @!p0 $0x100000, s0;
	[bflag:$0x2] =	sbarrier.arrive $0xFFFF  }
0x85: {  	[sflag:s0] =	ssyncadd.tile.s32 @!p0 $0x1;
	_ =	shalt  }
.Lfunc_end2:
_tile_overlayer_lowered:
.L_overlay_start_2:
0x86: {  	(tag) =	ssettag $0x2  }
0x87: {  	s0 =	rddreg [dreg:$0x0];
	s2 =	stileid.u32  }
0x88: {  	s1 =	rddreg [dreg:$0x1];
	p0 =	sne.s32 s2, $0x0  }
0x89: {  	s3 =	rddreg [dreg:$0x2];
	[bflag:$0x3] =	sbarrier.arrive $0xFFFF;
	s2 =	simm.s32 @!p0 $0x1C02  }
0x8a: {  	[timem:s3], [sflag:s2] =	dma.local @!p0 [hbm:s0], s1  }
0x8b: {  	s0 =	simm.s32 @!p0 $0x2  }
0x8c: {  	_ =	swait.ge @!p0 [sflag:s0], s1  }
0x8d: {  	s1 =	ssub.s32 @!p0 $0x0, s1;
	[sflag:s0] =	ssyncset.done @!p0 $0x0  }
0x8e: {  	[sflag:s0] =	ssyncadd.s32 @!p0 s1  }
0x8f: {  	[bflag:$0x3] =	sbarrier.arrive $0xFFFF  }
0x90: {  	_ =	shalt  }

// kernel: kernel.23.cloned.1.call-start
scs
__scs_entry_jumppad:
0x0: {  	(pc) =	sbr.rel $0x88, $3  }
0x1: {  	(tag) =	ssettag $0x0;
	lr =	simm.s32 $0x1  }
0x2: {  	[smem:$0x3F99] =	sst lr;
	_ =	strace $0xD0000000  }
0x3: {  	_ = 	snop  }
0x4: {  	_ = 	snop  }
0x5: {  	_ = 	snop  }
0x6: {  	_ = 	snop  }
0x7: {  	_ = 	snop  }
__scs_overlays_trampoline_lowered:
0x8: {  	[smem:$0x3FA8] =	sst s0  }
0x9: {  	[smem:$0x3FA9] =	sst s1  }
0xa: {  	[smem:$0x3FAA] =	sst s2  }
0xb: {  	[smem:$0x3FAB] =	sst s3  }
0xc: {  	[smem:$0x3FAC] =	sst s4  }
0xd: {  	[smem:$0x3FAD] =	sst s5  }
0xe: {  	[smem:$0x3FAE] =	sst s6  }
0xf: {  	[smem:$0x3FAF] =	sst s7  }
0x10: {  	[smem:$0x3FB0] =	sst s8  }
0x11: {  	[smem:$0x3FB1] =	sst s9;
	s0 =	simm.s32 @!p0 $0x0  }
0x12: {  	s1 =	sld [smem:$0x3F97];
	s0 =	simm.s32 @p0 $0x1  }
0x13: {  	[smem:$0x3FB2] =	sst s0;
	s0 =	simm.s32 @!p1 $0x0  }
0x14: {  	s2 =	sld [smem:$0x3F96];
	s0 =	simm.s32 @p1 $0x1  }
0x15: {  	[smem:$0x3FB3] =	sst s0;
	s0 =	simm.s32 @!p2 $0x0  }
0x16: {  	s3 =	sld [smem:$0x3FDB];
	s0 =	simm.s32 @p2 $0x1  }
0x17: {  	s4 =	simm.s32 $0x1BF5;
	[smem:$0x3FB5] =	sst s0  }
0x18: {  	s0 =	sld [smem:$0x3F98];
	_ =	swait.ge [sflag:s4], $0x0  }
0x19: {  	s7 =	sld [smem:$0x3F99]  }
0x1a: {  	s8 =	sadd.s32 $0xFFFFE003, lr  }
0x1b: {  	s9 =	sadd.s32 $0xFFFFFEF7, lr;
	s5 =	simm.s32 $0xFFFFFFFF;
	p2 =	slt.u32 s8, $0xFFFFF086  }
0x1c: {  	p1 =	slt.u32 s9, $0xF7A;
	s5 =	simm.s32 @!p2 $0x0  }
0x1d: {  	s5 =	simm.s32 @p1 $0x1;
	p0 =	seq.s32 s7, s2  }
0x1e: {  	s7 =	smul.u32 @!p0 $0xF7A, s2;
	p2 =	seq.s32 @!p0 s5, $0x0  }
0x1f: {  	s9 =	smul.u32 $0xF7A, s1;
	s8 =	simm.s32 @!p0 $0x1BF5;
	p2 =	por !p2, p0  }
0x20: {  	[sflag:s8] =	ssyncset.s32 @!p0 $0xFFFFF086;
	s6 =	sadd.s32 @!p0 s3, s7;
	s7 =	simm.s32 @!p0 $0x108  }
0x21: {  	s3 =	sadd.s32 s3, s9;
	s6 =	sadd.s32 @!p0 $0x88, s6;
	s7 =	simm.s32 @p2 $0x1082  }
0x22: {  	[simem:s7], [sflag:s8] =	dma.local @!p0 [hbm:s6], $0xF7A  }
0x23: {  	s9 =	sor.u32 $0xD0000000, s2;
	s6 =	simm.s32 $0x108;
	_ =	swait.ge @!p0 [sflag:s8], $0x0  }
0x24: {  	s3 =	sadd.s32 $0x88, s3;
	s6 =	simm.s32 @!p1 $0x1082;
	[sflag:s4] =	ssyncset.s32 $0xFFFFF086  }
0x25: {  	[simem:s6], [sflag:s4] =	dma.local [hbm:s3], $0xF7A  }
0x26: {  	[smem:$0x3F99] =	sst s1;
	(tag) =	ssettag s2;
	_ =	strace s9  }
0x27: {  	s1 =	sld [smem:$0x3FA9]  }
0x28: {  	s2 =	sld [smem:$0x3FAA]  }
0x29: {  	s4 =	sld [smem:$0x3FAC]  }
0x2a: {  	p0 =	seq.s32 s5, $0x0;
	s5 =	sld [smem:$0x3FAD]  }
0x2b: {  	s6 =	sld [smem:$0x3FAE]  }
0x2c: {  	s7 =	sld [smem:$0x3FAF]  }
0x2d: {  	s3 =	simm.s32 $0x108;
	s8 =	sld [smem:$0x3FB0]  }
0x2e: {  	s3 =	simm.s32 @!p0 $0x1082;
	s9 =	sld [smem:$0x3FB1]  }
0x2f: {  	lr =	sadd.s32 s0, s3;
	s0 =	sld [smem:$0x3FA8]  }
0x30: {  	s3 =	sld [smem:$0x3FAB]  }
0x31: {  	[smem:$0x3FB4] =	sst s10  }
0x32: {  	s10 =	sld [smem:$0x3FB2];
	_ =	sdelay $0x3  }
0x33: {  	p0 =	seq.s32 s10, $0x1;
	s10 =	sld [smem:$0x3FB4];
	_ =	sdelay $0x3  }
0x34: {  	[smem:$0x3FB4] =	sst s10  }
0x35: {  	s10 =	sld [smem:$0x3FB3];
	_ =	sdelay $0x3  }
0x36: {  	p1 =	seq.s32 s10, $0x1;
	s10 =	sld [smem:$0x3FB4];
	_ =	sdelay $0x3  }
0x37: {  	[smem:$0x3FB4] =	sst s10  }
0x38: {  	s10 =	sld [smem:$0x3FB5]  }
0x39: {  	_ = 	snop;
	(pc) =	sbr.ind lr, $3  }
0x3a: {  	_ = 	snop  }
0x3b: {  	_ = 	snop  }
0x3c: {  	p2 =	seq.s32 s10, $0x1;
	s10 =	sld [smem:$0x3FB4]  }
0x3d: {  	_ =	shalt  }
0x3e: {  	_ =	shalt  }
0x3f: {  	_ =	shalt  }
0x40: {  	_ =	shalt  }
0x41: {  	_ =	shalt  }
0x42: {  	_ =	shalt  }
0x43: {  	_ =	shalt  }
0x44: {  	_ =	shalt  }
0x45: {  	_ =	shalt  }
0x46: {  	_ =	shalt  }
0x47: {  	_ =	shalt  }
0x48: {  	_ =	shalt  }
0x49: {  	_ =	shalt  }
0x4a: {  	_ =	shalt  }
0x4b: {  	_ =	shalt  }
0x4c: {  	_ =	shalt  }
0x4d: {  	_ =	shalt  }
0x4e: {  	_ =	shalt  }
0x4f: {  	_ =	shalt  }
0x50: {  	_ =	shalt  }
0x51: {  	_ =	shalt  }
0x52: {  	_ =	shalt  }
0x53: {  	_ =	shalt  }
0x54: {  	_ =	shalt  }
0x55: {  	_ =	shalt  }
0x56: {  	_ =	shalt  }
0x57: {  	_ =	shalt  }
0x58: {  	_ =	shalt  }
0x59: {  	_ =	shalt  }
0x5a: {  	_ =	shalt  }
0x5b: {  	_ =	shalt  }
0x5c: {  	_ =	shalt  }
0x5d: {  	_ =	shalt  }
0x5e: {  	_ =	shalt  }
0x5f: {  	_ =	shalt  }
0x60: {  	_ =	shalt  }
0x61: {  	_ =	shalt  }
0x62: {  	_ =	shalt  }
0x63: {  	_ =	shalt  }
0x64: {  	_ =	shalt  }
0x65: {  	_ =	shalt  }
0x66: {  	_ =	shalt  }
0x67: {  	_ =	shalt  }
0x68: {  	_ =	shalt  }
0x69: {  	_ =	shalt  }
0x6a: {  	_ =	shalt  }
0x6b: {  	_ =	shalt  }
0x6c: {  	_ =	shalt  }
0x6d: {  	_ =	shalt  }
0x6e: {  	_ =	shalt  }
0x6f: {  	_ =	shalt  }
0x70: {  	_ =	shalt  }
0x71: {  	_ =	shalt  }
0x72: {  	_ =	shalt  }
0x73: {  	_ =	shalt  }
0x74: {  	_ =	shalt  }
0x75: {  	_ =	shalt  }
0x76: {  	_ =	shalt  }
0x77: {  	_ =	shalt  }
0x78: {  	_ =	shalt  }
0x79: {  	_ =	shalt  }
0x7a: {  	_ =	shalt  }
0x7b: {  	_ =	shalt  }
0x7c: {  	_ =	shalt  }
0x7d: {  	_ =	shalt  }
0x7e: {  	_ =	shalt  }
0x7f: {  	_ =	shalt  }
0x80: {  	_ =	shalt  }
0x81: {  	_ =	shalt  }
0x82: {  	_ =	shalt  }
0x83: {  	_ =	shalt  }
0x84: {  	_ =	shalt  }
0x85: {  	_ =	shalt  }
0x86: {  	_ =	shalt  }
0x87: {  	_ =	shalt  }
.Lfunc_end0:
.L_simem_size_0:
called_computation.2_lowered:
.L_overlay_start_0:
0x88: {  	s2 =	sld [smem:$0x3FD9]  }
0x89: {  	s3 =	sld [smem:$0x3FFE];
	_ =	sdelay $0x1  }
0x8a: {  	s1 =	srdreg.scid  }
0x8b: {  	s0 =	sand.u32 $0x1, s1  }
0x8c: {  	s17 =	sshll.u32 s0, $0xA;
	s2 =	sadd.s32 s3, s2  }
0x8d: {  	s2 =	sadd.s32 s2, s17  }
0x8e: {  	[smem:$0x3FC0] =	sst s2  }
0x8f: {  	_ = 	snop  }
0x90: {  	s2 =	sld [smem:$0x3FD0];
	(tm) =	ssettm $0x1  }
0x91: {  	s18 =	sld [smem:$0x3FFB];
	_ =	sdelay $0x3  }
0x92: {  	_ =	strace s18  }
0x93: {  	s3 =	sld [smem:$0x3FFC];
	_ =	sdelay $0x3  }
0x94: {  	_ =	strace s3  }
0x95: {  	s3 =	sld [smem:$0x3FFD];
	_ =	sdelay $0x3  }
0x96: {  	_ =	strace s3  }
0x97: {  	_ =	strace $0x8FFFFFFF  }
0x98: {  	s19 =	sld [smem:$0x3FDB];
	_ =	sdelay $0x1  }
0x99: {  	s4 =	simm.s32 $_scs_section_size  }
0x9a: {  	s5 =	simm.s32 $_size__tile_overlayer_lowered;
	s6 =	simm.s32 $_tile_overlayer_lowered  }
0x9b: {  	s22 =	simm.s32 $0x1BFF;
	s21 =	sshll.u32 s6, $0x1;
	s3 =	sadd.s32 s4, s19  }
0x9c: {  	s7 =	simm.s32 $0x0;
	s20 =	sshll.u32 s5, $0x1;
	s5 =	sadd.s32 s21, s3  }
0x9d: {  	[timem:s7], [sflag:s22] =	dma.local [hbm:s5], s20  }
0x9e: {  	_ =	swait.ge [sflag:s22], s20  }
0x9f: {  	s4 =	ssub.s32 $0x0, s20;
	[sflag:s22] =	ssyncset.done $0x0  }
0xa0: {  	[sflag:s22] =	ssyncadd.s32 s4;
	_ =	sdelay $0x1  }
0xa1: {  	s23 =	simm.s32 $0x1B8B  }
0xa2: {  	_ =	swait.ge [sflag:s23], $0x1  }
0xa3: {  	[sflag:s23] =	ssyncset.done $0x0  }
0xa4: {  	s25 =	simm.s32 $0x1B8E;
	s24 =	sld [smem:$0x3FFE];
	[sflag:s23] =	ssyncadd.s32 $0xFFFFFFFF  }
0xa5: {  	s26 =	simm.s32 $execute0_lowered;
	[smem:$0x3FD2] =	sst s25  }
0xa6: {  	s5 =	sshll.u32 s26, $0x1;
	_ =	strace $0x8000004C;
	[dreg:$0x1] =	wrdreg $0xFFFFFFFF  }
0xa7: {  	s28 =	simm.s32 $_size_execute0_lowered;
	s3 =	sadd.s32 s3, s5;
	[dreg:$0x0] =	wrdreg $0x0  }
0xa8: {  	s5 =	sshll.u32 s28, $0x1;
	[dreg:$0x2] =	wrdreg s3  }
0xa9: {  	[dreg:$0x3] =	wrdreg s5  }
0xaa: {  	[dreg:$0x4] =	wrdreg $0xC0  }
0xab: {  	_ =	task [dreg:s7], $0x5FFFF  }
0xac: {  	[dreg:$0x1] =	wrdreg $0xFFFFFFFF  }
0xad: {  	[dreg:$0x0] =	wrdreg $0x60  }
0xae: {  	[dreg:$0x2] =	wrdreg s24  }
0xaf: {  	[dreg:$0x3] =	wrdreg s2  }
0xb0: {  	[dreg:$0x4] =	wrdreg $0xB5800  }
0xb1: {  	[dreg:$0x5] =	wrdreg $0x9  }
0xb2: {  	_ =	task.clear_ibuf [dreg:s7], $0x6FFFF;
	_ =	strace $0x9000004C  }
0xb3: {  	s29 =	simm.s32 $0x9;
	_ =	strace $0x8000004E  }
0xb4: {  	_ =	swait.ge [sflag:s29], $0x1  }
0xb5: {  	[sflag:s29] =	ssyncadd.s32 $0xFFFFFFFF  }
0xb6: {  	_ =	strace $0x9000004E  }
0xb7: {  	_ =	sfence  }
0xb8: {  	s30 =	sld [smem:$0x0];
	_ =	sdelay $0x2  }
0xb9: {  	s31 =	sshll.u32 s1, $0xD;
	s1 =	sshrl.u32 s1, $0x2  }
0xba: {  	s3 =	sand.u32 $0x4000, s31;
	s1 =	sadd.s32 s1, s30  }
0xbb: {  	s0 =	sor.u32 s3, s0;
	s1 =	sshll.u32 s1, $0x11  }
0xbc: {  	s0 =	sor.u32 s1, s0  }
0xbd: {  	s0 =	sadd.s32 $0x8F2B, s0  }
0xbe: {  	[sflag:s0] =	ssyncadd.remote.s32 $0x1  }
0xbf: {  	_ =	sfence.sel $0xFFFF  }
0xc0: {  	[dreg:$0x0] =	wrdreg $0xFFFFFFFF;
	(pc) =	sbr.abs _section_cstart, $3  }
0xc1: {  	[dreg:$0x1] =	wrdreg $0xFFFFFFFF  }
0xc2: {  	_ =	task.clear_ibuf [dreg:s7], $0x2FFFF;
	_ =	strace $0x9FFFFFFF  }
0xc3: {  	(tm) =	ssettm $0x7FFFFFFF  }
tec
execute0_lowered:
.L_overlay_start_1:
0x0: {  	(tag) =	ssettag $0x1  }
0x1: {  	s11 =	rddreg [dreg:$0x0]  }
0x2: {  	s1 =	rddreg [dreg:$0x1]  }
0x3: {  	s2 =	rddreg [dreg:$0x2]  }
0x4: {  	s0 =	rddreg [dreg:$0x3]  }
0x5: {  	s3 =	simm.s32 $0x0;
	s7 =	srdreg.scid;
	s4 =	stileid.u32  }
0x6: {  	s21 =	simm.s32 $0x180;
	s22 =	simm.s32 $0x3D80;
	s23 =	simm.s32 $0x7980  }
0x7: {  	s24 =	simm.s32 $0x1;
	s30 =	simm.s32 $0x0;
	[smem:$0x7FF] =	sst s3  }
0x8: {  	s5 =	sadd.s32 $0xF400, s11;
	s6 =	sadd.s32 $0x5600, s11;
	s12 =	sand.u32 $0x1, s7  }
0x9: {  	s13 =	smul.u32 $0x2800, s4;
	s7 =	sadd.s32 $0x22E00, s11;
	s9 =	sadd.s32 $0x13AE00, s11  }
0xa: {  	s8 =	sadd.s32 $0x72E00, s11;
	s10 =	sadd.s32 $0x18AE00, s11;
	s15 =	smul.u32 $0x50000, s4  }
0xb: {  	s17 =	sshll.u32 s4, $0x6;
	_ =	strace $0x8000004D;
	s14 =	smul.u32 $0x28000, s12  }
0xc: {  	s29 =	ssub.s32 $0x2, s12;
	s18 =	smul.u32 $0x4E480, s12;
	s12 =	sor.u32 $0x1C02, s17  }
0xd: {  	s17 =	simm.s32 $0x2;
	s31 =	sshrl.u32 s29, $0x1;
	s15 =	sshrl.u32 s15, $0x2  }
0xe: {  	s13 =	sadd.s32 s13, s14;
	s19 =	ssub.s32 s29, s31;
	s20 =	sadd.s32 s15, s2  }
0xf: {  	s16 =	sadd.s32 s13, s11;
	s11 =	smul.u32 $0x4E48, s4;
	s15 =	smax.u32 s19, $0x1  }
0x10: {  	s19 =	simm.s32 $0x100;
	s14 =	sadd.s32 $0x18D600, s16;
	s16 =	sshrl.u32 s20, $0x3  }
0x11: {  	s20 =	simm.s32 $0x78;
	s13 =	sadd.s32 s11, s18;
	s18 =	simm.s32 $0x80  }
.LBB2_1:
0x12: {  	[spmem:s16], [sflag:s12] =	dma.local [hbm:s10], $0x2800  }
0x13: {  	_ =	swait.ge [sflag:s17], $0x2800  }
0x14: {  	[sflag:s17] =	ssyncset.done $0x0  }
0x15: {  	[sflag:s17] =	ssyncadd.s32 $0xFFFFD800  }
0x16: {  	s25 =	simm.s32 $0x0;
	[bflag:$0x0] =	sbarrier.arrive $0xFFFF  }
.LBB2_2:
0x17: {  	s26 =	smul.u32 $0x78, s25;
	_ =	sdelay $0x1  }
0x18: {  	s28 =	sadd.s32 s26, s13  }
0x19: {  	s28 =	sshrl.u32 s28, $0x3  }
0x1a: {  	s29 =	sadd.s32 s5, s28  }
0x1b: {  	[tilespmem:s30], [sflag:$0x2] =	stream.linear.gather [hbm4b:s29+s30], $0x78, $0x38;
	[tilespmem:$0x1F580] =	vst v63  }
0x1c: {  	_ =	swait.ge [sflag:s17], $0x78  }
0x1d: {  	[sflag:s17] =	ssyncset.done $0x0  }
0x1e: {  	s28 =	sadd.s32 s1, s28;
	[sflag:s17] =	ssyncadd.s32 $0xFFFFFF88  }
0x1f: {  	[tilespmem:s18], [sflag:$0x2] =	stream.linear.gather [hbm4b:s28+s30], $0x78, $0x38;
	[tilespmem:$0x1F580] =	vst v63  }
0x20: {  	s26 =	sadd.s32 s11, s26;
	_ =	swait.ge [sflag:s17], $0x78  }
0x21: {  	s26 =	sshrl.u32 s26, $0x3;
	[sflag:s17] =	ssyncset.done $0x0  }
0x22: {  	s26 =	sadd.s32 s6, s26;
	[sflag:s17] =	ssyncadd.s32 $0xFFFFFF88  }
0x23: {  	[tilespmem:s19], [sflag:$0x2] =	stream.linear.gather [hbm4b:s26+s30], $0x78, $0x38;
	[tilespmem:$0x1F580] =	vst v63  }
0x24: {  	_ =	swait.ge [sflag:s17], $0x78  }
0x25: {  	[sflag:s17] =	ssyncset.done $0x0  }
0x26: {  	[sflag:s17] =	ssyncadd.s32 $0xFFFFFF88  }
0x27: {  	[tilespmem:s21], [sflag:$0x1] =	stream.indirect.gather [hbm4b:s7+s20], $0x80, s30, s20, $0xb8;
	[tilespmem:$0x1F580] =	vst v63  }
0x28: {  	_ = 	snop  }
0x29: {  	[tilespmem:s22], [sflag:$0x1] =	stream.indirect.gather [hbm4b:s8+s20], $0x80, s30, s20, $0xb8;
	[tilespmem:$0x1F580] =	vst v63  }
0x2a: {  	_ = 	snop  }
0x2b: {  	[tilespmem:s23], [sflag:$0x1] =	stream.indirect.gather [hbm4b:s9+s20], $0x80, s18, s20, $0xb8;
	[tilespmem:$0x1F580] =	vst v63  }
0x2c: {  	_ =	swait.ge [sflag:s24], $0x3C00  }
0x2d: {  	[sflag:s24] =	ssyncset.done $0x0  }
0x2e: {  	[sflag:s24] =	ssyncadd.s32 $0xFFFFC400  }
0x2f: {  	_ =	swait.ge [sflag:s24], $0x3C00  }
0x30: {  	[sflag:s24] =	ssyncset.done $0x0  }
0x31: {  	[sflag:s24] =	ssyncadd.s32 $0xFFFFC400  }
0x32: {  	_ =	swait.ge [sflag:s24], $0x3C00  }
0x33: {  	[sflag:s24] =	ssyncset.done $0x0  }
0x34: {  	s26 =	simm.s32 $0x0;
	[sflag:s24] =	ssyncadd.s32 $0xFFFFC400  }
0x35: {  	v3 =	vld [tilespmem:s26+$0x7980]  }
0x36: {  	v4 =	vld [tilespmem:s26+$0x7990]  }
0x37: {  	v5 =	vld [tilespmem:s26+$0x79A0]  }
0x38: {  	v6 =	vld [tilespmem:s26+$0x79B0]  }
0x39: {  	v2 =	vld [tilespmem:s26+$0x1C0]  }
0x3a: {  	v1 =	vld [tilespmem:s26+$0x1D0]  }
0x3b: {  	s28 =	simm.s32 $0x200;
	v0 =	vld [tilespmem:s26+$0x1E0]  }
.LBB2_3:
0x3c: {  	p0 =	sne.s32 s28, $0xEE00;
	v7 =	vld [tilespmem:s26+$0x1F0];
	_ =	sdelay $0x1  }
0x3d: {  	v3 =	vadd.f32 v3, v2  }
0x3e: {  	v4 =	vadd.f32 v4, v1  }
0x3f: {  	v3 =	vmul.f32 $1.442695020e+00, v3;
	v5 =	vadd.f32 v5, v0  }
0x40: {  	v4 =	vmul.f32 $1.442695020e+00, v4;
	v6 =	vadd.f32 v6, v7  }
0x41: {  	v5 =	vmul.f32 $1.442695020e+00, v5;
	(erf) = vpow2.f32 v3  }
0x42: {  	v3 =	vmul.f32 $1.442695020e+00, v6;
	(erf) = vpow2.f32 v4  }
0x43: {  	(erf) = vpow2.f32 v5  }
0x44: {  	(erf) = vpow2.f32 v3;
	_ =	sdelay $0x5  }
0x45: {  	v3 =	vpop (erf)  }
0x46: {  	v6 =	vadd.f32 $1.000000000e+00, v3;
	v4 =	vpop (erf)  }
0x47: {  	v4 =	vadd.f32 $1.000000000e+00, v4;
	v5 =	vpop (erf)  }
0x48: {  	v5 =	vadd.f32 $1.000000000e+00, v5;
	(erf) = vrcp.f32 v6;
	v3 =	vpop (erf)  }
0x49: {  	v3 =	vadd.f32 $1.000000000e+00, v3;
	(erf) = vrcp.f32 v4  }
0x4a: {  	(erf) = vrcp.f32 v5  }
0x4b: {  	(erf) = vrcp.f32 v3;
	_ =	sdelay $0x1  }
0x4c: {  	v3 =	vld [tilespmem:s26+$0x3D80]  }
0x4d: {  	v4 =	vld [tilespmem:s26+$0x3D90]  }
0x4e: {  	v5 =	vld [tilespmem:s26+$0x3DA0]  }
0x4f: {  	v6 =	vld [tilespmem:s26+$0x3DB0]  }
0x50: {  	v8 =	vpop (erf)  }
0x51: {  	s29 =	sshra.s32 s28, $0x2;
	v8 =	vmul.f32 v8, v3;
	v9 =	vpop (erf)  }
0x52: {  	v3 =	vld [tilespmem:s29+$0x7980];
	v9 =	vmul.f32 v9, v4;
	v10 =	vpop (erf)  }
0x53: {  	v4 =	vld [tilespmem:s29+$0x7990];
	v2 =	vadd.f32 v8, v2;
	v8 =	vmul.f32 v10, v5;
	v10 =	vpop (erf)  }
.Ltmp0:
0x54: {  	v5 =	vld [tilespmem:s29+$0x79A0];
	v1 =	vadd.f32 v9, v1;
	v9 =	vmul.f32 v10, v6;
	(pc) =	sbr.rel @p0 .LBB2_3-.Ltmp0, $4  }
0x55: {  	v6 =	vld [tilespmem:s29+$0x79B0];
	[tilespmem:s26+$0x1C0] =	vst v2;
	v0 =	vadd.f32 v8, v0  }
0x56: {  	v2 =	vld [tilespmem:s29+$0x1C0];
	[tilespmem:s26+$0x1D0] =	vst v1;
	v7 =	vadd.f32 v9, v7  }
0x57: {  	v1 =	vld [tilespmem:s29+$0x1D0];
	[tilespmem:s26+$0x1E0] =	vst v0  }
0x58: {  	s28 =	sadd.s32 $0x200, s28;
	v0 =	vld [tilespmem:s29+$0x1E0];
	[tilespmem:s26+$0x1F0] =	vst v7;
	s26 =	smov.u32 s29  }
0x59: {  	v7 =	vld [tilespmem:s26+$0x1F0];
	_ =	sdelay $0x1  }
0x5a: {  	v3 =	vadd.f32 v3, v2  }
0x5b: {  	v4 =	vadd.f32 v4, v1  }
0x5c: {  	v3 =	vmul.f32 $1.442695020e+00, v3;
	v5 =	vadd.f32 v5, v0  }
0x5d: {  	v4 =	vmul.f32 $1.442695020e+00, v4;
	v6 =	vadd.f32 v6, v7  }
0x5e: {  	v5 =	vmul.f32 $1.442695020e+00, v5;
	(erf) = vpow2.f32 v3  }
0x5f: {  	v48 =	vmul.f32 $1.442695020e+00, v6;
	(erf) = vpow2.f32 v4  }
0x60: {  	(erf) = vpow2.f32 v5  }
0x61: {  	(erf) = vpow2.f32 v48;
	_ =	sdelay $0x5  }
0x62: {  	v49 =	vpop (erf)  }
0x63: {  	v3 =	vadd.f32 $1.000000000e+00, v49;
	v4 =	vpop (erf)  }
0x64: {  	v4 =	vadd.f32 $1.000000000e+00, v4;
	v5 =	vpop (erf)  }
0x65: {  	v5 =	vadd.f32 $1.000000000e+00, v5;
	(erf) = vrcp.f32 v3;
	v50 =	vpop (erf)  }
0x66: {  	v3 =	vadd.f32 $1.000000000e+00, v50;
	(erf) = vrcp.f32 v4  }
0x67: {  	(erf) = vrcp.f32 v5  }
0x68: {  	(erf) = vrcp.f32 v3;
	_ =	sdelay $0x1  }
0x69: {  	v51 =	vld [tilespmem:s26+$0x3D80]  }
0x6a: {  	v52 =	vld [tilespmem:s26+$0x3D90]  }
0x6b: {  	v53 =	vld [tilespmem:s26+$0x3DA0]  }
0x6c: {  	v54 =	vld [tilespmem:s26+$0x3DB0]  }
0x6d: {  	v8 =	vpop (erf)  }
0x6e: {  	v3 =	vmul.f32 v8, v51;
	v55 =	vpop (erf)  }
0x6f: {  	v4 =	vmul.f32 v55, v52;
	v56 =	vpop (erf)  }
0x70: {  	v57 =	vadd.f32 v3, v2;
	v58 =	vmul.f32 v56, v53;
	v59 =	vpop (erf)  }
0x71: {  	v60 =	vadd.f32 v4, v1;
	v61 =	vmul.f32 v59, v54  }
0x72: {  	[tilespmem:s26+$0x1C0] =	vst v57;
	v62 =	vadd.f32 v58, v0  }
0x73: {  	s25 =	sadd.s32 $0x1, s25;
	[tilespmem:s26+$0x1D0] =	vst v60;
	v63 =	vadd.f32 v61, v7  }
0x74: {  	p0 =	sne.s32 s25, $0xA7;
	[tilespmem:s26+$0x1E0] =	vst v62  }
.Ltmp1:
0x75: {  	[tilespmem:s26+$0x1F0] =	vst v63;
	(pc) =	sbr.rel @p0 .LBB2_2-.Ltmp1, $4  }
0x76: {  	[spmem:s2] =	stream.indirect.scatter.add.f32 [tilespmem:s21], [sflag:$0x2], $0x80, s19, s20, $0xb8;
	[tilespmem:$0x1F580] =	vst v63  }
0x77: {  	_ =	swait.ge [sflag:s17], $0x3C00  }
0x78: {  	[sflag:s17] =	ssyncset.done $0x0  }
0x79: {  	[sflag:s17] =	ssyncadd.s32 $0xFFFFC400  }
0x7a: {  	s3 =	sadd.s32 $0x1, s3  }
0x7b: {  	p0 =	sne.s32 s3, s15  }
.Ltmp2:
0x7c: {  	[bflag:$0x0] =	sbarrier.arrive $0xFFFF;
	(pc) =	sbr.rel @p0 .LBB2_1-.Ltmp2, $4  }
0x7d: {  	[hbm:s14], [sflag:s12] =	dma.local [spmem:s16], $0x2800  }
0x7e: {  	_ =	swait.ge [sflag:s17], $0x2800  }
0x7f: {  	[sflag:s17] =	ssyncset.done $0x0  }
0x80: {  	[sflag:s17] =	ssyncadd.s32 $0xFFFFD800  }
0x81: {  	_ =	sfence.sel $0x180000  }
0x82: {  	[bflag:$0x0] =	sbarrier.arrive $0xFFFF  }
0x83: {  	p0 =	sne.s32 s4, $0x0;
	_ =	strace $0x9000004D  }
0x84: {  	s0 =	sadd.s32 @!p0 $0x100000, s0;
	[bflag:$0x2] =	sbarrier.arrive $0xFFFF  }
0x85: {  	[sflag:s0] =	ssyncadd.tile.s32 @!p0 $0x1;
	_ =	shalt  }
.Lfunc_end2:
_tile_overlayer_lowered:
.L_overlay_start_2:
0x86: {  	(tag) =	ssettag $0x2  }
0x87: {  	s0 =	rddreg [dreg:$0x0];
	s2 =	stileid.u32  }
0x88: {  	s1 =	rddreg [dreg:$0x1];
	p0 =	sne.s32 s2, $0x0  }
0x89: {  	s3 =	rddreg [dreg:$0x2];
	[bflag:$0x3] =	sbarrier.arrive $0xFFFF;
	s2 =	simm.s32 @!p0 $0x1C02  }
0x8a: {  	[timem:s3], [sflag:s2] =	dma.local @!p0 [hbm:s0], s1  }
0x8b: {  	s0 =	simm.s32 @!p0 $0x2  }
0x8c: {  	_ =	swait.ge @!p0 [sflag:s0], s1  }
0x8d: {  	s1 =	ssub.s32 @!p0 $0x0, s1;
	[sflag:s0] =	ssyncset.done @!p0 $0x0  }
0x8e: {  	[sflag:s0] =	ssyncadd.s32 @!p0 s1  }
0x8f: {  	[bflag:$0x3] =	sbarrier.arrive $0xFFFF  }
0x90: {  	_ =	shalt  }

// kernel: kernel.26.cloned.1.call-start
scs
__scs_entry_jumppad:
0x0: {  	(pc) =	sbr.rel $0x88, $3  }
0x1: {  	(tag) =	ssettag $0x0;
	lr =	simm.s32 $0x1  }
0x2: {  	[smem:$0x3F99] =	sst lr;
	_ =	strace $0xD0000000  }
0x3: {  	_ = 	snop  }
0x4: {  	_ = 	snop  }
0x5: {  	_ = 	snop  }
0x6: {  	_ = 	snop  }
0x7: {  	_ = 	snop  }
__scs_overlays_trampoline_lowered:
0x8: {  	[smem:$0x3FA8] =	sst s0  }
0x9: {  	[smem:$0x3FA9] =	sst s1  }
0xa: {  	[smem:$0x3FAA] =	sst s2  }
0xb: {  	[smem:$0x3FAB] =	sst s3  }
0xc: {  	[smem:$0x3FAC] =	sst s4  }
0xd: {  	[smem:$0x3FAD] =	sst s5  }
0xe: {  	[smem:$0x3FAE] =	sst s6  }
0xf: {  	[smem:$0x3FAF] =	sst s7  }
0x10: {  	[smem:$0x3FB0] =	sst s8  }
0x11: {  	[smem:$0x3FB1] =	sst s9;
	s0 =	simm.s32 @!p0 $0x0  }
0x12: {  	s1 =	sld [smem:$0x3F97];
	s0 =	simm.s32 @p0 $0x1  }
0x13: {  	[smem:$0x3FB2] =	sst s0;
	s0 =	simm.s32 @!p1 $0x0  }
0x14: {  	s2 =	sld [smem:$0x3F96];
	s0 =	simm.s32 @p1 $0x1  }
0x15: {  	[smem:$0x3FB3] =	sst s0;
	s0 =	simm.s32 @!p2 $0x0  }
0x16: {  	s3 =	sld [smem:$0x3FDB];
	s0 =	simm.s32 @p2 $0x1  }
0x17: {  	s4 =	simm.s32 $0x1BF5;
	[smem:$0x3FB5] =	sst s0  }
0x18: {  	s0 =	sld [smem:$0x3F98];
	_ =	swait.ge [sflag:s4], $0x0  }
0x19: {  	s7 =	sld [smem:$0x3F99]  }
0x1a: {  	s8 =	sadd.s32 $0xFFFFE003, lr  }
0x1b: {  	s9 =	sadd.s32 $0xFFFFFEF7, lr;
	s5 =	simm.s32 $0xFFFFFFFF;
	p2 =	slt.u32 s8, $0xFFFFF086  }
0x1c: {  	p1 =	slt.u32 s9, $0xF7A;
	s5 =	simm.s32 @!p2 $0x0  }
0x1d: {  	s5 =	simm.s32 @p1 $0x1;
	p0 =	seq.s32 s7, s2  }
0x1e: {  	s7 =	smul.u32 @!p0 $0xF7A, s2;
	p2 =	seq.s32 @!p0 s5, $0x0  }
0x1f: {  	s9 =	smul.u32 $0xF7A, s1;
	s8 =	simm.s32 @!p0 $0x1BF5;
	p2 =	por !p2, p0  }
0x20: {  	[sflag:s8] =	ssyncset.s32 @!p0 $0xFFFFF086;
	s6 =	sadd.s32 @!p0 s3, s7;
	s7 =	simm.s32 @!p0 $0x108  }
0x21: {  	s3 =	sadd.s32 s3, s9;
	s6 =	sadd.s32 @!p0 $0x88, s6;
	s7 =	simm.s32 @p2 $0x1082  }
0x22: {  	[simem:s7], [sflag:s8] =	dma.local @!p0 [hbm:s6], $0xF7A  }
0x23: {  	s9 =	sor.u32 $0xD0000000, s2;
	s6 =	simm.s32 $0x108;
	_ =	swait.ge @!p0 [sflag:s8], $0x0  }
0x24: {  	s3 =	sadd.s32 $0x88, s3;
	s6 =	simm.s32 @!p1 $0x1082;
	[sflag:s4] =	ssyncset.s32 $0xFFFFF086  }
0x25: {  	[simem:s6], [sflag:s4] =	dma.local [hbm:s3], $0xF7A  }
0x26: {  	[smem:$0x3F99] =	sst s1;
	(tag) =	ssettag s2;
	_ =	strace s9  }
0x27: {  	s1 =	sld [smem:$0x3FA9]  }
0x28: {  	s2 =	sld [smem:$0x3FAA]  }
0x29: {  	s4 =	sld [smem:$0x3FAC]  }
0x2a: {  	p0 =	seq.s32 s5, $0x0;
	s5 =	sld [smem:$0x3FAD]  }
0x2b: {  	s6 =	sld [smem:$0x3FAE]  }
0x2c: {  	s7 =	sld [smem:$0x3FAF]  }
0x2d: {  	s3 =	simm.s32 $0x108;
	s8 =	sld [smem:$0x3FB0]  }
0x2e: {  	s3 =	simm.s32 @!p0 $0x1082;
	s9 =	sld [smem:$0x3FB1]  }
0x2f: {  	lr =	sadd.s32 s0, s3;
	s0 =	sld [smem:$0x3FA8]  }
0x30: {  	s3 =	sld [smem:$0x3FAB]  }
0x31: {  	[smem:$0x3FB4] =	sst s10  }
0x32: {  	s10 =	sld [smem:$0x3FB2];
	_ =	sdelay $0x3  }
0x33: {  	p0 =	seq.s32 s10, $0x1;
	s10 =	sld [smem:$0x3FB4];
	_ =	sdelay $0x3  }
0x34: {  	[smem:$0x3FB4] =	sst s10  }
0x35: {  	s10 =	sld [smem:$0x3FB3];
	_ =	sdelay $0x3  }
0x36: {  	p1 =	seq.s32 s10, $0x1;
	s10 =	sld [smem:$0x3FB4];
	_ =	sdelay $0x3  }
0x37: {  	[smem:$0x3FB4] =	sst s10  }
0x38: {  	s10 =	sld [smem:$0x3FB5]  }
0x39: {  	_ = 	snop;
	(pc) =	sbr.ind lr, $3  }
0x3a: {  	_ = 	snop  }
0x3b: {  	_ = 	snop  }
0x3c: {  	p2 =	seq.s32 s10, $0x1;
	s10 =	sld [smem:$0x3FB4]  }
0x3d: {  	_ =	shalt  }
0x3e: {  	_ =	shalt  }
0x3f: {  	_ =	shalt  }
0x40: {  	_ =	shalt  }
0x41: {  	_ =	shalt  }
0x42: {  	_ =	shalt  }
0x43: {  	_ =	shalt  }
0x44: {  	_ =	shalt  }
0x45: {  	_ =	shalt  }
0x46: {  	_ =	shalt  }
0x47: {  	_ =	shalt  }
0x48: {  	_ =	shalt  }
0x49: {  	_ =	shalt  }
0x4a: {  	_ =	shalt  }
0x4b: {  	_ =	shalt  }
0x4c: {  	_ =	shalt  }
0x4d: {  	_ =	shalt  }
0x4e: {  	_ =	shalt  }
0x4f: {  	_ =	shalt  }
0x50: {  	_ =	shalt  }
0x51: {  	_ =	shalt  }
0x52: {  	_ =	shalt  }
0x53: {  	_ =	shalt  }
0x54: {  	_ =	shalt  }
0x55: {  	_ =	shalt  }
0x56: {  	_ =	shalt  }
0x57: {  	_ =	shalt  }
0x58: {  	_ =	shalt  }
0x59: {  	_ =	shalt  }
0x5a: {  	_ =	shalt  }
0x5b: {  	_ =	shalt  }
0x5c: {  	_ =	shalt  }
0x5d: {  	_ =	shalt  }
0x5e: {  	_ =	shalt  }
0x5f: {  	_ =	shalt  }
0x60: {  	_ =	shalt  }
0x61: {  	_ =	shalt  }
0x62: {  	_ =	shalt  }
0x63: {  	_ =	shalt  }
0x64: {  	_ =	shalt  }
0x65: {  	_ =	shalt  }
0x66: {  	_ =	shalt  }
0x67: {  	_ =	shalt  }
0x68: {  	_ =	shalt  }
0x69: {  	_ =	shalt  }
0x6a: {  	_ =	shalt  }
0x6b: {  	_ =	shalt  }
0x6c: {  	_ =	shalt  }
0x6d: {  	_ =	shalt  }
0x6e: {  	_ =	shalt  }
0x6f: {  	_ =	shalt  }
0x70: {  	_ =	shalt  }
0x71: {  	_ =	shalt  }
0x72: {  	_ =	shalt  }
0x73: {  	_ =	shalt  }
0x74: {  	_ =	shalt  }
0x75: {  	_ =	shalt  }
0x76: {  	_ =	shalt  }
0x77: {  	_ =	shalt  }
0x78: {  	_ =	shalt  }
0x79: {  	_ =	shalt  }
0x7a: {  	_ =	shalt  }
0x7b: {  	_ =	shalt  }
0x7c: {  	_ =	shalt  }
0x7d: {  	_ =	shalt  }
0x7e: {  	_ =	shalt  }
0x7f: {  	_ =	shalt  }
0x80: {  	_ =	shalt  }
0x81: {  	_ =	shalt  }
0x82: {  	_ =	shalt  }
0x83: {  	_ =	shalt  }
0x84: {  	_ =	shalt  }
0x85: {  	_ =	shalt  }
0x86: {  	_ =	shalt  }
0x87: {  	_ =	shalt  }
.Lfunc_end0:
.L_simem_size_0:
called_computation.3_lowered:
.L_overlay_start_0:
0x88: {  	s2 =	sld [smem:$0x3FD9]  }
0x89: {  	s3 =	sld [smem:$0x3FFE];
	_ =	sdelay $0x1  }
0x8a: {  	s1 =	srdreg.scid  }
0x8b: {  	s0 =	sand.u32 $0x1, s1  }
0x8c: {  	s17 =	sshll.u32 s0, $0xA;
	s2 =	sadd.s32 s3, s2  }
0x8d: {  	s2 =	sadd.s32 s2, s17  }
0x8e: {  	[smem:$0x3FC0] =	sst s2  }
0x8f: {  	_ = 	snop  }
0x90: {  	s2 =	sld [smem:$0x3FD0];
	(tm) =	ssettm $0x1  }
0x91: {  	s18 =	sld [smem:$0x3FFB];
	_ =	sdelay $0x3  }
0x92: {  	_ =	strace s18  }
0x93: {  	s3 =	sld [smem:$0x3FFC];
	_ =	sdelay $0x3  }
0x94: {  	_ =	strace s3  }
0x95: {  	s3 =	sld [smem:$0x3FFD];
	_ =	sdelay $0x3  }
0x96: {  	_ =	strace s3  }
0x97: {  	_ =	strace $0x8FFFFFFF  }
0x98: {  	s19 =	sld [smem:$0x3FDB];
	_ =	sdelay $0x1  }
0x99: {  	s4 =	simm.s32 $_scs_section_size  }
0x9a: {  	s5 =	simm.s32 $_size__tile_overlayer_lowered;
	s6 =	simm.s32 $_tile_overlayer_lowered  }
0x9b: {  	s22 =	simm.s32 $0x1BFF;
	s21 =	sshll.u32 s6, $0x1;
	s3 =	sadd.s32 s4, s19  }
0x9c: {  	s7 =	simm.s32 $0x0;
	s20 =	sshll.u32 s5, $0x1;
	s5 =	sadd.s32 s21, s3  }
0x9d: {  	[timem:s7], [sflag:s22] =	dma.local [hbm:s5], s20  }
0x9e: {  	_ =	swait.ge [sflag:s22], s20  }
0x9f: {  	s4 =	ssub.s32 $0x0, s20;
	[sflag:s22] =	ssyncset.done $0x0  }
0xa0: {  	[sflag:s22] =	ssyncadd.s32 s4;
	_ =	sdelay $0x1  }
0xa1: {  	s23 =	simm.s32 $0x1B8B  }
0xa2: {  	_ =	swait.ge [sflag:s23], $0x1  }
0xa3: {  	[sflag:s23] =	ssyncset.done $0x0  }
0xa4: {  	s25 =	simm.s32 $0x1B8E;
	s24 =	sld [smem:$0x3FFE];
	[sflag:s23] =	ssyncadd.s32 $0xFFFFFFFF  }
0xa5: {  	s26 =	simm.s32 $execute0_lowered;
	[smem:$0x3FD2] =	sst s25  }
0xa6: {  	s5 =	sshll.u32 s26, $0x1;
	_ =	strace $0x8000004F;
	[dreg:$0x1] =	wrdreg $0xFFFFFFFF  }
0xa7: {  	s28 =	simm.s32 $_size_execute0_lowered;
	s3 =	sadd.s32 s3, s5;
	[dreg:$0x0] =	wrdreg $0x0  }
0xa8: {  	s5 =	sshll.u32 s28, $0x1;
	[dreg:$0x2] =	wrdreg s3  }
0xa9: {  	[dreg:$0x3] =	wrdreg s5  }
0xaa: {  	[dreg:$0x4] =	wrdreg $0xC0  }
0xab: {  	_ =	task [dreg:s7], $0x5FFFF  }
0xac: {  	[dreg:$0x1] =	wrdreg $0xFFFFFFFF  }
0xad: {  	[dreg:$0x0] =	wrdreg $0x60  }
0xae: {  	[dreg:$0x2] =	wrdreg s24  }
0xaf: {  	[dreg:$0x3] =	wrdreg s2  }
0xb0: {  	[dreg:$0x4] =	wrdreg $0xB5800  }
0xb1: {  	[dreg:$0x5] =	wrdreg $0x9  }
0xb2: {  	_ =	task.clear_ibuf [dreg:s7], $0x6FFFF;
	_ =	strace $0x9000004F  }
0xb3: {  	s29 =	simm.s32 $0x9;
	_ =	strace $0x80000051  }
0xb4: {  	_ =	swait.ge [sflag:s29], $0x1  }
0xb5: {  	[sflag:s29] =	ssyncadd.s32 $0xFFFFFFFF  }
0xb6: {  	_ =	strace $0x90000051  }
0xb7: {  	_ =	sfence  }
0xb8: {  	s30 =	sld [smem:$0x0];
	_ =	sdelay $0x2  }
0xb9: {  	s31 =	sshll.u32 s1, $0xD;
	s1 =	sshrl.u32 s1, $0x2  }
0xba: {  	s3 =	sand.u32 $0x4000, s31;
	s1 =	sadd.s32 s1, s30  }
0xbb: {  	s0 =	sor.u32 s3, s0;
	s1 =	sshll.u32 s1, $0x11  }
0xbc: {  	s0 =	sor.u32 s1, s0  }
0xbd: {  	s0 =	sadd.s32 $0x8F2B, s0  }
0xbe: {  	[sflag:s0] =	ssyncadd.remote.s32 $0x1  }
0xbf: {  	_ =	sfence.sel $0xFFFF  }
0xc0: {  	[dreg:$0x0] =	wrdreg $0xFFFFFFFF;
	(pc) =	sbr.abs _section_cstart, $3  }
0xc1: {  	[dreg:$0x1] =	wrdreg $0xFFFFFFFF  }
0xc2: {  	_ =	task.clear_ibuf [dreg:s7], $0x2FFFF;
	_ =	strace $0x9FFFFFFF  }
0xc3: {  	(tm) =	ssettm $0x7FFFFFFF  }
tec
execute0_lowered:
.L_overlay_start_1:
0x0: {  	(tag) =	ssettag $0x1  }
0x1: {  	s11 =	rddreg [dreg:$0x0]  }
0x2: {  	s1 =	rddreg [dreg:$0x1]  }
0x3: {  	s2 =	rddreg [dreg:$0x2]  }
0x4: {  	s0 =	rddreg [dreg:$0x3]  }
0x5: {  	s3 =	simm.s32 $0x0;
	s7 =	srdreg.scid;
	s4 =	stileid.u32  }
0x6: {  	s21 =	simm.s32 $0x180;
	s22 =	simm.s32 $0x3D80;
	s23 =	simm.s32 $0x7980  }
0x7: {  	s24 =	simm.s32 $0x1;
	s30 =	simm.s32 $0x0;
	[smem:$0x7FF] =	sst s3  }
0x8: {  	s5 =	sadd.s32 $0xF400, s11;
	s6 =	sadd.s32 $0x5600, s11;
	s12 =	sand.u32 $0x1, s7  }
0x9: {  	s13 =	smul.u32 $0x2800, s4;
	s7 =	sadd.s32 $0x22E00, s11;
	s9 =	sadd.s32 $0x13AE00, s11  }
0xa: {  	s8 =	sadd.s32 $0x72E00, s11;
	s10 =	sadd.s32 $0x18AE00, s11;
	s15 =	smul.u32 $0x50000, s4  }
0xb: {  	s17 =	sshll.u32 s4, $0x6;
	_ =	strace $0x80000050;
	s14 =	smul.u32 $0x28000, s12  }
0xc: {  	s29 =	ssub.s32 $0x2, s12;
	s18 =	smul.u32 $0x4E480, s12;
	s12 =	sor.u32 $0x1C02, s17  }
0xd: {  	s17 =	simm.s32 $0x2;
	s31 =	sshrl.u32 s29, $0x1;
	s15 =	sshrl.u32 s15, $0x2  }
0xe: {  	s13 =	sadd.s32 s13, s14;
	s19 =	ssub.s32 s29, s31;
	s20 =	sadd.s32 s15, s2  }
0xf: {  	s16 =	sadd.s32 s13, s11;
	s11 =	smul.u32 $0x4E48, s4;
	s15 =	smax.u32 s19, $0x1  }
0x10: {  	s19 =	simm.s32 $0x100;
	s14 =	sadd.s32 $0x18D600, s16;
	s16 =	sshrl.u32 s20, $0x3  }
0x11: {  	s20 =	simm.s32 $0x78;
	s13 =	sadd.s32 s11, s18;
	s18 =	simm.s32 $0x80  }
.LBB2_1:
0x12: {  	[spmem:s16], [sflag:s12] =	dma.local [hbm:s10], $0x2800  }
0x13: {  	_ =	swait.ge [sflag:s17], $0x2800  }
0x14: {  	[sflag:s17] =	ssyncset.done $0x0  }
0x15: {  	[sflag:s17] =	ssyncadd.s32 $0xFFFFD800  }
0x16: {  	s25 =	simm.s32 $0x0;
	[bflag:$0x0] =	sbarrier.arrive $0xFFFF  }
.LBB2_2:
0x17: {  	s26 =	smul.u32 $0x78, s25;
	_ =	sdelay $0x1  }
0x18: {  	s28 =	sadd.s32 s26, s13  }
0x19: {  	s28 =	sshrl.u32 s28, $0x3  }
0x1a: {  	s29 =	sadd.s32 s5, s28  }
0x1b: {  	[tilespmem:s30], [sflag:$0x2] =	stream.linear.gather [hbm4b:s29+s30], $0x78, $0x38;
	[tilespmem:$0x1F580] =	vst v63  }
0x1c: {  	_ =	swait.ge [sflag:s17], $0x78  }
0x1d: {  	[sflag:s17] =	ssyncset.done $0x0  }
0x1e: {  	s28 =	sadd.s32 s1, s28;
	[sflag:s17] =	ssyncadd.s32 $0xFFFFFF88  }
0x1f: {  	[tilespmem:s18], [sflag:$0x2] =	stream.linear.gather [hbm4b:s28+s30], $0x78, $0x38;
	[tilespmem:$0x1F580] =	vst v63  }
0x20: {  	s26 =	sadd.s32 s11, s26;
	_ =	swait.ge [sflag:s17], $0x78  }
0x21: {  	s26 =	sshrl.u32 s26, $0x3;
	[sflag:s17] =	ssyncset.done $0x0  }
0x22: {  	s26 =	sadd.s32 s6, s26;
	[sflag:s17] =	ssyncadd.s32 $0xFFFFFF88  }
0x23: {  	[tilespmem:s19], [sflag:$0x2] =	stream.linear.gather [hbm4b:s26+s30], $0x78, $0x38;
	[tilespmem:$0x1F580] =	vst v63  }
0x24: {  	_ =	swait.ge [sflag:s17], $0x78  }
0x25: {  	[sflag:s17] =	ssyncset.done $0x0  }
0x26: {  	[sflag:s17] =	ssyncadd.s32 $0xFFFFFF88  }
0x27: {  	[tilespmem:s21], [sflag:$0x1] =	stream.indirect.gather [hbm4b:s7+s20], $0x80, s30, s20, $0xb8;
	[tilespmem:$0x1F580] =	vst v63  }
0x28: {  	_ = 	snop  }
0x29: {  	[tilespmem:s22], [sflag:$0x1] =	stream.indirect.gather [hbm4b:s8+s20], $0x80, s30, s20, $0xb8;
	[tilespmem:$0x1F580] =	vst v63  }
0x2a: {  	_ = 	snop  }
0x2b: {  	[tilespmem:s23], [sflag:$0x1] =	stream.indirect.gather [hbm4b:s9+s20], $0x80, s18, s20, $0xb8;
	[tilespmem:$0x1F580] =	vst v63  }
0x2c: {  	_ =	swait.ge [sflag:s24], $0x3C00  }
0x2d: {  	[sflag:s24] =	ssyncset.done $0x0  }
0x2e: {  	[sflag:s24] =	ssyncadd.s32 $0xFFFFC400  }
0x2f: {  	_ =	swait.ge [sflag:s24], $0x3C00  }
0x30: {  	[sflag:s24] =	ssyncset.done $0x0  }
0x31: {  	[sflag:s24] =	ssyncadd.s32 $0xFFFFC400  }
0x32: {  	_ =	swait.ge [sflag:s24], $0x3C00  }
0x33: {  	[sflag:s24] =	ssyncset.done $0x0  }
0x34: {  	s26 =	simm.s32 $0x0;
	[sflag:s24] =	ssyncadd.s32 $0xFFFFC400  }
0x35: {  	v3 =	vld [tilespmem:s26+$0x7980]  }
0x36: {  	v4 =	vld [tilespmem:s26+$0x7990]  }
0x37: {  	v5 =	vld [tilespmem:s26+$0x79A0]  }
0x38: {  	v6 =	vld [tilespmem:s26+$0x79B0]  }
0x39: {  	v2 =	vld [tilespmem:s26+$0x1C0]  }
0x3a: {  	v1 =	vld [tilespmem:s26+$0x1D0]  }
0x3b: {  	s28 =	simm.s32 $0x200;
	v0 =	vld [tilespmem:s26+$0x1E0]  }
.LBB2_3:
0x3c: {  	p0 =	sne.s32 s28, $0xEE00;
	v7 =	vld [tilespmem:s26+$0x1F0];
	_ =	sdelay $0x1  }
0x3d: {  	v3 =	vadd.f32 v3, v2  }
0x3e: {  	v4 =	vadd.f32 v4, v1  }
0x3f: {  	v3 =	vmul.f32 $1.442695020e+00, v3;
	v5 =	vadd.f32 v5, v0  }
0x40: {  	v4 =	vmul.f32 $1.442695020e+00, v4;
	v6 =	vadd.f32 v6, v7  }
0x41: {  	v5 =	vmul.f32 $1.442695020e+00, v5;
	(erf) = vpow2.f32 v3  }
0x42: {  	v3 =	vmul.f32 $1.442695020e+00, v6;
	(erf) = vpow2.f32 v4  }
0x43: {  	(erf) = vpow2.f32 v5  }
0x44: {  	(erf) = vpow2.f32 v3;
	_ =	sdelay $0x5  }
0x45: {  	v3 =	vpop (erf)  }
0x46: {  	v6 =	vadd.f32 $1.000000000e+00, v3;
	v4 =	vpop (erf)  }
0x47: {  	v4 =	vadd.f32 $1.000000000e+00, v4;
	v5 =	vpop (erf)  }
0x48: {  	v5 =	vadd.f32 $1.000000000e+00, v5;
	(erf) = vrcp.f32 v6;
	v3 =	vpop (erf)  }
0x49: {  	v3 =	vadd.f32 $1.000000000e+00, v3;
	(erf) = vrcp.f32 v4  }
0x4a: {  	(erf) = vrcp.f32 v5  }
0x4b: {  	(erf) = vrcp.f32 v3;
	_ =	sdelay $0x1  }
0x4c: {  	v3 =	vld [tilespmem:s26+$0x3D80]  }
0x4d: {  	v4 =	vld [tilespmem:s26+$0x3D90]  }
0x4e: {  	v5 =	vld [tilespmem:s26+$0x3DA0]  }
0x4f: {  	v6 =	vld [tilespmem:s26+$0x3DB0]  }
0x50: {  	v8 =	vpop (erf)  }
0x51: {  	s29 =	sshra.s32 s28, $0x2;
	v8 =	vmul.f32 v8, v3;
	v9 =	vpop (erf)  }
0x52: {  	v3 =	vld [tilespmem:s29+$0x7980];
	v9 =	vmul.f32 v9, v4;
	v10 =	vpop (erf)  }
0x53: {  	v4 =	vld [tilespmem:s29+$0x7990];
	v2 =	vadd.f32 v8, v2;
	v8 =	vmul.f32 v10, v5;
	v10 =	vpop (erf)  }
.Ltmp0:
0x54: {  	v5 =	vld [tilespmem:s29+$0x79A0];
	v1 =	vadd.f32 v9, v1;
	v9 =	vmul.f32 v10, v6;
	(pc) =	sbr.rel @p0 .LBB2_3-.Ltmp0, $4  }
0x55: {  	v6 =	vld [tilespmem:s29+$0x79B0];
	[tilespmem:s26+$0x1C0] =	vst v2;
	v0 =	vadd.f32 v8, v0  }
0x56: {  	v2 =	vld [tilespmem:s29+$0x1C0];
	[tilespmem:s26+$0x1D0] =	vst v1;
	v7 =	vadd.f32 v9, v7  }
0x57: {  	v1 =	vld [tilespmem:s29+$0x1D0];
	[tilespmem:s26+$0x1E0] =	vst v0  }
0x58: {  	s28 =	sadd.s32 $0x200, s28;
	v0 =	vld [tilespmem:s29+$0x1E0];
	[tilespmem:s26+$0x1F0] =	vst v7;
	s26 =	smov.u32 s29  }
0x59: {  	v7 =	vld [tilespmem:s26+$0x1F0];
	_ =	sdelay $0x1  }
0x5a: {  	v3 =	vadd.f32 v3, v2  }
0x5b: {  	v4 =	vadd.f32 v4, v1  }
0x5c: {  	v3 =	vmul.f32 $1.442695020e+00, v3;
	v5 =	vadd.f32 v5, v0  }
0x5d: {  	v4 =	vmul.f32 $1.442695020e+00, v4;
	v6 =	vadd.f32 v6, v7  }
0x5e: {  	v5 =	vmul.f32 $1.442695020e+00, v5;
	(erf) = vpow2.f32 v3  }
0x5f: {  	v48 =	vmul.f32 $1.442695020e+00, v6;
	(erf) = vpow2.f32 v4  }
0x60: {  	(erf) = vpow2.f32 v5  }
0x61: {  	(erf) = vpow2.f32 v48;
	_ =	sdelay $0x5  }
0x62: {  	v49 =	vpop (erf)  }
0x63: {  	v3 =	vadd.f32 $1.000000000e+00, v49;
	v4 =	vpop (erf)  }
0x64: {  	v4 =	vadd.f32 $1.000000000e+00, v4;
	v5 =	vpop (erf)  }
0x65: {  	v5 =	vadd.f32 $1.000000000e+00, v5;
	(erf) = vrcp.f32 v3;
	v50 =	vpop (erf)  }
0x66: {  	v3 =	vadd.f32 $1.000000000e+00, v50;
	(erf) = vrcp.f32 v4  }
0x67: {  	(erf) = vrcp.f32 v5  }
0x68: {  	(erf) = vrcp.f32 v3;
	_ =	sdelay $0x1  }
0x69: {  	v51 =	vld [tilespmem:s26+$0x3D80]  }
0x6a: {  	v52 =	vld [tilespmem:s26+$0x3D90]  }
0x6b: {  	v53 =	vld [tilespmem:s26+$0x3DA0]  }
0x6c: {  	v54 =	vld [tilespmem:s26+$0x3DB0]  }
0x6d: {  	v8 =	vpop (erf)  }
0x6e: {  	v3 =	vmul.f32 v8, v51;
	v55 =	vpop (erf)  }
0x6f: {  	v4 =	vmul.f32 v55, v52;
	v56 =	vpop (erf)  }
0x70: {  	v57 =	vadd.f32 v3, v2;
	v58 =	vmul.f32 v56, v53;
	v59 =	vpop (erf)  }
0x71: {  	v60 =	vadd.f32 v4, v1;
	v61 =	vmul.f32 v59, v54  }
0x72: {  	[tilespmem:s26+$0x1C0] =	vst v57;
	v62 =	vadd.f32 v58, v0  }
0x73: {  	s25 =	sadd.s32 $0x1, s25;
	[tilespmem:s26+$0x1D0] =	vst v60;
	v63 =	vadd.f32 v61, v7  }
0x74: {  	p0 =	sne.s32 s25, $0xA7;
	[tilespmem:s26+$0x1E0] =	vst v62  }
.Ltmp1:
0x75: {  	[tilespmem:s26+$0x1F0] =	vst v63;
	(pc) =	sbr.rel @p0 .LBB2_2-.Ltmp1, $4  }
0x76: {  	[spmem:s2] =	stream.indirect.scatter.add.f32 [tilespmem:s21], [sflag:$0x2], $0x80, s19, s20, $0xb8;
	[tilespmem:$0x1F580] =	vst v63  }
0x77: {  	_ =	swait.ge [sflag:s17], $0x3C00  }
0x78: {  	[sflag:s17] =	ssyncset.done $0x0  }
0x79: {  	[sflag:s17] =	ssyncadd.s32 $0xFFFFC400  }
0x7a: {  	s3 =	sadd.s32 $0x1, s3  }
0x7b: {  	p0 =	sne.s32 s3, s15  }
.Ltmp2:
0x7c: {  	[bflag:$0x0] =	sbarrier.arrive $0xFFFF;
	(pc) =	sbr.rel @p0 .LBB2_1-.Ltmp2, $4  }
0x7d: {  	[hbm:s14], [sflag:s12] =	dma.local [spmem:s16], $0x2800  }
0x7e: {  	_ =	swait.ge [sflag:s17], $0x2800  }
0x7f: {  	[sflag:s17] =	ssyncset.done $0x0  }
0x80: {  	[sflag:s17] =	ssyncadd.s32 $0xFFFFD800  }
0x81: {  	_ =	sfence.sel $0x180000  }
0x82: {  	[bflag:$0x0] =	sbarrier.arrive $0xFFFF  }
0x83: {  	p0 =	sne.s32 s4, $0x0;
	_ =	strace $0x90000050  }
0x84: {  	s0 =	sadd.s32 @!p0 $0x100000, s0;
	[bflag:$0x2] =	sbarrier.arrive $0xFFFF  }
0x85: {  	[sflag:s0] =	ssyncadd.tile.s32 @!p0 $0x1;
	_ =	shalt  }
.Lfunc_end2:
_tile_overlayer_lowered:
.L_overlay_start_2:
0x86: {  	(tag) =	ssettag $0x2  }
0x87: {  	s0 =	rddreg [dreg:$0x0];
	s2 =	stileid.u32  }
0x88: {  	s1 =	rddreg [dreg:$0x1];
	p0 =	sne.s32 s2, $0x0  }
0x89: {  	s3 =	rddreg [dreg:$0x2];
	[bflag:$0x3] =	sbarrier.arrive $0xFFFF;
	s2 =	simm.s32 @!p0 $0x1C02  }
0x8a: {  	[timem:s3], [sflag:s2] =	dma.local @!p0 [hbm:s0], s1  }
0x8b: {  	s0 =	simm.s32 @!p0 $0x2  }
0x8c: {  	_ =	swait.ge @!p0 [sflag:s0], s1  }
0x8d: {  	s1 =	ssub.s32 @!p0 $0x0, s1;
	[sflag:s0] =	ssyncset.done @!p0 $0x0  }
0x8e: {  	[sflag:s0] =	ssyncadd.s32 @!p0 s1  }
0x8f: {  	[bflag:$0x3] =	sbarrier.arrive $0xFFFF  }
0x90: {  	_ =	shalt  }

// kernel: kernel.29.cloned.1.call-start
scs
__scs_entry_jumppad:
0x0: {  	(pc) =	sbr.rel $0x88, $3  }
0x1: {  	(tag) =	ssettag $0x0;
	lr =	simm.s32 $0x1  }
0x2: {  	[smem:$0x3F99] =	sst lr;
	_ =	strace $0xD0000000  }
0x3: {  	_ = 	snop  }
0x4: {  	_ = 	snop  }
0x5: {  	_ = 	snop  }
0x6: {  	_ = 	snop  }
0x7: {  	_ = 	snop  }
__scs_overlays_trampoline_lowered:
0x8: {  	[smem:$0x3FA8] =	sst s0  }
0x9: {  	[smem:$0x3FA9] =	sst s1  }
0xa: {  	[smem:$0x3FAA] =	sst s2  }
0xb: {  	[smem:$0x3FAB] =	sst s3  }
0xc: {  	[smem:$0x3FAC] =	sst s4  }
0xd: {  	[smem:$0x3FAD] =	sst s5  }
0xe: {  	[smem:$0x3FAE] =	sst s6  }
0xf: {  	[smem:$0x3FAF] =	sst s7  }
0x10: {  	[smem:$0x3FB0] =	sst s8  }
0x11: {  	[smem:$0x3FB1] =	sst s9;
	s0 =	simm.s32 @!p0 $0x0  }
0x12: {  	s1 =	sld [smem:$0x3F97];
	s0 =	simm.s32 @p0 $0x1  }
0x13: {  	[smem:$0x3FB2] =	sst s0;
	s0 =	simm.s32 @!p1 $0x0  }
0x14: {  	s2 =	sld [smem:$0x3F96];
	s0 =	simm.s32 @p1 $0x1  }
0x15: {  	[smem:$0x3FB3] =	sst s0;
	s0 =	simm.s32 @!p2 $0x0  }
0x16: {  	s3 =	sld [smem:$0x3FDB];
	s0 =	simm.s32 @p2 $0x1  }
0x17: {  	s4 =	simm.s32 $0x1BF5;
	[smem:$0x3FB5] =	sst s0  }
0x18: {  	s0 =	sld [smem:$0x3F98];
	_ =	swait.ge [sflag:s4], $0x0  }
0x19: {  	s7 =	sld [smem:$0x3F99]  }
0x1a: {  	s8 =	sadd.s32 $0xFFFFE003, lr  }
0x1b: {  	s9 =	sadd.s32 $0xFFFFFEF7, lr;
	s5 =	simm.s32 $0xFFFFFFFF;
	p2 =	slt.u32 s8, $0xFFFFF086  }
0x1c: {  	p1 =	slt.u32 s9, $0xF7A;
	s5 =	simm.s32 @!p2 $0x0  }
0x1d: {  	s5 =	simm.s32 @p1 $0x1;
	p0 =	seq.s32 s7, s2  }
0x1e: {  	s7 =	smul.u32 @!p0 $0xF7A, s2;
	p2 =	seq.s32 @!p0 s5, $0x0  }
0x1f: {  	s9 =	smul.u32 $0xF7A, s1;
	s8 =	simm.s32 @!p0 $0x1BF5;
	p2 =	por !p2, p0  }
0x20: {  	[sflag:s8] =	ssyncset.s32 @!p0 $0xFFFFF086;
	s6 =	sadd.s32 @!p0 s3, s7;
	s7 =	simm.s32 @!p0 $0x108  }
0x21: {  	s3 =	sadd.s32 s3, s9;
	s6 =	sadd.s32 @!p0 $0x88, s6;
	s7 =	simm.s32 @p2 $0x1082  }
0x22: {  	[simem:s7], [sflag:s8] =	dma.local @!p0 [hbm:s6], $0xF7A  }
0x23: {  	s9 =	sor.u32 $0xD0000000, s2;
	s6 =	simm.s32 $0x108;
	_ =	swait.ge @!p0 [sflag:s8], $0x0  }
0x24: {  	s3 =	sadd.s32 $0x88, s3;
	s6 =	simm.s32 @!p1 $0x1082;
	[sflag:s4] =	ssyncset.s32 $0xFFFFF086  }
0x25: {  	[simem:s6], [sflag:s4] =	dma.local [hbm:s3], $0xF7A  }
0x26: {  	[smem:$0x3F99] =	sst s1;
	(tag) =	ssettag s2;
	_ =	strace s9  }
0x27: {  	s1 =	sld [smem:$0x3FA9]  }
0x28: {  	s2 =	sld [smem:$0x3FAA]  }
0x29: {  	s4 =	sld [smem:$0x3FAC]  }
0x2a: {  	p0 =	seq.s32 s5, $0x0;
	s5 =	sld [smem:$0x3FAD]  }
0x2b: {  	s6 =	sld [smem:$0x3FAE]  }
0x2c: {  	s7 =	sld [smem:$0x3FAF]  }
0x2d: {  	s3 =	simm.s32 $0x108;
	s8 =	sld [smem:$0x3FB0]  }
0x2e: {  	s3 =	simm.s32 @!p0 $0x1082;
	s9 =	sld [smem:$0x3FB1]  }
0x2f: {  	lr =	sadd.s32 s0, s3;
	s0 =	sld [smem:$0x3FA8]  }
0x30: {  	s3 =	sld [smem:$0x3FAB]  }
0x31: {  	[smem:$0x3FB4] =	sst s10  }
0x32: {  	s10 =	sld [smem:$0x3FB2];
	_ =	sdelay $0x3  }
0x33: {  	p0 =	seq.s32 s10, $0x1;
	s10 =	sld [smem:$0x3FB4];
	_ =	sdelay $0x3  }
0x34: {  	[smem:$0x3FB4] =	sst s10  }
0x35: {  	s10 =	sld [smem:$0x3FB3];
	_ =	sdelay $0x3  }
0x36: {  	p1 =	seq.s32 s10, $0x1;
	s10 =	sld [smem:$0x3FB4];
	_ =	sdelay $0x3  }
0x37: {  	[smem:$0x3FB4] =	sst s10  }
0x38: {  	s10 =	sld [smem:$0x3FB5]  }
0x39: {  	_ = 	snop;
	(pc) =	sbr.ind lr, $3  }
0x3a: {  	_ = 	snop  }
0x3b: {  	_ = 	snop  }
0x3c: {  	p2 =	seq.s32 s10, $0x1;
	s10 =	sld [smem:$0x3FB4]  }
0x3d: {  	_ =	shalt  }
0x3e: {  	_ =	shalt  }
0x3f: {  	_ =	shalt  }
0x40: {  	_ =	shalt  }
0x41: {  	_ =	shalt  }
0x42: {  	_ =	shalt  }
0x43: {  	_ =	shalt  }
0x44: {  	_ =	shalt  }
0x45: {  	_ =	shalt  }
0x46: {  	_ =	shalt  }
0x47: {  	_ =	shalt  }
0x48: {  	_ =	shalt  }
0x49: {  	_ =	shalt  }
0x4a: {  	_ =	shalt  }
0x4b: {  	_ =	shalt  }
0x4c: {  	_ =	shalt  }
0x4d: {  	_ =	shalt  }
0x4e: {  	_ =	shalt  }
0x4f: {  	_ =	shalt  }
0x50: {  	_ =	shalt  }
0x51: {  	_ =	shalt  }
0x52: {  	_ =	shalt  }
0x53: {  	_ =	shalt  }
0x54: {  	_ =	shalt  }
0x55: {  	_ =	shalt  }
0x56: {  	_ =	shalt  }
0x57: {  	_ =	shalt  }
0x58: {  	_ =	shalt  }
0x59: {  	_ =	shalt  }
0x5a: {  	_ =	shalt  }
0x5b: {  	_ =	shalt  }
0x5c: {  	_ =	shalt  }
0x5d: {  	_ =	shalt  }
0x5e: {  	_ =	shalt  }
0x5f: {  	_ =	shalt  }
0x60: {  	_ =	shalt  }
0x61: {  	_ =	shalt  }
0x62: {  	_ =	shalt  }
0x63: {  	_ =	shalt  }
0x64: {  	_ =	shalt  }
0x65: {  	_ =	shalt  }
0x66: {  	_ =	shalt  }
0x67: {  	_ =	shalt  }
0x68: {  	_ =	shalt  }
0x69: {  	_ =	shalt  }
0x6a: {  	_ =	shalt  }
0x6b: {  	_ =	shalt  }
0x6c: {  	_ =	shalt  }
0x6d: {  	_ =	shalt  }
0x6e: {  	_ =	shalt  }
0x6f: {  	_ =	shalt  }
0x70: {  	_ =	shalt  }
0x71: {  	_ =	shalt  }
0x72: {  	_ =	shalt  }
0x73: {  	_ =	shalt  }
0x74: {  	_ =	shalt  }
0x75: {  	_ =	shalt  }
0x76: {  	_ =	shalt  }
0x77: {  	_ =	shalt  }
0x78: {  	_ =	shalt  }
0x79: {  	_ =	shalt  }
0x7a: {  	_ =	shalt  }
0x7b: {  	_ =	shalt  }
0x7c: {  	_ =	shalt  }
0x7d: {  	_ =	shalt  }
0x7e: {  	_ =	shalt  }
0x7f: {  	_ =	shalt  }
0x80: {  	_ =	shalt  }
0x81: {  	_ =	shalt  }
0x82: {  	_ =	shalt  }
0x83: {  	_ =	shalt  }
0x84: {  	_ =	shalt  }
0x85: {  	_ =	shalt  }
0x86: {  	_ =	shalt  }
0x87: {  	_ =	shalt  }
.Lfunc_end0:
.L_simem_size_0:
called_computation.4_lowered:
.L_overlay_start_0:
0x88: {  	s2 =	sld [smem:$0x3FD9]  }
0x89: {  	s3 =	sld [smem:$0x3FFE];
	_ =	sdelay $0x1  }
0x8a: {  	s1 =	srdreg.scid  }
0x8b: {  	s0 =	sand.u32 $0x1, s1  }
0x8c: {  	s17 =	sshll.u32 s0, $0xA;
	s2 =	sadd.s32 s3, s2  }
0x8d: {  	s2 =	sadd.s32 s2, s17  }
0x8e: {  	[smem:$0x3FC0] =	sst s2  }
0x8f: {  	_ = 	snop  }
0x90: {  	s2 =	sld [smem:$0x3FD0];
	(tm) =	ssettm $0x1  }
0x91: {  	s18 =	sld [smem:$0x3FFB];
	_ =	sdelay $0x3  }
0x92: {  	_ =	strace s18  }
0x93: {  	s3 =	sld [smem:$0x3FFC];
	_ =	sdelay $0x3  }
0x94: {  	_ =	strace s3  }
0x95: {  	s3 =	sld [smem:$0x3FFD];
	_ =	sdelay $0x3  }
0x96: {  	_ =	strace s3  }
0x97: {  	_ =	strace $0x8FFFFFFF  }
0x98: {  	s19 =	sld [smem:$0x3FDB];
	_ =	sdelay $0x1  }
0x99: {  	s4 =	simm.s32 $_scs_section_size  }
0x9a: {  	s5 =	simm.s32 $_size__tile_overlayer_lowered;
	s6 =	simm.s32 $_tile_overlayer_lowered  }
0x9b: {  	s22 =	simm.s32 $0x1BFF;
	s21 =	sshll.u32 s6, $0x1;
	s3 =	sadd.s32 s4, s19  }
0x9c: {  	s7 =	simm.s32 $0x0;
	s20 =	sshll.u32 s5, $0x1;
	s5 =	sadd.s32 s21, s3  }
0x9d: {  	[timem:s7], [sflag:s22] =	dma.local [hbm:s5], s20  }
0x9e: {  	_ =	swait.ge [sflag:s22], s20  }
0x9f: {  	s4 =	ssub.s32 $0x0, s20;
	[sflag:s22] =	ssyncset.done $0x0  }
0xa0: {  	[sflag:s22] =	ssyncadd.s32 s4;
	_ =	sdelay $0x1  }
0xa1: {  	s23 =	simm.s32 $0x1B8B  }
0xa2: {  	_ =	swait.ge [sflag:s23], $0x1  }
0xa3: {  	[sflag:s23] =	ssyncset.done $0x0  }
0xa4: {  	s25 =	simm.s32 $0x1B8E;
	s24 =	sld [smem:$0x3FFE];
	[sflag:s23] =	ssyncadd.s32 $0xFFFFFFFF  }
0xa5: {  	s26 =	simm.s32 $execute0_lowered;
	[smem:$0x3FD2] =	sst s25  }
0xa6: {  	s5 =	sshll.u32 s26, $0x1;
	_ =	strace $0x80000052;
	[dreg:$0x1] =	wrdreg $0xFFFFFFFF  }
0xa7: {  	s28 =	simm.s32 $_size_execute0_lowered;
	s3 =	sadd.s32 s3, s5;
	[dreg:$0x0] =	wrdreg $0x0  }
0xa8: {  	s5 =	sshll.u32 s28, $0x1;
	[dreg:$0x2] =	wrdreg s3  }
0xa9: {  	[dreg:$0x3] =	wrdreg s5  }
0xaa: {  	[dreg:$0x4] =	wrdreg $0xC0  }
0xab: {  	_ =	task [dreg:s7], $0x5FFFF  }
0xac: {  	[dreg:$0x1] =	wrdreg $0xFFFFFFFF  }
0xad: {  	[dreg:$0x0] =	wrdreg $0x60  }
0xae: {  	[dreg:$0x2] =	wrdreg s24  }
0xaf: {  	[dreg:$0x3] =	wrdreg s2  }
0xb0: {  	[dreg:$0x4] =	wrdreg $0xB5800  }
0xb1: {  	[dreg:$0x5] =	wrdreg $0x9  }
0xb2: {  	_ =	task.clear_ibuf [dreg:s7], $0x6FFFF;
	_ =	strace $0x90000052  }
0xb3: {  	s29 =	simm.s32 $0x9;
	_ =	strace $0x80000054  }
0xb4: {  	_ =	swait.ge [sflag:s29], $0x1  }
0xb5: {  	[sflag:s29] =	ssyncadd.s32 $0xFFFFFFFF  }
0xb6: {  	_ =	strace $0x90000054  }
0xb7: {  	_ =	sfence  }
0xb8: {  	s30 =	sld [smem:$0x0];
	_ =	sdelay $0x2  }
0xb9: {  	s31 =	sshll.u32 s1, $0xD;
	s1 =	sshrl.u32 s1, $0x2  }
0xba: {  	s3 =	sand.u32 $0x4000, s31;
	s1 =	sadd.s32 s1, s30  }
0xbb: {  	s0 =	sor.u32 s3, s0;
	s1 =	sshll.u32 s1, $0x11  }
0xbc: {  	s0 =	sor.u32 s1, s0  }
0xbd: {  	s0 =	sadd.s32 $0x8F2B, s0  }
0xbe: {  	[sflag:s0] =	ssyncadd.remote.s32 $0x1  }
0xbf: {  	_ =	sfence.sel $0xFFFF  }
0xc0: {  	[dreg:$0x0] =	wrdreg $0xFFFFFFFF;
	(pc) =	sbr.abs _section_cstart, $3  }
0xc1: {  	[dreg:$0x1] =	wrdreg $0xFFFFFFFF  }
0xc2: {  	_ =	task.clear_ibuf [dreg:s7], $0x2FFFF;
	_ =	strace $0x9FFFFFFF  }
0xc3: {  	(tm) =	ssettm $0x7FFFFFFF  }
tec
execute0_lowered:
.L_overlay_start_1:
0x0: {  	(tag) =	ssettag $0x1  }
0x1: {  	s11 =	rddreg [dreg:$0x0]  }
0x2: {  	s1 =	rddreg [dreg:$0x1]  }
0x3: {  	s2 =	rddreg [dreg:$0x2]  }
0x4: {  	s0 =	rddreg [dreg:$0x3]  }
0x5: {  	s3 =	simm.s32 $0x0;
	s7 =	srdreg.scid;
	s4 =	stileid.u32  }
0x6: {  	s21 =	simm.s32 $0x180;
	s22 =	simm.s32 $0x3D80;
	s23 =	simm.s32 $0x7980  }
0x7: {  	s24 =	simm.s32 $0x1;
	s30 =	simm.s32 $0x0;
	[smem:$0x7FF] =	sst s3  }
0x8: {  	s5 =	sadd.s32 $0xF400, s11;
	s6 =	sadd.s32 $0x5600, s11;
	s12 =	sand.u32 $0x1, s7  }
0x9: {  	s13 =	smul.u32 $0x2800, s4;
	s7 =	sadd.s32 $0x22E00, s11;
	s9 =	sadd.s32 $0x13AE00, s11  }
0xa: {  	s8 =	sadd.s32 $0x72E00, s11;
	s10 =	sadd.s32 $0x18AE00, s11;
	s15 =	smul.u32 $0x50000, s4  }
0xb: {  	s17 =	sshll.u32 s4, $0x6;
	_ =	strace $0x80000053;
	s14 =	smul.u32 $0x28000, s12  }
0xc: {  	s29 =	ssub.s32 $0x2, s12;
	s18 =	smul.u32 $0x4E480, s12;
	s12 =	sor.u32 $0x1C02, s17  }
0xd: {  	s17 =	simm.s32 $0x2;
	s31 =	sshrl.u32 s29, $0x1;
	s15 =	sshrl.u32 s15, $0x2  }
0xe: {  	s13 =	sadd.s32 s13, s14;
	s19 =	ssub.s32 s29, s31;
	s20 =	sadd.s32 s15, s2  }
0xf: {  	s16 =	sadd.s32 s13, s11;
	s11 =	smul.u32 $0x4E48, s4;
	s15 =	smax.u32 s19, $0x1  }
0x10: {  	s19 =	simm.s32 $0x100;
	s14 =	sadd.s32 $0x18D600, s16;
	s16 =	sshrl.u32 s20, $0x3  }
0x11: {  	s20 =	simm.s32 $0x78;
	s13 =	sadd.s32 s11, s18;
	s18 =	simm.s32 $0x80  }
.LBB2_1:
0x12: {  	[spmem:s16], [sflag:s12] =	dma.local [hbm:s10], $0x2800  }
0x13: {  	_ =	swait.ge [sflag:s17], $0x2800  }
0x14: {  	[sflag:s17] =	ssyncset.done $0x0  }
0x15: {  	[sflag:s17] =	ssyncadd.s32 $0xFFFFD800  }
0x16: {  	s25 =	simm.s32 $0x0;
	[bflag:$0x0] =	sbarrier.arrive $0xFFFF  }
.LBB2_2:
0x17: {  	s26 =	smul.u32 $0x78, s25;
	_ =	sdelay $0x1  }
0x18: {  	s28 =	sadd.s32 s26, s13  }
0x19: {  	s28 =	sshrl.u32 s28, $0x3  }
0x1a: {  	s29 =	sadd.s32 s5, s28  }
0x1b: {  	[tilespmem:s30], [sflag:$0x2] =	stream.linear.gather [hbm4b:s29+s30], $0x78, $0x38;
	[tilespmem:$0x1F580] =	vst v63  }
0x1c: {  	_ =	swait.ge [sflag:s17], $0x78  }
0x1d: {  	[sflag:s17] =	ssyncset.done $0x0  }
0x1e: {  	s28 =	sadd.s32 s1, s28;
	[sflag:s17] =	ssyncadd.s32 $0xFFFFFF88  }
0x1f: {  	[tilespmem:s18], [sflag:$0x2] =	stream.linear.gather [hbm4b:s28+s30], $0x78, $0x38;
	[tilespmem:$0x1F580] =	vst v63  }
0x20: {  	s26 =	sadd.s32 s11, s26;
	_ =	swait.ge [sflag:s17], $0x78  }
0x21: {  	s26 =	sshrl.u32 s26, $0x3;
	[sflag:s17] =	ssyncset.done $0x0  }
0x22: {  	s26 =	sadd.s32 s6, s26;
	[sflag:s17] =	ssyncadd.s32 $0xFFFFFF88  }
0x23: {  	[tilespmem:s19], [sflag:$0x2] =	stream.linear.gather [hbm4b:s26+s30], $0x78, $0x38;
	[tilespmem:$0x1F580] =	vst v63  }
0x24: {  	_ =	swait.ge [sflag:s17], $0x78  }
0x25: {  	[sflag:s17] =	ssyncset.done $0x0  }
0x26: {  	[sflag:s17] =	ssyncadd.s32 $0xFFFFFF88  }
0x27: {  	[tilespmem:s21], [sflag:$0x1] =	stream.indirect.gather [hbm4b:s7+s20], $0x80, s30, s20, $0xb8;
	[tilespmem:$0x1F580] =	vst v63  }
0x28: {  	_ = 	snop  }
0x29: {  	[tilespmem:s22], [sflag:$0x1] =	stream.indirect.gather [hbm4b:s8+s20], $0x80, s30, s20, $0xb8;
	[tilespmem:$0x1F580] =	vst v63  }
0x2a: {  	_ = 	snop  }
0x2b: {  	[tilespmem:s23], [sflag:$0x1] =	stream.indirect.gather [hbm4b:s9+s20], $0x80, s18, s20, $0xb8;
	[tilespmem:$0x1F580] =	vst v63  }
0x2c: {  	_ =	swait.ge [sflag:s24], $0x3C00  }
0x2d: {  	[sflag:s24] =	ssyncset.done $0x0  }
0x2e: {  	[sflag:s24] =	ssyncadd.s32 $0xFFFFC400  }
0x2f: {  	_ =	swait.ge [sflag:s24], $0x3C00  }
0x30: {  	[sflag:s24] =	ssyncset.done $0x0  }
0x31: {  	[sflag:s24] =	ssyncadd.s32 $0xFFFFC400  }
0x32: {  	_ =	swait.ge [sflag:s24], $0x3C00  }
0x33: {  	[sflag:s24] =	ssyncset.done $0x0  }
0x34: {  	s26 =	simm.s32 $0x0;
	[sflag:s24] =	ssyncadd.s32 $0xFFFFC400  }
0x35: {  	v3 =	vld [tilespmem:s26+$0x7980]  }
0x36: {  	v4 =	vld [tilespmem:s26+$0x7990]  }
0x37: {  	v5 =	vld [tilespmem:s26+$0x79A0]  }
0x38: {  	v6 =	vld [tilespmem:s26+$0x79B0]  }
0x39: {  	v2 =	vld [tilespmem:s26+$0x1C0]  }
0x3a: {  	v1 =	vld [tilespmem:s26+$0x1D0]  }
0x3b: {  	s28 =	simm.s32 $0x200;
	v0 =	vld [tilespmem:s26+$0x1E0]  }
.LBB2_3:
0x3c: {  	p0 =	sne.s32 s28, $0xEE00;
	v7 =	vld [tilespmem:s26+$0x1F0];
	_ =	sdelay $0x1  }
0x3d: {  	v3 =	vadd.f32 v3, v2  }
0x3e: {  	v4 =	vadd.f32 v4, v1  }
0x3f: {  	v3 =	vmul.f32 $1.442695020e+00, v3;
	v5 =	vadd.f32 v5, v0  }
0x40: {  	v4 =	vmul.f32 $1.442695020e+00, v4;
	v6 =	vadd.f32 v6, v7  }
0x41: {  	v5 =	vmul.f32 $1.442695020e+00, v5;
	(erf) = vpow2.f32 v3  }
0x42: {  	v3 =	vmul.f32 $1.442695020e+00, v6;
	(erf) = vpow2.f32 v4  }
0x43: {  	(erf) = vpow2.f32 v5  }
0x44: {  	(erf) = vpow2.f32 v3;
	_ =	sdelay $0x5  }
0x45: {  	v3 =	vpop (erf)  }
0x46: {  	v6 =	vadd.f32 $1.000000000e+00, v3;
	v4 =	vpop (erf)  }
0x47: {  	v4 =	vadd.f32 $1.000000000e+00, v4;
	v5 =	vpop (erf)  }
0x48: {  	v5 =	vadd.f32 $1.000000000e+00, v5;
	(erf) = vrcp.f32 v6;
	v3 =	vpop (erf)  }
0x49: {  	v3 =	vadd.f32 $1.000000000e+00, v3;
	(erf) = vrcp.f32 v4  }
0x4a: {  	(erf) = vrcp.f32 v5  }
0x4b: {  	(erf) = vrcp.f32 v3;
	_ =	sdelay $0x1  }
0x4c: {  	v3 =	vld [tilespmem:s26+$0x3D80]  }
0x4d: {  	v4 =	vld [tilespmem:s26+$0x3D90]  }
0x4e: {  	v5 =	vld [tilespmem:s26+$0x3DA0]  }
0x4f: {  	v6 =	vld [tilespmem:s26+$0x3DB0]  }
0x50: {  	v8 =	vpop (erf)  }
0x51: {  	s29 =	sshra.s32 s28, $0x2;
	v8 =	vmul.f32 v8, v3;
	v9 =	vpop (erf)  }
0x52: {  	v3 =	vld [tilespmem:s29+$0x7980];
	v9 =	vmul.f32 v9, v4;
	v10 =	vpop (erf)  }
0x53: {  	v4 =	vld [tilespmem:s29+$0x7990];
	v2 =	vadd.f32 v8, v2;
	v8 =	vmul.f32 v10, v5;
	v10 =	vpop (erf)  }
.Ltmp0:
0x54: {  	v5 =	vld [tilespmem:s29+$0x79A0];
	v1 =	vadd.f32 v9, v1;
	v9 =	vmul.f32 v10, v6;
	(pc) =	sbr.rel @p0 .LBB2_3-.Ltmp0, $4  }
0x55: {  	v6 =	vld [tilespmem:s29+$0x79B0];
	[tilespmem:s26+$0x1C0] =	vst v2;
	v0 =	vadd.f32 v8, v0  }
0x56: {  	v2 =	vld [tilespmem:s29+$0x1C0];
	[tilespmem:s26+$0x1D0] =	vst v1;
	v7 =	vadd.f32 v9, v7  }
0x57: {  	v1 =	vld [tilespmem:s29+$0x1D0];
	[tilespmem:s26+$0x1E0] =	vst v0  }
0x58: {  	s28 =	sadd.s32 $0x200, s28;
	v0 =	vld [tilespmem:s29+$0x1E0];
	[tilespmem:s26+$0x1F0] =	vst v7;
	s26 =	smov.u32 s29  }
0x59: {  	v7 =	vld [tilespmem:s26+$0x1F0];
	_ =	sdelay $0x1  }
0x5a: {  	v3 =	vadd.f32 v3, v2  }
0x5b: {  	v4 =	vadd.f32 v4, v1  }
0x5c: {  	v3 =	vmul.f32 $1.442695020e+00, v3;
	v5 =	vadd.f32 v5, v0  }
0x5d: {  	v4 =	vmul.f32 $1.442695020e+00, v4;
	v6 =	vadd.f32 v6, v7  }
0x5e: {  	v5 =	vmul.f32 $1.442695020e+00, v5;
	(erf) = vpow2.f32 v3  }
0x5f: {  	v48 =	vmul.f32 $1.442695020e+00, v6;
	(erf) = vpow2.f32 v4  }
0x60: {  	(erf) = vpow2.f32 v5  }
0x61: {  	(erf) = vpow2.f32 v48;
	_ =	sdelay $0x5  }
0x62: {  	v49 =	vpop (erf)  }
0x63: {  	v3 =	vadd.f32 $1.000000000e+00, v49;
	v4 =	vpop (erf)  }
0x64: {  	v4 =	vadd.f32 $1.000000000e+00, v4;
	v5 =	vpop (erf)  }
0x65: {  	v5 =	vadd.f32 $1.000000000e+00, v5;
	(erf) = vrcp.f32 v3;
	v50 =	vpop (erf)  }
0x66: {  	v3 =	vadd.f32 $1.000000000e+00, v50;
	(erf) = vrcp.f32 v4  }
0x67: {  	(erf) = vrcp.f32 v5  }
0x68: {  	(erf) = vrcp.f32 v3;
	_ =	sdelay $0x1  }
0x69: {  	v51 =	vld [tilespmem:s26+$0x3D80]  }
0x6a: {  	v52 =	vld [tilespmem:s26+$0x3D90]  }
0x6b: {  	v53 =	vld [tilespmem:s26+$0x3DA0]  }
0x6c: {  	v54 =	vld [tilespmem:s26+$0x3DB0]  }
0x6d: {  	v8 =	vpop (erf)  }
0x6e: {  	v3 =	vmul.f32 v8, v51;
	v55 =	vpop (erf)  }
0x6f: {  	v4 =	vmul.f32 v55, v52;
	v56 =	vpop (erf)  }
0x70: {  	v57 =	vadd.f32 v3, v2;
	v58 =	vmul.f32 v56, v53;
	v59 =	vpop (erf)  }
0x71: {  	v60 =	vadd.f32 v4, v1;
	v61 =	vmul.f32 v59, v54  }
0x72: {  	[tilespmem:s26+$0x1C0] =	vst v57;
	v62 =	vadd.f32 v58, v0  }
0x73: {  	s25 =	sadd.s32 $0x1, s25;
	[tilespmem:s26+$0x1D0] =	vst v60;
	v63 =	vadd.f32 v61, v7  }
0x74: {  	p0 =	sne.s32 s25, $0xA7;
	[tilespmem:s26+$0x1E0] =	vst v62  }
.Ltmp1:
0x75: {  	[tilespmem:s26+$0x1F0] =	vst v63;
	(pc) =	sbr.rel @p0 .LBB2_2-.Ltmp1, $4  }
0x76: {  	[spmem:s2] =	stream.indirect.scatter.add.f32 [tilespmem:s21], [sflag:$0x2], $0x80, s19, s20, $0xb8;
	[tilespmem:$0x1F580] =	vst v63  }
0x77: {  	_ =	swait.ge [sflag:s17], $0x3C00  }
0x78: {  	[sflag:s17] =	ssyncset.done $0x0  }
0x79: {  	[sflag:s17] =	ssyncadd.s32 $0xFFFFC400  }
0x7a: {  	s3 =	sadd.s32 $0x1, s3  }
0x7b: {  	p0 =	sne.s32 s3, s15  }
.Ltmp2:
0x7c: {  	[bflag:$0x0] =	sbarrier.arrive $0xFFFF;
	(pc) =	sbr.rel @p0 .LBB2_1-.Ltmp2, $4  }
0x7d: {  	[hbm:s14], [sflag:s12] =	dma.local [spmem:s16], $0x2800  }
0x7e: {  	_ =	swait.ge [sflag:s17], $0x2800  }
0x7f: {  	[sflag:s17] =	ssyncset.done $0x0  }
0x80: {  	[sflag:s17] =	ssyncadd.s32 $0xFFFFD800  }
0x81: {  	_ =	sfence.sel $0x180000  }
0x82: {  	[bflag:$0x0] =	sbarrier.arrive $0xFFFF  }
0x83: {  	p0 =	sne.s32 s4, $0x0;
	_ =	strace $0x90000053  }
0x84: {  	s0 =	sadd.s32 @!p0 $0x100000, s0;
	[bflag:$0x2] =	sbarrier.arrive $0xFFFF  }
0x85: {  	[sflag:s0] =	ssyncadd.tile.s32 @!p0 $0x1;
	_ =	shalt  }
.Lfunc_end2:
_tile_overlayer_lowered:
.L_overlay_start_2:
0x86: {  	(tag) =	ssettag $0x2  }
0x87: {  	s0 =	rddreg [dreg:$0x0];
	s2 =	stileid.u32  }
0x88: {  	s1 =	rddreg [dreg:$0x1];
	p0 =	sne.s32 s2, $0x0  }
0x89: {  	s3 =	rddreg [dreg:$0x2];
	[bflag:$0x3] =	sbarrier.arrive $0xFFFF;
	s2 =	simm.s32 @!p0 $0x1C02  }
0x8a: {  	[timem:s3], [sflag:s2] =	dma.local @!p0 [hbm:s0], s1  }
0x8b: {  	s0 =	simm.s32 @!p0 $0x2  }
0x8c: {  	_ =	swait.ge @!p0 [sflag:s0], s1  }
0x8d: {  	s1 =	ssub.s32 @!p0 $0x0, s1;
	[sflag:s0] =	ssyncset.done @!p0 $0x0  }
0x8e: {  	[sflag:s0] =	ssyncadd.s32 @!p0 s1  }
0x8f: {  	[bflag:$0x3] =	sbarrier.arrive $0xFFFF  }
0x90: {  	_ =	shalt  }

// kernel: kernel.32.cloned.1.call-start
scs
__scs_entry_jumppad:
0x0: {  	(pc) =	sbr.rel $0x88, $3  }
0x1: {  	(tag) =	ssettag $0x0;
	lr =	simm.s32 $0x1  }
0x2: {  	[smem:$0x3F99] =	sst lr;
	_ =	strace $0xD0000000  }
0x3: {  	_ = 	snop  }
0x4: {  	_ = 	snop  }
0x5: {  	_ = 	snop  }
0x6: {  	_ = 	snop  }
0x7: {  	_ = 	snop  }
__scs_overlays_trampoline_lowered:
0x8: {  	[smem:$0x3FA8] =	sst s0  }
0x9: {  	[smem:$0x3FA9] =	sst s1  }
0xa: {  	[smem:$0x3FAA] =	sst s2  }
0xb: {  	[smem:$0x3FAB] =	sst s3  }
0xc: {  	[smem:$0x3FAC] =	sst s4  }
0xd: {  	[smem:$0x3FAD] =	sst s5  }
0xe: {  	[smem:$0x3FAE] =	sst s6  }
0xf: {  	[smem:$0x3FAF] =	sst s7  }
0x10: {  	[smem:$0x3FB0] =	sst s8  }
0x11: {  	[smem:$0x3FB1] =	sst s9;
	s0 =	simm.s32 @!p0 $0x0  }
0x12: {  	s1 =	sld [smem:$0x3F97];
	s0 =	simm.s32 @p0 $0x1  }
0x13: {  	[smem:$0x3FB2] =	sst s0;
	s0 =	simm.s32 @!p1 $0x0  }
0x14: {  	s2 =	sld [smem:$0x3F96];
	s0 =	simm.s32 @p1 $0x1  }
0x15: {  	[smem:$0x3FB3] =	sst s0;
	s0 =	simm.s32 @!p2 $0x0  }
0x16: {  	s3 =	sld [smem:$0x3FDB];
	s0 =	simm.s32 @p2 $0x1  }
0x17: {  	s4 =	simm.s32 $0x1BF5;
	[smem:$0x3FB5] =	sst s0  }
0x18: {  	s0 =	sld [smem:$0x3F98];
	_ =	swait.ge [sflag:s4], $0x0  }
0x19: {  	s7 =	sld [smem:$0x3F99]  }
0x1a: {  	s8 =	sadd.s32 $0xFFFFE003, lr  }
0x1b: {  	s9 =	sadd.s32 $0xFFFFFEF7, lr;
	s5 =	simm.s32 $0xFFFFFFFF;
	p2 =	slt.u32 s8, $0xFFFFF086  }
0x1c: {  	p1 =	slt.u32 s9, $0xF7A;
	s5 =	simm.s32 @!p2 $0x0  }
0x1d: {  	s5 =	simm.s32 @p1 $0x1;
	p0 =	seq.s32 s7, s2  }
0x1e: {  	s7 =	smul.u32 @!p0 $0xF7A, s2;
	p2 =	seq.s32 @!p0 s5, $0x0  }
0x1f: {  	s9 =	smul.u32 $0xF7A, s1;
	s8 =	simm.s32 @!p0 $0x1BF5;
	p2 =	por !p2, p0  }
0x20: {  	[sflag:s8] =	ssyncset.s32 @!p0 $0xFFFFF086;
	s6 =	sadd.s32 @!p0 s3, s7;
	s7 =	simm.s32 @!p0 $0x108  }
0x21: {  	s3 =	sadd.s32 s3, s9;
	s6 =	sadd.s32 @!p0 $0x88, s6;
	s7 =	simm.s32 @p2 $0x1082  }
0x22: {  	[simem:s7], [sflag:s8] =	dma.local @!p0 [hbm:s6], $0xF7A  }
0x23: {  	s9 =	sor.u32 $0xD0000000, s2;
	s6 =	simm.s32 $0x108;
	_ =	swait.ge @!p0 [sflag:s8], $0x0  }
0x24: {  	s3 =	sadd.s32 $0x88, s3;
	s6 =	simm.s32 @!p1 $0x1082;
	[sflag:s4] =	ssyncset.s32 $0xFFFFF086  }
0x25: {  	[simem:s6], [sflag:s4] =	dma.local [hbm:s3], $0xF7A  }
0x26: {  	[smem:$0x3F99] =	sst s1;
	(tag) =	ssettag s2;
	_ =	strace s9  }
0x27: {  	s1 =	sld [smem:$0x3FA9]  }
0x28: {  	s2 =	sld [smem:$0x3FAA]  }
0x29: {  	s4 =	sld [smem:$0x3FAC]  }
0x2a: {  	p0 =	seq.s32 s5, $0x0;
	s5 =	sld [smem:$0x3FAD]  }
0x2b: {  	s6 =	sld [smem:$0x3FAE]  }
0x2c: {  	s7 =	sld [smem:$0x3FAF]  }
0x2d: {  	s3 =	simm.s32 $0x108;
	s8 =	sld [smem:$0x3FB0]  }
0x2e: {  	s3 =	simm.s32 @!p0 $0x1082;
	s9 =	sld [smem:$0x3FB1]  }
0x2f: {  	lr =	sadd.s32 s0, s3;
	s0 =	sld [smem:$0x3FA8]  }
0x30: {  	s3 =	sld [smem:$0x3FAB]  }
0x31: {  	[smem:$0x3FB4] =	sst s10  }
0x32: {  	s10 =	sld [smem:$0x3FB2];
	_ =	sdelay $0x3  }
0x33: {  	p0 =	seq.s32 s10, $0x1;
	s10 =	sld [smem:$0x3FB4];
	_ =	sdelay $0x3  }
0x34: {  	[smem:$0x3FB4] =	sst s10  }
0x35: {  	s10 =	sld [smem:$0x3FB3];
	_ =	sdelay $0x3  }
0x36: {  	p1 =	seq.s32 s10, $0x1;
	s10 =	sld [smem:$0x3FB4];
	_ =	sdelay $0x3  }
0x37: {  	[smem:$0x3FB4] =	sst s10  }
0x38: {  	s10 =	sld [smem:$0x3FB5]  }
0x39: {  	_ = 	snop;
	(pc) =	sbr.ind lr, $3  }
0x3a: {  	_ = 	snop  }
0x3b: {  	_ = 	snop  }
0x3c: {  	p2 =	seq.s32 s10, $0x1;
	s10 =	sld [smem:$0x3FB4]  }
0x3d: {  	_ =	shalt  }
0x3e: {  	_ =	shalt  }
0x3f: {  	_ =	shalt  }
0x40: {  	_ =	shalt  }
0x41: {  	_ =	shalt  }
0x42: {  	_ =	shalt  }
0x43: {  	_ =	shalt  }
0x44: {  	_ =	shalt  }
0x45: {  	_ =	shalt  }
0x46: {  	_ =	shalt  }
0x47: {  	_ =	shalt  }
0x48: {  	_ =	shalt  }
0x49: {  	_ =	shalt  }
0x4a: {  	_ =	shalt  }
0x4b: {  	_ =	shalt  }
0x4c: {  	_ =	shalt  }
0x4d: {  	_ =	shalt  }
0x4e: {  	_ =	shalt  }
0x4f: {  	_ =	shalt  }
0x50: {  	_ =	shalt  }
0x51: {  	_ =	shalt  }
0x52: {  	_ =	shalt  }
0x53: {  	_ =	shalt  }
0x54: {  	_ =	shalt  }
0x55: {  	_ =	shalt  }
0x56: {  	_ =	shalt  }
0x57: {  	_ =	shalt  }
0x58: {  	_ =	shalt  }
0x59: {  	_ =	shalt  }
0x5a: {  	_ =	shalt  }
0x5b: {  	_ =	shalt  }
0x5c: {  	_ =	shalt  }
0x5d: {  	_ =	shalt  }
0x5e: {  	_ =	shalt  }
0x5f: {  	_ =	shalt  }
0x60: {  	_ =	shalt  }
0x61: {  	_ =	shalt  }
0x62: {  	_ =	shalt  }
0x63: {  	_ =	shalt  }
0x64: {  	_ =	shalt  }
0x65: {  	_ =	shalt  }
0x66: {  	_ =	shalt  }
0x67: {  	_ =	shalt  }
0x68: {  	_ =	shalt  }
0x69: {  	_ =	shalt  }
0x6a: {  	_ =	shalt  }
0x6b: {  	_ =	shalt  }
0x6c: {  	_ =	shalt  }
0x6d: {  	_ =	shalt  }
0x6e: {  	_ =	shalt  }
0x6f: {  	_ =	shalt  }
0x70: {  	_ =	shalt  }
0x71: {  	_ =	shalt  }
0x72: {  	_ =	shalt  }
0x73: {  	_ =	shalt  }
0x74: {  	_ =	shalt  }
0x75: {  	_ =	shalt  }
0x76: {  	_ =	shalt  }
0x77: {  	_ =	shalt  }
0x78: {  	_ =	shalt  }
0x79: {  	_ =	shalt  }
0x7a: {  	_ =	shalt  }
0x7b: {  	_ =	shalt  }
0x7c: {  	_ =	shalt  }
0x7d: {  	_ =	shalt  }
0x7e: {  	_ =	shalt  }
0x7f: {  	_ =	shalt  }
0x80: {  	_ =	shalt  }
0x81: {  	_ =	shalt  }
0x82: {  	_ =	shalt  }
0x83: {  	_ =	shalt  }
0x84: {  	_ =	shalt  }
0x85: {  	_ =	shalt  }
0x86: {  	_ =	shalt  }
0x87: {  	_ =	shalt  }
.Lfunc_end0:
.L_simem_size_0:
called_computation.5_lowered:
.L_overlay_start_0:
0x88: {  	s2 =	sld [smem:$0x3FD9]  }
0x89: {  	s3 =	sld [smem:$0x3FFE];
	_ =	sdelay $0x1  }
0x8a: {  	s1 =	srdreg.scid  }
0x8b: {  	s0 =	sand.u32 $0x1, s1  }
0x8c: {  	s17 =	sshll.u32 s0, $0xA;
	s2 =	sadd.s32 s3, s2  }
0x8d: {  	s2 =	sadd.s32 s2, s17  }
0x8e: {  	[smem:$0x3FC0] =	sst s2  }
0x8f: {  	_ = 	snop  }
0x90: {  	s2 =	sld [smem:$0x3FD0];
	(tm) =	ssettm $0x1  }
0x91: {  	s18 =	sld [smem:$0x3FFB];
	_ =	sdelay $0x3  }
0x92: {  	_ =	strace s18  }
0x93: {  	s3 =	sld [smem:$0x3FFC];
	_ =	sdelay $0x3  }
0x94: {  	_ =	strace s3  }
0x95: {  	s3 =	sld [smem:$0x3FFD];
	_ =	sdelay $0x3  }
0x96: {  	_ =	strace s3  }
0x97: {  	_ =	strace $0x8FFFFFFF  }
0x98: {  	s19 =	sld [smem:$0x3FDB];
	_ =	sdelay $0x1  }
0x99: {  	s4 =	simm.s32 $_scs_section_size  }
0x9a: {  	s5 =	simm.s32 $_size__tile_overlayer_lowered;
	s6 =	simm.s32 $_tile_overlayer_lowered  }
0x9b: {  	s22 =	simm.s32 $0x1BFF;
	s21 =	sshll.u32 s6, $0x1;
	s3 =	sadd.s32 s4, s19  }
0x9c: {  	s7 =	simm.s32 $0x0;
	s20 =	sshll.u32 s5, $0x1;
	s5 =	sadd.s32 s21, s3  }
0x9d: {  	[timem:s7], [sflag:s22] =	dma.local [hbm:s5], s20  }
0x9e: {  	_ =	swait.ge [sflag:s22], s20  }
0x9f: {  	s4 =	ssub.s32 $0x0, s20;
	[sflag:s22] =	ssyncset.done $0x0  }
0xa0: {  	[sflag:s22] =	ssyncadd.s32 s4;
	_ =	sdelay $0x1  }
0xa1: {  	s23 =	simm.s32 $0x1B8B  }
0xa2: {  	_ =	swait.ge [sflag:s23], $0x1  }
0xa3: {  	[sflag:s23] =	ssyncset.done $0x0  }
0xa4: {  	s25 =	simm.s32 $0x1B8E;
	s24 =	sld [smem:$0x3FFE];
	[sflag:s23] =	ssyncadd.s32 $0xFFFFFFFF  }
0xa5: {  	s26 =	simm.s32 $execute0_lowered;
	[smem:$0x3FD2] =	sst s25  }
0xa6: {  	s5 =	sshll.u32 s26, $0x1;
	_ =	strace $0x80000055;
	[dreg:$0x1] =	wrdreg $0xFFFFFFFF  }
0xa7: {  	s28 =	simm.s32 $_size_execute0_lowered;
	s3 =	sadd.s32 s3, s5;
	[dreg:$0x0] =	wrdreg $0x0  }
0xa8: {  	s5 =	sshll.u32 s28, $0x1;
	[dreg:$0x2] =	wrdreg s3  }
0xa9: {  	[dreg:$0x3] =	wrdreg s5  }
0xaa: {  	[dreg:$0x4] =	wrdreg $0xC0  }
0xab: {  	_ =	task [dreg:s7], $0x5FFFF  }
0xac: {  	[dreg:$0x1] =	wrdreg $0xFFFFFFFF  }
0xad: {  	[dreg:$0x0] =	wrdreg $0x60  }
0xae: {  	[dreg:$0x2] =	wrdreg s24  }
0xaf: {  	[dreg:$0x3] =	wrdreg s2  }
0xb0: {  	[dreg:$0x4] =	wrdreg $0xB5800  }
0xb1: {  	[dreg:$0x5] =	wrdreg $0x9  }
0xb2: {  	_ =	task.clear_ibuf [dreg:s7], $0x6FFFF;
	_ =	strace $0x90000055  }
0xb3: {  	s29 =	simm.s32 $0x9;
	_ =	strace $0x80000057  }
0xb4: {  	_ =	swait.ge [sflag:s29], $0x1  }
0xb5: {  	[sflag:s29] =	ssyncadd.s32 $0xFFFFFFFF  }
0xb6: {  	_ =	strace $0x90000057  }
0xb7: {  	_ =	sfence  }
0xb8: {  	s30 =	sld [smem:$0x0];
	_ =	sdelay $0x2  }
0xb9: {  	s31 =	sshll.u32 s1, $0xD;
	s1 =	sshrl.u32 s1, $0x2  }
0xba: {  	s3 =	sand.u32 $0x4000, s31;
	s1 =	sadd.s32 s1, s30  }
0xbb: {  	s0 =	sor.u32 s3, s0;
	s1 =	sshll.u32 s1, $0x11  }
0xbc: {  	s0 =	sor.u32 s1, s0  }
0xbd: {  	s0 =	sadd.s32 $0x8F2B, s0  }
0xbe: {  	[sflag:s0] =	ssyncadd.remote.s32 $0x1  }
0xbf: {  	_ =	sfence.sel $0xFFFF  }
0xc0: {  	[dreg:$0x0] =	wrdreg $0xFFFFFFFF;
	(pc) =	sbr.abs _section_cstart, $3  }
0xc1: {  	[dreg:$0x1] =	wrdreg $0xFFFFFFFF  }
0xc2: {  	_ =	task.clear_ibuf [dreg:s7], $0x2FFFF;
	_ =	strace $0x9FFFFFFF  }
0xc3: {  	(tm) =	ssettm $0x7FFFFFFF  }
tec
execute0_lowered:
.L_overlay_start_1:
0x0: {  	(tag) =	ssettag $0x1  }
0x1: {  	s11 =	rddreg [dreg:$0x0]  }
0x2: {  	s1 =	rddreg [dreg:$0x1]  }
0x3: {  	s2 =	rddreg [dreg:$0x2]  }
0x4: {  	s0 =	rddreg [dreg:$0x3]  }
0x5: {  	s3 =	simm.s32 $0x0;
	s7 =	srdreg.scid;
	s4 =	stileid.u32  }
0x6: {  	s21 =	simm.s32 $0x180;
	s22 =	simm.s32 $0x3D80;
	s23 =	simm.s32 $0x7980  }
0x7: {  	s24 =	simm.s32 $0x1;
	s30 =	simm.s32 $0x0;
	[smem:$0x7FF] =	sst s3  }
0x8: {  	s5 =	sadd.s32 $0xF400, s11;
	s6 =	sadd.s32 $0x5600, s11;
	s12 =	sand.u32 $0x1, s7  }
0x9: {  	s13 =	smul.u32 $0x2800, s4;
	s7 =	sadd.s32 $0x22E00, s11;
	s9 =	sadd.s32 $0x13AE00, s11  }
0xa: {  	s8 =	sadd.s32 $0x72E00, s11;
	s10 =	sadd.s32 $0x18AE00, s11;
	s15 =	smul.u32 $0x50000, s4  }
0xb: {  	s17 =	sshll.u32 s4, $0x6;
	_ =	strace $0x80000056;
	s14 =	smul.u32 $0x28000, s12  }
0xc: {  	s29 =	ssub.s32 $0x2, s12;
	s18 =	smul.u32 $0x4E480, s12;
	s12 =	sor.u32 $0x1C02, s17  }
0xd: {  	s17 =	simm.s32 $0x2;
	s31 =	sshrl.u32 s29, $0x1;
	s15 =	sshrl.u32 s15, $0x2  }
0xe: {  	s13 =	sadd.s32 s13, s14;
	s19 =	ssub.s32 s29, s31;
	s20 =	sadd.s32 s15, s2  }
0xf: {  	s16 =	sadd.s32 s13, s11;
	s11 =	smul.u32 $0x4E48, s4;
	s15 =	smax.u32 s19, $0x1  }
0x10: {  	s19 =	simm.s32 $0x100;
	s14 =	sadd.s32 $0x18D600, s16;
	s16 =	sshrl.u32 s20, $0x3  }
0x11: {  	s20 =	simm.s32 $0x78;
	s13 =	sadd.s32 s11, s18;
	s18 =	simm.s32 $0x80  }
.LBB2_1:
0x12: {  	[spmem:s16], [sflag:s12] =	dma.local [hbm:s10], $0x2800  }
0x13: {  	_ =	swait.ge [sflag:s17], $0x2800  }
0x14: {  	[sflag:s17] =	ssyncset.done $0x0  }
0x15: {  	[sflag:s17] =	ssyncadd.s32 $0xFFFFD800  }
0x16: {  	s25 =	simm.s32 $0x0;
	[bflag:$0x0] =	sbarrier.arrive $0xFFFF  }
.LBB2_2:
0x17: {  	s26 =	smul.u32 $0x78, s25;
	_ =	sdelay $0x1  }
0x18: {  	s28 =	sadd.s32 s26, s13  }
0x19: {  	s28 =	sshrl.u32 s28, $0x3  }
0x1a: {  	s29 =	sadd.s32 s5, s28  }
0x1b: {  	[tilespmem:s30], [sflag:$0x2] =	stream.linear.gather [hbm4b:s29+s30], $0x78, $0x38;
	[tilespmem:$0x1F580] =	vst v63  }
0x1c: {  	_ =	swait.ge [sflag:s17], $0x78  }
0x1d: {  	[sflag:s17] =	ssyncset.done $0x0  }
0x1e: {  	s28 =	sadd.s32 s1, s28;
	[sflag:s17] =	ssyncadd.s32 $0xFFFFFF88  }
0x1f: {  	[tilespmem:s18], [sflag:$0x2] =	stream.linear.gather [hbm4b:s28+s30], $0x78, $0x38;
	[tilespmem:$0x1F580] =	vst v63  }
0x20: {  	s26 =	sadd.s32 s11, s26;
	_ =	swait.ge [sflag:s17], $0x78  }
0x21: {  	s26 =	sshrl.u32 s26, $0x3;
	[sflag:s17] =	ssyncset.done $0x0  }
0x22: {  	s26 =	sadd.s32 s6, s26;
	[sflag:s17] =	ssyncadd.s32 $0xFFFFFF88  }
0x23: {  	[tilespmem:s19], [sflag:$0x2] =	stream.linear.gather [hbm4b:s26+s30], $0x78, $0x38;
	[tilespmem:$0x1F580] =	vst v63  }
0x24: {  	_ =	swait.ge [sflag:s17], $0x78  }
0x25: {  	[sflag:s17] =	ssyncset.done $0x0  }
0x26: {  	[sflag:s17] =	ssyncadd.s32 $0xFFFFFF88  }
0x27: {  	[tilespmem:s21], [sflag:$0x1] =	stream.indirect.gather [hbm4b:s7+s20], $0x80, s30, s20, $0xb8;
	[tilespmem:$0x1F580] =	vst v63  }
0x28: {  	_ = 	snop  }
0x29: {  	[tilespmem:s22], [sflag:$0x1] =	stream.indirect.gather [hbm4b:s8+s20], $0x80, s30, s20, $0xb8;
	[tilespmem:$0x1F580] =	vst v63  }
0x2a: {  	_ = 	snop  }
0x2b: {  	[tilespmem:s23], [sflag:$0x1] =	stream.indirect.gather [hbm4b:s9+s20], $0x80, s18, s20, $0xb8;
	[tilespmem:$0x1F580] =	vst v63  }
0x2c: {  	_ =	swait.ge [sflag:s24], $0x3C00  }
0x2d: {  	[sflag:s24] =	ssyncset.done $0x0  }
0x2e: {  	[sflag:s24] =	ssyncadd.s32 $0xFFFFC400  }
0x2f: {  	_ =	swait.ge [sflag:s24], $0x3C00  }
0x30: {  	[sflag:s24] =	ssyncset.done $0x0  }
0x31: {  	[sflag:s24] =	ssyncadd.s32 $0xFFFFC400  }
0x32: {  	_ =	swait.ge [sflag:s24], $0x3C00  }
0x33: {  	[sflag:s24] =	ssyncset.done $0x0  }
0x34: {  	s26 =	simm.s32 $0x0;
	[sflag:s24] =	ssyncadd.s32 $0xFFFFC400  }
0x35: {  	v3 =	vld [tilespmem:s26+$0x7980]  }
0x36: {  	v4 =	vld [tilespmem:s26+$0x7990]  }
0x37: {  	v5 =	vld [tilespmem:s26+$0x79A0]  }
0x38: {  	v6 =	vld [tilespmem:s26+$0x79B0]  }
0x39: {  	v2 =	vld [tilespmem:s26+$0x1C0]  }
0x3a: {  	v1 =	vld [tilespmem:s26+$0x1D0]  }
0x3b: {  	s28 =	simm.s32 $0x200;
	v0 =	vld [tilespmem:s26+$0x1E0]  }
.LBB2_3:
0x3c: {  	p0 =	sne.s32 s28, $0xEE00;
	v7 =	vld [tilespmem:s26+$0x1F0];
	_ =	sdelay $0x1  }
0x3d: {  	v3 =	vadd.f32 v3, v2  }
0x3e: {  	v4 =	vadd.f32 v4, v1  }
0x3f: {  	v3 =	vmul.f32 $1.442695020e+00, v3;
	v5 =	vadd.f32 v5, v0  }
0x40: {  	v4 =	vmul.f32 $1.442695020e+00, v4;
	v6 =	vadd.f32 v6, v7  }
0x41: {  	v5 =	vmul.f32 $1.442695020e+00, v5;
	(erf) = vpow2.f32 v3  }
0x42: {  	v3 =	vmul.f32 $1.442695020e+00, v6;
	(erf) = vpow2.f32 v4  }
0x43: {  	(erf) = vpow2.f32 v5  }
0x44: {  	(erf) = vpow2.f32 v3;
	_ =	sdelay $0x5  }
0x45: {  	v3 =	vpop (erf)  }
0x46: {  	v6 =	vadd.f32 $1.000000000e+00, v3;
	v4 =	vpop (erf)  }
0x47: {  	v4 =	vadd.f32 $1.000000000e+00, v4;
	v5 =	vpop (erf)  }
0x48: {  	v5 =	vadd.f32 $1.000000000e+00, v5;
	(erf) = vrcp.f32 v6;
	v3 =	vpop (erf)  }
0x49: {  	v3 =	vadd.f32 $1.000000000e+00, v3;
	(erf) = vrcp.f32 v4  }
0x4a: {  	(erf) = vrcp.f32 v5  }
0x4b: {  	(erf) = vrcp.f32 v3;
	_ =	sdelay $0x1  }
0x4c: {  	v3 =	vld [tilespmem:s26+$0x3D80]  }
0x4d: {  	v4 =	vld [tilespmem:s26+$0x3D90]  }
0x4e: {  	v5 =	vld [tilespmem:s26+$0x3DA0]  }
0x4f: {  	v6 =	vld [tilespmem:s26+$0x3DB0]  }
0x50: {  	v8 =	vpop (erf)  }
0x51: {  	s29 =	sshra.s32 s28, $0x2;
	v8 =	vmul.f32 v8, v3;
	v9 =	vpop (erf)  }
0x52: {  	v3 =	vld [tilespmem:s29+$0x7980];
	v9 =	vmul.f32 v9, v4;
	v10 =	vpop (erf)  }
0x53: {  	v4 =	vld [tilespmem:s29+$0x7990];
	v2 =	vadd.f32 v8, v2;
	v8 =	vmul.f32 v10, v5;
	v10 =	vpop (erf)  }
.Ltmp0:
0x54: {  	v5 =	vld [tilespmem:s29+$0x79A0];
	v1 =	vadd.f32 v9, v1;
	v9 =	vmul.f32 v10, v6;
	(pc) =	sbr.rel @p0 .LBB2_3-.Ltmp0, $4  }
0x55: {  	v6 =	vld [tilespmem:s29+$0x79B0];
	[tilespmem:s26+$0x1C0] =	vst v2;
	v0 =	vadd.f32 v8, v0  }
0x56: {  	v2 =	vld [tilespmem:s29+$0x1C0];
	[tilespmem:s26+$0x1D0] =	vst v1;
	v7 =	vadd.f32 v9, v7  }
0x57: {  	v1 =	vld [tilespmem:s29+$0x1D0];
	[tilespmem:s26+$0x1E0] =	vst v0  }
0x58: {  	s28 =	sadd.s32 $0x200, s28;
	v0 =	vld [tilespmem:s29+$0x1E0];
	[tilespmem:s26+$0x1F0] =	vst v7;
	s26 =	smov.u32 s29  }
0x59: {  	v7 =	vld [tilespmem:s26+$0x1F0];
	_ =	sdelay $0x1  }
0x5a: {  	v3 =	vadd.f32 v3, v2  }
0x5b: {  	v4 =	vadd.f32 v4, v1  }
0x5c: {  	v3 =	vmul.f32 $1.442695020e+00, v3;
	v5 =	vadd.f32 v5, v0  }
0x5d: {  	v4 =	vmul.f32 $1.442695020e+00, v4;
	v6 =	vadd.f32 v6, v7  }
0x5e: {  	v5 =	vmul.f32 $1.442695020e+00, v5;
	(erf) = vpow2.f32 v3  }
0x5f: {  	v48 =	vmul.f32 $1.442695020e+00, v6;
	(erf) = vpow2.f32 v4  }
0x60: {  	(erf) = vpow2.f32 v5  }
0x61: {  	(erf) = vpow2.f32 v48;
	_ =	sdelay $0x5  }
0x62: {  	v49 =	vpop (erf)  }
0x63: {  	v3 =	vadd.f32 $1.000000000e+00, v49;
	v4 =	vpop (erf)  }
0x64: {  	v4 =	vadd.f32 $1.000000000e+00, v4;
	v5 =	vpop (erf)  }
0x65: {  	v5 =	vadd.f32 $1.000000000e+00, v5;
	(erf) = vrcp.f32 v3;
	v50 =	vpop (erf)  }
0x66: {  	v3 =	vadd.f32 $1.000000000e+00, v50;
	(erf) = vrcp.f32 v4  }
0x67: {  	(erf) = vrcp.f32 v5  }
0x68: {  	(erf) = vrcp.f32 v3;
	_ =	sdelay $0x1  }
0x69: {  	v51 =	vld [tilespmem:s26+$0x3D80]  }
0x6a: {  	v52 =	vld [tilespmem:s26+$0x3D90]  }
0x6b: {  	v53 =	vld [tilespmem:s26+$0x3DA0]  }
0x6c: {  	v54 =	vld [tilespmem:s26+$0x3DB0]  }
0x6d: {  	v8 =	vpop (erf)  }
0x6e: {  	v3 =	vmul.f32 v8, v51;
	v55 =	vpop (erf)  }
0x6f: {  	v4 =	vmul.f32 v55, v52;
	v56 =	vpop (erf)  }
0x70: {  	v57 =	vadd.f32 v3, v2;
	v58 =	vmul.f32 v56, v53;
	v59 =	vpop (erf)  }
0x71: {  	v60 =	vadd.f32 v4, v1;
	v61 =	vmul.f32 v59, v54  }
0x72: {  	[tilespmem:s26+$0x1C0] =	vst v57;
	v62 =	vadd.f32 v58, v0  }
0x73: {  	s25 =	sadd.s32 $0x1, s25;
	[tilespmem:s26+$0x1D0] =	vst v60;
	v63 =	vadd.f32 v61, v7  }
0x74: {  	p0 =	sne.s32 s25, $0xA7;
	[tilespmem:s26+$0x1E0] =	vst v62  }
.Ltmp1:
0x75: {  	[tilespmem:s26+$0x1F0] =	vst v63;
	(pc) =	sbr.rel @p0 .LBB2_2-.Ltmp1, $4  }
0x76: {  	[spmem:s2] =	stream.indirect.scatter.add.f32 [tilespmem:s21], [sflag:$0x2], $0x80, s19, s20, $0xb8;
	[tilespmem:$0x1F580] =	vst v63  }
0x77: {  	_ =	swait.ge [sflag:s17], $0x3C00  }
0x78: {  	[sflag:s17] =	ssyncset.done $0x0  }
0x79: {  	[sflag:s17] =	ssyncadd.s32 $0xFFFFC400  }
0x7a: {  	s3 =	sadd.s32 $0x1, s3  }
0x7b: {  	p0 =	sne.s32 s3, s15  }
.Ltmp2:
0x7c: {  	[bflag:$0x0] =	sbarrier.arrive $0xFFFF;
	(pc) =	sbr.rel @p0 .LBB2_1-.Ltmp2, $4  }
0x7d: {  	[hbm:s14], [sflag:s12] =	dma.local [spmem:s16], $0x2800  }
0x7e: {  	_ =	swait.ge [sflag:s17], $0x2800  }
0x7f: {  	[sflag:s17] =	ssyncset.done $0x0  }
0x80: {  	[sflag:s17] =	ssyncadd.s32 $0xFFFFD800  }
0x81: {  	_ =	sfence.sel $0x180000  }
0x82: {  	[bflag:$0x0] =	sbarrier.arrive $0xFFFF  }
0x83: {  	p0 =	sne.s32 s4, $0x0;
	_ =	strace $0x90000056  }
0x84: {  	s0 =	sadd.s32 @!p0 $0x100000, s0;
	[bflag:$0x2] =	sbarrier.arrive $0xFFFF  }
0x85: {  	[sflag:s0] =	ssyncadd.tile.s32 @!p0 $0x1;
	_ =	shalt  }
.Lfunc_end2:
_tile_overlayer_lowered:
.L_overlay_start_2:
0x86: {  	(tag) =	ssettag $0x2  }
0x87: {  	s0 =	rddreg [dreg:$0x0];
	s2 =	stileid.u32  }
0x88: {  	s1 =	rddreg [dreg:$0x1];
	p0 =	sne.s32 s2, $0x0  }
0x89: {  	s3 =	rddreg [dreg:$0x2];
	[bflag:$0x3] =	sbarrier.arrive $0xFFFF;
	s2 =	simm.s32 @!p0 $0x1C02  }
0x8a: {  	[timem:s3], [sflag:s2] =	dma.local @!p0 [hbm:s0], s1  }
0x8b: {  	s0 =	simm.s32 @!p0 $0x2  }
0x8c: {  	_ =	swait.ge @!p0 [sflag:s0], s1  }
0x8d: {  	s1 =	ssub.s32 @!p0 $0x0, s1;
	[sflag:s0] =	ssyncset.done @!p0 $0x0  }
0x8e: {  	[sflag:s0] =	ssyncadd.s32 @!p0 s1  }
0x8f: {  	[bflag:$0x3] =	sbarrier.arrive $0xFFFF  }
0x90: {  	_ =	shalt  }

// kernel: kernel.35.cloned.1.call-start
scs
__scs_entry_jumppad:
0x0: {  	(pc) =	sbr.rel $0x88, $3  }
0x1: {  	(tag) =	ssettag $0x0;
	lr =	simm.s32 $0x1  }
0x2: {  	[smem:$0x3F99] =	sst lr;
	_ =	strace $0xD0000000  }
0x3: {  	_ = 	snop  }
0x4: {  	_ = 	snop  }
0x5: {  	_ = 	snop  }
0x6: {  	_ = 	snop  }
0x7: {  	_ = 	snop  }
__scs_overlays_trampoline_lowered:
0x8: {  	[smem:$0x3FA8] =	sst s0  }
0x9: {  	[smem:$0x3FA9] =	sst s1  }
0xa: {  	[smem:$0x3FAA] =	sst s2  }
0xb: {  	[smem:$0x3FAB] =	sst s3  }
0xc: {  	[smem:$0x3FAC] =	sst s4  }
0xd: {  	[smem:$0x3FAD] =	sst s5  }
0xe: {  	[smem:$0x3FAE] =	sst s6  }
0xf: {  	[smem:$0x3FAF] =	sst s7  }
0x10: {  	[smem:$0x3FB0] =	sst s8  }
0x11: {  	[smem:$0x3FB1] =	sst s9;
	s0 =	simm.s32 @!p0 $0x0  }
0x12: {  	s1 =	sld [smem:$0x3F97];
	s0 =	simm.s32 @p0 $0x1  }
0x13: {  	[smem:$0x3FB2] =	sst s0;
	s0 =	simm.s32 @!p1 $0x0  }
0x14: {  	s2 =	sld [smem:$0x3F96];
	s0 =	simm.s32 @p1 $0x1  }
0x15: {  	[smem:$0x3FB3] =	sst s0;
	s0 =	simm.s32 @!p2 $0x0  }
0x16: {  	s3 =	sld [smem:$0x3FDB];
	s0 =	simm.s32 @p2 $0x1  }
0x17: {  	s4 =	simm.s32 $0x1BF5;
	[smem:$0x3FB5] =	sst s0  }
0x18: {  	s0 =	sld [smem:$0x3F98];
	_ =	swait.ge [sflag:s4], $0x0  }
0x19: {  	s7 =	sld [smem:$0x3F99]  }
0x1a: {  	s8 =	sadd.s32 $0xFFFFE003, lr  }
0x1b: {  	s9 =	sadd.s32 $0xFFFFFEF7, lr;
	s5 =	simm.s32 $0xFFFFFFFF;
	p2 =	slt.u32 s8, $0xFFFFF086  }
0x1c: {  	p1 =	slt.u32 s9, $0xF7A;
	s5 =	simm.s32 @!p2 $0x0  }
0x1d: {  	s5 =	simm.s32 @p1 $0x1;
	p0 =	seq.s32 s7, s2  }
0x1e: {  	s7 =	smul.u32 @!p0 $0xF7A, s2;
	p2 =	seq.s32 @!p0 s5, $0x0  }
0x1f: {  	s9 =	smul.u32 $0xF7A, s1;
	s8 =	simm.s32 @!p0 $0x1BF5;
	p2 =	por !p2, p0  }
0x20: {  	[sflag:s8] =	ssyncset.s32 @!p0 $0xFFFFF086;
	s6 =	sadd.s32 @!p0 s3, s7;
	s7 =	simm.s32 @!p0 $0x108  }
0x21: {  	s3 =	sadd.s32 s3, s9;
	s6 =	sadd.s32 @!p0 $0x88, s6;
	s7 =	simm.s32 @p2 $0x1082  }
0x22: {  	[simem:s7], [sflag:s8] =	dma.local @!p0 [hbm:s6], $0xF7A  }
0x23: {  	s9 =	sor.u32 $0xD0000000, s2;
	s6 =	simm.s32 $0x108;
	_ =	swait.ge @!p0 [sflag:s8], $0x0  }
0x24: {  	s3 =	sadd.s32 $0x88, s3;
	s6 =	simm.s32 @!p1 $0x1082;
	[sflag:s4] =	ssyncset.s32 $0xFFFFF086  }
0x25: {  	[simem:s6], [sflag:s4] =	dma.local [hbm:s3], $0xF7A  }
0x26: {  	[smem:$0x3F99] =	sst s1;
	(tag) =	ssettag s2;
	_ =	strace s9  }
0x27: {  	s1 =	sld [smem:$0x3FA9]  }
0x28: {  	s2 =	sld [smem:$0x3FAA]  }
0x29: {  	s4 =	sld [smem:$0x3FAC]  }
0x2a: {  	p0 =	seq.s32 s5, $0x0;
	s5 =	sld [smem:$0x3FAD]  }
0x2b: {  	s6 =	sld [smem:$0x3FAE]  }
0x2c: {  	s7 =	sld [smem:$0x3FAF]  }
0x2d: {  	s3 =	simm.s32 $0x108;
	s8 =	sld [smem:$0x3FB0]  }
0x2e: {  	s3 =	simm.s32 @!p0 $0x1082;
	s9 =	sld [smem:$0x3FB1]  }
0x2f: {  	lr =	sadd.s32 s0, s3;
	s0 =	sld [smem:$0x3FA8]  }
0x30: {  	s3 =	sld [smem:$0x3FAB]  }
0x31: {  	[smem:$0x3FB4] =	sst s10  }
0x32: {  	s10 =	sld [smem:$0x3FB2];
	_ =	sdelay $0x3  }
0x33: {  	p0 =	seq.s32 s10, $0x1;
	s10 =	sld [smem:$0x3FB4];
	_ =	sdelay $0x3  }
0x34: {  	[smem:$0x3FB4] =	sst s10  }
0x35: {  	s10 =	sld [smem:$0x3FB3];
	_ =	sdelay $0x3  }
0x36: {  	p1 =	seq.s32 s10, $0x1;
	s10 =	sld [smem:$0x3FB4];
	_ =	sdelay $0x3  }
0x37: {  	[smem:$0x3FB4] =	sst s10  }
0x38: {  	s10 =	sld [smem:$0x3FB5]  }
0x39: {  	_ = 	snop;
	(pc) =	sbr.ind lr, $3  }
0x3a: {  	_ = 	snop  }
0x3b: {  	_ = 	snop  }
0x3c: {  	p2 =	seq.s32 s10, $0x1;
	s10 =	sld [smem:$0x3FB4]  }
0x3d: {  	_ =	shalt  }
0x3e: {  	_ =	shalt  }
0x3f: {  	_ =	shalt  }
0x40: {  	_ =	shalt  }
0x41: {  	_ =	shalt  }
0x42: {  	_ =	shalt  }
0x43: {  	_ =	shalt  }
0x44: {  	_ =	shalt  }
0x45: {  	_ =	shalt  }
0x46: {  	_ =	shalt  }
0x47: {  	_ =	shalt  }
0x48: {  	_ =	shalt  }
0x49: {  	_ =	shalt  }
0x4a: {  	_ =	shalt  }
0x4b: {  	_ =	shalt  }
0x4c: {  	_ =	shalt  }
0x4d: {  	_ =	shalt  }
0x4e: {  	_ =	shalt  }
0x4f: {  	_ =	shalt  }
0x50: {  	_ =	shalt  }
0x51: {  	_ =	shalt  }
0x52: {  	_ =	shalt  }
0x53: {  	_ =	shalt  }
0x54: {  	_ =	shalt  }
0x55: {  	_ =	shalt  }
0x56: {  	_ =	shalt  }
0x57: {  	_ =	shalt  }
0x58: {  	_ =	shalt  }
0x59: {  	_ =	shalt  }
0x5a: {  	_ =	shalt  }
0x5b: {  	_ =	shalt  }
0x5c: {  	_ =	shalt  }
0x5d: {  	_ =	shalt  }
0x5e: {  	_ =	shalt  }
0x5f: {  	_ =	shalt  }
0x60: {  	_ =	shalt  }
0x61: {  	_ =	shalt  }
0x62: {  	_ =	shalt  }
0x63: {  	_ =	shalt  }
0x64: {  	_ =	shalt  }
0x65: {  	_ =	shalt  }
0x66: {  	_ =	shalt  }
0x67: {  	_ =	shalt  }
0x68: {  	_ =	shalt  }
0x69: {  	_ =	shalt  }
0x6a: {  	_ =	shalt  }
0x6b: {  	_ =	shalt  }
0x6c: {  	_ =	shalt  }
0x6d: {  	_ =	shalt  }
0x6e: {  	_ =	shalt  }
0x6f: {  	_ =	shalt  }
0x70: {  	_ =	shalt  }
0x71: {  	_ =	shalt  }
0x72: {  	_ =	shalt  }
0x73: {  	_ =	shalt  }
0x74: {  	_ =	shalt  }
0x75: {  	_ =	shalt  }
0x76: {  	_ =	shalt  }
0x77: {  	_ =	shalt  }
0x78: {  	_ =	shalt  }
0x79: {  	_ =	shalt  }
0x7a: {  	_ =	shalt  }
0x7b: {  	_ =	shalt  }
0x7c: {  	_ =	shalt  }
0x7d: {  	_ =	shalt  }
0x7e: {  	_ =	shalt  }
0x7f: {  	_ =	shalt  }
0x80: {  	_ =	shalt  }
0x81: {  	_ =	shalt  }
0x82: {  	_ =	shalt  }
0x83: {  	_ =	shalt  }
0x84: {  	_ =	shalt  }
0x85: {  	_ =	shalt  }
0x86: {  	_ =	shalt  }
0x87: {  	_ =	shalt  }
.Lfunc_end0:
.L_simem_size_0:
called_computation.6_lowered:
.L_overlay_start_0:
0x88: {  	s2 =	sld [smem:$0x3FD9]  }
0x89: {  	s3 =	sld [smem:$0x3FFE];
	_ =	sdelay $0x1  }
0x8a: {  	s1 =	srdreg.scid  }
0x8b: {  	s0 =	sand.u32 $0x1, s1  }
0x8c: {  	s17 =	sshll.u32 s0, $0xA;
	s2 =	sadd.s32 s3, s2  }
0x8d: {  	s2 =	sadd.s32 s2, s17  }
0x8e: {  	[smem:$0x3FC0] =	sst s2  }
0x8f: {  	_ = 	snop  }
0x90: {  	s2 =	sld [smem:$0x3FD0];
	(tm) =	ssettm $0x1  }
0x91: {  	s18 =	sld [smem:$0x3FFB];
	_ =	sdelay $0x3  }
0x92: {  	_ =	strace s18  }
0x93: {  	s3 =	sld [smem:$0x3FFC];
	_ =	sdelay $0x3  }
0x94: {  	_ =	strace s3  }
0x95: {  	s3 =	sld [smem:$0x3FFD];
	_ =	sdelay $0x3  }
0x96: {  	_ =	strace s3  }
0x97: {  	_ =	strace $0x8FFFFFFF  }
0x98: {  	s19 =	sld [smem:$0x3FDB];
	_ =	sdelay $0x1  }
0x99: {  	s4 =	simm.s32 $_scs_section_size  }
0x9a: {  	s5 =	simm.s32 $_size__tile_overlayer_lowered;
	s6 =	simm.s32 $_tile_overlayer_lowered  }
0x9b: {  	s22 =	simm.s32 $0x1BFF;
	s21 =	sshll.u32 s6, $0x1;
	s3 =	sadd.s32 s4, s19  }
0x9c: {  	s7 =	simm.s32 $0x0;
	s20 =	sshll.u32 s5, $0x1;
	s5 =	sadd.s32 s21, s3  }
0x9d: {  	[timem:s7], [sflag:s22] =	dma.local [hbm:s5], s20  }
0x9e: {  	_ =	swait.ge [sflag:s22], s20  }
0x9f: {  	s4 =	ssub.s32 $0x0, s20;
	[sflag:s22] =	ssyncset.done $0x0  }
0xa0: {  	[sflag:s22] =	ssyncadd.s32 s4;
	_ =	sdelay $0x1  }
0xa1: {  	s23 =	simm.s32 $0x1B8B  }
0xa2: {  	_ =	swait.ge [sflag:s23], $0x1  }
0xa3: {  	[sflag:s23] =	ssyncset.done $0x0  }
0xa4: {  	s25 =	simm.s32 $0x1B8E;
	s24 =	sld [smem:$0x3FFE];
	[sflag:s23] =	ssyncadd.s32 $0xFFFFFFFF  }
0xa5: {  	s26 =	simm.s32 $execute0_lowered;
	[smem:$0x3FD2] =	sst s25  }
0xa6: {  	s5 =	sshll.u32 s26, $0x1;
	_ =	strace $0x80000058;
	[dreg:$0x1] =	wrdreg $0xFFFFFFFF  }
0xa7: {  	s28 =	simm.s32 $_size_execute0_lowered;
	s3 =	sadd.s32 s3, s5;
	[dreg:$0x0] =	wrdreg $0x0  }
0xa8: {  	s5 =	sshll.u32 s28, $0x1;
	[dreg:$0x2] =	wrdreg s3  }
0xa9: {  	[dreg:$0x3] =	wrdreg s5  }
0xaa: {  	[dreg:$0x4] =	wrdreg $0xC0  }
0xab: {  	_ =	task [dreg:s7], $0x5FFFF  }
0xac: {  	[dreg:$0x1] =	wrdreg $0xFFFFFFFF  }
0xad: {  	[dreg:$0x0] =	wrdreg $0x60  }
0xae: {  	[dreg:$0x2] =	wrdreg s24  }
0xaf: {  	[dreg:$0x3] =	wrdreg s2  }
0xb0: {  	[dreg:$0x4] =	wrdreg $0xB5800  }
0xb1: {  	[dreg:$0x5] =	wrdreg $0x9  }
0xb2: {  	_ =	task.clear_ibuf [dreg:s7], $0x6FFFF;
	_ =	strace $0x90000058  }
0xb3: {  	s29 =	simm.s32 $0x9;
	_ =	strace $0x8000005A  }
0xb4: {  	_ =	swait.ge [sflag:s29], $0x1  }
0xb5: {  	[sflag:s29] =	ssyncadd.s32 $0xFFFFFFFF  }
0xb6: {  	_ =	strace $0x9000005A  }
0xb7: {  	_ =	sfence  }
0xb8: {  	s30 =	sld [smem:$0x0];
	_ =	sdelay $0x2  }
0xb9: {  	s31 =	sshll.u32 s1, $0xD;
	s1 =	sshrl.u32 s1, $0x2  }
0xba: {  	s3 =	sand.u32 $0x4000, s31;
	s1 =	sadd.s32 s1, s30  }
0xbb: {  	s0 =	sor.u32 s3, s0;
	s1 =	sshll.u32 s1, $0x11  }
0xbc: {  	s0 =	sor.u32 s1, s0  }
0xbd: {  	s0 =	sadd.s32 $0x8F2B, s0  }
0xbe: {  	[sflag:s0] =	ssyncadd.remote.s32 $0x1  }
0xbf: {  	_ =	sfence.sel $0xFFFF  }
0xc0: {  	[dreg:$0x0] =	wrdreg $0xFFFFFFFF;
	(pc) =	sbr.abs _section_cstart, $3  }
0xc1: {  	[dreg:$0x1] =	wrdreg $0xFFFFFFFF  }
0xc2: {  	_ =	task.clear_ibuf [dreg:s7], $0x2FFFF;
	_ =	strace $0x9FFFFFFF  }
0xc3: {  	(tm) =	ssettm $0x7FFFFFFF  }
tec
execute0_lowered:
.L_overlay_start_1:
0x0: {  	(tag) =	ssettag $0x1  }
0x1: {  	s11 =	rddreg [dreg:$0x0]  }
0x2: {  	s1 =	rddreg [dreg:$0x1]  }
0x3: {  	s2 =	rddreg [dreg:$0x2]  }
0x4: {  	s0 =	rddreg [dreg:$0x3]  }
0x5: {  	s3 =	simm.s32 $0x0;
	s7 =	srdreg.scid;
	s4 =	stileid.u32  }
0x6: {  	s21 =	simm.s32 $0x180;
	s22 =	simm.s32 $0x3D80;
	s23 =	simm.s32 $0x7980  }
0x7: {  	s24 =	simm.s32 $0x1;
	s30 =	simm.s32 $0x0;
	[smem:$0x7FF] =	sst s3  }
0x8: {  	s5 =	sadd.s32 $0xF400, s11;
	s6 =	sadd.s32 $0x5600, s11;
	s12 =	sand.u32 $0x1, s7  }
0x9: {  	s13 =	smul.u32 $0x2800, s4;
	s7 =	sadd.s32 $0x22E00, s11;
	s9 =	sadd.s32 $0x13AE00, s11  }
0xa: {  	s8 =	sadd.s32 $0x72E00, s11;
	s10 =	sadd.s32 $0x18AE00, s11;
	s15 =	smul.u32 $0x50000, s4  }
0xb: {  	s17 =	sshll.u32 s4, $0x6;
	_ =	strace $0x80000059;
	s14 =	smul.u32 $0x28000, s12  }
0xc: {  	s29 =	ssub.s32 $0x2, s12;
	s18 =	smul.u32 $0x4E480, s12;
	s12 =	sor.u32 $0x1C02, s17  }
0xd: {  	s17 =	simm.s32 $0x2;
	s31 =	sshrl.u32 s29, $0x1;
	s15 =	sshrl.u32 s15, $0x2  }
0xe: {  	s13 =	sadd.s32 s13, s14;
	s19 =	ssub.s32 s29, s31;
	s20 =	sadd.s32 s15, s2  }
0xf: {  	s16 =	sadd.s32 s13, s11;
	s11 =	smul.u32 $0x4E48, s4;
	s15 =	smax.u32 s19, $0x1  }
0x10: {  	s19 =	simm.s32 $0x100;
	s14 =	sadd.s32 $0x18D600, s16;
	s16 =	sshrl.u32 s20, $0x3  }
0x11: {  	s20 =	simm.s32 $0x78;
	s13 =	sadd.s32 s11, s18;
	s18 =	simm.s32 $0x80  }
.LBB2_1:
0x12: {  	[spmem:s16], [sflag:s12] =	dma.local [hbm:s10], $0x2800  }
0x13: {  	_ =	swait.ge [sflag:s17], $0x2800  }
0x14: {  	[sflag:s17] =	ssyncset.done $0x0  }
0x15: {  	[sflag:s17] =	ssyncadd.s32 $0xFFFFD800  }
0x16: {  	s25 =	simm.s32 $0x0;
	[bflag:$0x0] =	sbarrier.arrive $0xFFFF  }
.LBB2_2:
0x17: {  	s26 =	smul.u32 $0x78, s25;
	_ =	sdelay $0x1  }
0x18: {  	s28 =	sadd.s32 s26, s13  }
0x19: {  	s28 =	sshrl.u32 s28, $0x3  }
0x1a: {  	s29 =	sadd.s32 s5, s28  }
0x1b: {  	[tilespmem:s30], [sflag:$0x2] =	stream.linear.gather [hbm4b:s29+s30], $0x78, $0x38;
	[tilespmem:$0x1F580] =	vst v63  }
0x1c: {  	_ =	swait.ge [sflag:s17], $0x78  }
0x1d: {  	[sflag:s17] =	ssyncset.done $0x0  }
0x1e: {  	s28 =	sadd.s32 s1, s28;
	[sflag:s17] =	ssyncadd.s32 $0xFFFFFF88  }
0x1f: {  	[tilespmem:s18], [sflag:$0x2] =	stream.linear.gather [hbm4b:s28+s30], $0x78, $0x38;
	[tilespmem:$0x1F580] =	vst v63  }
0x20: {  	s26 =	sadd.s32 s11, s26;
	_ =	swait.ge [sflag:s17], $0x78  }
0x21: {  	s26 =	sshrl.u32 s26, $0x3;
	[sflag:s17] =	ssyncset.done $0x0  }
0x22: {  	s26 =	sadd.s32 s6, s26;
	[sflag:s17] =	ssyncadd.s32 $0xFFFFFF88  }
0x23: {  	[tilespmem:s19], [sflag:$0x2] =	stream.linear.gather [hbm4b:s26+s30], $0x78, $0x38;
	[tilespmem:$0x1F580] =	vst v63  }
0x24: {  	_ =	swait.ge [sflag:s17], $0x78  }
0x25: {  	[sflag:s17] =	ssyncset.done $0x0  }
0x26: {  	[sflag:s17] =	ssyncadd.s32 $0xFFFFFF88  }
0x27: {  	[tilespmem:s21], [sflag:$0x1] =	stream.indirect.gather [hbm4b:s7+s20], $0x80, s30, s20, $0xb8;
	[tilespmem:$0x1F580] =	vst v63  }
0x28: {  	_ = 	snop  }
0x29: {  	[tilespmem:s22], [sflag:$0x1] =	stream.indirect.gather [hbm4b:s8+s20], $0x80, s30, s20, $0xb8;
	[tilespmem:$0x1F580] =	vst v63  }
0x2a: {  	_ = 	snop  }
0x2b: {  	[tilespmem:s23], [sflag:$0x1] =	stream.indirect.gather [hbm4b:s9+s20], $0x80, s18, s20, $0xb8;
	[tilespmem:$0x1F580] =	vst v63  }
0x2c: {  	_ =	swait.ge [sflag:s24], $0x3C00  }
0x2d: {  	[sflag:s24] =	ssyncset.done $0x0  }
0x2e: {  	[sflag:s24] =	ssyncadd.s32 $0xFFFFC400  }
0x2f: {  	_ =	swait.ge [sflag:s24], $0x3C00  }
0x30: {  	[sflag:s24] =	ssyncset.done $0x0  }
0x31: {  	[sflag:s24] =	ssyncadd.s32 $0xFFFFC400  }
0x32: {  	_ =	swait.ge [sflag:s24], $0x3C00  }
0x33: {  	[sflag:s24] =	ssyncset.done $0x0  }
0x34: {  	s26 =	simm.s32 $0x0;
	[sflag:s24] =	ssyncadd.s32 $0xFFFFC400  }
0x35: {  	v3 =	vld [tilespmem:s26+$0x7980]  }
0x36: {  	v4 =	vld [tilespmem:s26+$0x7990]  }
0x37: {  	v5 =	vld [tilespmem:s26+$0x79A0]  }
0x38: {  	v6 =	vld [tilespmem:s26+$0x79B0]  }
0x39: {  	v2 =	vld [tilespmem:s26+$0x1C0]  }
0x3a: {  	v1 =	vld [tilespmem:s26+$0x1D0]  }
0x3b: {  	s28 =	simm.s32 $0x200;
	v0 =	vld [tilespmem:s26+$0x1E0]  }
.LBB2_3:
0x3c: {  	p0 =	sne.s32 s28, $0xEE00;
	v7 =	vld [tilespmem:s26+$0x1F0];
	_ =	sdelay $0x1  }
0x3d: {  	v3 =	vadd.f32 v3, v2  }
0x3e: {  	v4 =	vadd.f32 v4, v1  }
0x3f: {  	v3 =	vmul.f32 $1.442695020e+00, v3;
	v5 =	vadd.f32 v5, v0  }
0x40: {  	v4 =	vmul.f32 $1.442695020e+00, v4;
	v6 =	vadd.f32 v6, v7  }
0x41: {  	v5 =	vmul.f32 $1.442695020e+00, v5;
	(erf) = vpow2.f32 v3  }
0x42: {  	v3 =	vmul.f32 $1.442695020e+00, v6;
	(erf) = vpow2.f32 v4  }
0x43: {  	(erf) = vpow2.f32 v5  }
0x44: {  	(erf) = vpow2.f32 v3;
	_ =	sdelay $0x5  }
0x45: {  	v3 =	vpop (erf)  }
0x46: {  	v6 =	vadd.f32 $1.000000000e+00, v3;
	v4 =	vpop (erf)  }
0x47: {  	v4 =	vadd.f32 $1.000000000e+00, v4;
	v5 =	vpop (erf)  }
0x48: {  	v5 =	vadd.f32 $1.000000000e+00, v5;
	(erf) = vrcp.f32 v6;
	v3 =	vpop (erf)  }
0x49: {  	v3 =	vadd.f32 $1.000000000e+00, v3;
	(erf) = vrcp.f32 v4  }
0x4a: {  	(erf) = vrcp.f32 v5  }
0x4b: {  	(erf) = vrcp.f32 v3;
	_ =	sdelay $0x1  }
0x4c: {  	v3 =	vld [tilespmem:s26+$0x3D80]  }
0x4d: {  	v4 =	vld [tilespmem:s26+$0x3D90]  }
0x4e: {  	v5 =	vld [tilespmem:s26+$0x3DA0]  }
0x4f: {  	v6 =	vld [tilespmem:s26+$0x3DB0]  }
0x50: {  	v8 =	vpop (erf)  }
0x51: {  	s29 =	sshra.s32 s28, $0x2;
	v8 =	vmul.f32 v8, v3;
	v9 =	vpop (erf)  }
0x52: {  	v3 =	vld [tilespmem:s29+$0x7980];
	v9 =	vmul.f32 v9, v4;
	v10 =	vpop (erf)  }
0x53: {  	v4 =	vld [tilespmem:s29+$0x7990];
	v2 =	vadd.f32 v8, v2;
	v8 =	vmul.f32 v10, v5;
	v10 =	vpop (erf)  }
.Ltmp0:
0x54: {  	v5 =	vld [tilespmem:s29+$0x79A0];
	v1 =	vadd.f32 v9, v1;
	v9 =	vmul.f32 v10, v6;
	(pc) =	sbr.rel @p0 .LBB2_3-.Ltmp0, $4  }
0x55: {  	v6 =	vld [tilespmem:s29+$0x79B0];
	[tilespmem:s26+$0x1C0] =	vst v2;
	v0 =	vadd.f32 v8, v0  }
0x56: {  	v2 =	vld [tilespmem:s29+$0x1C0];
	[tilespmem:s26+$0x1D0] =	vst v1;
	v7 =	vadd.f32 v9, v7  }
0x57: {  	v1 =	vld [tilespmem:s29+$0x1D0];
	[tilespmem:s26+$0x1E0] =	vst v0  }
0x58: {  	s28 =	sadd.s32 $0x200, s28;
	v0 =	vld [tilespmem:s29+$0x1E0];
	[tilespmem:s26+$0x1F0] =	vst v7;
	s26 =	smov.u32 s29  }
0x59: {  	v7 =	vld [tilespmem:s26+$0x1F0];
	_ =	sdelay $0x1  }
0x5a: {  	v3 =	vadd.f32 v3, v2  }
0x5b: {  	v4 =	vadd.f32 v4, v1  }
0x5c: {  	v3 =	vmul.f32 $1.442695020e+00, v3;
	v5 =	vadd.f32 v5, v0  }
0x5d: {  	v4 =	vmul.f32 $1.442695020e+00, v4;
	v6 =	vadd.f32 v6, v7  }
0x5e: {  	v5 =	vmul.f32 $1.442695020e+00, v5;
	(erf) = vpow2.f32 v3  }
0x5f: {  	v48 =	vmul.f32 $1.442695020e+00, v6;
	(erf) = vpow2.f32 v4  }
0x60: {  	(erf) = vpow2.f32 v5  }
0x61: {  	(erf) = vpow2.f32 v48;
	_ =	sdelay $0x5  }
0x62: {  	v49 =	vpop (erf)  }
0x63: {  	v3 =	vadd.f32 $1.000000000e+00, v49;
	v4 =	vpop (erf)  }
0x64: {  	v4 =	vadd.f32 $1.000000000e+00, v4;
	v5 =	vpop (erf)  }
0x65: {  	v5 =	vadd.f32 $1.000000000e+00, v5;
	(erf) = vrcp.f32 v3;
	v50 =	vpop (erf)  }
0x66: {  	v3 =	vadd.f32 $1.000000000e+00, v50;
	(erf) = vrcp.f32 v4  }
0x67: {  	(erf) = vrcp.f32 v5  }
0x68: {  	(erf) = vrcp.f32 v3;
	_ =	sdelay $0x1  }
0x69: {  	v51 =	vld [tilespmem:s26+$0x3D80]  }
0x6a: {  	v52 =	vld [tilespmem:s26+$0x3D90]  }
0x6b: {  	v53 =	vld [tilespmem:s26+$0x3DA0]  }
0x6c: {  	v54 =	vld [tilespmem:s26+$0x3DB0]  }
0x6d: {  	v8 =	vpop (erf)  }
0x6e: {  	v3 =	vmul.f32 v8, v51;
	v55 =	vpop (erf)  }
0x6f: {  	v4 =	vmul.f32 v55, v52;
	v56 =	vpop (erf)  }
0x70: {  	v57 =	vadd.f32 v3, v2;
	v58 =	vmul.f32 v56, v53;
	v59 =	vpop (erf)  }
0x71: {  	v60 =	vadd.f32 v4, v1;
	v61 =	vmul.f32 v59, v54  }
0x72: {  	[tilespmem:s26+$0x1C0] =	vst v57;
	v62 =	vadd.f32 v58, v0  }
0x73: {  	s25 =	sadd.s32 $0x1, s25;
	[tilespmem:s26+$0x1D0] =	vst v60;
	v63 =	vadd.f32 v61, v7  }
0x74: {  	p0 =	sne.s32 s25, $0xA7;
	[tilespmem:s26+$0x1E0] =	vst v62  }
.Ltmp1:
0x75: {  	[tilespmem:s26+$0x1F0] =	vst v63;
	(pc) =	sbr.rel @p0 .LBB2_2-.Ltmp1, $4  }
0x76: {  	[spmem:s2] =	stream.indirect.scatter.add.f32 [tilespmem:s21], [sflag:$0x2], $0x80, s19, s20, $0xb8;
	[tilespmem:$0x1F580] =	vst v63  }
0x77: {  	_ =	swait.ge [sflag:s17], $0x3C00  }
0x78: {  	[sflag:s17] =	ssyncset.done $0x0  }
0x79: {  	[sflag:s17] =	ssyncadd.s32 $0xFFFFC400  }
0x7a: {  	s3 =	sadd.s32 $0x1, s3  }
0x7b: {  	p0 =	sne.s32 s3, s15  }
.Ltmp2:
0x7c: {  	[bflag:$0x0] =	sbarrier.arrive $0xFFFF;
	(pc) =	sbr.rel @p0 .LBB2_1-.Ltmp2, $4  }
0x7d: {  	[hbm:s14], [sflag:s12] =	dma.local [spmem:s16], $0x2800  }
0x7e: {  	_ =	swait.ge [sflag:s17], $0x2800  }
0x7f: {  	[sflag:s17] =	ssyncset.done $0x0  }
0x80: {  	[sflag:s17] =	ssyncadd.s32 $0xFFFFD800  }
0x81: {  	_ =	sfence.sel $0x180000  }
0x82: {  	[bflag:$0x0] =	sbarrier.arrive $0xFFFF  }
0x83: {  	p0 =	sne.s32 s4, $0x0;
	_ =	strace $0x90000059  }
0x84: {  	s0 =	sadd.s32 @!p0 $0x100000, s0;
	[bflag:$0x2] =	sbarrier.arrive $0xFFFF  }
0x85: {  	[sflag:s0] =	ssyncadd.tile.s32 @!p0 $0x1;
	_ =	shalt  }
.Lfunc_end2:
_tile_overlayer_lowered:
.L_overlay_start_2:
0x86: {  	(tag) =	ssettag $0x2  }
0x87: {  	s0 =	rddreg [dreg:$0x0];
	s2 =	stileid.u32  }
0x88: {  	s1 =	rddreg [dreg:$0x1];
	p0 =	sne.s32 s2, $0x0  }
0x89: {  	s3 =	rddreg [dreg:$0x2];
	[bflag:$0x3] =	sbarrier.arrive $0xFFFF;
	s2 =	simm.s32 @!p0 $0x1C02  }
0x8a: {  	[timem:s3], [sflag:s2] =	dma.local @!p0 [hbm:s0], s1  }
0x8b: {  	s0 =	simm.s32 @!p0 $0x2  }
0x8c: {  	_ =	swait.ge @!p0 [sflag:s0], s1  }
0x8d: {  	s1 =	ssub.s32 @!p0 $0x0, s1;
	[sflag:s0] =	ssyncset.done @!p0 $0x0  }
0x8e: {  	[sflag:s0] =	ssyncadd.s32 @!p0 s1  }
0x8f: {  	[bflag:$0x3] =	sbarrier.arrive $0xFFFF  }
0x90: {  	_ =	shalt  }

</sc_bundles>
